<compile_context>
chip_gen: v7x
topology: tpu7x:2x2x1
jax: 0.10.2.dev20260603
libtpu: 0.0.44.dev20260713+nightly
codegen_flags: <defaults>
</compile_context>

<pallas_src>
import dataclasses
import functools
import math

import jax
import jax.numpy as jnp
from jax import lax
from jax.experimental import pallas as pl
from jax.experimental.pallas import tpu as pltpu
from jax.experimental.pallas import tpu_sc as plsc

_LANES = 16
_NW = 32


def _sc_gather_affine(xf, ef, mul_t, bias_t):
    n = xf.shape[0]
    per_w = n // _NW
    e = mul_t.shape[0]
    mesh = plsc.VectorSubcoreMesh(core_axis_name="c", subcore_axis_name="s")
    cp = pltpu.CompilerParams()
    if "needs_layout_passes" in pltpu.CompilerParams.__dataclass_fields__:
        cp = dataclasses.replace(cp, needs_layout_passes=False)

    @functools.partial(
        pl.kernel,
        compiler_params=cp,
        out_type=jax.ShapeDtypeStruct((n,), jnp.float32),
        mesh=mesh,
        scratch_types=[
            pltpu.VMEM((per_w,), jnp.int32),
            pltpu.VMEM((per_w,), jnp.float32),
            pltpu.VMEM((per_w,), jnp.float32),
            pltpu.VMEM((e,), jnp.float32),
            pltpu.VMEM((e,), jnp.float32),
        ],
    )
    def k(x_hbm, e_hbm, mul_hbm, bias_hbm, out_hbm, idx_v, x_v, out_v,
          mul_v, bias_v):
        wid = lax.axis_index("s") * 2 + lax.axis_index("c")
        base = wid * per_w
        pltpu.sync_copy(mul_hbm, mul_v)
        pltpu.sync_copy(bias_hbm, bias_v)
        pltpu.sync_copy(e_hbm.at[pl.ds(base, per_w)], idx_v)
        pltpu.sync_copy(x_hbm.at[pl.ds(base, per_w)], x_v)

        @pl.loop(0, per_w, step=_LANES)
        def _(j):
            iv = idx_v[pl.ds(j, _LANES)]
            mv = plsc.load_gather(mul_v, [iv])
            bv = plsc.load_gather(bias_v, [iv])
            out_v[pl.ds(j, _LANES)] = mv * x_v[pl.ds(j, _LANES)] + bv

        pltpu.sync_copy(out_v, out_hbm.at[pl.ds(base, per_w)])

    return k(xf, ef, mul_t, bias_t)


def _tc_body(x_ref, c_ref, o_ref, *, bg, k):
    xv = x_ref[...]
    mean = c_ref[0:1, :]
    q = c_ref[1:2, :]
    coef = c_ref[2:3, :]
    xt = xv.T
    for s in range(bg):
        xcol = xt[:, s:s + 1]
        xb = jnp.broadcast_to(xcol, (128, k))
        d = xb - mean
        o_ref[s] = coef * jnp.exp2(d * d * q)


def _tc_gaussian(xx, consts, bg):
    n = xx.shape[0]
    k = consts.shape[1]
    g = n // 128
    return pl.pallas_call(
        functools.partial(_tc_body, bg=bg, k=k),
        grid=(g // bg,),
        in_specs=[
            pl.BlockSpec((bg, 128), lambda i: (i, 0)),
            pl.BlockSpec((8, k), lambda i: (0, 0)),
        ],
        out_specs=pl.BlockSpec((bg, 128, k), lambda i: (i, 0, 0)),
        out_shape=jax.ShapeDtypeStruct((g, 128, k), jnp.float32),
        compiler_params=pltpu.CompilerParams(
            dimension_semantics=("parallel",)),
    )(xx.reshape(g, 128), consts)


def kernel(x, edge_type, means, stds, mul_weight, bias_weight):
    b, n, _ = x.shape
    k = means.shape[0]
    bnn = b * n * n

    xx = _sc_gather_affine(
        x.reshape(bnn),
        edge_type.reshape(bnn),
        mul_weight.reshape(-1),
        bias_weight.reshape(-1),
    )

    a = 1.0 / math.sqrt(2.0 * math.pi)
    log2e = math.log2(math.e)
    inv = 1.0 / (stds + 1e-6)
    consts = jnp.zeros((8, k), jnp.float32)
    consts = consts.at[0].set(means)
    consts = consts.at[1].set(-0.5 * log2e * inv * inv)
    consts = consts.at[2].set(a * inv)

    out = _tc_gaussian(xx, consts, bg=256)
    return out.reshape(b, n, n, k)

# --- scband reference (transcript-rebuilt; emitter-appended) ---
"""Pipeline reference for scband-gaussian-layer-84318797955654 (READ-ONLY COPY).

The authoritative reference and input builder live on the scoring server;
editing this copy changes nothing except your own understanding.
"""

import math
import jax, jax.numpy as jnp
import numpy as np

B, N, K, E = 8, 256, 128, 1024

def setup_inputs(seed: int = 0) -> dict:
    key = jax.random.key(seed)
    k1, k2, k3, k4 = jax.random.split(key, 4)
    x = jax.random.uniform(k1, (B, N, N), dtype=jnp.float32) * 3.0
    edge_type = jax.random.randint(k2, (B, N, N), 0, E, dtype=jnp.int32)
    means = jax.random.uniform(k3, (K,), minval=0.0, maxval=3.0, dtype=jnp.float32)
    stds = jax.random.uniform(k4, (K,), minval=0.0, maxval=3.0, dtype=jnp.float32)
    mul_weight = jnp.ones((E, 1), dtype=jnp.float32)
    bias_weight = jnp.zeros((E, 1), dtype=jnp.float32)
    return {"x": x, "edge_type": edge_type, "means": means, "stds": stds, "mul_weight": mul_weight, "bias_weight": bias_weight}

def _gaussian(x, mean, std):
    a = 1.0 / math.sqrt(2.0 * math.pi)
    normalized_diff = (x - mean) / std
    return jnp.exp(-0.5 * normalized_diff ** 2) * (a / std)

def reference(x, edge_type, means, stds, mul_weight, bias_weight):
    eps = 1e-06
    mul = jnp.take(mul_weight, edge_type, axis=0)   # [B, N, N, 1] embedding lookup
    bias = jnp.take(bias_weight, edge_type, axis=0) # [B, N, N, 1]
    xx = mul * x[..., None] + bias                  # [B, N, N, 1]
    xx = jnp.broadcast_to(xx, xx.shape[:-1] + (means.shape[0],))  # [B, N, N, K]
    std = stds + eps
    return _gaussian(xx, means, std)

if __name__ == "__main__":
    import jax
    _d = setup_inputs()
    print(jax.jit(kernel)(*tuple(_d.values())))

</pallas_src>

<mosaic_0001>
#map = affine_map<(d0, d1) -> (0)>
module attributes {stable_mosaic.version = 14 : i64} {
  func.func @k(%arg0: i32, %arg1: i32, %arg2: memref<524288xf32, #tpu.memory_space<hbm>>, %arg3: memref<524288xi32, #tpu.memory_space<hbm>>, %arg4: memref<1024xf32, #tpu.memory_space<hbm>>, %arg5: memref<1024xf32, #tpu.memory_space<hbm>>, %arg6: memref<524288xf32, #tpu.memory_space<hbm>>, %arg7: memref<16384xi32, #tpu.memory_space<vmem>>, %arg8: memref<16384xf32, #tpu.memory_space<vmem>>, %arg9: memref<16384xf32, #tpu.memory_space<vmem>>, %arg10: memref<1024xf32, #tpu.memory_space<vmem>>, %arg11: memref<1024xf32, #tpu.memory_space<vmem>>) attributes {dimension_semantics = [#tpu.dimension_semantics<core_parallel>, #tpu.dimension_semantics<subcore_parallel>], iteration_bounds = array<i64: 2, 16>, scalar_prefetch = 0 : i64, scratch_operands = 5 : i64, tpu.core_type = #tpu.core_type<sc_vector_subcore>, window_params = [{transform_indices = #map}, {transform_indices = #map}, {transform_indices = #map}, {transform_indices = #map}, {transform_indices = #map}]} {
    %mul3A = arith.constant 2 : i32
    %mul3A_0 = arith.muli %arg1, %mul3A : i32
    %add3A = arith.addi %mul3A_0, %arg0 : i32
    %mul3A_1 = arith.constant 16384 : i32
    %mul3A_2 = arith.muli %add3A, %mul3A_1 : i32
    "tpu.region"() ({
      %run_scoped3A = tpu.sem_alloc : memref<!tpu.dma_semaphore, #tpu.memory_space<semaphore_mem>>
      tpu.enqueue_dma source(%arg4 : memref<1024xf32, #tpu.memory_space<hbm>>) target(%arg10 : memref<1024xf32, #tpu.memory_space<vmem>>) target_semaphore(%run_scoped3A : memref<!tpu.dma_semaphore, #tpu.memory_space<semaphore_mem>>)
      tpu.wait_dma2 semaphore(%run_scoped3A : memref<!tpu.dma_semaphore, #tpu.memory_space<semaphore_mem>>) src(%arg4 : memref<1024xf32, #tpu.memory_space<hbm>>) dst(%arg10 : memref<1024xf32, #tpu.memory_space<vmem>>)
      tpu.yield
    }) : () -> ()
    "tpu.region"() ({
      %run_scoped3A = tpu.sem_alloc : memref<!tpu.dma_semaphore, #tpu.memory_space<semaphore_mem>>
      tpu.enqueue_dma source(%arg5 : memref<1024xf32, #tpu.memory_space<hbm>>) target(%arg11 : memref<1024xf32, #tpu.memory_space<vmem>>) target_semaphore(%run_scoped3A : memref<!tpu.dma_semaphore, #tpu.memory_space<semaphore_mem>>)
      tpu.wait_dma2 semaphore(%run_scoped3A : memref<!tpu.dma_semaphore, #tpu.memory_space<semaphore_mem>>) src(%arg5 : memref<1024xf32, #tpu.memory_space<hbm>>) dst(%arg11 : memref<1024xf32, #tpu.memory_space<vmem>>)
      tpu.yield
    }) : () -> ()
    "tpu.region"() ({
      %run_scoped3A = tpu.sem_alloc : memref<!tpu.dma_semaphore, #tpu.memory_space<semaphore_mem>>
      %dma_start3A = tpu.memref_slice %arg3[%mul3A_2] : memref<524288xi32, #tpu.memory_space<hbm>> -> memref<16384xi32, #tpu.memory_space<hbm>>
      %dma_start3A_7 = tpu.memref_slice %arg3[%mul3A_2] : memref<524288xi32, #tpu.memory_space<hbm>> -> memref<16384xi32, #tpu.memory_space<hbm>>
      tpu.enqueue_dma source(%dma_start3A_7 : memref<16384xi32, #tpu.memory_space<hbm>>) target(%arg7 : memref<16384xi32, #tpu.memory_space<vmem>>) target_semaphore(%run_scoped3A : memref<!tpu.dma_semaphore, #tpu.memory_space<semaphore_mem>>)
      %dma_wait3A = tpu.memref_slice %arg3[%mul3A_2] : memref<524288xi32, #tpu.memory_space<hbm>> -> memref<16384xi32, #tpu.memory_space<hbm>>
      %dma_wait3A_8 = tpu.memref_slice %arg3[%mul3A_2] : memref<524288xi32, #tpu.memory_space<hbm>> -> memref<16384xi32, #tpu.memory_space<hbm>>
      tpu.wait_dma2 semaphore(%run_scoped3A : memref<!tpu.dma_semaphore, #tpu.memory_space<semaphore_mem>>) src(%dma_wait3A_8 : memref<16384xi32, #tpu.memory_space<hbm>>) dst(%arg7 : memref<16384xi32, #tpu.memory_space<vmem>>)
      tpu.yield
    }) : () -> ()
    "tpu.region"() ({
      %run_scoped3A = tpu.sem_alloc : memref<!tpu.dma_semaphore, #tpu.memory_space<semaphore_mem>>
      %dma_start3A = tpu.memref_slice %arg2[%mul3A_2] : memref<524288xf32, #tpu.memory_space<hbm>> -> memref<16384xf32, #tpu.memory_space<hbm>>
      %dma_start3A_7 = tpu.memref_slice %arg2[%mul3A_2] : memref<524288xf32, #tpu.memory_space<hbm>> -> memref<16384xf32, #tpu.memory_space<hbm>>
      tpu.enqueue_dma source(%dma_start3A_7 : memref<16384xf32, #tpu.memory_space<hbm>>) target(%arg8 : memref<16384xf32, #tpu.memory_space<vmem>>) target_semaphore(%run_scoped3A : memref<!tpu.dma_semaphore, #tpu.memory_space<semaphore_mem>>)
      %dma_wait3A = tpu.memref_slice %arg2[%mul3A_2] : memref<524288xf32, #tpu.memory_space<hbm>> -> memref<16384xf32, #tpu.memory_space<hbm>>
      %dma_wait3A_8 = tpu.memref_slice %arg2[%mul3A_2] : memref<524288xf32, #tpu.memory_space<hbm>> -> memref<16384xf32, #tpu.memory_space<hbm>>
      tpu.wait_dma2 semaphore(%run_scoped3A : memref<!tpu.dma_semaphore, #tpu.memory_space<semaphore_mem>>) src(%dma_wait3A_8 : memref<16384xf32, #tpu.memory_space<hbm>>) dst(%arg8 : memref<16384xf32, #tpu.memory_space<vmem>>)
      tpu.yield
    }) : () -> ()
    %scan3A = arith.constant 0 : i32
    %scan3A_3 = arith.constant 1024 : i32
    %scan3A_4 = arith.addi %scan3A, %scan3A_3 : i32
    %scan3A_5 = arith.constant 1 : i32
    scf.for %scan3A_7 = %scan3A to %scan3A_4 step %scan3A_5  : i32 {
      %mul3A_8 = arith.constant 16 : i32
      %mul3A_9 = arith.muli %scan3A_7, %mul3A_8 : i32
      %add3A_10 = arith.constant 0 : i32
      %add3A_11 = arith.addi %add3A_10, %mul3A_9 : i32
      %get3A = arith.index_cast %add3A_11 : i32 to index
      %get3A_12 = tpu.vector_load %arg7[%get3A] {strides = array<i32>} : memref<16384xi32, #tpu.memory_space<vmem>>, vector<16xi32>,
      %gather3A = tpu.vector_load_idx %arg10[%get3A_12] : memref<1024xf32, #tpu.memory_space<vmem>>[vector<16xi32>], vector<16xf32>,
      %gather3A_13 = tpu.vector_load_idx %arg11[%get3A_12] : memref<1024xf32, #tpu.memory_space<vmem>>[vector<16xi32>], vector<16xf32>,
      %get3A_14 = arith.index_cast %add3A_11 : i32 to index
      %get3A_15 = tpu.vector_load %arg8[%get3A_14] {strides = array<i32>} : memref<16384xf32, #tpu.memory_space<vmem>>, vector<16xf32>,
      %mul3A_16 = arith.mulf %gather3A, %get3A_15 : vector<16xf32>
      %add3A_17 = arith.addf %mul3A_16, %gather3A_13 : vector<16xf32>
      %swap3A = arith.index_cast %add3A_11 : i32 to index
      %swap3A_18 = tpu.vector_load %arg9[%swap3A] {strides = array<i32>} : memref<16384xf32, #tpu.memory_space<vmem>>, vector<16xf32>,
      tpu.vector_store %arg9[%swap3A], %add3A_17 {strides = array<i32>} : memref<16384xf32, #tpu.memory_space<vmem>>, vector<16xf32>,
    }
    %scan3A_6 = arith.constant 1024 : i32
    "tpu.region"() ({
      %run_scoped3A = tpu.sem_alloc : memref<!tpu.dma_semaphore, #tpu.memory_space<semaphore_mem>>
      %dma_start3A = tpu.memref_slice %arg6[%mul3A_2] : memref<524288xf32, #tpu.memory_space<hbm>> -> memref<16384xf32, #tpu.memory_space<hbm>>
      %dma_start3A_7 = tpu.memref_slice %arg6[%mul3A_2] : memref<524288xf32, #tpu.memory_space<hbm>> -> memref<16384xf32, #tpu.memory_space<hbm>>
      tpu.enqueue_dma source(%arg9 : memref<16384xf32, #tpu.memory_space<vmem>>) target(%dma_start3A_7 : memref<16384xf32, #tpu.memory_space<hbm>>) target_semaphore(%run_scoped3A : memref<!tpu.dma_semaphore, #tpu.memory_space<semaphore_mem>>)
      %dma_wait3A = tpu.memref_slice %arg6[%mul3A_2] : memref<524288xf32, #tpu.memory_space<hbm>> -> memref<16384xf32, #tpu.memory_space<hbm>>
      %dma_wait3A_8 = tpu.memref_slice %arg6[%mul3A_2] : memref<524288xf32, #tpu.memory_space<hbm>> -> memref<16384xf32, #tpu.memory_space<hbm>>
      tpu.wait_dma2 semaphore(%run_scoped3A : memref<!tpu.dma_semaphore, #tpu.memory_space<semaphore_mem>>) src(%arg9 : memref<16384xf32, #tpu.memory_space<vmem>>) dst(%dma_wait3A_8 : memref<16384xf32, #tpu.memory_space<hbm>>)
      tpu.yield
    }) : () -> ()
    return
  }
}

module attributes {stable_mosaic.version = 14 : i64} {
  func.func @_tc_body(%arg0: i32, %arg1: memref<256x128xf32, #tpu.memory_space<vmem>>, %arg2: memref<8x128xf32, #tpu.memory_space<vmem>>, %arg3: memref<256x128x128xf32, #tpu.memory_space<vmem>>) attributes {dimension_semantics = [#tpu.dimension_semantics<parallel>], iteration_bounds = array<i64: 16>, scalar_prefetch = 0 : i64, scratch_operands = 0 : i64, tpu.core_type = #tpu.core_type<tc>, window_params = [{transform_indices = @transform_0, window_bounds = array<i64: 256, 128>}, {pipeline_mode = #tpu.pipeline_mode<synchronous>, transform_indices = @transform_1, window_bounds = array<i64: 8, 128>}, {transform_indices = @transform_2, window_bounds = array<i64: 256, 128, 128>}]} {
    %get3A = arith.constant 0 : index
    %get3A_0 = arith.constant 0 : index
    %get3A_1 = vector.load %arg1[%get3A, %get3A_0] : memref<256x128xf32, #tpu.memory_space<vmem>>, vector<256x128xf32>
    %get3A_2 = arith.constant 0 : index
    %get3A_3 = arith.constant 0 : index
    %get3A_4 = vector.load %arg2[%get3A_2, %get3A_3] : memref<8x128xf32, #tpu.memory_space<vmem>>, vector<1x128xf32>
    %get3A_5 = arith.constant 1 : index
    %get3A_6 = arith.constant 0 : index
    %get3A_7 = vector.load %arg2[%get3A_5, %get3A_6] : memref<8x128xf32, #tpu.memory_space<vmem>>, vector<1x128xf32>
    %get3A_8 = arith.constant 2 : index
    %get3A_9 = arith.constant 0 : index
    %get3A_10 = vector.load %arg2[%get3A_8, %get3A_9] : memref<8x128xf32, #tpu.memory_space<vmem>>, vector<1x128xf32>
    %transpose3A = tpu.transpose %get3A_1, [1, 0] : vector<256x128xf32> -> vector<128x256xf32>
    %slice3A = vector.extract_strided_slice %transpose3A {offsets = [0, 0], sizes = [128, 1], strides = [1, 1]} : vector<128x256xf32> to vector<128x1xf32>
    %broadcast_in_dim3A = vector.shape_cast %slice3A : vector<128x1xf32> to vector<128x1xf32>
    %broadcast_in_dim3A_11 = vector.broadcast %broadcast_in_dim3A : vector<128x1xf32> to vector<128x128xf32>
    %sub3A = vector.broadcast %get3A_4 : vector<1x128xf32> to vector<128x128xf32>
    %sub3A_12 = arith.subf %broadcast_in_dim3A_11, %sub3A : vector<128x128xf32>
    %mul3A = arith.mulf %sub3A_12, %sub3A_12 : vector<128x128xf32>
    %mul3A_13 = vector.broadcast %get3A_7 : vector<1x128xf32> to vector<128x128xf32>
    %mul3A_14 = arith.mulf %mul3A, %mul3A_13 : vector<128x128xf32>
    %exp23A = math.exp2 %mul3A_14 : vector<128x128xf32>
    %mul3A_15 = vector.broadcast %get3A_10 : vector<1x128xf32> to vector<128x128xf32>
    %mul3A_16 = arith.mulf %mul3A_15, %exp23A : vector<128x128xf32>
    %swap3A = arith.constant 0 : index
    %swap3A_17 = arith.constant 0 : index
    %swap3A_18 = arith.constant 0 : index
    %swap3A_19 = vector.load %arg3[%swap3A, %swap3A_17, %swap3A_18] : memref<256x128x128xf32, #tpu.memory_space<vmem>>, vector<1x128x128xf32>
    %swap3A_20 = vector.shape_cast %swap3A_19 : vector<1x128x128xf32> to vector<128x128xf32>
    %swap3A_21 = vector.shape_cast %mul3A_16 : vector<128x128xf32> to vector<1x128x128xf32>
    tpu.vector_store %arg3[%swap3A, %swap3A_17, %swap3A_18], %swap3A_21 {strides = array<i32>} : memref<256x128x128xf32, #tpu.memory_space<vmem>>, vector<1x128x128xf32>,
    %slice3A_22 = vector.extract_strided_slice %transpose3A {offsets = [0, 1], sizes = [128, 1], strides = [1, 1]} : vector<128x256xf32> to vector<128x1xf32>
    %broadcast_in_dim3A_23 = vector.shape_cast %slice3A_22 : vector<128x1xf32> to vector<128x1xf32>
    %broadcast_in_dim3A_24 = vector.broadcast %broadcast_in_dim3A_23 : vector<128x1xf32> to vector<128x128xf32>
    %sub3A_25 = vector.broadcast %get3A_4 : vector<1x128xf32> to vector<128x128xf32>
    %sub3A_26 = arith.subf %broadcast_in_dim3A_24, %sub3A_25 : vector<128x128xf32>
    %mul3A_27 = arith.mulf %sub3A_26, %sub3A_26 : vector<128x128xf32>
    %mul3A_28 = vector.broadcast %get3A_7 : vector<1x128xf32> to vector<128x128xf32>
    %mul3A_29 = arith.mulf %mul3A_27, %mul3A_28 : vector<128x128xf32>
    %exp23A_30 = math.exp2 %mul3A_29 : vector<128x128xf32>
    %mul3A_31 = vector.broadcast %get3A_10 : vector<1x128xf32> to vector<128x128xf32>
    %mul3A_32 = arith.mulf %mul3A_31, %exp23A_30 : vector<128x128xf32>
    %swap3A_33 = arith.constant 1 : index
    %swap3A_34 = arith.constant 0 : index
    %swap3A_35 = arith.constant 0 : index
    %swap3A_36 = vector.load %arg3[%swap3A_33, %swap3A_34, %swap3A_35] : memref<256x128x128xf32, #tpu.memory_space<vmem>>, vector<1x128x128xf32>
    %swap3A_37 = vector.shape_cast %swap3A_36 : vector<1x128x128xf32> to vector<128x128xf32>
    %swap3A_38 = vector.shape_cast %mul3A_32 : vector<128x128xf32> to vector<1x128x128xf32>
    tpu.vector_store %arg3[%swap3A_33, %swap3A_34, %swap3A_35], %swap3A_38 {strides = array<i32>} : memref<256x128x128xf32, #tpu.memory_space<vmem>>, vector<1x128x128xf32>,
    %slice3A_39 = vector.extract_strided_slice %transpose3A {offsets = [0, 2], sizes = [128, 1], strides = [1, 1]} : vector<128x256xf32> to vector<128x1xf32>
    %broadcast_in_dim3A_40 = vector.shape_cast %slice3A_39 : vector<128x1xf32> to vector<128x1xf32>
    %broadcast_in_dim3A_41 = vector.broadcast %broadcast_in_dim3A_40 : vector<128x1xf32> to vector<128x128xf32>
    %sub3A_42 = vector.broadcast %get3A_4 : vector<1x128xf32> to vector<128x128xf32>
    %sub3A_43 = arith.subf %broadcast_in_dim3A_41, %sub3A_42 : vector<128x128xf32>
    %mul3A_44 = arith.mulf %sub3A_43, %sub3A_43 : vector<128x128xf32>
    %mul3A_45 = vector.broadcast %get3A_7 : vector<1x128xf32> to vector<128x128xf32>
    %mul3A_46 = arith.mulf %mul3A_44, %mul3A_45 : vector<128x128xf32>
    %exp23A_47 = math.exp2 %mul3A_46 : vector<128x128xf32>
    %mul3A_48 = vector.broadcast %get3A_10 : vector<1x128xf32> to vector<128x128xf32>
    %mul3A_49 = arith.mulf %mul3A_48, %exp23A_47 : vector<128x128xf32>
    %swap3A_50 = arith.constant 2 : index
    %swap3A_51 = arith.constant 0 : index
    %swap3A_52 = arith.constant 0 : index
    %swap3A_53 = vector.load %arg3[%swap3A_50, %swap3A_51, %swap3A_52] : memref<256x128x128xf32, #tpu.memory_space<vmem>>, vector<1x128x128xf32>
    %swap3A_54 = vector.shape_cast %swap3A_53 : vector<1x128x128xf32> to vector<128x128xf32>
    %swap3A_55 = vector.shape_cast %mul3A_49 : vector<128x128xf32> to vector<1x128x128xf32>
    tpu.vector_store %arg3[%swap3A_50, %swap3A_51, %swap3A_52], %swap3A_55 {strides = array<i32>} : memref<256x128x128xf32, #tpu.memory_space<vmem>>, vector<1x128x128xf32>,
    %slice3A_56 = vector.extract_strided_slice %transpose3A {offsets = [0, 3], sizes = [128, 1], strides = [1, 1]} : vector<128x256xf32> to vector<128x1xf32>
    %broadcast_in_dim3A_57 = vector.shape_cast %slice3A_56 : vector<128x1xf32> to vector<128x1xf32>
    %broadcast_in_dim3A_58 = vector.broadcast %broadcast_in_dim3A_57 : vector<128x1xf32> to vector<128x128xf32>
    %sub3A_59 = vector.broadcast %get3A_4 : vector<1x128xf32> to vector<128x128xf32>
    %sub3A_60 = arith.subf %broadcast_in_dim3A_58, %sub3A_59 : vector<128x128xf32>
    %mul3A_61 = arith.mulf %sub3A_60, %sub3A_60 : vector<128x128xf32>
    %mul3A_62 = vector.broadcast %get3A_7 : vector<1x128xf32> to vector<128x128xf32>
    %mul3A_63 = arith.mulf %mul3A_61, %mul3A_62 : vector<128x128xf32>
    %exp23A_64 = math.exp2 %mul3A_63 : vector<128x128xf32>
    %mul3A_65 = vector.broadcast %get3A_10 : vector<1x128xf32> to vector<128x128xf32>
    %mul3A_66 = arith.mulf %mul3A_65, %exp23A_64 : vector<128x128xf32>
    %swap3A_67 = arith.constant 3 : index
    %swap3A_68 = arith.constant 0 : index
    %swap3A_69 = arith.constant 0 : index
    %swap3A_70 = vector.load %arg3[%swap3A_67, %swap3A_68, %swap3A_69] : memref<256x128x128xf32, #tpu.memory_space<vmem>>, vector<1x128x128xf32>
    %swap3A_71 = vector.shape_cast %swap3A_70 : vector<1x128x128xf32> to vector<128x128xf32>
    %swap3A_72 = vector.shape_cast %mul3A_66 : vector<128x128xf32> to vector<1x128x128xf32>
    tpu.vector_store %arg3[%swap3A_67, %swap3A_68, %swap3A_69], %swap3A_72 {strides = array<i32>} : memref<256x128x128xf32, #tpu.memory_space<vmem>>, vector<1x128x128xf32>,
    %slice3A_73 = vector.extract_strided_slice %transpose3A {offsets = [0, 4], sizes = [128, 1], strides = [1, 1]} : vector<128x256xf32> to vector<128x1xf32>
    %broadcast_in_dim3A_74 = vector.shape_cast %slice3A_73 : vector<128x1xf32> to vector<128x1xf32>
    %broadcast_in_dim3A_75 = vector.broadcast %broadcast_in_dim3A_74 : vector<128x1xf32> to vector<128x128xf32>
    %sub3A_76 = vector.broadcast %get3A_4 : vector<1x128xf32> to vector<128x128xf32>
    %sub3A_77 = arith.subf %broadcast_in_dim3A_75, %sub3A_76 : vector<128x128xf32>
    %mul3A_78 = arith.mulf %sub3A_77, %sub3A_77 : vector<128x128xf32>
    %mul3A_79 = vector.broadcast %get3A_7 : vector<1x128xf32> to vector<128x128xf32>
    %mul3A_80 = arith.mulf %mul3A_78, %mul3A_79 : vector<128x128xf32>
    %exp23A_81 = math.exp2 %mul3A_80 : vector<128x128xf32>
    %mul3A_82 = vector.broadcast %get3A_10 : vector<1x128xf32> to vector<128x128xf32>
    %mul3A_83 = arith.mulf %mul3A_82, %exp23A_81 : vector<128x128xf32>
    %swap3A_84 = arith.constant 4 : index
    %swap3A_85 = arith.constant 0 : index
    %swap3A_86 = arith.constant 0 : index
    %swap3A_87 = vector.load %arg3[%swap3A_84, %swap3A_85, %swap3A_86] : memref<256x128x128xf32, #tpu.memory_space<vmem>>, vector<1x128x128xf32>
    %swap3A_88 = vector.shape_cast %swap3A_87 : vector<1x128x128xf32> to vector<128x128xf32>
    %swap3A_89 = vector.shape_cast %mul3A_83 : vector<128x128xf32> to vector<1x128x128xf32>
    tpu.vector_store %arg3[%swap3A_84, %swap3A_85, %swap3A_86], %swap3A_89 {strides = array<i32>} : memref<256x128x128xf32, #tpu.memory_space<vmem>>, vector<1x128x128xf32>,
    %slice3A_90 = vector.extract_strided_slice %transpose3A {offsets = [0, 5], sizes = [128, 1], strides = [1, 1]} : vector<128x256xf32> to vector<128x1xf32>
    %broadcast_in_dim3A_91 = vector.shape_cast %slice3A_90 : vector<128x1xf32> to vector<128x1xf32>
    %broadcast_in_dim3A_92 = vector.broadcast %broadcast_in_dim3A_91 : vector<128x1xf32> to vector<128x128xf32>
    %sub3A_93 = vector.broadcast %get3A_4 : vector<1x128xf32> to vector<128x128xf32>
    %sub3A_94 = arith.subf %broadcast_in_dim3A_92, %sub3A_93 : vector<128x128xf32>
    %mul3A_95 = arith.mulf %sub3A_94, %sub3A_94 : vector<128x128xf32>
    %mul3A_96 = vector.broadcast %get3A_7 : vector<1x128xf32> to vector<128x128xf32>
    %mul3A_97 = arith.mulf %mul3A_95, %mul3A_96 : vector<128x128xf32>
    %exp23A_98 = math.exp2 %mul3A_97 : vector<128x128xf32>
    %mul3A_99 = vector.broadcast %get3A_10 : vector<1x128xf32> to vector<128x128xf32>
    %mul3A_100 = arith.mulf %mul3A_99, %exp23A_98 : vector<128x128xf32>
    %swap3A_101 = arith.constant 5 : index
    %swap3A_102 = arith.constant 0 : index
    %swap3A_103 = arith.constant 0 : index
    %swap3A_104 = vector.load %arg3[%swap3A_101, %swap3A_102, %swap3A_103] : memref<256x128x128xf32, #tpu.memory_space<vmem>>, vector<1x128x128xf32>
    %swap3A_105 = vector.shape_cast %swap3A_104 : vector<1x128x128xf32> to vector<128x128xf32>
    %swap3A_106 = vector.shape_cast %mul3A_100 : vector<128x128xf32> to vector<1x128x128xf32>
    tpu.vector_store %arg3[%swap3A_101, %swap3A_102, %swap3A_103], %swap3A_106 {strides = array<i32>} : memref<256x128x128xf32, #tpu.memory_space<vmem>>, vector<1x128x128xf32>,
    %slice3A_107 = vector.extract_strided_slice %transpose3A {offsets = [0, 6], sizes = [128, 1], strides = [1, 1]} : vector<128x256xf32> to vector<128x1xf32>
    %broadcast_in_dim3A_108 = vector.shape_cast %slice3A_107 : vector<128x1xf32> to vector<128x1xf32>
    %broadcast_in_dim3A_109 = vector.broadcast %broadcast_in_dim3A_108 : vector<128x1xf32> to vector<128x128xf32>
    %sub3A_110 = vector.broadcast %get3A_4 : vector<1x128xf32> to vector<128x128xf32>
    %sub3A_111 = arith.subf %broadcast_in_dim3A_109, %sub3A_110 : vector<128x128xf32>
    %mul3A_112 = arith.mulf %sub3A_111, %sub3A_111 : vector<128x128xf32>
    %mul3A_113 = vector.broadcast %get3A_7 : vector<1x128xf32> to vector<128x128xf32>
    %mul3A_114 = arith.mulf %mul3A_112, %mul3A_113 : vector<128x128xf32>
    %exp23A_115 = math.exp2 %mul3A_114 : vector<128x128xf32>
    %mul3A_116 = vector.broadcast %get3A_10 : vector<1x128xf32> to vector<128x128xf32>
    %mul3A_117 = arith.mulf %mul3A_116, %exp23A_115 : vector<128x128xf32>
    %swap3A_118 = arith.constant 6 : index
    %swap3A_119 = arith.constant 0 : index
    %swap3A_120 = arith.constant 0 : index
    %swap3A_121 = vector.load %arg3[%swap3A_118, %swap3A_119, %swap3A_120] : memref<256x128x128xf32, #tpu.memory_space<vmem>>, vector<1x128x128xf32>
    %swap3A_122 = vector.shape_cast %swap3A_121 : vector<1x128x128xf32> to vector<128x128xf32>
    %swap3A_123 = vector.shape_cast %mul3A_117 : vector<128x128xf32> to vector<1x128x128xf32>
    tpu.vector_store %arg3[%swap3A_118, %swap3A_119, %swap3A_120], %swap3A_123 {strides = array<i32>} : memref<256x128x128xf32, #tpu.memory_space<vmem>>, vector<1x128x128xf32>,
    %slice3A_124 = vector.extract_strided_slice %transpose3A {offsets = [0, 7], sizes = [128, 1], strides = [1, 1]} : vector<128x256xf32> to vector<128x1xf32>
    %broadcast_in_dim3A_125 = vector.shape_cast %slice3A_124 : vector<128x1xf32> to vector<128x1xf32>
    %broadcast_in_dim3A_126 = vector.broadcast %broadcast_in_dim3A_125 : vector<128x1xf32> to vector<128x128xf32>
    %sub3A_127 = vector.broadcast %get3A_4 : vector<1x128xf32> to vector<128x128xf32>
    %sub3A_128 = arith.subf %broadcast_in_dim3A_126, %sub3A_127 : vector<128x128xf32>
    %mul3A_129 = arith.mulf %sub3A_128, %sub3A_128 : vector<128x128xf32>
    %mul3A_130 = vector.broadcast %get3A_7 : vector<1x128xf32> to vector<128x128xf32>
    %mul3A_131 = arith.mulf %mul3A_129, %mul3A_130 : vector<128x128xf32>
    %exp23A_132 = math.exp2 %mul3A_131 : vector<128x128xf32>
    %mul3A_133 = vector.broadcast %get3A_10 : vector<1x128xf32> to vector<128x128xf32>
    %mul3A_134 = arith.mulf %mul3A_133, %exp23A_132 : vector<128x128xf32>
    %swap3A_135 = arith.constant 7 : index
    %swap3A_136 = arith.constant 0 : index
    %swap3A_137 = arith.constant 0 : index
    %swap3A_138 = vector.load %arg3[%swap3A_135, %swap3A_136, %swap3A_137] : memref<256x128x128xf32, #tpu.memory_space<vmem>>, vector<1x128x128xf32>
    %swap3A_139 = vector.shape_cast %swap3A_138 : vector<1x128x128xf32> to vector<128x128xf32>
    %swap3A_140 = vector.shape_cast %mul3A_134 : vector<128x128xf32> to vector<1x128x128xf32>
    tpu.vector_store %arg3[%swap3A_135, %swap3A_136, %swap3A_137], %swap3A_140 {strides = array<i32>} : memref<256x128x128xf32, #tpu.memory_space<vmem>>, vector<1x128x128xf32>,
    %slice3A_141 = vector.extract_strided_slice %transpose3A {offsets = [0, 8], sizes = [128, 1], strides = [1, 1]} : vector<128x256xf32> to vector<128x1xf32>
    %broadcast_in_dim3A_142 = vector.shape_cast %slice3A_141 : vector<128x1xf32> to vector<128x1xf32>
    %broadcast_in_dim3A_143 = vector.broadcast %broadcast_in_dim3A_142 : vector<128x1xf32> to vector<128x128xf32>
    %sub3A_144 = vector.broadcast %get3A_4 : vector<1x128xf32> to vector<128x128xf32>
    %sub3A_145 = arith.subf %broadcast_in_dim3A_143, %sub3A_144 : vector<128x128xf32>
    %mul3A_146 = arith.mulf %sub3A_145, %sub3A_145 : vector<128x128xf32>
    %mul3A_147 = vector.broadcast %get3A_7 : vector<1x128xf32> to vector<128x128xf32>
    %mul3A_148 = arith.mulf %mul3A_146, %mul3A_147 : vector<128x128xf32>
    %exp23A_149 = math.exp2 %mul3A_148 : vector<128x128xf32>
    %mul3A_150 = vector.broadcast %get3A_10 : vector<1x128xf32> to vector<128x128xf32>
    %mul3A_151 = arith.mulf %mul3A_150, %exp23A_149 : vector<128x128xf32>
    %swap3A_152 = arith.constant 8 : index
    %swap3A_153 = arith.constant 0 : index
    %swap3A_154 = arith.constant 0 : index
    %swap3A_155 = vector.load %arg3[%swap3A_152, %swap3A_153, %swap3A_154] : memref<256x128x128xf32, #tpu.memory_space<vmem>>, vector<1x128x128xf32>
    %swap3A_156 = vector.shape_cast %swap3A_155 : vector<1x128x128xf32> to vector<128x128xf32>
    %swap3A_157 = vector.shape_cast %mul3A_151 : vector<128x128xf32> to vector<1x128x128xf32>
    tpu.vector_store %arg3[%swap3A_152, %swap3A_153, %swap3A_154], %swap3A_157 {strides = array<i32>} : memref<256x128x128xf32, #tpu.memory_space<vmem>>, vector<1x128x128xf32>,
    %slice3A_158 = vector.extract_strided_slice %transpose3A {offsets = [0, 9], sizes = [128, 1], strides = [1, 1]} : vector<128x256xf32> to vector<128x1xf32>
    %broadcast_in_dim3A_159 = vector.shape_cast %slice3A_158 : vector<128x1xf32> to vector<128x1xf32>
    %broadcast_in_dim3A_160 = vector.broadcast %broadcast_in_dim3A_159 : vector<128x1xf32> to vector<128x128xf32>
    %sub3A_161 = vector.broadcast %get3A_4 : vector<1x128xf32> to vector<128x128xf32>
    %sub3A_162 = arith.subf %broadcast_in_dim3A_160, %sub3A_161 : vector<128x128xf32>
    %mul3A_163 = arith.mulf %sub3A_162, %sub3A_162 : vector<128x128xf32>
    %mul3A_164 = vector.broadcast %get3A_7 : vector<1x128xf32> to vector<128x128xf32>
    %mul3A_165 = arith.mulf %mul3A_163, %mul3A_164 : vector<128x128xf32>
    %exp23A_166 = math.exp2 %mul3A_165 : vector<128x128xf32>
    %mul3A_167 = vector.broadcast %get3A_10 : vector<1x128xf32> to vector<128x128xf32>
    %mul3A_168 = arith.mulf %mul3A_167, %exp23A_166 : vector<128x128xf32>
    %swap3A_169 = arith.constant 9 : index
    %swap3A_170 = arith.constant 0 : index
    %swap3A_171 = arith.constant 0 : index
    %swap3A_172 = vector.load %arg3[%swap3A_169, %swap3A_170, %swap3A_171] : memref<256x128x128xf32, #tpu.memory_space<vmem>>, vector<1x128x128xf32>
    %swap3A_173 = vector.shape_cast %swap3A_172 : vector<1x128x128xf32> to vector<128x128xf32>
    %swap3A_174 = vector.shape_cast %mul3A_168 : vector<128x128xf32> to vector<1x128x128xf32>
    tpu.vector_store %arg3[%swap3A_169, %swap3A_170, %swap3A_171], %swap3A_174 {strides = array<i32>} : memref<256x128x128xf32, #tpu.memory_space<vmem>>, vector<1x128x128xf32>,
    %slice3A_175 = vector.extract_strided_slice %transpose3A {offsets = [0, 10], sizes = [128, 1], strides = [1, 1]} : vector<128x256xf32> to vector<128x1xf32>
    %broadcast_in_dim3A_176 = vector.shape_cast %slice3A_175 : vector<128x1xf32> to vector<128x1xf32>
    %broadcast_in_dim3A_177 = vector.broadcast %broadcast_in_dim3A_176 : vector<128x1xf32> to vector<128x128xf32>
    %sub3A_178 = vector.broadcast %get3A_4 : vector<1x128xf32> to vector<128x128xf32>
    %sub3A_179 = arith.subf %broadcast_in_dim3A_177, %sub3A_178 : vector<128x128xf32>
    %mul3A_180 = arith.mulf %sub3A_179, %sub3A_179 : vector<128x128xf32>
    %mul3A_181 = vector.broadcast %get3A_7 : vector<1x128xf32> to vector<128x128xf32>
    %mul3A_182 = arith.mulf %mul3A_180, %mul3A_181 : vector<128x128xf32>
    %exp23A_183 = math.exp2 %mul3A_182 : vector<128x128xf32>
    %mul3A_184 = vector.broadcast %get3A_10 : vector<1x128xf32> to vector<128x128xf32>
    %mul3A_185 = arith.mulf %mul3A_184, %exp23A_183 : vector<128x128xf32>
    %swap3A_186 = arith.constant 10 : index
    %swap3A_187 = arith.constant 0 : index
    %swap3A_188 = arith.constant 0 : index
    %swap3A_189 = vector.load %arg3[%swap3A_186, %swap3A_187, %swap3A_188] : memref<256x128x128xf32, #tpu.memory_space<vmem>>, vector<1x128x128xf32>
    %swap3A_190 = vector.shape_cast %swap3A_189 : vector<1x128x128xf32> to vector<128x128xf32>
    %swap3A_191 = vector.shape_cast %mul3A_185 : vector<128x128xf32> to vector<1x128x128xf32>
    tpu.vector_store %arg3[%swap3A_186, %swap3A_187, %swap3A_188], %swap3A_191 {strides = array<i32>} : memref<256x128x128xf32, #tpu.memory_space<vmem>>, vector<1x128x128xf32>,
    %slice3A_192 = vector.extract_strided_slice %transpose3A {offsets = [0, 11], sizes = [128, 1], strides = [1, 1]} : vector<128x256xf32> to vector<128x1xf32>
    %broadcast_in_dim3A_193 = vector.shape_cast %slice3A_192 : vector<128x1xf32> to vector<128x1xf32>
    %broadcast_in_dim3A_194 = vector.broadcast %broadcast_in_dim3A_193 : vector<128x1xf32> to vector<128x128xf32>
    %sub3A_195 = vector.broadcast %get3A_4 : vector<1x128xf32> to vector<128x128xf32>
    %sub3A_196 = arith.subf %broadcast_in_dim3A_194, %sub3A_195 : vector<128x128xf32>
    %mul3A_197 = arith.mulf %sub3A_196, %sub3A_196 : vector<128x128xf32>
    %mul3A_198 = vector.broadcast %get3A_7 : vector<1x128xf32> to vector<128x128xf32>
    %mul3A_199 = arith.mulf %mul3A_197, %mul3A_198 : vector<128x128xf32>
    %exp23A_200 = math.exp2 %mul3A_199 : vector<128x128xf32>
    %mul3A_201 = vector.broadcast %get3A_10 : vector<1x128xf32> to vector<128x128xf32>
    %mul3A_202 = arith.mulf %mul3A_201, %exp23A_200 : vector<128x128xf32>
    %swap3A_203 = arith.constant 11 : index
    %swap3A_204 = arith.constant 0 : index
    %swap3A_205 = arith.constant 0 : index
    %swap3A_206 = vector.load %arg3[%swap3A_203, %swap3A_204, %swap3A_205] : memref<256x128x128xf32, #tpu.memory_space<vmem>>, vector<1x128x128xf32>
    %swap3A_207 = vector.shape_cast %swap3A_206 : vector<1x128x128xf32> to vector<128x128xf32>
    %swap3A_208 = vector.shape_cast %mul3A_202 : vector<128x128xf32> to vector<1x128x128xf32>
    tpu.vector_store %arg3[%swap3A_203, %swap3A_204, %swap3A_205], %swap3A_208 {strides = array<i32>} : memref<256x128x128xf32, #tpu.memory_space<vmem>>, vector<1x128x128xf32>,
    %slice3A_209 = vector.extract_strided_slice %transpose3A {offsets = [0, 12], sizes = [128, 1], strides = [1, 1]} : vector<128x256xf32> to vector<128x1xf32>
    %broadcast_in_dim3A_210 = vector.shape_cast %slice3A_209 : vector<128x1xf32> to vector<128x1xf32>
    %broadcast_in_dim3A_211 = vector.broadcast %broadcast_in_dim3A_210 : vector<128x1xf32> to vector<128x128xf32>
    %sub3A_212 = vector.broadcast %get3A_4 : vector<1x128xf32> to vector<128x128xf32>
    %sub3A_213 = arith.subf %broadcast_in_dim3A_211, %sub3A_212 : vector<128x128xf32>
    %mul3A_214 = arith.mulf %sub3A_213, %sub3A_213 : vector<128x128xf32>
    %mul3A_215 = vector.broadcast %get3A_7 : vector<1x128xf32> to vector<128x128xf32>
    %mul3A_216 = arith.mulf %mul3A_214, %mul3A_215 : vector<128x128xf32>
    %exp23A_217 = math.exp2 %mul3A_216 : vector<128x128xf32>
    %mul3A_218 = vector.broadcast %get3A_10 : vector<1x128xf32> to vector<128x128xf32>
    %mul3A_219 = arith.mulf %mul3A_218, %exp23A_217 : vector<128x128xf32>
    %swap3A_220 = arith.constant 12 : index
    %swap3A_221 = arith.constant 0 : index
    %swap3A_222 = arith.constant 0 : index
    %swap3A_223 = vector.load %arg3[%swap3A_220, %swap3A_221, %swap3A_222] : memref<256x128x128xf32, #tpu.memory_space<vmem>>, vector<1x128x128xf32>
    %swap3A_224 = vector.shape_cast %swap3A_223 : vector<1x128x128xf32> to vector<128x128xf32>
    %swap3A_225 = vector.shape_cast %mul3A_219 : vector<128x128xf32> to vector<1x128x128xf32>
    tpu.vector_store %arg3[%swap3A_220, %swap3A_221, %swap3A_222], %swap3A_225 {strides = array<i32>} : memref<256x128x128xf32, #tpu.memory_space<vmem>>, vector<1x128x128xf32>,
    %slice3A_226 = vector.extract_strided_slice %transpose3A {offsets = [0, 13], sizes = [128, 1], strides = [1, 1]} : vector<128x256xf32> to vector<128x1xf32>
    %broadcast_in_dim3A_227 = vector.shape_cast %slice3A_226 : vector<128x1xf32> to vector<128x1xf32>
    %broadcast_in_dim3A_228 = vector.broadcast %broadcast_in_dim3A_227 : vector<128x1xf32> to vector<128x128xf32>
    %sub3A_229 = vector.broadcast %get3A_4 : vector<1x128xf32> to vector<128x128xf32>
    %sub3A_230 = arith.subf %broadcast_in_dim3A_228, %sub3A_229 : vector<128x128xf32>
    %mul3A_231 = arith.mulf %sub3A_230, %sub3A_230 : vector<128x128xf32>
    %mul3A_232 = vector.broadcast %get3A_7 : vector<1x128xf32> to vector<128x128xf32>
    %mul3A_233 = arith.mulf %mul3A_231, %mul3A_232 : vector<128x128xf32>
    %exp23A_234 = math.exp2 %mul3A_233 : vector<128x128xf32>
    %mul3A_235 = vector.broadcast %get3A_10 : vector<1x128xf32> to vector<128x128xf32>
    %mul3A_236 = arith.mulf %mul3A_235, %exp23A_234 : vector<128x128xf32>
    %swap3A_237 = arith.constant 13 : index
    %swap3A_238 = arith.constant 0 : index
    %swap3A_239 = arith.constant 0 : index
    %swap3A_240 = vector.load %arg3[%swap3A_237, %swap3A_238, %swap3A_239] : memref<256x128x128xf32, #tpu.memory_space<vmem>>, vector<1x128x128xf32>
    %swap3A_241 = vector.shape_cast %swap3A_240 : vector<1x128x128xf32> to vector<128x128xf32>
    %swap3A_242 = vector.shape_cast %mul3A_236 : vector<128x128xf32> to vector<1x128x128xf32>
    tpu.vector_store %arg3[%swap3A_237, %swap3A_238, %swap3A_239], %swap3A_242 {strides = array<i32>} : memref<256x128x128xf32, #tpu.memory_space<vmem>>, vector<1x128x128xf32>,
    %slice3A_243 = vector.extract_strided_slice %transpose3A {offsets = [0, 14], sizes = [128, 1], strides = [1, 1]} : vector<128x256xf32> to vector<128x1xf32>
    %broadcast_in_dim3A_244 = vector.shape_cast %slice3A_243 : vector<128x1xf32> to vector<128x1xf32>
    %broadcast_in_dim3A_245 = vector.broadcast %broadcast_in_dim3A_244 : vector<128x1xf32> to vector<128x128xf32>
    %sub3A_246 = vector.broadcast %get3A_4 : vector<1x128xf32> to vector<128x128xf32>
    %sub3A_247 = arith.subf %broadcast_in_dim3A_245, %sub3A_246 : vector<128x128xf32>
    %mul3A_248 = arith.mulf %sub3A_247, %sub3A_247 : vector<128x128xf32>
    %mul3A_249 = vector.broadcast %get3A_7 : vector<1x128xf32> to vector<128x128xf32>
    %mul3A_250 = arith.mulf %mul3A_248, %mul3A_249 : vector<128x128xf32>
    %exp23A_251 = math.exp2 %mul3A_250 : vector<128x128xf32>
    %mul3A_252 = vector.broadcast %get3A_10 : vector<1x128xf32> to vector<128x128xf32>
    %mul3A_253 = arith.mulf %mul3A_252, %exp23A_251 : vector<128x128xf32>
    %swap3A_254 = arith.constant 14 : index
    %swap3A_255 = arith.constant 0 : index
    %swap3A_256 = arith.constant 0 : index
    %swap3A_257 = vector.load %arg3[%swap3A_254, %swap3A_255, %swap3A_256] : memref<256x128x128xf32, #tpu.memory_space<vmem>>, vector<1x128x128xf32>
    %swap3A_258 = vector.shape_cast %swap3A_257 : vector<1x128x128xf32> to vector<128x128xf32>
    %swap3A_259 = vector.shape_cast %mul3A_253 : vector<128x128xf32> to vector<1x128x128xf32>
    tpu.vector_store %arg3[%swap3A_254, %swap3A_255, %swap3A_256], %swap3A_259 {strides = array<i32>} : memref<256x128x128xf32, #tpu.memory_space<vmem>>, vector<1x128x128xf32>,
    %slice3A_260 = vector.extract_strided_slice %transpose3A {offsets = [0, 15], sizes = [128, 1], strides = [1, 1]} : vector<128x256xf32> to vector<128x1xf32>
    %broadcast_in_dim3A_261 = vector.shape_cast %slice3A_260 : vector<128x1xf32> to vector<128x1xf32>
    %broadcast_in_dim3A_262 = vector.broadcast %broadcast_in_dim3A_261 : vector<128x1xf32> to vector<128x128xf32>
    %sub3A_263 = vector.broadcast %get3A_4 : vector<1x128xf32> to vector<128x128xf32>
    %sub3A_264 = arith.subf %broadcast_in_dim3A_262, %sub3A_263 : vector<128x128xf32>
    %mul3A_265 = arith.mulf %sub3A_264, %sub3A_264 : vector<128x128xf32>
    %mul3A_266 = vector.broadcast %get3A_7 : vector<1x128xf32> to vector<128x128xf32>
    %mul3A_267 = arith.mulf %mul3A_265, %mul3A_266 : vector<128x128xf32>
    %exp23A_268 = math.exp2 %mul3A_267 : vector<128x128xf32>
    %mul3A_269 = vector.broadcast %get3A_10 : vector<1x128xf32> to vector<128x128xf32>
    %mul3A_270 = arith.mulf %mul3A_269, %exp23A_268 : vector<128x128xf32>
    %swap3A_271 = arith.constant 15 : index
    %swap3A_272 = arith.constant 0 : index
    %swap3A_273 = arith.constant 0 : index
    %swap3A_274 = vector.load %arg3[%swap3A_271, %swap3A_272, %swap3A_273] : memref<256x128x128xf32, #tpu.memory_space<vmem>>, vector<1x128x128xf32>
    %swap3A_275 = vector.shape_cast %swap3A_274 : vector<1x128x128xf32> to vector<128x128xf32>
    %swap3A_276 = vector.shape_cast %mul3A_270 : vector<128x128xf32> to vector<1x128x128xf32>
    tpu.vector_store %arg3[%swap3A_271, %swap3A_272, %swap3A_273], %swap3A_276 {strides = array<i32>} : memref<256x128x128xf32, #tpu.memory_space<vmem>>, vector<1x128x128xf32>,
    %slice3A_277 = vector.extract_strided_slice %transpose3A {offsets = [0, 16], sizes = [128, 1], strides = [1, 1]} : vector<128x256xf32> to vector<128x1xf32>
    %broadcast_in_dim3A_278 = vector.shape_cast %slice3A_277 : vector<128x1xf32> to vector<128x1xf32>
    %broadcast_in_dim3A_279 = vector.broadcast %broadcast_in_dim3A_278 : vector<128x1xf32> to vector<128x128xf32>
    %sub3A_280 = vector.broadcast %get3A_4 : vector<1x128xf32> to vector<128x128xf32>
    %sub3A_281 = arith.subf %broadcast_in_dim3A_279, %sub3A_280 : vector<128x128xf32>
    %mul3A_282 = arith.mulf %sub3A_281, %sub3A_281 : vector<128x128xf32>
    %mul3A_283 = vector.broadcast %get3A_7 : vector<1x128xf32> to vector<128x128xf32>
    %mul3A_284 = arith.mulf %mul3A_282, %mul3A_283 : vector<128x128xf32>
    %exp23A_285 = math.exp2 %mul3A_284 : vector<128x128xf32>
    %mul3A_286 = vector.broadcast %get3A_10 : vector<1x128xf32> to vector<128x128xf32>
    %mul3A_287 = arith.mulf %mul3A_286, %exp23A_285 : vector<128x128xf32>
    %swap3A_288 = arith.constant 16 : index
    %swap3A_289 = arith.constant 0 : index
    %swap3A_290 = arith.constant 0 : index
    %swap3A_291 = vector.load %arg3[%swap3A_288, %swap3A_289, %swap3A_290] : memref<256x128x128xf32, #tpu.memory_space<vmem>>, vector<1x128x128xf32>
    %swap3A_292 = vector.shape_cast %swap3A_291 : vector<1x128x128xf32> to vector<128x128xf32>
    %swap3A_293 = vector.shape_cast %mul3A_287 : vector<128x128xf32> to vector<1x128x128xf32>
    tpu.vector_store %arg3[%swap3A_288, %swap3A_289, %swap3A_290], %swap3A_293 {strides = array<i32>} : memref<256x128x128xf32, #tpu.memory_space<vmem>>, vector<1x128x128xf32>,
    %slice3A_294 = vector.extract_strided_slice %transpose3A {offsets = [0, 17], sizes = [128, 1], strides = [1, 1]} : vector<128x256xf32> to vector<128x1xf32>
    %broadcast_in_dim3A_295 = vector.shape_cast %slice3A_294 : vector<128x1xf32> to vector<128x1xf32>
    %broadcast_in_dim3A_296 = vector.broadcast %broadcast_in_dim3A_295 : vector<128x1xf32> to vector<128x128xf32>
    %sub3A_297 = vector.broadcast %get3A_4 : vector<1x128xf32> to vector<128x128xf32>
    %sub3A_298 = arith.subf %broadcast_in_dim3A_296, %sub3A_297 : vector<128x128xf32>
    %mul3A_299 = arith.mulf %sub3A_298, %sub3A_298 : vector<128x128xf32>
    %mul3A_300 = vector.broadcast %get3A_7 : vector<1x128xf32> to vector<128x128xf32>
    %mul3A_301 = arith.mulf %mul3A_299, %mul3A_300 : vector<128x128xf32>
    %exp23A_302 = math.exp2 %mul3A_301 : vector<128x128xf32>
    %mul3A_303 = vector.broadcast %get3A_10 : vector<1x128xf32> to vector<128x128xf32>
    %mul3A_304 = arith.mulf %mul3A_303, %exp23A_302 : vector<128x128xf32>
    %swap3A_305 = arith.constant 17 : index
    %swap3A_306 = arith.constant 0 : index
    %swap3A_307 = arith.constant 0 : index
    %swap3A_308 = vector.load %arg3[%swap3A_305, %swap3A_306, %swap3A_307] : memref<256x128x128xf32, #tpu.memory_space<vmem>>, vector<1x128x128xf32>
    %swap3A_309 = vector.shape_cast %swap3A_308 : vector<1x128x128xf32> to vector<128x128xf32>
    %swap3A_310 = vector.shape_cast %mul3A_304 : vector<128x128xf32> to vector<1x128x128xf32>
    tpu.vector_store %arg3[%swap3A_305, %swap3A_306, %swap3A_307], %swap3A_310 {strides = array<i32>} : memref<256x128x128xf32, #tpu.memory_space<vmem>>, vector<1x128x128xf32>,
    %slice3A_311 = vector.extract_strided_slice %transpose3A {offsets = [0, 18], sizes = [128, 1], strides = [1, 1]} : vector<128x256xf32> to vector<128x1xf32>
    %broadcast_in_dim3A_312 = vector.shape_cast %slice3A_311 : vector<128x1xf32> to vector<128x1xf32>
    %broadcast_in_dim3A_313 = vector.broadcast %broadcast_in_dim3A_312 : vector<128x1xf32> to vector<128x128xf32>
    %sub3A_314 = vector.broadcast %get3A_4 : vector<1x128xf32> to vector<128x128xf32>
    %sub3A_315 = arith.subf %broadcast_in_dim3A_313, %sub3A_314 : vector<128x128xf32>
    %mul3A_316 = arith.mulf %sub3A_315, %sub3A_315 : vector<128x128xf32>
    %mul3A_317 = vector.broadcast %get3A_7 : vector<1x128xf32> to vector<128x128xf32>
    %mul3A_318 = arith.mulf %mul3A_316, %mul3A_317 : vector<128x128xf32>
    %exp23A_319 = math.exp2 %mul3A_318 : vector<128x128xf32>
    %mul3A_320 = vector.broadcast %get3A_10 : vector<1x128xf32> to vector<128x128xf32>
    %mul3A_321 = arith.mulf %mul3A_320, %exp23A_319 : vector<128x128xf32>
    %swap3A_322 = arith.constant 18 : index
    %swap3A_323 = arith.constant 0 : index
    %swap3A_324 = arith.constant 0 : index
    %swap3A_325 = vector.load %arg3[%swap3A_322, %swap3A_323, %swap3A_324] : memref<256x128x128xf32, #tpu.memory_space<vmem>>, vector<1x128x128xf32>
    %swap3A_326 = vector.shape_cast %swap3A_325 : vector<1x128x128xf32> to vector<128x128xf32>
    %swap3A_327 = vector.shape_cast %mul3A_321 : vector<128x128xf32> to vector<1x128x128xf32>
    tpu.vector_store %arg3[%swap3A_322, %swap3A_323, %swap3A_324], %swap3A_327 {strides = array<i32>} : memref<256x128x128xf32, #tpu.memory_space<vmem>>, vector<1x128x128xf32>,
    %slice3A_328 = vector.extract_strided_slice %transpose3A {offsets = [0, 19], sizes = [128, 1], strides = [1, 1]} : vector<128x256xf32> to vector<128x1xf32>
    %broadcast_in_dim3A_329 = vector.shape_cast %slice3A_328 : vector<128x1xf32> to vector<128x1xf32>
    %broadcast_in_dim3A_330 = vector.broadcast %broadcast_in_dim3A_329 : vector<128x1xf32> to vector<128x128xf32>
    %sub3A_331 = vector.broadcast %get3A_4 : vector<1x128xf32> to vector<128x128xf32>
    %sub3A_332 = arith.subf %broadcast_in_dim3A_330, %sub3A_331 : vector<128x128xf32>
    %mul3A_333 = arith.mulf %sub3A_332, %sub3A_332 : vector<128x128xf32>
    %mul3A_334 = vector.broadcast %get3A_7 : vector<1x128xf32> to vector<128x128xf32>
    %mul3A_335 = arith.mulf %mul3A_333, %mul3A_334 : vector<128x128xf32>
    %exp23A_336 = math.exp2 %mul3A_335 : vector<128x128xf32>
    %mul3A_337 = vector.broadcast %get3A_10 : vector<1x128xf32> to vector<128x128xf32>
    %mul3A_338 = arith.mulf %mul3A_337, %exp23A_336 : vector<128x128xf32>
    %swap3A_339 = arith.constant 19 : index
    %swap3A_340 = arith.constant 0 : index
    %swap3A_341 = arith.constant 0 : index
    %swap3A_342 = vector.load %arg3[%swap3A_339, %swap3A_340, %swap3A_341] : memref<256x128x128xf32, #tpu.memory_space<vmem>>, vector<1x128x128xf32>
    %swap3A_343 = vector.shape_cast %swap3A_342 : vector<1x128x128xf32> to vector<128x128xf32>
    %swap3A_344 = vector.shape_cast %mul3A_338 : vector<128x128xf32> to vector<1x128x128xf32>
    tpu.vector_store %arg3[%swap3A_339, %swap3A_340, %swap3A_341], %swap3A_344 {strides = array<i32>} : memref<256x128x128xf32, #tpu.memory_space<vmem>>, vector<1x128x128xf32>,
    %slice3A_345 = vector.extract_strided_slice %transpose3A {offsets = [0, 20], sizes = [128, 1], strides = [1, 1]} : vector<128x256xf32> to vector<128x1xf32>
    %broadcast_in_dim3A_346 = vector.shape_cast %slice3A_345 : vector<128x1xf32> to vector<128x1xf32>
    %broadcast_in_dim3A_347 = vector.broadcast %broadcast_in_dim3A_346 : vector<128x1xf32> to vector<128x128xf32>
    %sub3A_348 = vector.broadcast %get3A_4 : vector<1x128xf32> to vector<128x128xf32>
    %sub3A_349 = arith.subf %broadcast_in_dim3A_347, %sub3A_348 : vector<128x128xf32>
    %mul3A_350 = arith.mulf %sub3A_349, %sub3A_349 : vector<128x128xf32>
    %mul3A_351 = vector.broadcast %get3A_7 : vector<1x128xf32> to vector<128x128xf32>
    %mul3A_352 = arith.mulf %mul3A_350, %mul3A_351 : vector<128x128xf32>
    %exp23A_353 = math.exp2 %mul3A_352 : vector<128x128xf32>
    %mul3A_354 = vector.broadcast %get3A_10 : vector<1x128xf32> to vector<128x128xf32>
    %mul3A_355 = arith.mulf %mul3A_354, %exp23A_353 : vector<128x128xf32>
    %swap3A_356 = arith.constant 20 : index
    %swap3A_357 = arith.constant 0 : index
    %swap3A_358 = arith.constant 0 : index
    %swap3A_359 = vector.load %arg3[%swap3A_356, %swap3A_357, %swap3A_358] : memref<256x128x128xf32, #tpu.memory_space<vmem>>, vector<1x128x128xf32>
    %swap3A_360 = vector.shape_cast %swap3A_359 : vector<1x128x128xf32> to vector<128x128xf32>
    %swap3A_361 = vector.shape_cast %mul3A_355 : vector<128x128xf32> to vector<1x128x128xf32>
    tpu.vector_store %arg3[%swap3A_356, %swap3A_357, %swap3A_358], %swap3A_361 {strides = array<i32>} : memref<256x128x128xf32, #tpu.memory_space<vmem>>, vector<1x128x128xf32>,
    %slice3A_362 = vector.extract_strided_slice %transpose3A {offsets = [0, 21], sizes = [128, 1], strides = [1, 1]} : vector<128x256xf32> to vector<128x1xf32>
    %broadcast_in_dim3A_363 = vector.shape_cast %slice3A_362 : vector<128x1xf32> to vector<128x1xf32>
    %broadcast_in_dim3A_364 = vector.broadcast %broadcast_in_dim3A_363 : vector<128x1xf32> to vector<128x128xf32>
    %sub3A_365 = vector.broadcast %get3A_4 : vector<1x128xf32> to vector<128x128xf32>
    %sub3A_366 = arith.subf %broadcast_in_dim3A_364, %sub3A_365 : vector<128x128xf32>
    %mul3A_367 = arith.mulf %sub3A_366, %sub3A_366 : vector<128x128xf32>
    %mul3A_368 = vector.broadcast %get3A_7 : vector<1x128xf32> to vector<128x128xf32>
    %mul3A_369 = arith.mulf %mul3A_367, %mul3A_368 : vector<128x128xf32>
    %exp23A_370 = math.exp2 %mul3A_369 : vector<128x128xf32>
    %mul3A_371 = vector.broadcast %get3A_10 : vector<1x128xf32> to vector<128x128xf32>
    %mul3A_372 = arith.mulf %mul3A_371, %exp23A_370 : vector<128x128xf32>
    %swap3A_373 = arith.constant 21 : index
    %swap3A_374 = arith.constant 0 : index
    %swap3A_375 = arith.constant 0 : index
    %swap3A_376 = vector.load %arg3[%swap3A_373, %swap3A_374, %swap3A_375] : memref<256x128x128xf32, #tpu.memory_space<vmem>>, vector<1x128x128xf32>
    %swap3A_377 = vector.shape_cast %swap3A_376 : vector<1x128x128xf32> to vector<128x128xf32>
    %swap3A_378 = vector.shape_cast %mul3A_372 : vector<128x128xf32> to vector<1x128x128xf32>
    tpu.vector_store %arg3[%swap3A_373, %swap3A_374, %swap3A_375], %swap3A_378 {strides = array<i32>} : memref<256x128x128xf32, #tpu.memory_space<vmem>>, vector<1x128x128xf32>,
    %slice3A_379 = vector.extract_strided_slice %transpose3A {offsets = [0, 22], sizes = [128, 1], strides = [1, 1]} : vector<128x256xf32> to vector<128x1xf32>
    %broadcast_in_dim3A_380 = vector.shape_cast %slice3A_379 : vector<128x1xf32> to vector<128x1xf32>
    %broadcast_in_dim3A_381 = vector.broadcast %broadcast_in_dim3A_380 : vector<128x1xf32> to vector<128x128xf32>
    %sub3A_382 = vector.broadcast %get3A_4 : vector<1x128xf32> to vector<128x128xf32>
    %sub3A_383 = arith.subf %broadcast_in_dim3A_381, %sub3A_382 : vector<128x128xf32>
    %mul3A_384 = arith.mulf %sub3A_383, %sub3A_383 : vector<128x128xf32>
    %mul3A_385 = vector.broadcast %get3A_7 : vector<1x128xf32> to vector<128x128xf32>
    %mul3A_386 = arith.mulf %mul3A_384, %mul3A_385 : vector<128x128xf32>
    %exp23A_387 = math.exp2 %mul3A_386 : vector<128x128xf32>
    %mul3A_388 = vector.broadcast %get3A_10 : vector<1x128xf32> to vector<128x128xf32>
    %mul3A_389 = arith.mulf %mul3A_388, %exp23A_387 : vector<128x128xf32>
    %swap3A_390 = arith.constant 22 : index
    %swap3A_391 = arith.constant 0 : index
    %swap3A_392 = arith.constant 0 : index
    %swap3A_393 = vector.load %arg3[%swap3A_390, %swap3A_391, %swap3A_392] : memref<256x128x128xf32, #tpu.memory_space<vmem>>, vector<1x128x128xf32>
    %swap3A_394 = vector.shape_cast %swap3A_393 : vector<1x128x128xf32> to vector<128x128xf32>
    %swap3A_395 = vector.shape_cast %mul3A_389 : vector<128x128xf32> to vector<1x128x128xf32>
    tpu.vector_store %arg3[%swap3A_390, %swap3A_391, %swap3A_392], %swap3A_395 {strides = array<i32>} : memref<256x128x128xf32, #tpu.memory_space<vmem>>, vector<1x128x128xf32>,
    %slice3A_396 = vector.extract_strided_slice %transpose3A {offsets = [0, 23], sizes = [128, 1], strides = [1, 1]} : vector<128x256xf32> to vector<128x1xf32>
    %broadcast_in_dim3A_397 = vector.shape_cast %slice3A_396 : vector<128x1xf32> to vector<128x1xf32>
    %broadcast_in_dim3A_398 = vector.broadcast %broadcast_in_dim3A_397 : vector<128x1xf32> to vector<128x128xf32>
    %sub3A_399 = vector.broadcast %get3A_4 : vector<1x128xf32> to vector<128x128xf32>
    %sub3A_400 = arith.subf %broadcast_in_dim3A_398, %sub3A_399 : vector<128x128xf32>
    %mul3A_401 = arith.mulf %sub3A_400, %sub3A_400 : vector<128x128xf32>
    %mul3A_402 = vector.broadcast %get3A_7 : vector<1x128xf32> to vector<128x128xf32>
    %mul3A_403 = arith.mulf %mul3A_401, %mul3A_402 : vector<128x128xf32>
    %exp23A_404 = math.exp2 %mul3A_403 : vector<128x128xf32>
    %mul3A_405 = vector.broadcast %get3A_10 : vector<1x128xf32> to vector<128x128xf32>
    %mul3A_406 = arith.mulf %mul3A_405, %exp23A_404 : vector<128x128xf32>
    %swap3A_407 = arith.constant 23 : index
    %swap3A_408 = arith.constant 0 : index
    %swap3A_409 = arith.constant 0 : index
    %swap3A_410 = vector.load %arg3[%swap3A_407, %swap3A_408, %swap3A_409] : memref<256x128x128xf32, #tpu.memory_space<vmem>>, vector<1x128x128xf32>
    %swap3A_411 = vector.shape_cast %swap3A_410 : vector<1x128x128xf32> to vector<128x128xf32>
    %swap3A_412 = vector.shape_cast %mul3A_406 : vector<128x128xf32> to vector<1x128x128xf32>
    tpu.vector_store %arg3[%swap3A_407, %swap3A_408, %swap3A_409], %swap3A_412 {strides = array<i32>} : memref<256x128x128xf32, #tpu.memory_space<vmem>>, vector<1x128x128xf32>,
    %slice3A_413 = vector.extract_strided_slice %transpose3A {offsets = [0, 24], sizes = [128, 1], strides = [1, 1]} : vector<128x256xf32> to vector<128x1xf32>
    %broadcast_in_dim3A_414 = vector.shape_cast %slice3A_413 : vector<128x1xf32> to vector<128x1xf32>
    %broadcast_in_dim3A_415 = vector.broadcast %broadcast_in_dim3A_414 : vector<128x1xf32> to vector<128x128xf32>
    %sub3A_416 = vector.broadcast %get3A_4 : vector<1x128xf32> to vector<128x128xf32>
    %sub3A_417 = arith.subf %broadcast_in_dim3A_415, %sub3A_416 : vector<128x128xf32>
    %mul3A_418 = arith.mulf %sub3A_417, %sub3A_417 : vector<128x128xf32>
    %mul3A_419 = vector.broadcast %get3A_7 : vector<1x128xf32> to vector<128x128xf32>
    %mul3A_420 = arith.mulf %mul3A_418, %mul3A_419 : vector<128x128xf32>
    %exp23A_421 = math.exp2 %mul3A_420 : vector<128x128xf32>
    %mul3A_422 = vector.broadcast %get3A_10 : vector<1x128xf32> to vector<128x128xf32>
    %mul3A_423 = arith.mulf %mul3A_422, %exp23A_421 : vector<128x128xf32>
    %swap3A_424 = arith.constant 24 : index
    %swap3A_425 = arith.constant 0 : index
    %swap3A_426 = arith.constant 0 : index
    %swap3A_427 = vector.load %arg3[%swap3A_424, %swap3A_425, %swap3A_426] : memref<256x128x128xf32, #tpu.memory_space<vmem>>, vector<1x128x128xf32>
    %swap3A_428 = vector.shape_cast %swap3A_427 : vector<1x128x128xf32> to vector<128x128xf32>
    %swap3A_429 = vector.shape_cast %mul3A_423 : vector<128x128xf32> to vector<1x128x128xf32>
    tpu.vector_store %arg3[%swap3A_424, %swap3A_425, %swap3A_426], %swap3A_429 {strides = array<i32>} : memref<256x128x128xf32, #tpu.memory_space<vmem>>, vector<1x128x128xf32>,
    %slice3A_430 = vector.extract_strided_slice %transpose3A {offsets = [0, 25], sizes = [128, 1], strides = [1, 1]} : vector<128x256xf32> to vector<128x1xf32>
    %broadcast_in_dim3A_431 = vector.shape_cast %slice3A_430 : vector<128x1xf32> to vector<128x1xf32>
    %broadcast_in_dim3A_432 = vector.broadcast %broadcast_in_dim3A_431 : vector<128x1xf32> to vector<128x128xf32>
    %sub3A_433 = vector.broadcast %get3A_4 : vector<1x128xf32> to vector<128x128xf32>
    %sub3A_434 = arith.subf %broadcast_in_dim3A_432, %sub3A_433 : vector<128x128xf32>
    %mul3A_435 = arith.mulf %sub3A_434, %sub3A_434 : vector<128x128xf32>
    %mul3A_436 = vector.broadcast %get3A_7 : vector<1x128xf32> to vector<128x128xf32>
    %mul3A_437 = arith.mulf %mul3A_435, %mul3A_436 : vector<128x128xf32>
    %exp23A_438 = math.exp2 %mul3A_437 : vector<128x128xf32>
    %mul3A_439 = vector.broadcast %get3A_10 : vector<1x128xf32> to vector<128x128xf32>
    %mul3A_440 = arith.mulf %mul3A_439, %exp23A_438 : vector<128x128xf32>
    %swap3A_441 = arith.constant 25 : index
    %swap3A_442 = arith.constant 0 : index
    %swap3A_443 = arith.constant 0 : index
    %swap3A_444 = vector.load %arg3[%swap3A_441, %swap3A_442, %swap3A_443] : memref<256x128x128xf32, #tpu.memory_space<vmem>>, vector<1x128x128xf32>
    %swap3A_445 = vector.shape_cast %swap3A_444 : vector<1x128x128xf32> to vector<128x128xf32>
    %swap3A_446 = vector.shape_cast %mul3A_440 : vector<128x128xf32> to vector<1x128x128xf32>
    tpu.vector_store %arg3[%swap3A_441, %swap3A_442, %swap3A_443], %swap3A_446 {strides = array<i32>} : memref<256x128x128xf32, #tpu.memory_space<vmem>>, vector<1x128x128xf32>,
    %slice3A_447 = vector.extract_strided_slice %transpose3A {offsets = [0, 26], sizes = [128, 1], strides = [1, 1]} : vector<128x256xf32> to vector<128x1xf32>
    %broadcast_in_dim3A_448 = vector.shape_cast %slice3A_447 : vector<128x1xf32> to vector<128x1xf32>
    %broadcast_in_dim3A_449 = vector.broadcast %broadcast_in_dim3A_448 : vector<128x1xf32> to vector<128x128xf32>
    %sub3A_450 = vector.broadcast %get3A_4 : vector<1x128xf32> to vector<128x128xf32>
    %sub3A_451 = arith.subf %broadcast_in_dim3A_449, %sub3A_450 : vector<128x128xf32>
    %mul3A_452 = arith.mulf %sub3A_451, %sub3A_451 : vector<128x128xf32>
    %mul3A_453 = vector.broadcast %get3A_7 : vector<1x128xf32> to vector<128x128xf32>
    %mul3A_454 = arith.mulf %mul3A_452, %mul3A_453 : vector<128x128xf32>
    %exp23A_455 = math.exp2 %mul3A_454 : vector<128x128xf32>
    %mul3A_456 = vector.broadcast %get3A_10 : vector<1x128xf32> to vector<128x128xf32>
    %mul3A_457 = arith.mulf %mul3A_456, %exp23A_455 : vector<128x128xf32>
    %swap3A_458 = arith.constant 26 : index
    %swap3A_459 = arith.constant 0 : index
    %swap3A_460 = arith.constant 0 : index
    %swap3A_461 = vector.load %arg3[%swap3A_458, %swap3A_459, %swap3A_460] : memref<256x128x128xf32, #tpu.memory_space<vmem>>, vector<1x128x128xf32>
    %swap3A_462 = vector.shape_cast %swap3A_461 : vector<1x128x128xf32> to vector<128x128xf32>
    %swap3A_463 = vector.shape_cast %mul3A_457 : vector<128x128xf32> to vector<1x128x128xf32>
    tpu.vector_store %arg3[%swap3A_458, %swap3A_459, %swap3A_460], %swap3A_463 {strides = array<i32>} : memref<256x128x128xf32, #tpu.memory_space<vmem>>, vector<1x128x128xf32>,
    %slice3A_464 = vector.extract_strided_slice %transpose3A {offsets = [0, 27], sizes = [128, 1], strides = [1, 1]} : vector<128x256xf32> to vector<128x1xf32>
    %broadcast_in_dim3A_465 = vector.shape_cast %slice3A_464 : vector<128x1xf32> to vector<128x1xf32>
    %broadcast_in_dim3A_466 = vector.broadcast %broadcast_in_dim3A_465 : vector<128x1xf32> to vector<128x128xf32>
    %sub3A_467 = vector.broadcast %get3A_4 : vector<1x128xf32> to vector<128x128xf32>
    %sub3A_468 = arith.subf %broadcast_in_dim3A_466, %sub3A_467 : vector<128x128xf32>
    %mul3A_469 = arith.mulf %sub3A_468, %sub3A_468 : vector<128x128xf32>
    %mul3A_470 = vector.broadcast %get3A_7 : vector<1x128xf32> to vector<128x128xf32>
    %mul3A_471 = arith.mulf %mul3A_469, %mul3A_470 : vector<128x128xf32>
    %exp23A_472 = math.exp2 %mul3A_471 : vector<128x128xf32>
    %mul3A_473 = vector.broadcast %get3A_10 : vector<1x128xf32> to vector<128x128xf32>
    %mul3A_474 = arith.mulf %mul3A_473, %exp23A_472 : vector<128x128xf32>
    %swap3A_475 = arith.constant 27 : index
    %swap3A_476 = arith.constant 0 : index
    %swap3A_477 = arith.constant 0 : index
    %swap3A_478 = vector.load %arg3[%swap3A_475, %swap3A_476, %swap3A_477] : memref<256x128x128xf32, #tpu.memory_space<vmem>>, vector<1x128x128xf32>
    %swap3A_479 = vector.shape_cast %swap3A_478 : vector<1x128x128xf32> to vector<128x128xf32>
    %swap3A_480 = vector.shape_cast %mul3A_474 : vector<128x128xf32> to vector<1x128x128xf32>
    tpu.vector_store %arg3[%swap3A_475, %swap3A_476, %swap3A_477], %swap3A_480 {strides = array<i32>} : memref<256x128x128xf32, #tpu.memory_space<vmem>>, vector<1x128x128xf32>,
    %slice3A_481 = vector.extract_strided_slice %transpose3A {offsets = [0, 28], sizes = [128, 1], strides = [1, 1]} : vector<128x256xf32> to vector<128x1xf32>
    %broadcast_in_dim3A_482 = vector.shape_cast %slice3A_481 : vector<128x1xf32> to vector<128x1xf32>
    %broadcast_in_dim3A_483 = vector.broadcast %broadcast_in_dim3A_482 : vector<128x1xf32> to vector<128x128xf32>
    %sub3A_484 = vector.broadcast %get3A_4 : vector<1x128xf32> to vector<128x128xf32>
    %sub3A_485 = arith.subf %broadcast_in_dim3A_483, %sub3A_484 : vector<128x128xf32>
    %mul3A_486 = arith.mulf %sub3A_485, %sub3A_485 : vector<128x128xf32>
    %mul3A_487 = vector.broadcast %get3A_7 : vector<1x128xf32> to vector<128x128xf32>
    %mul3A_488 = arith.mulf %mul3A_486, %mul3A_487 : vector<128x128xf32>
    %exp23A_489 = math.exp2 %mul3A_488 : vector<128x128xf32>
    %mul3A_490 = vector.broadcast %get3A_10 : vector<1x128xf32> to vector<128x128xf32>
    %mul3A_491 = arith.mulf %mul3A_490, %exp23A_489 : vector<128x128xf32>
    %swap3A_492 = arith.constant 28 : index
    %swap3A_493 = arith.constant 0 : index
    %swap3A_494 = arith.constant 0 : index
    %swap3A_495 = vector.load %arg3[%swap3A_492, %swap3A_493, %swap3A_494] : memref<256x128x128xf32, #tpu.memory_space<vmem>>, vector<1x128x128xf32>
    %swap3A_496 = vector.shape_cast %swap3A_495 : vector<1x128x128xf32> to vector<128x128xf32>
    %swap3A_497 = vector.shape_cast %mul3A_491 : vector<128x128xf32> to vector<1x128x128xf32>
    tpu.vector_store %arg3[%swap3A_492, %swap3A_493, %swap3A_494], %swap3A_497 {strides = array<i32>} : memref<256x128x128xf32, #tpu.memory_space<vmem>>, vector<1x128x128xf32>,
    %slice3A_498 = vector.extract_strided_slice %transpose3A {offsets = [0, 29], sizes = [128, 1], strides = [1, 1]} : vector<128x256xf32> to vector<128x1xf32>
    %broadcast_in_dim3A_499 = vector.shape_cast %slice3A_498 : vector<128x1xf32> to vector<128x1xf32>
    %broadcast_in_dim3A_500 = vector.broadcast %broadcast_in_dim3A_499 : vector<128x1xf32> to vector<128x128xf32>
    %sub3A_501 = vector.broadcast %get3A_4 : vector<1x128xf32> to vector<128x128xf32>
    %sub3A_502 = arith.subf %broadcast_in_dim3A_500, %sub3A_501 : vector<128x128xf32>
    %mul3A_503 = arith.mulf %sub3A_502, %sub3A_502 : vector<128x128xf32>
    %mul3A_504 = vector.broadcast %get3A_7 : vector<1x128xf32> to vector<128x128xf32>
    %mul3A_505 = arith.mulf %mul3A_503, %mul3A_504 : vector<128x128xf32>
    %exp23A_506 = math.exp2 %mul3A_505 : vector<128x128xf32>
    %mul3A_507 = vector.broadcast %get3A_10 : vector<1x128xf32> to vector<128x128xf32>
    %mul3A_508 = arith.mulf %mul3A_507, %exp23A_506 : vector<128x128xf32>
    %swap3A_509 = arith.constant 29 : index
    %swap3A_510 = arith.constant 0 : index
    %swap3A_511 = arith.constant 0 : index
    %swap3A_512 = vector.load %arg3[%swap3A_509, %swap3A_510, %swap3A_511] : memref<256x128x128xf32, #tpu.memory_space<vmem>>, vector<1x128x128xf32>
    %swap3A_513 = vector.shape_cast %swap3A_512 : vector<1x128x128xf32> to vector<128x128xf32>
    %swap3A_514 = vector.shape_cast %mul3A_508 : vector<128x128xf32> to vector<1x128x128xf32>
    tpu.vector_store %arg3[%swap3A_509, %swap3A_510, %swap3A_511], %swap3A_514 {strides = array<i32>} : memref<256x128x128xf32, #tpu.memory_space<vmem>>, vector<1x128x128xf32>,
    %slice3A_515 = vector.extract_strided_slice %transpose3A {offsets = [0, 30], sizes = [128, 1], strides = [1, 1]} : vector<128x256xf32> to vector<128x1xf32>
    %broadcast_in_dim3A_516 = vector.shape_cast %slice3A_515 : vector<128x1xf32> to vector<128x1xf32>
    %broadcast_in_dim3A_517 = vector.broadcast %broadcast_in_dim3A_516 : vector<128x1xf32> to vector<128x128xf32>
    %sub3A_518 = vector.broadcast %get3A_4 : vector<1x128xf32> to vector<128x128xf32>
    %sub3A_519 = arith.subf %broadcast_in_dim3A_517, %sub3A_518 : vector<128x128xf32>
    %mul3A_520 = arith.mulf %sub3A_519, %sub3A_519 : vector<128x128xf32>
    %mul3A_521 = vector.broadcast %get3A_7 : vector<1x128xf32> to vector<128x128xf32>
    %mul3A_522 = arith.mulf %mul3A_520, %mul3A_521 : vector<128x128xf32>
    %exp23A_523 = math.exp2 %mul3A_522 : vector<128x128xf32>
    %mul3A_524 = vector.broadcast %get3A_10 : vector<1x128xf32> to vector<128x128xf32>
    %mul3A_525 = arith.mulf %mul3A_524, %exp23A_523 : vector<128x128xf32>
    %swap3A_526 = arith.constant 30 : index
    %swap3A_527 = arith.constant 0 : index
    %swap3A_528 = arith.constant 0 : index
    %swap3A_529 = vector.load %arg3[%swap3A_526, %swap3A_527, %swap3A_528] : memref<256x128x128xf32, #tpu.memory_space<vmem>>, vector<1x128x128xf32>
    %swap3A_530 = vector.shape_cast %swap3A_529 : vector<1x128x128xf32> to vector<128x128xf32>
    %swap3A_531 = vector.shape_cast %mul3A_525 : vector<128x128xf32> to vector<1x128x128xf32>
    tpu.vector_store %arg3[%swap3A_526, %swap3A_527, %swap3A_528], %swap3A_531 {strides = array<i32>} : memref<256x128x128xf32, #tpu.memory_space<vmem>>, vector<1x128x128xf32>,
    %slice3A_532 = vector.extract_strided_slice %transpose3A {offsets = [0, 31], sizes = [128, 1], strides = [1, 1]} : vector<128x256xf32> to vector<128x1xf32>
    %broadcast_in_dim3A_533 = vector.shape_cast %slice3A_532 : vector<128x1xf32> to vector<128x1xf32>
    %broadcast_in_dim3A_534 = vector.broadcast %broadcast_in_dim3A_533 : vector<128x1xf32> to vector<128x128xf32>
    %sub3A_535 = vector.broadcast %get3A_4 : vector<1x128xf32> to vector<128x128xf32>
    %sub3A_536 = arith.subf %broadcast_in_dim3A_534, %sub3A_535 : vector<128x128xf32>
    %mul3A_537 = arith.mulf %sub3A_536, %sub3A_536 : vector<128x128xf32>
    %mul3A_538 = vector.broadcast %get3A_7 : vector<1x128xf32> to vector<128x128xf32>
    %mul3A_539 = arith.mulf %mul3A_537, %mul3A_538 : vector<128x128xf32>
    %exp23A_540 = math.exp2 %mul3A_539 : vector<128x128xf32>
    %mul3A_541 = vector.broadcast %get3A_10 : vector<1x128xf32> to vector<128x128xf32>
    %mul3A_542 = arith.mulf %mul3A_541, %exp23A_540 : vector<128x128xf32>
    %swap3A_543 = arith.constant 31 : index
    %swap3A_544 = arith.constant 0 : index
    %swap3A_545 = arith.constant 0 : index
    %swap3A_546 = vector.load %arg3[%swap3A_543, %swap3A_544, %swap3A_545] : memref<256x128x128xf32, #tpu.memory_space<vmem>>, vector<1x128x128xf32>
    %swap3A_547 = vector.shape_cast %swap3A_546 : vector<1x128x128xf32> to vector<128x128xf32>
    %swap3A_548 = vector.shape_cast %mul3A_542 : vector<128x128xf32> to vector<1x128x128xf32>
    tpu.vector_store %arg3[%swap3A_543, %swap3A_544, %swap3A_545], %swap3A_548 {strides = array<i32>} : memref<256x128x128xf32, #tpu.memory_space<vmem>>, vector<1x128x128xf32>,
    %slice3A_549 = vector.extract_strided_slice %transpose3A {offsets = [0, 32], sizes = [128, 1], strides = [1, 1]} : vector<128x256xf32> to vector<128x1xf32>
    %broadcast_in_dim3A_550 = vector.shape_cast %slice3A_549 : vector<128x1xf32> to vector<128x1xf32>
    %broadcast_in_dim3A_551 = vector.broadcast %broadcast_in_dim3A_550 : vector<128x1xf32> to vector<128x128xf32>
    %sub3A_552 = vector.broadcast %get3A_4 : vector<1x128xf32> to vector<128x128xf32>
    %sub3A_553 = arith.subf %broadcast_in_dim3A_551, %sub3A_552 : vector<128x128xf32>
    %mul3A_554 = arith.mulf %sub3A_553, %sub3A_553 : vector<128x128xf32>
    %mul3A_555 = vector.broadcast %get3A_7 : vector<1x128xf32> to vector<128x128xf32>
    %mul3A_556 = arith.mulf %mul3A_554, %mul3A_555 : vector<128x128xf32>
    %exp23A_557 = math.exp2 %mul3A_556 : vector<128x128xf32>
    %mul3A_558 = vector.broadcast %get3A_10 : vector<1x128xf32> to vector<128x128xf32>
    %mul3A_559 = arith.mulf %mul3A_558, %exp23A_557 : vector<128x128xf32>
    %swap3A_560 = arith.constant 32 : index
    %swap3A_561 = arith.constant 0 : index
    %swap3A_562 = arith.constant 0 : index
    %swap3A_563 = vector.load %arg3[%swap3A_560, %swap3A_561, %swap3A_562] : memref<256x128x128xf32, #tpu.memory_space<vmem>>, vector<1x128x128xf32>
    %swap3A_564 = vector.shape_cast %swap3A_563 : vector<1x128x128xf32> to vector<128x128xf32>
    %swap3A_565 = vector.shape_cast %mul3A_559 : vector<128x128xf32> to vector<1x128x128xf32>
    tpu.vector_store %arg3[%swap3A_560, %swap3A_561, %swap3A_562], %swap3A_565 {strides = array<i32>} : memref<256x128x128xf32, #tpu.memory_space<vmem>>, vector<1x128x128xf32>,
    %slice3A_566 = vector.extract_strided_slice %transpose3A {offsets = [0, 33], sizes = [128, 1], strides = [1, 1]} : vector<128x256xf32> to vector<128x1xf32>
    %broadcast_in_dim3A_567 = vector.shape_cast %slice3A_566 : vector<128x1xf32> to vector<128x1xf32>
    %broadcast_in_dim3A_568 = vector.broadcast %broadcast_in_dim3A_567 : vector<128x1xf32> to vector<128x128xf32>
    %sub3A_569 = vector.broadcast %get3A_4 : vector<1x128xf32> to vector<128x128xf32>
    %sub3A_570 = arith.subf %broadcast_in_dim3A_568, %sub3A_569 : vector<128x128xf32>
    %mul3A_571 = arith.mulf %sub3A_570, %sub3A_570 : vector<128x128xf32>
    %mul3A_572 = vector.broadcast %get3A_7 : vector<1x128xf32> to vector<128x128xf32>
    %mul3A_573 = arith.mulf %mul3A_571, %mul3A_572 : vector<128x128xf32>
    %exp23A_574 = math.exp2 %mul3A_573 : vector<128x128xf32>
    %mul3A_575 = vector.broadcast %get3A_10 : vector<1x128xf32> to vector<128x128xf32>
    %mul3A_576 = arith.mulf %mul3A_575, %exp23A_574 : vector<128x128xf32>
    %swap3A_577 = arith.constant 33 : index
    %swap3A_578 = arith.constant 0 : index
    %swap3A_579 = arith.constant 0 : index
    %swap3A_580 = vector.load %arg3[%swap3A_577, %swap3A_578, %swap3A_579] : memref<256x128x128xf32, #tpu.memory_space<vmem>>, vector<1x128x128xf32>
    %swap3A_581 = vector.shape_cast %swap3A_580 : vector<1x128x128xf32> to vector<128x128xf32>
    %swap3A_582 = vector.shape_cast %mul3A_576 : vector<128x128xf32> to vector<1x128x128xf32>
    tpu.vector_store %arg3[%swap3A_577, %swap3A_578, %swap3A_579], %swap3A_582 {strides = array<i32>} : memref<256x128x128xf32, #tpu.memory_space<vmem>>, vector<1x128x128xf32>,
    %slice3A_583 = vector.extract_strided_slice %transpose3A {offsets = [0, 34], sizes = [128, 1], strides = [1, 1]} : vector<128x256xf32> to vector<128x1xf32>
    %broadcast_in_dim3A_584 = vector.shape_cast %slice3A_583 : vector<128x1xf32> to vector<128x1xf32>
    %broadcast_in_dim3A_585 = vector.broadcast %broadcast_in_dim3A_584 : vector<128x1xf32> to vector<128x128xf32>
    %sub3A_586 = vector.broadcast %get3A_4 : vector<1x128xf32> to vector<128x128xf32>
    %sub3A_587 = arith.subf %broadcast_in_dim3A_585, %sub3A_586 : vector<128x128xf32>
    %mul3A_588 = arith.mulf %sub3A_587, %sub3A_587 : vector<128x128xf32>
    %mul3A_589 = vector.broadcast %get3A_7 : vector<1x128xf32> to vector<128x128xf32>
    %mul3A_590 = arith.mulf %mul3A_588, %mul3A_589 : vector<128x128xf32>
    %exp23A_591 = math.exp2 %mul3A_590 : vector<128x128xf32>
    %mul3A_592 = vector.broadcast %get3A_10 : vector<1x128xf32> to vector<128x128xf32>
    %mul3A_593 = arith.mulf %mul3A_592, %exp23A_591 : vector<128x128xf32>
    %swap3A_594 = arith.constant 34 : index
    %swap3A_595 = arith.constant 0 : index
    %swap3A_596 = arith.constant 0 : index
    %swap3A_597 = vector.load %arg3[%swap3A_594, %swap3A_595, %swap3A_596] : memref<256x128x128xf32, #tpu.memory_space<vmem>>, vector<1x128x128xf32>
    %swap3A_598 = vector.shape_cast %swap3A_597 : vector<1x128x128xf32> to vector<128x128xf32>
    %swap3A_599 = vector.shape_cast %mul3A_593 : vector<128x128xf32> to vector<1x128x128xf32>
    tpu.vector_store %arg3[%swap3A_594, %swap3A_595, %swap3A_596], %swap3A_599 {strides = array<i32>} : memref<256x128x128xf32, #tpu.memory_space<vmem>>, vector<1x128x128xf32>,
    %slice3A_600 = vector.extract_strided_slice %transpose3A {offsets = [0, 35], sizes = [128, 1], strides = [1, 1]} : vector<128x256xf32> to vector<128x1xf32>
    %broadcast_in_dim3A_601 = vector.shape_cast %slice3A_600 : vector<128x1xf32> to vector<128x1xf32>
    %broadcast_in_dim3A_602 = vector.broadcast %broadcast_in_dim3A_601 : vector<128x1xf32> to vector<128x128xf32>
    %sub3A_603 = vector.broadcast %get3A_4 : vector<1x128xf32> to vector<128x128xf32>
    %sub3A_604 = arith.subf %broadcast_in_dim3A_602, %sub3A_603 : vector<128x128xf32>
    %mul3A_605 = arith.mulf %sub3A_604, %sub3A_604 : vector<128x128xf32>
    %mul3A_606 = vector.broadcast %get3A_7 : vector<1x128xf32> to vector<128x128xf32>
    %mul3A_607 = arith.mulf %mul3A_605, %mul3A_606 : vector<128x128xf32>
    %exp23A_608 = math.exp2 %mul3A_607 : vector<128x128xf32>
    %mul3A_609 = vector.broadcast %get3A_10 : vector<1x128xf32> to vector<128x128xf32>
    %mul3A_610 = arith.mulf %mul3A_609, %exp23A_608 : vector<128x128xf32>
    %swap3A_611 = arith.constant 35 : index
    %swap3A_612 = arith.constant 0 : index
    %swap3A_613 = arith.constant 0 : index
    %swap3A_614 = vector.load %arg3[%swap3A_611, %swap3A_612, %swap3A_613] : memref<256x128x128xf32, #tpu.memory_space<vmem>>, vector<1x128x128xf32>
    %swap3A_615 = vector.shape_cast %swap3A_614 : vector<1x128x128xf32> to vector<128x128xf32>
    %swap3A_616 = vector.shape_cast %mul3A_610 : vector<128x128xf32> to vector<1x128x128xf32>
    tpu.vector_store %arg3[%swap3A_611, %swap3A_612, %swap3A_613], %swap3A_616 {strides = array<i32>} : memref<256x128x128xf32, #tpu.memory_space<vmem>>, vector<1x128x128xf32>,
    %slice3A_617 = vector.extract_strided_slice %transpose3A {offsets = [0, 36], sizes = [128, 1], strides = [1, 1]} : vector<128x256xf32> to vector<128x1xf32>
    %broadcast_in_dim3A_618 = vector.shape_cast %slice3A_617 : vector<128x1xf32> to vector<128x1xf32>
    %broadcast_in_dim3A_619 = vector.broadcast %broadcast_in_dim3A_618 : vector<128x1xf32> to vector<128x128xf32>
    %sub3A_620 = vector.broadcast %get3A_4 : vector<1x128xf32> to vector<128x128xf32>
    %sub3A_621 = arith.subf %broadcast_in_dim3A_619, %sub3A_620 : vector<128x128xf32>
    %mul3A_622 = arith.mulf %sub3A_621, %sub3A_621 : vector<128x128xf32>
    %mul3A_623 = vector.broadcast %get3A_7 : vector<1x128xf32> to vector<128x128xf32>
    %mul3A_624 = arith.mulf %mul3A_622, %mul3A_623 : vector<128x128xf32>
    %exp23A_625 = math.exp2 %mul3A_624 : vector<128x128xf32>
    %mul3A_626 = vector.broadcast %get3A_10 : vector<1x128xf32> to vector<128x128xf32>
    %mul3A_627 = arith.mulf %mul3A_626, %exp23A_625 : vector<128x128xf32>
    %swap3A_628 = arith.constant 36 : index
    %swap3A_629 = arith.constant 0 : index
    %swap3A_630 = arith.constant 0 : index
    %swap3A_631 = vector.load %arg3[%swap3A_628, %swap3A_629, %swap3A_630] : memref<256x128x128xf32, #tpu.memory_space<vmem>>, vector<1x128x128xf32>
    %swap3A_632 = vector.shape_cast %swap3A_631 : vector<1x128x128xf32> to vector<128x128xf32>
    %swap3A_633 = vector.shape_cast %mul3A_627 : vector<128x128xf32> to vector<1x128x128xf32>
    tpu.vector_store %arg3[%swap3A_628, %swap3A_629, %swap3A_630], %swap3A_633 {strides = array<i32>} : memref<256x128x128xf32, #tpu.memory_space<vmem>>, vector<1x128x128xf32>,
    %slice3A_634 = vector.extract_strided_slice %transpose3A {offsets = [0, 37], sizes = [128, 1], strides = [1, 1]} : vector<128x256xf32> to vector<128x1xf32>
    %broadcast_in_dim3A_635 = vector.shape_cast %slice3A_634 : vector<128x1xf32> to vector<128x1xf32>
    %broadcast_in_dim3A_636 = vector.broadcast %broadcast_in_dim3A_635 : vector<128x1xf32> to vector<128x128xf32>
    %sub3A_637 = vector.broadcast %get3A_4 : vector<1x128xf32> to vector<128x128xf32>
    %sub3A_638 = arith.subf %broadcast_in_dim3A_636, %sub3A_637 : vector<128x128xf32>
    %mul3A_639 = arith.mulf %sub3A_638, %sub3A_638 : vector<128x128xf32>
    %mul3A_640 = vector.broadcast %get3A_7 : vector<1x128xf32> to vector<128x128xf32>
    %mul3A_641 = arith.mulf %mul3A_639, %mul3A_640 : vector<128x128xf32>
    %exp23A_642 = math.exp2 %mul3A_641 : vector<128x128xf32>
    %mul3A_643 = vector.broadcast %get3A_10 : vector<1x128xf32> to vector<128x128xf32>
    %mul3A_644 = arith.mulf %mul3A_643, %exp23A_642 : vector<128x128xf32>
    %swap3A_645 = arith.constant 37 : index
    %swap3A_646 = arith.constant 0 : index
    %swap3A_647 = arith.constant 0 : index
    %swap3A_648 = vector.load %arg3[%swap3A_645, %swap3A_646, %swap3A_647] : memref<256x128x128xf32, #tpu.memory_space<vmem>>, vector<1x128x128xf32>
    %swap3A_649 = vector.shape_cast %swap3A_648 : vector<1x128x128xf32> to vector<128x128xf32>
    %swap3A_650 = vector.shape_cast %mul3A_644 : vector<128x128xf32> to vector<1x128x128xf32>
    tpu.vector_store %arg3[%swap3A_645, %swap3A_646, %swap3A_647], %swap3A_650 {strides = array<i32>} : memref<256x128x128xf32, #tpu.memory_space<vmem>>, vector<1x128x128xf32>,
    %slice3A_651 = vector.extract_strided_slice %transpose3A {offsets = [0, 38], sizes = [128, 1], strides = [1, 1]} : vector<128x256xf32> to vector<128x1xf32>
    %broadcast_in_dim3A_652 = vector.shape_cast %slice3A_651 : vector<128x1xf32> to vector<128x1xf32>
    %broadcast_in_dim3A_653 = vector.broadcast %broadcast_in_dim3A_652 : vector<128x1xf32> to vector<128x128xf32>
    %sub3A_654 = vector.broadcast %get3A_4 : vector<1x128xf32> to vector<128x128xf32>
    %sub3A_655 = arith.subf %broadcast_in_dim3A_653, %sub3A_654 : vector<128x128xf32>
    %mul3A_656 = arith.mulf %sub3A_655, %sub3A_655 : vector<128x128xf32>
    %mul3A_657 = vector.broadcast %get3A_7 : vector<1x128xf32> to vector<128x128xf32>
    %mul3A_658 = arith.mulf %mul3A_656, %mul3A_657 : vector<128x128xf32>
    %exp23A_659 = math.exp2 %mul3A_658 : vector<128x128xf32>
    %mul3A_660 = vector.broadcast %get3A_10 : vector<1x128xf32> to vector<128x128xf32>
    %mul3A_661 = arith.mulf %mul3A_660, %exp23A_659 : vector<128x128xf32>
    %swap3A_662 = arith.constant 38 : index
    %swap3A_663 = arith.constant 0 : index
    %swap3A_664 = arith.constant 0 : index
    %swap3A_665 = vector.load %arg3[%swap3A_662, %swap3A_663, %swap3A_664] : memref<256x128x128xf32, #tpu.memory_space<vmem>>, vector<1x128x128xf32>
    %swap3A_666 = vector.shape_cast %swap3A_665 : vector<1x128x128xf32> to vector<128x128xf32>
    %swap3A_667 = vector.shape_cast %mul3A_661 : vector<128x128xf32> to vector<1x128x128xf32>
    tpu.vector_store %arg3[%swap3A_662, %swap3A_663, %swap3A_664], %swap3A_667 {strides = array<i32>} : memref<256x128x128xf32, #tpu.memory_space<vmem>>, vector<1x128x128xf32>,
    %slice3A_668 = vector.extract_strided_slice %transpose3A {offsets = [0, 39], sizes = [128, 1], strides = [1, 1]} : vector<128x256xf32> to vector<128x1xf32>
    %broadcast_in_dim3A_669 = vector.shape_cast %slice3A_668 : vector<128x1xf32> to vector<128x1xf32>
    %broadcast_in_dim3A_670 = vector.broadcast %broadcast_in_dim3A_669 : vector<128x1xf32> to vector<128x128xf32>
    %sub3A_671 = vector.broadcast %get3A_4 : vector<1x128xf32> to vector<128x128xf32>
    %sub3A_672 = arith.subf %broadcast_in_dim3A_670, %sub3A_671 : vector<128x128xf32>
    %mul3A_673 = arith.mulf %sub3A_672, %sub3A_672 : vector<128x128xf32>
    %mul3A_674 = vector.broadcast %get3A_7 : vector<1x128xf32> to vector<128x128xf32>
    %mul3A_675 = arith.mulf %mul3A_673, %mul3A_674 : vector<128x128xf32>
    %exp23A_676 = math.exp2 %mul3A_675 : vector<128x128xf32>
    %mul3A_677 = vector.broadcast %get3A_10 : vector<1x128xf32> to vector<128x128xf32>
    %mul3A_678 = arith.mulf %mul3A_677, %exp23A_676 : vector<128x128xf32>
    %swap3A_679 = arith.constant 39 : index
    %swap3A_680 = arith.constant 0 : index
    %swap3A_681 = arith.constant 0 : index
    %swap3A_682 = vector.load %arg3[%swap3A_679, %swap3A_680, %swap3A_681] : memref<256x128x128xf32, #tpu.memory_space<vmem>>, vector<1x128x128xf32>
    %swap3A_683 = vector.shape_cast %swap3A_682 : vector<1x128x128xf32> to vector<128x128xf32>
    %swap3A_684 = vector.shape_cast %mul3A_678 : vector<128x128xf32> to vector<1x128x128xf32>
    tpu.vector_store %arg3[%swap3A_679, %swap3A_680, %swap3A_681], %swap3A_684 {strides = array<i32>} : memref<256x128x128xf32, #tpu.memory_space<vmem>>, vector<1x128x128xf32>,
    %slice3A_685 = vector.extract_strided_slice %transpose3A {offsets = [0, 40], sizes = [128, 1], strides = [1, 1]} : vector<128x256xf32> to vector<128x1xf32>
    %broadcast_in_dim3A_686 = vector.shape_cast %slice3A_685 : vector<128x1xf32> to vector<128x1xf32>
    %broadcast_in_dim3A_687 = vector.broadcast %broadcast_in_dim3A_686 : vector<128x1xf32> to vector<128x128xf32>
    %sub3A_688 = vector.broadcast %get3A_4 : vector<1x128xf32> to vector<128x128xf32>
    %sub3A_689 = arith.subf %broadcast_in_dim3A_687, %sub3A_688 : vector<128x128xf32>
    %mul3A_690 = arith.mulf %sub3A_689, %sub3A_689 : vector<128x128xf32>
    %mul3A_691 = vector.broadcast %get3A_7 : vector<1x128xf32> to vector<128x128xf32>
    %mul3A_692 = arith.mulf %mul3A_690, %mul3A_691 : vector<128x128xf32>
    %exp23A_693 = math.exp2 %mul3A_692 : vector<128x128xf32>
    %mul3A_694 = vector.broadcast %get3A_10 : vector<1x128xf32> to vector<128x128xf32>
    %mul3A_695 = arith.mulf %mul3A_694, %exp23A_693 : vector<128x128xf32>
    %swap3A_696 = arith.constant 40 : index
    %swap3A_697 = arith.constant 0 : index
    %swap3A_698 = arith.constant 0 : index
    %swap3A_699 = vector.load %arg3[%swap3A_696, %swap3A_697, %swap3A_698] : memref<256x128x128xf32, #tpu.memory_space<vmem>>, vector<1x128x128xf32>
    %swap3A_700 = vector.shape_cast %swap3A_699 : vector<1x128x128xf32> to vector<128x128xf32>
    %swap3A_701 = vector.shape_cast %mul3A_695 : vector<128x128xf32> to vector<1x128x128xf32>
    tpu.vector_store %arg3[%swap3A_696, %swap3A_697, %swap3A_698], %swap3A_701 {strides = array<i32>} : memref<256x128x128xf32, #tpu.memory_space<vmem>>, vector<1x128x128xf32>,
    %slice3A_702 = vector.extract_strided_slice %transpose3A {offsets = [0, 41], sizes = [128, 1], strides = [1, 1]} : vector<128x256xf32> to vector<128x1xf32>
    %broadcast_in_dim3A_703 = vector.shape_cast %slice3A_702 : vector<128x1xf32> to vector<128x1xf32>
    %broadcast_in_dim3A_704 = vector.broadcast %broadcast_in_dim3A_703 : vector<128x1xf32> to vector<128x128xf32>
    %sub3A_705 = vector.broadcast %get3A_4 : vector<1x128xf32> to vector<128x128xf32>
    %sub3A_706 = arith.subf %broadcast_in_dim3A_704, %sub3A_705 : vector<128x128xf32>
    %mul3A_707 = arith.mulf %sub3A_706, %sub3A_706 : vector<128x128xf32>
    %mul3A_708 = vector.broadcast %get3A_7 : vector<1x128xf32> to vector<128x128xf32>
    %mul3A_709 = arith.mulf %mul3A_707, %mul3A_708 : vector<128x128xf32>
    %exp23A_710 = math.exp2 %mul3A_709 : vector<128x128xf32>
    %mul3A_711 = vector.broadcast %get3A_10 : vector<1x128xf32> to vector<128x128xf32>
    %mul3A_712 = arith.mulf %mul3A_711, %exp23A_710 : vector<128x128xf32>
    %swap3A_713 = arith.constant 41 : index
    %swap3A_714 = arith.constant 0 : index
    %swap3A_715 = arith.constant 0 : index
    %swap3A_716 = vector.load %arg3[%swap3A_713, %swap3A_714, %swap3A_715] : memref<256x128x128xf32, #tpu.memory_space<vmem>>, vector<1x128x128xf32>
    %swap3A_717 = vector.shape_cast %swap3A_716 : vector<1x128x128xf32> to vector<128x128xf32>
    %swap3A_718 = vector.shape_cast %mul3A_712 : vector<128x128xf32> to vector<1x128x128xf32>
    tpu.vector_store %arg3[%swap3A_713, %swap3A_714, %swap3A_715], %swap3A_718 {strides = array<i32>} : memref<256x128x128xf32, #tpu.memory_space<vmem>>, vector<1x128x128xf32>,
    %slice3A_719 = vector.extract_strided_slice %transpose3A {offsets = [0, 42], sizes = [128, 1], strides = [1, 1]} : vector<128x256xf32> to vector<128x1xf32>
    %broadcast_in_dim3A_720 = vector.shape_cast %slice3A_719 : vector<128x1xf32> to vector<128x1xf32>
    %broadcast_in_dim3A_721 = vector.broadcast %broadcast_in_dim3A_720 : vector<128x1xf32> to vector<128x128xf32>
    %sub3A_722 = vector.broadcast %get3A_4 : vector<1x128xf32> to vector<128x128xf32>
    %sub3A_723 = arith.subf %broadcast_in_dim3A_721, %sub3A_722 : vector<128x128xf32>
    %mul3A_724 = arith.mulf %sub3A_723, %sub3A_723 : vector<128x128xf32>
    %mul3A_725 = vector.broadcast %get3A_7 : vector<1x128xf32> to vector<128x128xf32>
    %mul3A_726 = arith.mulf %mul3A_724, %mul3A_725 : vector<128x128xf32>
    %exp23A_727 = math.exp2 %mul3A_726 : vector<128x128xf32>
    %mul3A_728 = vector.broadcast %get3A_10 : vector<1x128xf32> to vector<128x128xf32>
    %mul3A_729 = arith.mulf %mul3A_728, %exp23A_727 : vector<128x128xf32>
    %swap3A_730 = arith.constant 42 : index
    %swap3A_731 = arith.constant 0 : index
    %swap3A_732 = arith.constant 0 : index
    %swap3A_733 = vector.load %arg3[%swap3A_730, %swap3A_731, %swap3A_732] : memref<256x128x128xf32, #tpu.memory_space<vmem>>, vector<1x128x128xf32>
    %swap3A_734 = vector.shape_cast %swap3A_733 : vector<1x128x128xf32> to vector<128x128xf32>
    %swap3A_735 = vector.shape_cast %mul3A_729 : vector<128x128xf32> to vector<1x128x128xf32>
    tpu.vector_store %arg3[%swap3A_730, %swap3A_731, %swap3A_732], %swap3A_735 {strides = array<i32>} : memref<256x128x128xf32, #tpu.memory_space<vmem>>, vector<1x128x128xf32>,
    %slice3A_736 = vector.extract_strided_slice %transpose3A {offsets = [0, 43], sizes = [128, 1], strides = [1, 1]} : vector<128x256xf32> to vector<128x1xf32>
    %broadcast_in_dim3A_737 = vector.shape_cast %slice3A_736 : vector<128x1xf32> to vector<128x1xf32>
    %broadcast_in_dim3A_738 = vector.broadcast %broadcast_in_dim3A_737 : vector<128x1xf32> to vector<128x128xf32>
    %sub3A_739 = vector.broadcast %get3A_4 : vector<1x128xf32> to vector<128x128xf32>
    %sub3A_740 = arith.subf %broadcast_in_dim3A_738, %sub3A_739 : vector<128x128xf32>
    %mul3A_741 = arith.mulf %sub3A_740, %sub3A_740 : vector<128x128xf32>
    %mul3A_742 = vector.broadcast %get3A_7 : vector<1x128xf32> to vector<128x128xf32>
    %mul3A_743 = arith.mulf %mul3A_741, %mul3A_742 : vector<128x128xf32>
    %exp23A_744 = math.exp2 %mul3A_743 : vector<128x128xf32>
    %mul3A_745 = vector.broadcast %get3A_10 : vector<1x128xf32> to vector<128x128xf32>
    %mul3A_746 = arith.mulf %mul3A_745, %exp23A_744 : vector<128x128xf32>
    %swap3A_747 = arith.constant 43 : index
    %swap3A_748 = arith.constant 0 : index
    %swap3A_749 = arith.constant 0 : index
    %swap3A_750 = vector.load %arg3[%swap3A_747, %swap3A_748, %swap3A_749] : memref<256x128x128xf32, #tpu.memory_space<vmem>>, vector<1x128x128xf32>
    %swap3A_751 = vector.shape_cast %swap3A_750 : vector<1x128x128xf32> to vector<128x128xf32>
    %swap3A_752 = vector.shape_cast %mul3A_746 : vector<128x128xf32> to vector<1x128x128xf32>
    tpu.vector_store %arg3[%swap3A_747, %swap3A_748, %swap3A_749], %swap3A_752 {strides = array<i32>} : memref<256x128x128xf32, #tpu.memory_space<vmem>>, vector<1x128x128xf32>,
    %slice3A_753 = vector.extract_strided_slice %transpose3A {offsets = [0, 44], sizes = [128, 1], strides = [1, 1]} : vector<128x256xf32> to vector<128x1xf32>
    %broadcast_in_dim3A_754 = vector.shape_cast %slice3A_753 : vector<128x1xf32> to vector<128x1xf32>
    %broadcast_in_dim3A_755 = vector.broadcast %broadcast_in_dim3A_754 : vector<128x1xf32> to vector<128x128xf32>
    %sub3A_756 = vector.broadcast %get3A_4 : vector<1x128xf32> to vector<128x128xf32>
    %sub3A_757 = arith.subf %broadcast_in_dim3A_755, %sub3A_756 : vector<128x128xf32>
    %mul3A_758 = arith.mulf %sub3A_757, %sub3A_757 : vector<128x128xf32>
    %mul3A_759 = vector.broadcast %get3A_7 : vector<1x128xf32> to vector<128x128xf32>
    %mul3A_760 = arith.mulf %mul3A_758, %mul3A_759 : vector<128x128xf32>
    %exp23A_761 = math.exp2 %mul3A_760 : vector<128x128xf32>
    %mul3A_762 = vector.broadcast %get3A_10 : vector<1x128xf32> to vector<128x128xf32>
    %mul3A_763 = arith.mulf %mul3A_762, %exp23A_761 : vector<128x128xf32>
    %swap3A_764 = arith.constant 44 : index
    %swap3A_765 = arith.constant 0 : index
    %swap3A_766 = arith.constant 0 : index
    %swap3A_767 = vector.load %arg3[%swap3A_764, %swap3A_765, %swap3A_766] : memref<256x128x128xf32, #tpu.memory_space<vmem>>, vector<1x128x128xf32>
    %swap3A_768 = vector.shape_cast %swap3A_767 : vector<1x128x128xf32> to vector<128x128xf32>
    %swap3A_769 = vector.shape_cast %mul3A_763 : vector<128x128xf32> to vector<1x128x128xf32>
    tpu.vector_store %arg3[%swap3A_764, %swap3A_765, %swap3A_766], %swap3A_769 {strides = array<i32>} : memref<256x128x128xf32, #tpu.memory_space<vmem>>, vector<1x128x128xf32>,
    %slice3A_770 = vector.extract_strided_slice %transpose3A {offsets = [0, 45], sizes = [128, 1], strides = [1, 1]} : vector<128x256xf32> to vector<128x1xf32>
    %broadcast_in_dim3A_771 = vector.shape_cast %slice3A_770 : vector<128x1xf32> to vector<128x1xf32>
    %broadcast_in_dim3A_772 = vector.broadcast %broadcast_in_dim3A_771 : vector<128x1xf32> to vector<128x128xf32>
    %sub3A_773 = vector.broadcast %get3A_4 : vector<1x128xf32> to vector<128x128xf32>
    %sub3A_774 = arith.subf %broadcast_in_dim3A_772, %sub3A_773 : vector<128x128xf32>
    %mul3A_775 = arith.mulf %sub3A_774, %sub3A_774 : vector<128x128xf32>
    %mul3A_776 = vector.broadcast %get3A_7 : vector<1x128xf32> to vector<128x128xf32>
    %mul3A_777 = arith.mulf %mul3A_775, %mul3A_776 : vector<128x128xf32>
    %exp23A_778 = math.exp2 %mul3A_777 : vector<128x128xf32>
    %mul3A_779 = vector.broadcast %get3A_10 : vector<1x128xf32> to vector<128x128xf32>
    %mul3A_780 = arith.mulf %mul3A_779, %exp23A_778 : vector<128x128xf32>
    %swap3A_781 = arith.constant 45 : index
    %swap3A_782 = arith.constant 0 : index
    %swap3A_783 = arith.constant 0 : index
    %swap3A_784 = vector.load %arg3[%swap3A_781, %swap3A_782, %swap3A_783] : memref<256x128x128xf32, #tpu.memory_space<vmem>>, vector<1x128x128xf32>
    %swap3A_785 = vector.shape_cast %swap3A_784 : vector<1x128x128xf32> to vector<128x128xf32>
    %swap3A_786 = vector.shape_cast %mul3A_780 : vector<128x128xf32> to vector<1x128x128xf32>
    tpu.vector_store %arg3[%swap3A_781, %swap3A_782, %swap3A_783], %swap3A_786 {strides = array<i32>} : memref<256x128x128xf32, #tpu.memory_space<vmem>>, vector<1x128x128xf32>,
    %slice3A_787 = vector.extract_strided_slice %transpose3A {offsets = [0, 46], sizes = [128, 1], strides = [1, 1]} : vector<128x256xf32> to vector<128x1xf32>
    %broadcast_in_dim3A_788 = vector.shape_cast %slice3A_787 : vector<128x1xf32> to vector<128x1xf32>
    %broadcast_in_dim3A_789 = vector.broadcast %broadcast_in_dim3A_788 : vector<128x1xf32> to vector<128x128xf32>
    %sub3A_790 = vector.broadcast %get3A_4 : vector<1x128xf32> to vector<128x128xf32>
    %sub3A_791 = arith.subf %broadcast_in_dim3A_789, %sub3A_790 : vector<128x128xf32>
    %mul3A_792 = arith.mulf %sub3A_791, %sub3A_791 : vector<128x128xf32>
    %mul3A_793 = vector.broadcast %get3A_7 : vector<1x128xf32> to vector<128x128xf32>
    %mul3A_794 = arith.mulf %mul3A_792, %mul3A_793 : vector<128x128xf32>
    %exp23A_795 = math.exp2 %mul3A_794 : vector<128x128xf32>
    %mul3A_796 = vector.broadcast %get3A_10 : vector<1x128xf32> to vector<128x128xf32>
    %mul3A_797 = arith.mulf %mul3A_796, %exp23A_795 : vector<128x128xf32>
    %swap3A_798 = arith.constant 46 : index
    %swap3A_799 = arith.constant 0 : index
    %swap3A_800 = arith.constant 0 : index
    %swap3A_801 = vector.load %arg3[%swap3A_798, %swap3A_799, %swap3A_800] : memref<256x128x128xf32, #tpu.memory_space<vmem>>, vector<1x128x128xf32>
    %swap3A_802 = vector.shape_cast %swap3A_801 : vector<1x128x128xf32> to vector<128x128xf32>
    %swap3A_803 = vector.shape_cast %mul3A_797 : vector<128x128xf32> to vector<1x128x128xf32>
    tpu.vector_store %arg3[%swap3A_798, %swap3A_799, %swap3A_800], %swap3A_803 {strides = array<i32>} : memref<256x128x128xf32, #tpu.memory_space<vmem>>, vector<1x128x128xf32>,
    %slice3A_804 = vector.extract_strided_slice %transpose3A {offsets = [0, 47], sizes = [128, 1], strides = [1, 1]} : vector<128x256xf32> to vector<128x1xf32>
    %broadcast_in_dim3A_805 = vector.shape_cast %slice3A_804 : vector<128x1xf32> to vector<128x1xf32>
    %broadcast_in_dim3A_806 = vector.broadcast %broadcast_in_dim3A_805 : vector<128x1xf32> to vector<128x128xf32>
    %sub3A_807 = vector.broadcast %get3A_4 : vector<1x128xf32> to vector<128x128xf32>
    %sub3A_808 = arith.subf %broadcast_in_dim3A_806, %sub3A_807 : vector<128x128xf32>
    %mul3A_809 = arith.mulf %sub3A_808, %sub3A_808 : vector<128x128xf32>
    %mul3A_810 = vector.broadcast %get3A_7 : vector<1x128xf32> to vector<128x128xf32>
    %mul3A_811 = arith.mulf %mul3A_809, %mul3A_810 : vector<128x128xf32>
    %exp23A_812 = math.exp2 %mul3A_811 : vector<128x128xf32>
    %mul3A_813 = vector.broadcast %get3A_10 : vector<1x128xf32> to vector<128x128xf32>
    %mul3A_814 = arith.mulf %mul3A_813, %exp23A_812 : vector<128x128xf32>
    %swap3A_815 = arith.constant 47 : index
    %swap3A_816 = arith.constant 0 : index
    %swap3A_817 = arith.constant 0 : index
    %swap3A_818 = vector.load %arg3[%swap3A_815, %swap3A_816, %swap3A_817] : memref<256x128x128xf32, #tpu.memory_space<vmem>>, vector<1x128x128xf32>
    %swap3A_819 = vector.shape_cast %swap3A_818 : vector<1x128x128xf32> to vector<128x128xf32>
    %swap3A_820 = vector.shape_cast %mul3A_814 : vector<128x128xf32> to vector<1x128x128xf32>
    tpu.vector_store %arg3[%swap3A_815, %swap3A_816, %swap3A_817], %swap3A_820 {strides = array<i32>} : memref<256x128x128xf32, #tpu.memory_space<vmem>>, vector<1x128x128xf32>,
    %slice3A_821 = vector.extract_strided_slice %transpose3A {offsets = [0, 48], sizes = [128, 1], strides = [1, 1]} : vector<128x256xf32> to vector<128x1xf32>
    %broadcast_in_dim3A_822 = vector.shape_cast %slice3A_821 : vector<128x1xf32> to vector<128x1xf32>
    %broadcast_in_dim3A_823 = vector.broadcast %broadcast_in_dim3A_822 : vector<128x1xf32> to vector<128x128xf32>
    %sub3A_824 = vector.broadcast %get3A_4 : vector<1x128xf32> to vector<128x128xf32>
    %sub3A_825 = arith.subf %broadcast_in_dim3A_823, %sub3A_824 : vector<128x128xf32>
    %mul3A_826 = arith.mulf %sub3A_825, %sub3A_825 : vector<128x128xf32>
    %mul3A_827 = vector.broadcast %get3A_7 : vector<1x128xf32> to vector<128x128xf32>
    %mul3A_828 = arith.mulf %mul3A_826, %mul3A_827 : vector<128x128xf32>
    %exp23A_829 = math.exp2 %mul3A_828 : vector<128x128xf32>
    %mul3A_830 = vector.broadcast %get3A_10 : vector<1x128xf32> to vector<128x128xf32>
    %mul3A_831 = arith.mulf %mul3A_830, %exp23A_829 : vector<128x128xf32>
    %swap3A_832 = arith.constant 48 : index
    %swap3A_833 = arith.constant 0 : index
    %swap3A_834 = arith.constant 0 : index
    %swap3A_835 = vector.load %arg3[%swap3A_832, %swap3A_833, %swap3A_834] : memref<256x128x128xf32, #tpu.memory_space<vmem>>, vector<1x128x128xf32>
    %swap3A_836 = vector.shape_cast %swap3A_835 : vector<1x128x128xf32> to vector<128x128xf32>
    %swap3A_837 = vector.shape_cast %mul3A_831 : vector<128x128xf32> to vector<1x128x128xf32>
    tpu.vector_store %arg3[%swap3A_832, %swap3A_833, %swap3A_834], %swap3A_837 {strides = array<i32>} : memref<256x128x128xf32, #tpu.memory_space<vmem>>, vector<1x128x128xf32>,
    %slice3A_838 = vector.extract_strided_slice %transpose3A {offsets = [0, 49], sizes = [128, 1], strides = [1, 1]} : vector<128x256xf32> to vector<128x1xf32>
    %broadcast_in_dim3A_839 = vector.shape_cast %slice3A_838 : vector<128x1xf32> to vector<128x1xf32>
    %broadcast_in_dim3A_840 = vector.broadcast %broadcast_in_dim3A_839 : vector<128x1xf32> to vector<128x128xf32>
    %sub3A_841 = vector.broadcast %get3A_4 : vector<1x128xf32> to vector<128x128xf32>
    %sub3A_842 = arith.subf %broadcast_in_dim3A_840, %sub3A_841 : vector<128x128xf32>
    %mul3A_843 = arith.mulf %sub3A_842, %sub3A_842 : vector<128x128xf32>
    %mul3A_844 = vector.broadcast %get3A_7 : vector<1x128xf32> to vector<128x128xf32>
    %mul3A_845 = arith.mulf %mul3A_843, %mul3A_844 : vector<128x128xf32>
    %exp23A_846 = math.exp2 %mul3A_845 : vector<128x128xf32>
    %mul3A_847 = vector.broadcast %get3A_10 : vector<1x128xf32> to vector<128x128xf32>
    %mul3A_848 = arith.mulf %mul3A_847, %exp23A_846 : vector<128x128xf32>
    %swap3A_849 = arith.constant 49 : index
    %swap3A_850 = arith.constant 0 : index
    %swap3A_851 = arith.constant 0 : index
    %swap3A_852 = vector.load %arg3[%swap3A_849, %swap3A_850, %swap3A_851] : memref<256x128x128xf32, #tpu.memory_space<vmem>>, vector<1x128x128xf32>
    %swap3A_853 = vector.shape_cast %swap3A_852 : vector<1x128x128xf32> to vector<128x128xf32>
    %swap3A_854 = vector.shape_cast %mul3A_848 : vector<128x128xf32> to vector<1x128x128xf32>
    tpu.vector_store %arg3[%swap3A_849, %swap3A_850, %swap3A_851], %swap3A_854 {strides = array<i32>} : memref<256x128x128xf32, #tpu.memory_space<vmem>>, vector<1x128x128xf32>,
    %slice3A_855 = vector.extract_strided_slice %transpose3A {offsets = [0, 50], sizes = [128, 1], strides = [1, 1]} : vector<128x256xf32> to vector<128x1xf32>
    %broadcast_in_dim3A_856 = vector.shape_cast %slice3A_855 : vector<128x1xf32> to vector<128x1xf32>
    %broadcast_in_dim3A_857 = vector.broadcast %broadcast_in_dim3A_856 : vector<128x1xf32> to vector<128x128xf32>
    %sub3A_858 = vector.broadcast %get3A_4 : vector<1x128xf32> to vector<128x128xf32>
    %sub3A_859 = arith.subf %broadcast_in_dim3A_857, %sub3A_858 : vector<128x128xf32>
    %mul3A_860 = arith.mulf %sub3A_859, %sub3A_859 : vector<128x128xf32>
    %mul3A_861 = vector.broadcast %get3A_7 : vector<1x128xf32> to vector<128x128xf32>
    %mul3A_862 = arith.mulf %mul3A_860, %mul3A_861 : vector<128x128xf32>
    %exp23A_863 = math.exp2 %mul3A_862 : vector<128x128xf32>
    %mul3A_864 = vector.broadcast %get3A_10 : vector<1x128xf32> to vector<128x128xf32>
    %mul3A_865 = arith.mulf %mul3A_864, %exp23A_863 : vector<128x128xf32>
    %swap3A_866 = arith.constant 50 : index
    %swap3A_867 = arith.constant 0 : index
    %swap3A_868 = arith.constant 0 : index
    %swap3A_869 = vector.load %arg3[%swap3A_866, %swap3A_867, %swap3A_868] : memref<256x128x128xf32, #tpu.memory_space<vmem>>, vector<1x128x128xf32>
    %swap3A_870 = vector.shape_cast %swap3A_869 : vector<1x128x128xf32> to vector<128x128xf32>
    %swap3A_871 = vector.shape_cast %mul3A_865 : vector<128x128xf32> to vector<1x128x128xf32>
    tpu.vector_store %arg3[%swap3A_866, %swap3A_867, %swap3A_868], %swap3A_871 {strides = array<i32>} : memref<256x128x128xf32, #tpu.memory_space<vmem>>, vector<1x128x128xf32>,
    %slice3A_872 = vector.extract_strided_slice %transpose3A {offsets = [0, 51], sizes = [128, 1], strides = [1, 1]} : vector<128x256xf32> to vector<128x1xf32>
    %broadcast_in_dim3A_873 = vector.shape_cast %slice3A_872 : vector<128x1xf32> to vector<128x1xf32>
    %broadcast_in_dim3A_874 = vector.broadcast %broadcast_in_dim3A_873 : vector<128x1xf32> to vector<128x128xf32>
    %sub3A_875 = vector.broadcast %get3A_4 : vector<1x128xf32> to vector<128x128xf32>
    %sub3A_876 = arith.subf %broadcast_in_dim3A_874, %sub3A_875 : vector<128x128xf32>
    %mul3A_877 = arith.mulf %sub3A_876, %sub3A_876 : vector<128x128xf32>
    %mul3A_878 = vector.broadcast %get3A_7 : vector<1x128xf32> to vector<128x128xf32>
    %mul3A_879 = arith.mulf %mul3A_877, %mul3A_878 : vector<128x128xf32>
    %exp23A_880 = math.exp2 %mul3A_879 : vector<128x128xf32>
    %mul3A_881 = vector.broadcast %get3A_10 : vector<1x128xf32> to vector<128x128xf32>
    %mul3A_882 = arith.mulf %mul3A_881, %exp23A_880 : vector<128x128xf32>
    %swap3A_883 = arith.constant 51 : index
    %swap3A_884 = arith.constant 0 : index
    %swap3A_885 = arith.constant 0 : index
    %swap3A_886 = vector.load %arg3[%swap3A_883, %swap3A_884, %swap3A_885] : memref<256x128x128xf32, #tpu.memory_space<vmem>>, vector<1x128x128xf32>
    %swap3A_887 = vector.shape_cast %swap3A_886 : vector<1x128x128xf32> to vector<128x128xf32>
    %swap3A_888 = vector.shape_cast %mul3A_882 : vector<128x128xf32> to vector<1x128x128xf32>
    tpu.vector_store %arg3[%swap3A_883, %swap3A_884, %swap3A_885], %swap3A_888 {strides = array<i32>} : memref<256x128x128xf32, #tpu.memory_space<vmem>>, vector<1x128x128xf32>,
    %slice3A_889 = vector.extract_strided_slice %transpose3A {offsets = [0, 52], sizes = [128, 1], strides = [1, 1]} : vector<128x256xf32> to vector<128x1xf32>
    %broadcast_in_dim3A_890 = vector.shape_cast %slice3A_889 : vector<128x1xf32> to vector<128x1xf32>
    %broadcast_in_dim3A_891 = vector.broadcast %broadcast_in_dim3A_890 : vector<128x1xf32> to vector<128x128xf32>
    %sub3A_892 = vector.broadcast %get3A_4 : vector<1x128xf32> to vector<128x128xf32>
    %sub3A_893 = arith.subf %broadcast_in_dim3A_891, %sub3A_892 : vector<128x128xf32>
    %mul3A_894 = arith.mulf %sub3A_893, %sub3A_893 : vector<128x128xf32>
    %mul3A_895 = vector.broadcast %get3A_7 : vector<1x128xf32> to vector<128x128xf32>
    %mul3A_896 = arith.mulf %mul3A_894, %mul3A_895 : vector<128x128xf32>
    %exp23A_897 = math.exp2 %mul3A_896 : vector<128x128xf32>
    %mul3A_898 = vector.broadcast %get3A_10 : vector<1x128xf32> to vector<128x128xf32>
    %mul3A_899 = arith.mulf %mul3A_898, %exp23A_897 : vector<128x128xf32>
    %swap3A_900 = arith.constant 52 : index
    %swap3A_901 = arith.constant 0 : index
    %swap3A_902 = arith.constant 0 : index
    %swap3A_903 = vector.load %arg3[%swap3A_900, %swap3A_901, %swap3A_902] : memref<256x128x128xf32, #tpu.memory_space<vmem>>, vector<1x128x128xf32>
    %swap3A_904 = vector.shape_cast %swap3A_903 : vector<1x128x128xf32> to vector<128x128xf32>
    %swap3A_905 = vector.shape_cast %mul3A_899 : vector<128x128xf32> to vector<1x128x128xf32>
    tpu.vector_store %arg3[%swap3A_900, %swap3A_901, %swap3A_902], %swap3A_905 {strides = array<i32>} : memref<256x128x128xf32, #tpu.memory_space<vmem>>, vector<1x128x128xf32>,
    %slice3A_906 = vector.extract_strided_slice %transpose3A {offsets = [0, 53], sizes = [128, 1], strides = [1, 1]} : vector<128x256xf32> to vector<128x1xf32>
    %broadcast_in_dim3A_907 = vector.shape_cast %slice3A_906 : vector<128x1xf32> to vector<128x1xf32>
    %broadcast_in_dim3A_908 = vector.broadcast %broadcast_in_dim3A_907 : vector<128x1xf32> to vector<128x128xf32>
    %sub3A_909 = vector.broadcast %get3A_4 : vector<1x128xf32> to vector<128x128xf32>
    %sub3A_910 = arith.subf %broadcast_in_dim3A_908, %sub3A_909 : vector<128x128xf32>
    %mul3A_911 = arith.mulf %sub3A_910, %sub3A_910 : vector<128x128xf32>
    %mul3A_912 = vector.broadcast %get3A_7 : vector<1x128xf32> to vector<128x128xf32>
    %mul3A_913 = arith.mulf %mul3A_911, %mul3A_912 : vector<128x128xf32>
    %exp23A_914 = math.exp2 %mul3A_913 : vector<128x128xf32>
    %mul3A_915 = vector.broadcast %get3A_10 : vector<1x128xf32> to vector<128x128xf32>
    %mul3A_916 = arith.mulf %mul3A_915, %exp23A_914 : vector<128x128xf32>
    %swap3A_917 = arith.constant 53 : index
    %swap3A_918 = arith.constant 0 : index
    %swap3A_919 = arith.constant 0 : index
    %swap3A_920 = vector.load %arg3[%swap3A_917, %swap3A_918, %swap3A_919] : memref<256x128x128xf32, #tpu.memory_space<vmem>>, vector<1x128x128xf32>
    %swap3A_921 = vector.shape_cast %swap3A_920 : vector<1x128x128xf32> to vector<128x128xf32>
    %swap3A_922 = vector.shape_cast %mul3A_916 : vector<128x128xf32> to vector<1x128x128xf32>
    tpu.vector_store %arg3[%swap3A_917, %swap3A_918, %swap3A_919], %swap3A_922 {strides = array<i32>} : memref<256x128x128xf32, #tpu.memory_space<vmem>>, vector<1x128x128xf32>,
    %slice3A_923 = vector.extract_strided_slice %transpose3A {offsets = [0, 54], sizes = [128, 1], strides = [1, 1]} : vector<128x256xf32> to vector<128x1xf32>
    %broadcast_in_dim3A_924 = vector.shape_cast %slice3A_923 : vector<128x1xf32> to vector<128x1xf32>
    %broadcast_in_dim3A_925 = vector.broadcast %broadcast_in_dim3A_924 : vector<128x1xf32> to vector<128x128xf32>
    %sub3A_926 = vector.broadcast %get3A_4 : vector<1x128xf32> to vector<128x128xf32>
    %sub3A_927 = arith.subf %broadcast_in_dim3A_925, %sub3A_926 : vector<128x128xf32>
    %mul3A_928 = arith.mulf %sub3A_927, %sub3A_927 : vector<128x128xf32>
    %mul3A_929 = vector.broadcast %get3A_7 : vector<1x128xf32> to vector<128x128xf32>
    %mul3A_930 = arith.mulf %mul3A_928, %mul3A_929 : vector<128x128xf32>
    %exp23A_931 = math.exp2 %mul3A_930 : vector<128x128xf32>
    %mul3A_932 = vector.broadcast %get3A_10 : vector<1x128xf32> to vector<128x128xf32>
    %mul3A_933 = arith.mulf %mul3A_932, %exp23A_931 : vector<128x128xf32>
    %swap3A_934 = arith.constant 54 : index
    %swap3A_935 = arith.constant 0 : index
    %swap3A_936 = arith.constant 0 : index
    %swap3A_937 = vector.load %arg3[%swap3A_934, %swap3A_935, %swap3A_936] : memref<256x128x128xf32, #tpu.memory_space<vmem>>, vector<1x128x128xf32>
    %swap3A_938 = vector.shape_cast %swap3A_937 : vector<1x128x128xf32> to vector<128x128xf32>
    %swap3A_939 = vector.shape_cast %mul3A_933 : vector<128x128xf32> to vector<1x128x128xf32>
    tpu.vector_store %arg3[%swap3A_934, %swap3A_935, %swap3A_936], %swap3A_939 {strides = array<i32>} : memref<256x128x128xf32, #tpu.memory_space<vmem>>, vector<1x128x128xf32>,
    %slice3A_940 = vector.extract_strided_slice %transpose3A {offsets = [0, 55], sizes = [128, 1], strides = [1, 1]} : vector<128x256xf32> to vector<128x1xf32>
    %broadcast_in_dim3A_941 = vector.shape_cast %slice3A_940 : vector<128x1xf32> to vector<128x1xf32>
    %broadcast_in_dim3A_942 = vector.broadcast %broadcast_in_dim3A_941 : vector<128x1xf32> to vector<128x128xf32>
    %sub3A_943 = vector.broadcast %get3A_4 : vector<1x128xf32> to vector<128x128xf32>
    %sub3A_944 = arith.subf %broadcast_in_dim3A_942, %sub3A_943 : vector<128x128xf32>
    %mul3A_945 = arith.mulf %sub3A_944, %sub3A_944 : vector<128x128xf32>
    %mul3A_946 = vector.broadcast %get3A_7 : vector<1x128xf32> to vector<128x128xf32>
    %mul3A_947 = arith.mulf %mul3A_945, %mul3A_946 : vector<128x128xf32>
    %exp23A_948 = math.exp2 %mul3A_947 : vector<128x128xf32>
    %mul3A_949 = vector.broadcast %get3A_10 : vector<1x128xf32> to vector<128x128xf32>
    %mul3A_950 = arith.mulf %mul3A_949, %exp23A_948 : vector<128x128xf32>
    %swap3A_951 = arith.constant 55 : index
    %swap3A_952 = arith.constant 0 : index
    %swap3A_953 = arith.constant 0 : index
    %swap3A_954 = vector.load %arg3[%swap3A_951, %swap3A_952, %swap3A_953] : memref<256x128x128xf32, #tpu.memory_space<vmem>>, vector<1x128x128xf32>
    %swap3A_955 = vector.shape_cast %swap3A_954 : vector<1x128x128xf32> to vector<128x128xf32>
    %swap3A_956 = vector.shape_cast %mul3A_950 : vector<128x128xf32> to vector<1x128x128xf32>
    tpu.vector_store %arg3[%swap3A_951, %swap3A_952, %swap3A_953], %swap3A_956 {strides = array<i32>} : memref<256x128x128xf32, #tpu.memory_space<vmem>>, vector<1x128x128xf32>,
    %slice3A_957 = vector.extract_strided_slice %transpose3A {offsets = [0, 56], sizes = [128, 1], strides = [1, 1]} : vector<128x256xf32> to vector<128x1xf32>
    %broadcast_in_dim3A_958 = vector.shape_cast %slice3A_957 : vector<128x1xf32> to vector<128x1xf32>
    %broadcast_in_dim3A_959 = vector.broadcast %broadcast_in_dim3A_958 : vector<128x1xf32> to vector<128x128xf32>
    %sub3A_960 = vector.broadcast %get3A_4 : vector<1x128xf32> to vector<128x128xf32>
    %sub3A_961 = arith.subf %broadcast_in_dim3A_959, %sub3A_960 : vector<128x128xf32>
    %mul3A_962 = arith.mulf %sub3A_961, %sub3A_961 : vector<128x128xf32>
    %mul3A_963 = vector.broadcast %get3A_7 : vector<1x128xf32> to vector<128x128xf32>
    %mul3A_964 = arith.mulf %mul3A_962, %mul3A_963 : vector<128x128xf32>
    %exp23A_965 = math.exp2 %mul3A_964 : vector<128x128xf32>
    %mul3A_966 = vector.broadcast %get3A_10 : vector<1x128xf32> to vector<128x128xf32>
    %mul3A_967 = arith.mulf %mul3A_966, %exp23A_965 : vector<128x128xf32>
    %swap3A_968 = arith.constant 56 : index
    %swap3A_969 = arith.constant 0 : index
    %swap3A_970 = arith.constant 0 : index
    %swap3A_971 = vector.load %arg3[%swap3A_968, %swap3A_969, %swap3A_970] : memref<256x128x128xf32, #tpu.memory_space<vmem>>, vector<1x128x128xf32>
    %swap3A_972 = vector.shape_cast %swap3A_971 : vector<1x128x128xf32> to vector<128x128xf32>
    %swap3A_973 = vector.shape_cast %mul3A_967 : vector<128x128xf32> to vector<1x128x128xf32>
    tpu.vector_store %arg3[%swap3A_968, %swap3A_969, %swap3A_970], %swap3A_973 {strides = array<i32>} : memref<256x128x128xf32, #tpu.memory_space<vmem>>, vector<1x128x128xf32>,
    %slice3A_974 = vector.extract_strided_slice %transpose3A {offsets = [0, 57], sizes = [128, 1], strides = [1, 1]} : vector<128x256xf32> to vector<128x1xf32>
    %broadcast_in_dim3A_975 = vector.shape_cast %slice3A_974 : vector<128x1xf32> to vector<128x1xf32>
    %broadcast_in_dim3A_976 = vector.broadcast %broadcast_in_dim3A_975 : vector<128x1xf32> to vector<128x128xf32>
    %sub3A_977 = vector.broadcast %get3A_4 : vector<1x128xf32> to vector<128x128xf32>
    %sub3A_978 = arith.subf %broadcast_in_dim3A_976, %sub3A_977 : vector<128x128xf32>
    %mul3A_979 = arith.mulf %sub3A_978, %sub3A_978 : vector<128x128xf32>
    %mul3A_980 = vector.broadcast %get3A_7 : vector<1x128xf32> to vector<128x128xf32>
    %mul3A_981 = arith.mulf %mul3A_979, %mul3A_980 : vector<128x128xf32>
    %exp23A_982 = math.exp2 %mul3A_981 : vector<128x128xf32>
    %mul3A_983 = vector.broadcast %get3A_10 : vector<1x128xf32> to vector<128x128xf32>
    %mul3A_984 = arith.mulf %mul3A_983, %exp23A_982 : vector<128x128xf32>
    %swap3A_985 = arith.constant 57 : index
    %swap3A_986 = arith.constant 0 : index
    %swap3A_987 = arith.constant 0 : index
    %swap3A_988 = vector.load %arg3[%swap3A_985, %swap3A_986, %swap3A_987] : memref<256x128x128xf32, #tpu.memory_space<vmem>>, vector<1x128x128xf32>
    %swap3A_989 = vector.shape_cast %swap3A_988 : vector<1x128x128xf32> to vector<128x128xf32>
    %swap3A_990 = vector.shape_cast %mul3A_984 : vector<128x128xf32> to vector<1x128x128xf32>
    tpu.vector_store %arg3[%swap3A_985, %swap3A_986, %swap3A_987], %swap3A_990 {strides = array<i32>} : memref<256x128x128xf32, #tpu.memory_space<vmem>>, vector<1x128x128xf32>,
    %slice3A_991 = vector.extract_strided_slice %transpose3A {offsets = [0, 58], sizes = [128, 1], strides = [1, 1]} : vector<128x256xf32> to vector<128x1xf32>
    %broadcast_in_dim3A_992 = vector.shape_cast %slice3A_991 : vector<128x1xf32> to vector<128x1xf32>
    %broadcast_in_dim3A_993 = vector.broadcast %broadcast_in_dim3A_992 : vector<128x1xf32> to vector<128x128xf32>
    %sub3A_994 = vector.broadcast %get3A_4 : vector<1x128xf32> to vector<128x128xf32>
    %sub3A_995 = arith.subf %broadcast_in_dim3A_993, %sub3A_994 : vector<128x128xf32>
    %mul3A_996 = arith.mulf %sub3A_995, %sub3A_995 : vector<128x128xf32>
    %mul3A_997 = vector.broadcast %get3A_7 : vector<1x128xf32> to vector<128x128xf32>
    %mul3A_998 = arith.mulf %mul3A_996, %mul3A_997 : vector<128x128xf32>
    %exp23A_999 = math.exp2 %mul3A_998 : vector<128x128xf32>
    %mul3A_1000 = vector.broadcast %get3A_10 : vector<1x128xf32> to vector<128x128xf32>
    %mul3A_1001 = arith.mulf %mul3A_1000, %exp23A_999 : vector<128x128xf32>
    %swap3A_1002 = arith.constant 58 : index
    %swap3A_1003 = arith.constant 0 : index
    %swap3A_1004 = arith.constant 0 : index
    %swap3A_1005 = vector.load %arg3[%swap3A_1002, %swap3A_1003, %swap3A_1004] : memref<256x128x128xf32, #tpu.memory_space<vmem>>, vector<1x128x128xf32>
    %swap3A_1006 = vector.shape_cast %swap3A_1005 : vector<1x128x128xf32> to vector<128x128xf32>
    %swap3A_1007 = vector.shape_cast %mul3A_1001 : vector<128x128xf32> to vector<1x128x128xf32>
    tpu.vector_store %arg3[%swap3A_1002, %swap3A_1003, %swap3A_1004], %swap3A_1007 {strides = array<i32>} : memref<256x128x128xf32, #tpu.memory_space<vmem>>, vector<1x128x128xf32>,
    %slice3A_1008 = vector.extract_strided_slice %transpose3A {offsets = [0, 59], sizes = [128, 1], strides = [1, 1]} : vector<128x256xf32> to vector<128x1xf32>
    %broadcast_in_dim3A_1009 = vector.shape_cast %slice3A_1008 : vector<128x1xf32> to vector<128x1xf32>
    %broadcast_in_dim3A_1010 = vector.broadcast %broadcast_in_dim3A_1009 : vector<128x1xf32> to vector<128x128xf32>
    %sub3A_1011 = vector.broadcast %get3A_4 : vector<1x128xf32> to vector<128x128xf32>
    %sub3A_1012 = arith.subf %broadcast_in_dim3A_1010, %sub3A_1011 : vector<128x128xf32>
    %mul3A_1013 = arith.mulf %sub3A_1012, %sub3A_1012 : vector<128x128xf32>
    %mul3A_1014 = vector.broadcast %get3A_7 : vector<1x128xf32> to vector<128x128xf32>
    %mul3A_1015 = arith.mulf %mul3A_1013, %mul3A_1014 : vector<128x128xf32>
    %exp23A_1016 = math.exp2 %mul3A_1015 : vector<128x128xf32>
    %mul3A_1017 = vector.broadcast %get3A_10 : vector<1x128xf32> to vector<128x128xf32>
    %mul3A_1018 = arith.mulf %mul3A_1017, %exp23A_1016 : vector<128x128xf32>
    %swap3A_1019 = arith.constant 59 : index
    %swap3A_1020 = arith.constant 0 : index
    %swap3A_1021 = arith.constant 0 : index
    %swap3A_1022 = vector.load %arg3[%swap3A_1019, %swap3A_1020, %swap3A_1021] : memref<256x128x128xf32, #tpu.memory_space<vmem>>, vector<1x128x128xf32>
    %swap3A_1023 = vector.shape_cast %swap3A_1022 : vector<1x128x128xf32> to vector<128x128xf32>
    %swap3A_1024 = vector.shape_cast %mul3A_1018 : vector<128x128xf32> to vector<1x128x128xf32>
    tpu.vector_store %arg3[%swap3A_1019, %swap3A_1020, %swap3A_1021], %swap3A_1024 {strides = array<i32>} : memref<256x128x128xf32, #tpu.memory_space<vmem>>, vector<1x128x128xf32>,
    %slice3A_1025 = vector.extract_strided_slice %transpose3A {offsets = [0, 60], sizes = [128, 1], strides = [1, 1]} : vector<128x256xf32> to vector<128x1xf32>
    %broadcast_in_dim3A_1026 = vector.shape_cast %slice3A_1025 : vector<128x1xf32> to vector<128x1xf32>
    %broadcast_in_dim3A_1027 = vector.broadcast %broadcast_in_dim3A_1026 : vector<128x1xf32> to vector<128x128xf32>
    %sub3A_1028 = vector.broadcast %get3A_4 : vector<1x128xf32> to vector<128x128xf32>
    %sub3A_1029 = arith.subf %broadcast_in_dim3A_1027, %sub3A_1028 : vector<128x128xf32>
    %mul3A_1030 = arith.mulf %sub3A_1029, %sub3A_1029 : vector<128x128xf32>
    %mul3A_1031 = vector.broadcast %get3A_7 : vector<1x128xf32> to vector<128x128xf32>
    %mul3A_1032 = arith.mulf %mul3A_1030, %mul3A_1031 : vector<128x128xf32>
    %exp23A_1033 = math.exp2 %mul3A_1032 : vector<128x128xf32>
    %mul3A_1034 = vector.broadcast %get3A_10 : vector<1x128xf32> to vector<128x128xf32>
    %mul3A_1035 = arith.mulf %mul3A_1034, %exp23A_1033 : vector<128x128xf32>
    %swap3A_1036 = arith.constant 60 : index
    %swap3A_1037 = arith.constant 0 : index
    %swap3A_1038 = arith.constant 0 : index
    %swap3A_1039 = vector.load %arg3[%swap3A_1036, %swap3A_1037, %swap3A_1038] : memref<256x128x128xf32, #tpu.memory_space<vmem>>, vector<1x128x128xf32>
    %swap3A_1040 = vector.shape_cast %swap3A_1039 : vector<1x128x128xf32> to vector<128x128xf32>
    %swap3A_1041 = vector.shape_cast %mul3A_1035 : vector<128x128xf32> to vector<1x128x128xf32>
    tpu.vector_store %arg3[%swap3A_1036, %swap3A_1037, %swap3A_1038], %swap3A_1041 {strides = array<i32>} : memref<256x128x128xf32, #tpu.memory_space<vmem>>, vector<1x128x128xf32>,
    %slice3A_1042 = vector.extract_strided_slice %transpose3A {offsets = [0, 61], sizes = [128, 1], strides = [1, 1]} : vector<128x256xf32> to vector<128x1xf32>
    %broadcast_in_dim3A_1043 = vector.shape_cast %slice3A_1042 : vector<128x1xf32> to vector<128x1xf32>
    %broadcast_in_dim3A_1044 = vector.broadcast %broadcast_in_dim3A_1043 : vector<128x1xf32> to vector<128x128xf32>
    %sub3A_1045 = vector.broadcast %get3A_4 : vector<1x128xf32> to vector<128x128xf32>
    %sub3A_1046 = arith.subf %broadcast_in_dim3A_1044, %sub3A_1045 : vector<128x128xf32>
    %mul3A_1047 = arith.mulf %sub3A_1046, %sub3A_1046 : vector<128x128xf32>
    %mul3A_1048 = vector.broadcast %get3A_7 : vector<1x128xf32> to vector<128x128xf32>
    %mul3A_1049 = arith.mulf %mul3A_1047, %mul3A_1048 : vector<128x128xf32>
    %exp23A_1050 = math.exp2 %mul3A_1049 : vector<128x128xf32>
    %mul3A_1051 = vector.broadcast %get3A_10 : vector<1x128xf32> to vector<128x128xf32>
    %mul3A_1052 = arith.mulf %mul3A_1051, %exp23A_1050 : vector<128x128xf32>
    %swap3A_1053 = arith.constant 61 : index
    %swap3A_1054 = arith.constant 0 : index
    %swap3A_1055 = arith.constant 0 : index
    %swap3A_1056 = vector.load %arg3[%swap3A_1053, %swap3A_1054, %swap3A_1055] : memref<256x128x128xf32, #tpu.memory_space<vmem>>, vector<1x128x128xf32>
    %swap3A_1057 = vector.shape_cast %swap3A_1056 : vector<1x128x128xf32> to vector<128x128xf32>
    %swap3A_1058 = vector.shape_cast %mul3A_1052 : vector<128x128xf32> to vector<1x128x128xf32>
    tpu.vector_store %arg3[%swap3A_1053, %swap3A_1054, %swap3A_1055], %swap3A_1058 {strides = array<i32>} : memref<256x128x128xf32, #tpu.memory_space<vmem>>, vector<1x128x128xf32>,
    %slice3A_1059 = vector.extract_strided_slice %transpose3A {offsets = [0, 62], sizes = [128, 1], strides = [1, 1]} : vector<128x256xf32> to vector<128x1xf32>
    %broadcast_in_dim3A_1060 = vector.shape_cast %slice3A_1059 : vector<128x1xf32> to vector<128x1xf32>
    %broadcast_in_dim3A_1061 = vector.broadcast %broadcast_in_dim3A_1060 : vector<128x1xf32> to vector<128x128xf32>
    %sub3A_1062 = vector.broadcast %get3A_4 : vector<1x128xf32> to vector<128x128xf32>
    %sub3A_1063 = arith.subf %broadcast_in_dim3A_1061, %sub3A_1062 : vector<128x128xf32>
    %mul3A_1064 = arith.mulf %sub3A_1063, %sub3A_1063 : vector<128x128xf32>
    %mul3A_1065 = vector.broadcast %get3A_7 : vector<1x128xf32> to vector<128x128xf32>
    %mul3A_1066 = arith.mulf %mul3A_1064, %mul3A_1065 : vector<128x128xf32>
    %exp23A_1067 = math.exp2 %mul3A_1066 : vector<128x128xf32>
    %mul3A_1068 = vector.broadcast %get3A_10 : vector<1x128xf32> to vector<128x128xf32>
    %mul3A_1069 = arith.mulf %mul3A_1068, %exp23A_1067 : vector<128x128xf32>
    %swap3A_1070 = arith.constant 62 : index
    %swap3A_1071 = arith.constant 0 : index
    %swap3A_1072 = arith.constant 0 : index
    %swap3A_1073 = vector.load %arg3[%swap3A_1070, %swap3A_1071, %swap3A_1072] : memref<256x128x128xf32, #tpu.memory_space<vmem>>, vector<1x128x128xf32>
    %swap3A_1074 = vector.shape_cast %swap3A_1073 : vector<1x128x128xf32> to vector<128x128xf32>
    %swap3A_1075 = vector.shape_cast %mul3A_1069 : vector<128x128xf32> to vector<1x128x128xf32>
    tpu.vector_store %arg3[%swap3A_1070, %swap3A_1071, %swap3A_1072], %swap3A_1075 {strides = array<i32>} : memref<256x128x128xf32, #tpu.memory_space<vmem>>, vector<1x128x128xf32>,
    %slice3A_1076 = vector.extract_strided_slice %transpose3A {offsets = [0, 63], sizes = [128, 1], strides = [1, 1]} : vector<128x256xf32> to vector<128x1xf32>
    %broadcast_in_dim3A_1077 = vector.shape_cast %slice3A_1076 : vector<128x1xf32> to vector<128x1xf32>
    %broadcast_in_dim3A_1078 = vector.broadcast %broadcast_in_dim3A_1077 : vector<128x1xf32> to vector<128x128xf32>
    %sub3A_1079 = vector.broadcast %get3A_4 : vector<1x128xf32> to vector<128x128xf32>
    %sub3A_1080 = arith.subf %broadcast_in_dim3A_1078, %sub3A_1079 : vector<128x128xf32>
    %mul3A_1081 = arith.mulf %sub3A_1080, %sub3A_1080 : vector<128x128xf32>
    %mul3A_1082 = vector.broadcast %get3A_7 : vector<1x128xf32> to vector<128x128xf32>
    %mul3A_1083 = arith.mulf %mul3A_1081, %mul3A_1082 : vector<128x128xf32>
    %exp23A_1084 = math.exp2 %mul3A_1083 : vector<128x128xf32>
    %mul3A_1085 = vector.broadcast %get3A_10 : vector<1x128xf32> to vector<128x128xf32>
    %mul3A_1086 = arith.mulf %mul3A_1085, %exp23A_1084 : vector<128x128xf32>
    %swap3A_1087 = arith.constant 63 : index
    %swap3A_1088 = arith.constant 0 : index
    %swap3A_1089 = arith.constant 0 : index
    %swap3A_1090 = vector.load %arg3[%swap3A_1087, %swap3A_1088, %swap3A_1089] : memref<256x128x128xf32, #tpu.memory_space<vmem>>, vector<1x128x128xf32>
    %swap3A_1091 = vector.shape_cast %swap3A_1090 : vector<1x128x128xf32> to vector<128x128xf32>
    %swap3A_1092 = vector.shape_cast %mul3A_1086 : vector<128x128xf32> to vector<1x128x128xf32>
    tpu.vector_store %arg3[%swap3A_1087, %swap3A_1088, %swap3A_1089], %swap3A_1092 {strides = array<i32>} : memref<256x128x128xf32, #tpu.memory_space<vmem>>, vector<1x128x128xf32>,
    %slice3A_1093 = vector.extract_strided_slice %transpose3A {offsets = [0, 64], sizes = [128, 1], strides = [1, 1]} : vector<128x256xf32> to vector<128x1xf32>
    %broadcast_in_dim3A_1094 = vector.shape_cast %slice3A_1093 : vector<128x1xf32> to vector<128x1xf32>
    %broadcast_in_dim3A_1095 = vector.broadcast %broadcast_in_dim3A_1094 : vector<128x1xf32> to vector<128x128xf32>
    %sub3A_1096 = vector.broadcast %get3A_4 : vector<1x128xf32> to vector<128x128xf32>
    %sub3A_1097 = arith.subf %broadcast_in_dim3A_1095, %sub3A_1096 : vector<128x128xf32>
    %mul3A_1098 = arith.mulf %sub3A_1097, %sub3A_1097 : vector<128x128xf32>
    %mul3A_1099 = vector.broadcast %get3A_7 : vector<1x128xf32> to vector<128x128xf32>
    %mul3A_1100 = arith.mulf %mul3A_1098, %mul3A_1099 : vector<128x128xf32>
    %exp23A_1101 = math.exp2 %mul3A_1100 : vector<128x128xf32>
    %mul3A_1102 = vector.broadcast %get3A_10 : vector<1x128xf32> to vector<128x128xf32>
    %mul3A_1103 = arith.mulf %mul3A_1102, %exp23A_1101 : vector<128x128xf32>
    %swap3A_1104 = arith.constant 64 : index
    %swap3A_1105 = arith.constant 0 : index
    %swap3A_1106 = arith.constant 0 : index
    %swap3A_1107 = vector.load %arg3[%swap3A_1104, %swap3A_1105, %swap3A_1106] : memref<256x128x128xf32, #tpu.memory_space<vmem>>, vector<1x128x128xf32>
    %swap3A_1108 = vector.shape_cast %swap3A_1107 : vector<1x128x128xf32> to vector<128x128xf32>
    %swap3A_1109 = vector.shape_cast %mul3A_1103 : vector<128x128xf32> to vector<1x128x128xf32>
    tpu.vector_store %arg3[%swap3A_1104, %swap3A_1105, %swap3A_1106], %swap3A_1109 {strides = array<i32>} : memref<256x128x128xf32, #tpu.memory_space<vmem>>, vector<1x128x128xf32>,
    %slice3A_1110 = vector.extract_strided_slice %transpose3A {offsets = [0, 65], sizes = [128, 1], strides = [1, 1]} : vector<128x256xf32> to vector<128x1xf32>
    %broadcast_in_dim3A_1111 = vector.shape_cast %slice3A_1110 : vector<128x1xf32> to vector<128x1xf32>
    %broadcast_in_dim3A_1112 = vector.broadcast %broadcast_in_dim3A_1111 : vector<128x1xf32> to vector<128x128xf32>
    %sub3A_1113 = vector.broadcast %get3A_4 : vector<1x128xf32> to vector<128x128xf32>
    %sub3A_1114 = arith.subf %broadcast_in_dim3A_1112, %sub3A_1113 : vector<128x128xf32>
    %mul3A_1115 = arith.mulf %sub3A_1114, %sub3A_1114 : vector<128x128xf32>
    %mul3A_1116 = vector.broadcast %get3A_7 : vector<1x128xf32> to vector<128x128xf32>
    %mul3A_1117 = arith.mulf %mul3A_1115, %mul3A_1116 : vector<128x128xf32>
    %exp23A_1118 = math.exp2 %mul3A_1117 : vector<128x128xf32>
    %mul3A_1119 = vector.broadcast %get3A_10 : vector<1x128xf32> to vector<128x128xf32>
    %mul3A_1120 = arith.mulf %mul3A_1119, %exp23A_1118 : vector<128x128xf32>
    %swap3A_1121 = arith.constant 65 : index
    %swap3A_1122 = arith.constant 0 : index
    %swap3A_1123 = arith.constant 0 : index
    %swap3A_1124 = vector.load %arg3[%swap3A_1121, %swap3A_1122, %swap3A_1123] : memref<256x128x128xf32, #tpu.memory_space<vmem>>, vector<1x128x128xf32>
    %swap3A_1125 = vector.shape_cast %swap3A_1124 : vector<1x128x128xf32> to vector<128x128xf32>
    %swap3A_1126 = vector.shape_cast %mul3A_1120 : vector<128x128xf32> to vector<1x128x128xf32>
    tpu.vector_store %arg3[%swap3A_1121, %swap3A_1122, %swap3A_1123], %swap3A_1126 {strides = array<i32>} : memref<256x128x128xf32, #tpu.memory_space<vmem>>, vector<1x128x128xf32>,
    %slice3A_1127 = vector.extract_strided_slice %transpose3A {offsets = [0, 66], sizes = [128, 1], strides = [1, 1]} : vector<128x256xf32> to vector<128x1xf32>
    %broadcast_in_dim3A_1128 = vector.shape_cast %slice3A_1127 : vector<128x1xf32> to vector<128x1xf32>
    %broadcast_in_dim3A_1129 = vector.broadcast %broadcast_in_dim3A_1128 : vector<128x1xf32> to vector<128x128xf32>
    %sub3A_1130 = vector.broadcast %get3A_4 : vector<1x128xf32> to vector<128x128xf32>
    %sub3A_1131 = arith.subf %broadcast_in_dim3A_1129, %sub3A_1130 : vector<128x128xf32>
    %mul3A_1132 = arith.mulf %sub3A_1131, %sub3A_1131 : vector<128x128xf32>
    %mul3A_1133 = vector.broadcast %get3A_7 : vector<1x128xf32> to vector<128x128xf32>
    %mul3A_1134 = arith.mulf %mul3A_1132, %mul3A_1133 : vector<128x128xf32>
    %exp23A_1135 = math.exp2 %mul3A_1134 : vector<128x128xf32>
    %mul3A_1136 = vector.broadcast %get3A_10 : vector<1x128xf32> to vector<128x128xf32>
    %mul3A_1137 = arith.mulf %mul3A_1136, %exp23A_1135 : vector<128x128xf32>
    %swap3A_1138 = arith.constant 66 : index
    %swap3A_1139 = arith.constant 0 : index
    %swap3A_1140 = arith.constant 0 : index
    %swap3A_1141 = vector.load %arg3[%swap3A_1138, %swap3A_1139, %swap3A_1140] : memref<256x128x128xf32, #tpu.memory_space<vmem>>, vector<1x128x128xf32>
    %swap3A_1142 = vector.shape_cast %swap3A_1141 : vector<1x128x128xf32> to vector<128x128xf32>
    %swap3A_1143 = vector.shape_cast %mul3A_1137 : vector<128x128xf32> to vector<1x128x128xf32>
    tpu.vector_store %arg3[%swap3A_1138, %swap3A_1139, %swap3A_1140], %swap3A_1143 {strides = array<i32>} : memref<256x128x128xf32, #tpu.memory_space<vmem>>, vector<1x128x128xf32>,
    %slice3A_1144 = vector.extract_strided_slice %transpose3A {offsets = [0, 67], sizes = [128, 1], strides = [1, 1]} : vector<128x256xf32> to vector<128x1xf32>
    %broadcast_in_dim3A_1145 = vector.shape_cast %slice3A_1144 : vector<128x1xf32> to vector<128x1xf32>
    %broadcast_in_dim3A_1146 = vector.broadcast %broadcast_in_dim3A_1145 : vector<128x1xf32> to vector<128x128xf32>
    %sub3A_1147 = vector.broadcast %get3A_4 : vector<1x128xf32> to vector<128x128xf32>
    %sub3A_1148 = arith.subf %broadcast_in_dim3A_1146, %sub3A_1147 : vector<128x128xf32>
    %mul3A_1149 = arith.mulf %sub3A_1148, %sub3A_1148 : vector<128x128xf32>
    %mul3A_1150 = vector.broadcast %get3A_7 : vector<1x128xf32> to vector<128x128xf32>
    %mul3A_1151 = arith.mulf %mul3A_1149, %mul3A_1150 : vector<128x128xf32>
    %exp23A_1152 = math.exp2 %mul3A_1151 : vector<128x128xf32>
    %mul3A_1153 = vector.broadcast %get3A_10 : vector<1x128xf32> to vector<128x128xf32>
    %mul3A_1154 = arith.mulf %mul3A_1153, %exp23A_1152 : vector<128x128xf32>
    %swap3A_1155 = arith.constant 67 : index
    %swap3A_1156 = arith.constant 0 : index
    %swap3A_1157 = arith.constant 0 : index
    %swap3A_1158 = vector.load %arg3[%swap3A_1155, %swap3A_1156, %swap3A_1157] : memref<256x128x128xf32, #tpu.memory_space<vmem>>, vector<1x128x128xf32>
    %swap3A_1159 = vector.shape_cast %swap3A_1158 : vector<1x128x128xf32> to vector<128x128xf32>
    %swap3A_1160 = vector.shape_cast %mul3A_1154 : vector<128x128xf32> to vector<1x128x128xf32>
    tpu.vector_store %arg3[%swap3A_1155, %swap3A_1156, %swap3A_1157], %swap3A_1160 {strides = array<i32>} : memref<256x128x128xf32, #tpu.memory_space<vmem>>, vector<1x128x128xf32>,
    %slice3A_1161 = vector.extract_strided_slice %transpose3A {offsets = [0, 68], sizes = [128, 1], strides = [1, 1]} : vector<128x256xf32> to vector<128x1xf32>
    %broadcast_in_dim3A_1162 = vector.shape_cast %slice3A_1161 : vector<128x1xf32> to vector<128x1xf32>
    %broadcast_in_dim3A_1163 = vector.broadcast %broadcast_in_dim3A_1162 : vector<128x1xf32> to vector<128x128xf32>
    %sub3A_1164 = vector.broadcast %get3A_4 : vector<1x128xf32> to vector<128x128xf32>
    %sub3A_1165 = arith.subf %broadcast_in_dim3A_1163, %sub3A_1164 : vector<128x128xf32>
    %mul3A_1166 = arith.mulf %sub3A_1165, %sub3A_1165 : vector<128x128xf32>
    %mul3A_1167 = vector.broadcast %get3A_7 : vector<1x128xf32> to vector<128x128xf32>
    %mul3A_1168 = arith.mulf %mul3A_1166, %mul3A_1167 : vector<128x128xf32>
    %exp23A_1169 = math.exp2 %mul3A_1168 : vector<128x128xf32>
    %mul3A_1170 = vector.broadcast %get3A_10 : vector<1x128xf32> to vector<128x128xf32>
    %mul3A_1171 = arith.mulf %mul3A_1170, %exp23A_1169 : vector<128x128xf32>
    %swap3A_1172 = arith.constant 68 : index
    %swap3A_1173 = arith.constant 0 : index
    %swap3A_1174 = arith.constant 0 : index
    %swap3A_1175 = vector.load %arg3[%swap3A_1172, %swap3A_1173, %swap3A_1174] : memref<256x128x128xf32, #tpu.memory_space<vmem>>, vector<1x128x128xf32>
    %swap3A_1176 = vector.shape_cast %swap3A_1175 : vector<1x128x128xf32> to vector<128x128xf32>
    %swap3A_1177 = vector.shape_cast %mul3A_1171 : vector<128x128xf32> to vector<1x128x128xf32>
    tpu.vector_store %arg3[%swap3A_1172, %swap3A_1173, %swap3A_1174], %swap3A_1177 {strides = array<i32>} : memref<256x128x128xf32, #tpu.memory_space<vmem>>, vector<1x128x128xf32>,
    %slice3A_1178 = vector.extract_strided_slice %transpose3A {offsets = [0, 69], sizes = [128, 1], strides = [1, 1]} : vector<128x256xf32> to vector<128x1xf32>
    %broadcast_in_dim3A_1179 = vector.shape_cast %slice3A_1178 : vector<128x1xf32> to vector<128x1xf32>
    %broadcast_in_dim3A_1180 = vector.broadcast %broadcast_in_dim3A_1179 : vector<128x1xf32> to vector<128x128xf32>
    %sub3A_1181 = vector.broadcast %get3A_4 : vector<1x128xf32> to vector<128x128xf32>
    %sub3A_1182 = arith.subf %broadcast_in_dim3A_1180, %sub3A_1181 : vector<128x128xf32>
    %mul3A_1183 = arith.mulf %sub3A_1182, %sub3A_1182 : vector<128x128xf32>
    %mul3A_1184 = vector.broadcast %get3A_7 : vector<1x128xf32> to vector<128x128xf32>
    %mul3A_1185 = arith.mulf %mul3A_1183, %mul3A_1184 : vector<128x128xf32>
    %exp23A_1186 = math.exp2 %mul3A_1185 : vector<128x128xf32>
    %mul3A_1187 = vector.broadcast %get3A_10 : vector<1x128xf32> to vector<128x128xf32>
    %mul3A_1188 = arith.mulf %mul3A_1187, %exp23A_1186 : vector<128x128xf32>
    %swap3A_1189 = arith.constant 69 : index
    %swap3A_1190 = arith.constant 0 : index
    %swap3A_1191 = arith.constant 0 : index
    %swap3A_1192 = vector.load %arg3[%swap3A_1189, %swap3A_1190, %swap3A_1191] : memref<256x128x128xf32, #tpu.memory_space<vmem>>, vector<1x128x128xf32>
    %swap3A_1193 = vector.shape_cast %swap3A_1192 : vector<1x128x128xf32> to vector<128x128xf32>
    %swap3A_1194 = vector.shape_cast %mul3A_1188 : vector<128x128xf32> to vector<1x128x128xf32>
    tpu.vector_store %arg3[%swap3A_1189, %swap3A_1190, %swap3A_1191], %swap3A_1194 {strides = array<i32>} : memref<256x128x128xf32, #tpu.memory_space<vmem>>, vector<1x128x128xf32>,
    %slice3A_1195 = vector.extract_strided_slice %transpose3A {offsets = [0, 70], sizes = [128, 1], strides = [1, 1]} : vector<128x256xf32> to vector<128x1xf32>
    %broadcast_in_dim3A_1196 = vector.shape_cast %slice3A_1195 : vector<128x1xf32> to vector<128x1xf32>
    %broadcast_in_dim3A_1197 = vector.broadcast %broadcast_in_dim3A_1196 : vector<128x1xf32> to vector<128x128xf32>
    %sub3A_1198 = vector.broadcast %get3A_4 : vector<1x128xf32> to vector<128x128xf32>
    %sub3A_1199 = arith.subf %broadcast_in_dim3A_1197, %sub3A_1198 : vector<128x128xf32>
    %mul3A_1200 = arith.mulf %sub3A_1199, %sub3A_1199 : vector<128x128xf32>
    %mul3A_1201 = vector.broadcast %get3A_7 : vector<1x128xf32> to vector<128x128xf32>
    %mul3A_1202 = arith.mulf %mul3A_1200, %mul3A_1201 : vector<128x128xf32>
    %exp23A_1203 = math.exp2 %mul3A_1202 : vector<128x128xf32>
    %mul3A_1204 = vector.broadcast %get3A_10 : vector<1x128xf32> to vector<128x128xf32>
    %mul3A_1205 = arith.mulf %mul3A_1204, %exp23A_1203 : vector<128x128xf32>
    %swap3A_1206 = arith.constant 70 : index
    %swap3A_1207 = arith.constant 0 : index
    %swap3A_1208 = arith.constant 0 : index
    %swap3A_1209 = vector.load %arg3[%swap3A_1206, %swap3A_1207, %swap3A_1208] : memref<256x128x128xf32, #tpu.memory_space<vmem>>, vector<1x128x128xf32>
    %swap3A_1210 = vector.shape_cast %swap3A_1209 : vector<1x128x128xf32> to vector<128x128xf32>
    %swap3A_1211 = vector.shape_cast %mul3A_1205 : vector<128x128xf32> to vector<1x128x128xf32>
    tpu.vector_store %arg3[%swap3A_1206, %swap3A_1207, %swap3A_1208], %swap3A_1211 {strides = array<i32>} : memref<256x128x128xf32, #tpu.memory_space<vmem>>, vector<1x128x128xf32>,
    %slice3A_1212 = vector.extract_strided_slice %transpose3A {offsets = [0, 71], sizes = [128, 1], strides = [1, 1]} : vector<128x256xf32> to vector<128x1xf32>
    %broadcast_in_dim3A_1213 = vector.shape_cast %slice3A_1212 : vector<128x1xf32> to vector<128x1xf32>
    %broadcast_in_dim3A_1214 = vector.broadcast %broadcast_in_dim3A_1213 : vector<128x1xf32> to vector<128x128xf32>
    %sub3A_1215 = vector.broadcast %get3A_4 : vector<1x128xf32> to vector<128x128xf32>
    %sub3A_1216 = arith.subf %broadcast_in_dim3A_1214, %sub3A_1215 : vector<128x128xf32>
    %mul3A_1217 = arith.mulf %sub3A_1216, %sub3A_1216 : vector<128x128xf32>
    %mul3A_1218 = vector.broadcast %get3A_7 : vector<1x128xf32> to vector<128x128xf32>
    %mul3A_1219 = arith.mulf %mul3A_1217, %mul3A_1218 : vector<128x128xf32>
    %exp23A_1220 = math.exp2 %mul3A_1219 : vector<128x128xf32>
    %mul3A_1221 = vector.broadcast %get3A_10 : vector<1x128xf32> to vector<128x128xf32>
    %mul3A_1222 = arith.mulf %mul3A_1221, %exp23A_1220 : vector<128x128xf32>
    %swap3A_1223 = arith.constant 71 : index
    %swap3A_1224 = arith.constant 0 : index
    %swap3A_1225 = arith.constant 0 : index
    %swap3A_1226 = vector.load %arg3[%swap3A_1223, %swap3A_1224, %swap3A_1225] : memref<256x128x128xf32, #tpu.memory_space<vmem>>, vector<1x128x128xf32>
    %swap3A_1227 = vector.shape_cast %swap3A_1226 : vector<1x128x128xf32> to vector<128x128xf32>
    %swap3A_1228 = vector.shape_cast %mul3A_1222 : vector<128x128xf32> to vector<1x128x128xf32>
    tpu.vector_store %arg3[%swap3A_1223, %swap3A_1224, %swap3A_1225], %swap3A_1228 {strides = array<i32>} : memref<256x128x128xf32, #tpu.memory_space<vmem>>, vector<1x128x128xf32>,
    %slice3A_1229 = vector.extract_strided_slice %transpose3A {offsets = [0, 72], sizes = [128, 1], strides = [1, 1]} : vector<128x256xf32> to vector<128x1xf32>
    %broadcast_in_dim3A_1230 = vector.shape_cast %slice3A_1229 : vector<128x1xf32> to vector<128x1xf32>
    %broadcast_in_dim3A_1231 = vector.broadcast %broadcast_in_dim3A_1230 : vector<128x1xf32> to vector<128x128xf32>
    %sub3A_1232 = vector.broadcast %get3A_4 : vector<1x128xf32> to vector<128x128xf32>
    %sub3A_1233 = arith.subf %broadcast_in_dim3A_1231, %sub3A_1232 : vector<128x128xf32>
    %mul3A_1234 = arith.mulf %sub3A_1233, %sub3A_1233 : vector<128x128xf32>
    %mul3A_1235 = vector.broadcast %get3A_7 : vector<1x128xf32> to vector<128x128xf32>
    %mul3A_1236 = arith.mulf %mul3A_1234, %mul3A_1235 : vector<128x128xf32>
    %exp23A_1237 = math.exp2 %mul3A_1236 : vector<128x128xf32>
    %mul3A_1238 = vector.broadcast %get3A_10 : vector<1x128xf32> to vector<128x128xf32>
    %mul3A_1239 = arith.mulf %mul3A_1238, %exp23A_1237 : vector<128x128xf32>
    %swap3A_1240 = arith.constant 72 : index
    %swap3A_1241 = arith.constant 0 : index
    %swap3A_1242 = arith.constant 0 : index
    %swap3A_1243 = vector.load %arg3[%swap3A_1240, %swap3A_1241, %swap3A_1242] : memref<256x128x128xf32, #tpu.memory_space<vmem>>, vector<1x128x128xf32>
    %swap3A_1244 = vector.shape_cast %swap3A_1243 : vector<1x128x128xf32> to vector<128x128xf32>
    %swap3A_1245 = vector.shape_cast %mul3A_1239 : vector<128x128xf32> to vector<1x128x128xf32>
    tpu.vector_store %arg3[%swap3A_1240, %swap3A_1241, %swap3A_1242], %swap3A_1245 {strides = array<i32>} : memref<256x128x128xf32, #tpu.memory_space<vmem>>, vector<1x128x128xf32>,
    %slice3A_1246 = vector.extract_strided_slice %transpose3A {offsets = [0, 73], sizes = [128, 1], strides = [1, 1]} : vector<128x256xf32> to vector<128x1xf32>
    %broadcast_in_dim3A_1247 = vector.shape_cast %slice3A_1246 : vector<128x1xf32> to vector<128x1xf32>
    %broadcast_in_dim3A_1248 = vector.broadcast %broadcast_in_dim3A_1247 : vector<128x1xf32> to vector<128x128xf32>
    %sub3A_1249 = vector.broadcast %get3A_4 : vector<1x128xf32> to vector<128x128xf32>
    %sub3A_1250 = arith.subf %broadcast_in_dim3A_1248, %sub3A_1249 : vector<128x128xf32>
    %mul3A_1251 = arith.mulf %sub3A_1250, %sub3A_1250 : vector<128x128xf32>
    %mul3A_1252 = vector.broadcast %get3A_7 : vector<1x128xf32> to vector<128x128xf32>
    %mul3A_1253 = arith.mulf %mul3A_1251, %mul3A_1252 : vector<128x128xf32>
    %exp23A_1254 = math.exp2 %mul3A_1253 : vector<128x128xf32>
    %mul3A_1255 = vector.broadcast %get3A_10 : vector<1x128xf32> to vector<128x128xf32>
    %mul3A_1256 = arith.mulf %mul3A_1255, %exp23A_1254 : vector<128x128xf32>
    %swap3A_1257 = arith.constant 73 : index
    %swap3A_1258 = arith.constant 0 : index
    %swap3A_1259 = arith.constant 0 : index
    %swap3A_1260 = vector.load %arg3[%swap3A_1257, %swap3A_1258, %swap3A_1259] : memref<256x128x128xf32, #tpu.memory_space<vmem>>, vector<1x128x128xf32>
    %swap3A_1261 = vector.shape_cast %swap3A_1260 : vector<1x128x128xf32> to vector<128x128xf32>
    %swap3A_1262 = vector.shape_cast %mul3A_1256 : vector<128x128xf32> to vector<1x128x128xf32>
    tpu.vector_store %arg3[%swap3A_1257, %swap3A_1258, %swap3A_1259], %swap3A_1262 {strides = array<i32>} : memref<256x128x128xf32, #tpu.memory_space<vmem>>, vector<1x128x128xf32>,
    %slice3A_1263 = vector.extract_strided_slice %transpose3A {offsets = [0, 74], sizes = [128, 1], strides = [1, 1]} : vector<128x256xf32> to vector<128x1xf32>
    %broadcast_in_dim3A_1264 = vector.shape_cast %slice3A_1263 : vector<128x1xf32> to vector<128x1xf32>
    %broadcast_in_dim3A_1265 = vector.broadcast %broadcast_in_dim3A_1264 : vector<128x1xf32> to vector<128x128xf32>
    %sub3A_1266 = vector.broadcast %get3A_4 : vector<1x128xf32> to vector<128x128xf32>
    %sub3A_1267 = arith.subf %broadcast_in_dim3A_1265, %sub3A_1266 : vector<128x128xf32>
    %mul3A_1268 = arith.mulf %sub3A_1267, %sub3A_1267 : vector<128x128xf32>
    %mul3A_1269 = vector.broadcast %get3A_7 : vector<1x128xf32> to vector<128x128xf32>
    %mul3A_1270 = arith.mulf %mul3A_1268, %mul3A_1269 : vector<128x128xf32>
    %exp23A_1271 = math.exp2 %mul3A_1270 : vector<128x128xf32>
    %mul3A_1272 = vector.broadcast %get3A_10 : vector<1x128xf32> to vector<128x128xf32>
    %mul3A_1273 = arith.mulf %mul3A_1272, %exp23A_1271 : vector<128x128xf32>
    %swap3A_1274 = arith.constant 74 : index
    %swap3A_1275 = arith.constant 0 : index
    %swap3A_1276 = arith.constant 0 : index
    %swap3A_1277 = vector.load %arg3[%swap3A_1274, %swap3A_1275, %swap3A_1276] : memref<256x128x128xf32, #tpu.memory_space<vmem>>, vector<1x128x128xf32>
    %swap3A_1278 = vector.shape_cast %swap3A_1277 : vector<1x128x128xf32> to vector<128x128xf32>
    %swap3A_1279 = vector.shape_cast %mul3A_1273 : vector<128x128xf32> to vector<1x128x128xf32>
    tpu.vector_store %arg3[%swap3A_1274, %swap3A_1275, %swap3A_1276], %swap3A_1279 {strides = array<i32>} : memref<256x128x128xf32, #tpu.memory_space<vmem>>, vector<1x128x128xf32>,
    %slice3A_1280 = vector.extract_strided_slice %transpose3A {offsets = [0, 75], sizes = [128, 1], strides = [1, 1]} : vector<128x256xf32> to vector<128x1xf32>
    %broadcast_in_dim3A_1281 = vector.shape_cast %slice3A_1280 : vector<128x1xf32> to vector<128x1xf32>
    %broadcast_in_dim3A_1282 = vector.broadcast %broadcast_in_dim3A_1281 : vector<128x1xf32> to vector<128x128xf32>
    %sub3A_1283 = vector.broadcast %get3A_4 : vector<1x128xf32> to vector<128x128xf32>
    %sub3A_1284 = arith.subf %broadcast_in_dim3A_1282, %sub3A_1283 : vector<128x128xf32>
    %mul3A_1285 = arith.mulf %sub3A_1284, %sub3A_1284 : vector<128x128xf32>
    %mul3A_1286 = vector.broadcast %get3A_7 : vector<1x128xf32> to vector<128x128xf32>
    %mul3A_1287 = arith.mulf %mul3A_1285, %mul3A_1286 : vector<128x128xf32>
    %exp23A_1288 = math.exp2 %mul3A_1287 : vector<128x128xf32>
    %mul3A_1289 = vector.broadcast %get3A_10 : vector<1x128xf32> to vector<128x128xf32>
    %mul3A_1290 = arith.mulf %mul3A_1289, %exp23A_1288 : vector<128x128xf32>
    %swap3A_1291 = arith.constant 75 : index
    %swap3A_1292 = arith.constant 0 : index
    %swap3A_1293 = arith.constant 0 : index
    %swap3A_1294 = vector.load %arg3[%swap3A_1291, %swap3A_1292, %swap3A_1293] : memref<256x128x128xf32, #tpu.memory_space<vmem>>, vector<1x128x128xf32>
    %swap3A_1295 = vector.shape_cast %swap3A_1294 : vector<1x128x128xf32> to vector<128x128xf32>
    %swap3A_1296 = vector.shape_cast %mul3A_1290 : vector<128x128xf32> to vector<1x128x128xf32>
    tpu.vector_store %arg3[%swap3A_1291, %swap3A_1292, %swap3A_1293], %swap3A_1296 {strides = array<i32>} : memref<256x128x128xf32, #tpu.memory_space<vmem>>, vector<1x128x128xf32>,
    %slice3A_1297 = vector.extract_strided_slice %transpose3A {offsets = [0, 76], sizes = [128, 1], strides = [1, 1]} : vector<128x256xf32> to vector<128x1xf32>
    %broadcast_in_dim3A_1298 = vector.shape_cast %slice3A_1297 : vector<128x1xf32> to vector<128x1xf32>
    %broadcast_in_dim3A_1299 = vector.broadcast %broadcast_in_dim3A_1298 : vector<128x1xf32> to vector<128x128xf32>
    %sub3A_1300 = vector.broadcast %get3A_4 : vector<1x128xf32> to vector<128x128xf32>
    %sub3A_1301 = arith.subf %broadcast_in_dim3A_1299, %sub3A_1300 : vector<128x128xf32>
    %mul3A_1302 = arith.mulf %sub3A_1301, %sub3A_1301 : vector<128x128xf32>
    %mul3A_1303 = vector.broadcast %get3A_7 : vector<1x128xf32> to vector<128x128xf32>
    %mul3A_1304 = arith.mulf %mul3A_1302, %mul3A_1303 : vector<128x128xf32>
    %exp23A_1305 = math.exp2 %mul3A_1304 : vector<128x128xf32>
    %mul3A_1306 = vector.broadcast %get3A_10 : vector<1x128xf32> to vector<128x128xf32>
    %mul3A_1307 = arith.mulf %mul3A_1306, %exp23A_1305 : vector<128x128xf32>
    %swap3A_1308 = arith.constant 76 : index
    %swap3A_1309 = arith.constant 0 : index
    %swap3A_1310 = arith.constant 0 : index
    %swap3A_1311 = vector.load %arg3[%swap3A_1308, %swap3A_1309, %swap3A_1310] : memref<256x128x128xf32, #tpu.memory_space<vmem>>, vector<1x128x128xf32>
    %swap3A_1312 = vector.shape_cast %swap3A_1311 : vector<1x128x128xf32> to vector<128x128xf32>
    %swap3A_1313 = vector.shape_cast %mul3A_1307 : vector<128x128xf32> to vector<1x128x128xf32>
    tpu.vector_store %arg3[%swap3A_1308, %swap3A_1309, %swap3A_1310], %swap3A_1313 {strides = array<i32>} : memref<256x128x128xf32, #tpu.memory_space<vmem>>, vector<1x128x128xf32>,
    %slice3A_1314 = vector.extract_strided_slice %transpose3A {offsets = [0, 77], sizes = [128, 1], strides = [1, 1]} : vector<128x256xf32> to vector<128x1xf32>
    %broadcast_in_dim3A_1315 = vector.shape_cast %slice3A_1314 : vector<128x1xf32> to vector<128x1xf32>
    %broadcast_in_dim3A_1316 = vector.broadcast %broadcast_in_dim3A_1315 : vector<128x1xf32> to vector<128x128xf32>
    %sub3A_1317 = vector.broadcast %get3A_4 : vector<1x128xf32> to vector<128x128xf32>
    %sub3A_1318 = arith.subf %broadcast_in_dim3A_1316, %sub3A_1317 : vector<128x128xf32>
    %mul3A_1319 = arith.mulf %sub3A_1318, %sub3A_1318 : vector<128x128xf32>
    %mul3A_1320 = vector.broadcast %get3A_7 : vector<1x128xf32> to vector<128x128xf32>
    %mul3A_1321 = arith.mulf %mul3A_1319, %mul3A_1320 : vector<128x128xf32>
    %exp23A_1322 = math.exp2 %mul3A_1321 : vector<128x128xf32>
    %mul3A_1323 = vector.broadcast %get3A_10 : vector<1x128xf32> to vector<128x128xf32>
    %mul3A_1324 = arith.mulf %mul3A_1323, %exp23A_1322 : vector<128x128xf32>
    %swap3A_1325 = arith.constant 77 : index
    %swap3A_1326 = arith.constant 0 : index
    %swap3A_1327 = arith.constant 0 : index
    %swap3A_1328 = vector.load %arg3[%swap3A_1325, %swap3A_1326, %swap3A_1327] : memref<256x128x128xf32, #tpu.memory_space<vmem>>, vector<1x128x128xf32>
    %swap3A_1329 = vector.shape_cast %swap3A_1328 : vector<1x128x128xf32> to vector<128x128xf32>
    %swap3A_1330 = vector.shape_cast %mul3A_1324 : vector<128x128xf32> to vector<1x128x128xf32>
    tpu.vector_store %arg3[%swap3A_1325, %swap3A_1326, %swap3A_1327], %swap3A_1330 {strides = array<i32>} : memref<256x128x128xf32, #tpu.memory_space<vmem>>, vector<1x128x128xf32>,
    %slice3A_1331 = vector.extract_strided_slice %transpose3A {offsets = [0, 78], sizes = [128, 1], strides = [1, 1]} : vector<128x256xf32> to vector<128x1xf32>
    %broadcast_in_dim3A_1332 = vector.shape_cast %slice3A_1331 : vector<128x1xf32> to vector<128x1xf32>
    %broadcast_in_dim3A_1333 = vector.broadcast %broadcast_in_dim3A_1332 : vector<128x1xf32> to vector<128x128xf32>
    %sub3A_1334 = vector.broadcast %get3A_4 : vector<1x128xf32> to vector<128x128xf32>
    %sub3A_1335 = arith.subf %broadcast_in_dim3A_1333, %sub3A_1334 : vector<128x128xf32>
    %mul3A_1336 = arith.mulf %sub3A_1335, %sub3A_1335 : vector<128x128xf32>
    %mul3A_1337 = vector.broadcast %get3A_7 : vector<1x128xf32> to vector<128x128xf32>
    %mul3A_1338 = arith.mulf %mul3A_1336, %mul3A_1337 : vector<128x128xf32>
    %exp23A_1339 = math.exp2 %mul3A_1338 : vector<128x128xf32>
    %mul3A_1340 = vector.broadcast %get3A_10 : vector<1x128xf32> to vector<128x128xf32>
    %mul3A_1341 = arith.mulf %mul3A_1340, %exp23A_1339 : vector<128x128xf32>
    %swap3A_1342 = arith.constant 78 : index
    %swap3A_1343 = arith.constant 0 : index
    %swap3A_1344 = arith.constant 0 : index
    %swap3A_1345 = vector.load %arg3[%swap3A_1342, %swap3A_1343, %swap3A_1344] : memref<256x128x128xf32, #tpu.memory_space<vmem>>, vector<1x128x128xf32>
    %swap3A_1346 = vector.shape_cast %swap3A_1345 : vector<1x128x128xf32> to vector<128x128xf32>
    %swap3A_1347 = vector.shape_cast %mul3A_1341 : vector<128x128xf32> to vector<1x128x128xf32>
    tpu.vector_store %arg3[%swap3A_1342, %swap3A_1343, %swap3A_1344], %swap3A_1347 {strides = array<i32>} : memref<256x128x128xf32, #tpu.memory_space<vmem>>, vector<1x128x128xf32>,
    %slice3A_1348 = vector.extract_strided_slice %transpose3A {offsets = [0, 79], sizes = [128, 1], strides = [1, 1]} : vector<128x256xf32> to vector<128x1xf32>
    %broadcast_in_dim3A_1349 = vector.shape_cast %slice3A_1348 : vector<128x1xf32> to vector<128x1xf32>
    %broadcast_in_dim3A_1350 = vector.broadcast %broadcast_in_dim3A_1349 : vector<128x1xf32> to vector<128x128xf32>
    %sub3A_1351 = vector.broadcast %get3A_4 : vector<1x128xf32> to vector<128x128xf32>
    %sub3A_1352 = arith.subf %broadcast_in_dim3A_1350, %sub3A_1351 : vector<128x128xf32>
    %mul3A_1353 = arith.mulf %sub3A_1352, %sub3A_1352 : vector<128x128xf32>
    %mul3A_1354 = vector.broadcast %get3A_7 : vector<1x128xf32> to vector<128x128xf32>
    %mul3A_1355 = arith.mulf %mul3A_1353, %mul3A_1354 : vector<128x128xf32>
    %exp23A_1356 = math.exp2 %mul3A_1355 : vector<128x128xf32>
    %mul3A_1357 = vector.broadcast %get3A_10 : vector<1x128xf32> to vector<128x128xf32>
    %mul3A_1358 = arith.mulf %mul3A_1357, %exp23A_1356 : vector<128x128xf32>
    %swap3A_1359 = arith.constant 79 : index
    %swap3A_1360 = arith.constant 0 : index
    %swap3A_1361 = arith.constant 0 : index
    %swap3A_1362 = vector.load %arg3[%swap3A_1359, %swap3A_1360, %swap3A_1361] : memref<256x128x128xf32, #tpu.memory_space<vmem>>, vector<1x128x128xf32>
    %swap3A_1363 = vector.shape_cast %swap3A_1362 : vector<1x128x128xf32> to vector<128x128xf32>
    %swap3A_1364 = vector.shape_cast %mul3A_1358 : vector<128x128xf32> to vector<1x128x128xf32>
    tpu.vector_store %arg3[%swap3A_1359, %swap3A_1360, %swap3A_1361], %swap3A_1364 {strides = array<i32>} : memref<256x128x128xf32, #tpu.memory_space<vmem>>, vector<1x128x128xf32>,
    %slice3A_1365 = vector.extract_strided_slice %transpose3A {offsets = [0, 80], sizes = [128, 1], strides = [1, 1]} : vector<128x256xf32> to vector<128x1xf32>
    %broadcast_in_dim3A_1366 = vector.shape_cast %slice3A_1365 : vector<128x1xf32> to vector<128x1xf32>
    %broadcast_in_dim3A_1367 = vector.broadcast %broadcast_in_dim3A_1366 : vector<128x1xf32> to vector<128x128xf32>
    %sub3A_1368 = vector.broadcast %get3A_4 : vector<1x128xf32> to vector<128x128xf32>
    %sub3A_1369 = arith.subf %broadcast_in_dim3A_1367, %sub3A_1368 : vector<128x128xf32>
    %mul3A_1370 = arith.mulf %sub3A_1369, %sub3A_1369 : vector<128x128xf32>
    %mul3A_1371 = vector.broadcast %get3A_7 : vector<1x128xf32> to vector<128x128xf32>
    %mul3A_1372 = arith.mulf %mul3A_1370, %mul3A_1371 : vector<128x128xf32>
    %exp23A_1373 = math.exp2 %mul3A_1372 : vector<128x128xf32>
    %mul3A_1374 = vector.broadcast %get3A_10 : vector<1x128xf32> to vector<128x128xf32>
    %mul3A_1375 = arith.mulf %mul3A_1374, %exp23A_1373 : vector<128x128xf32>
    %swap3A_1376 = arith.constant 80 : index
    %swap3A_1377 = arith.constant 0 : index
    %swap3A_1378 = arith.constant 0 : index
    %swap3A_1379 = vector.load %arg3[%swap3A_1376, %swap3A_1377, %swap3A_1378] : memref<256x128x128xf32, #tpu.memory_space<vmem>>, vector<1x128x128xf32>
    %swap3A_1380 = vector.shape_cast %swap3A_1379 : vector<1x128x128xf32> to vector<128x128xf32>
    %swap3A_1381 = vector.shape_cast %mul3A_1375 : vector<128x128xf32> to vector<1x128x128xf32>
    tpu.vector_store %arg3[%swap3A_1376, %swap3A_1377, %swap3A_1378], %swap3A_1381 {strides = array<i32>} : memref<256x128x128xf32, #tpu.memory_space<vmem>>, vector<1x128x128xf32>,
    %slice3A_1382 = vector.extract_strided_slice %transpose3A {offsets = [0, 81], sizes = [128, 1], strides = [1, 1]} : vector<128x256xf32> to vector<128x1xf32>
    %broadcast_in_dim3A_1383 = vector.shape_cast %slice3A_1382 : vector<128x1xf32> to vector<128x1xf32>
    %broadcast_in_dim3A_1384 = vector.broadcast %broadcast_in_dim3A_1383 : vector<128x1xf32> to vector<128x128xf32>
    %sub3A_1385 = vector.broadcast %get3A_4 : vector<1x128xf32> to vector<128x128xf32>
    %sub3A_1386 = arith.subf %broadcast_in_dim3A_1384, %sub3A_1385 : vector<128x128xf32>
    %mul3A_1387 = arith.mulf %sub3A_1386, %sub3A_1386 : vector<128x128xf32>
    %mul3A_1388 = vector.broadcast %get3A_7 : vector<1x128xf32> to vector<128x128xf32>
    %mul3A_1389 = arith.mulf %mul3A_1387, %mul3A_1388 : vector<128x128xf32>
    %exp23A_1390 = math.exp2 %mul3A_1389 : vector<128x128xf32>
    %mul3A_1391 = vector.broadcast %get3A_10 : vector<1x128xf32> to vector<128x128xf32>
    %mul3A_1392 = arith.mulf %mul3A_1391, %exp23A_1390 : vector<128x128xf32>
    %swap3A_1393 = arith.constant 81 : index
    %swap3A_1394 = arith.constant 0 : index
    %swap3A_1395 = arith.constant 0 : index
    %swap3A_1396 = vector.load %arg3[%swap3A_1393, %swap3A_1394, %swap3A_1395] : memref<256x128x128xf32, #tpu.memory_space<vmem>>, vector<1x128x128xf32>
    %swap3A_1397 = vector.shape_cast %swap3A_1396 : vector<1x128x128xf32> to vector<128x128xf32>
    %swap3A_1398 = vector.shape_cast %mul3A_1392 : vector<128x128xf32> to vector<1x128x128xf32>
    tpu.vector_store %arg3[%swap3A_1393, %swap3A_1394, %swap3A_1395], %swap3A_1398 {strides = array<i32>} : memref<256x128x128xf32, #tpu.memory_space<vmem>>, vector<1x128x128xf32>,
    %slice3A_1399 = vector.extract_strided_slice %transpose3A {offsets = [0, 82], sizes = [128, 1], strides = [1, 1]} : vector<128x256xf32> to vector<128x1xf32>
    %broadcast_in_dim3A_1400 = vector.shape_cast %slice3A_1399 : vector<128x1xf32> to vector<128x1xf32>
    %broadcast_in_dim3A_1401 = vector.broadcast %broadcast_in_dim3A_1400 : vector<128x1xf32> to vector<128x128xf32>
    %sub3A_1402 = vector.broadcast %get3A_4 : vector<1x128xf32> to vector<128x128xf32>
    %sub3A_1403 = arith.subf %broadcast_in_dim3A_1401, %sub3A_1402 : vector<128x128xf32>
    %mul3A_1404 = arith.mulf %sub3A_1403, %sub3A_1403 : vector<128x128xf32>
    %mul3A_1405 = vector.broadcast %get3A_7 : vector<1x128xf32> to vector<128x128xf32>
    %mul3A_1406 = arith.mulf %mul3A_1404, %mul3A_1405 : vector<128x128xf32>
    %exp23A_1407 = math.exp2 %mul3A_1406 : vector<128x128xf32>
    %mul3A_1408 = vector.broadcast %get3A_10 : vector<1x128xf32> to vector<128x128xf32>
    %mul3A_1409 = arith.mulf %mul3A_1408, %exp23A_1407 : vector<128x128xf32>
    %swap3A_1410 = arith.constant 82 : index
    %swap3A_1411 = arith.constant 0 : index
    %swap3A_1412 = arith.constant 0 : index
    %swap3A_1413 = vector.load %arg3[%swap3A_1410, %swap3A_1411, %swap3A_1412] : memref<256x128x128xf32, #tpu.memory_space<vmem>>, vector<1x128x128xf32>
    %swap3A_1414 = vector.shape_cast %swap3A_1413 : vector<1x128x128xf32> to vector<128x128xf32>
    %swap3A_1415 = vector.shape_cast %mul3A_1409 : vector<128x128xf32> to vector<1x128x128xf32>
    tpu.vector_store %arg3[%swap3A_1410, %swap3A_1411, %swap3A_1412], %swap3A_1415 {strides = array<i32>} : memref<256x128x128xf32, #tpu.memory_space<vmem>>, vector<1x128x128xf32>,
    %slice3A_1416 = vector.extract_strided_slice %transpose3A {offsets = [0, 83], sizes = [128, 1], strides = [1, 1]} : vector<128x256xf32> to vector<128x1xf32>
    %broadcast_in_dim3A_1417 = vector.shape_cast %slice3A_1416 : vector<128x1xf32> to vector<128x1xf32>
    %broadcast_in_dim3A_1418 = vector.broadcast %broadcast_in_dim3A_1417 : vector<128x1xf32> to vector<128x128xf32>
    %sub3A_1419 = vector.broadcast %get3A_4 : vector<1x128xf32> to vector<128x128xf32>
    %sub3A_1420 = arith.subf %broadcast_in_dim3A_1418, %sub3A_1419 : vector<128x128xf32>
    %mul3A_1421 = arith.mulf %sub3A_1420, %sub3A_1420 : vector<128x128xf32>
    %mul3A_1422 = vector.broadcast %get3A_7 : vector<1x128xf32> to vector<128x128xf32>
    %mul3A_1423 = arith.mulf %mul3A_1421, %mul3A_1422 : vector<128x128xf32>
    %exp23A_1424 = math.exp2 %mul3A_1423 : vector<128x128xf32>
    %mul3A_1425 = vector.broadcast %get3A_10 : vector<1x128xf32> to vector<128x128xf32>
    %mul3A_1426 = arith.mulf %mul3A_1425, %exp23A_1424 : vector<128x128xf32>
    %swap3A_1427 = arith.constant 83 : index
    %swap3A_1428 = arith.constant 0 : index
    %swap3A_1429 = arith.constant 0 : index
    %swap3A_1430 = vector.load %arg3[%swap3A_1427, %swap3A_1428, %swap3A_1429] : memref<256x128x128xf32, #tpu.memory_space<vmem>>, vector<1x128x128xf32>
    %swap3A_1431 = vector.shape_cast %swap3A_1430 : vector<1x128x128xf32> to vector<128x128xf32>
    %swap3A_1432 = vector.shape_cast %mul3A_1426 : vector<128x128xf32> to vector<1x128x128xf32>
    tpu.vector_store %arg3[%swap3A_1427, %swap3A_1428, %swap3A_1429], %swap3A_1432 {strides = array<i32>} : memref<256x128x128xf32, #tpu.memory_space<vmem>>, vector<1x128x128xf32>,
    %slice3A_1433 = vector.extract_strided_slice %transpose3A {offsets = [0, 84], sizes = [128, 1], strides = [1, 1]} : vector<128x256xf32> to vector<128x1xf32>
    %broadcast_in_dim3A_1434 = vector.shape_cast %slice3A_1433 : vector<128x1xf32> to vector<128x1xf32>
    %broadcast_in_dim3A_1435 = vector.broadcast %broadcast_in_dim3A_1434 : vector<128x1xf32> to vector<128x128xf32>
    %sub3A_1436 = vector.broadcast %get3A_4 : vector<1x128xf32> to vector<128x128xf32>
    %sub3A_1437 = arith.subf %broadcast_in_dim3A_1435, %sub3A_1436 : vector<128x128xf32>
    %mul3A_1438 = arith.mulf %sub3A_1437, %sub3A_1437 : vector<128x128xf32>
    %mul3A_1439 = vector.broadcast %get3A_7 : vector<1x128xf32> to vector<128x128xf32>
    %mul3A_1440 = arith.mulf %mul3A_1438, %mul3A_1439 : vector<128x128xf32>
    %exp23A_1441 = math.exp2 %mul3A_1440 : vector<128x128xf32>
    %mul3A_1442 = vector.broadcast %get3A_10 : vector<1x128xf32> to vector<128x128xf32>
    %mul3A_1443 = arith.mulf %mul3A_1442, %exp23A_1441 : vector<128x128xf32>
    %swap3A_1444 = arith.constant 84 : index
    %swap3A_1445 = arith.constant 0 : index
    %swap3A_1446 = arith.constant 0 : index
    %swap3A_1447 = vector.load %arg3[%swap3A_1444, %swap3A_1445, %swap3A_1446] : memref<256x128x128xf32, #tpu.memory_space<vmem>>, vector<1x128x128xf32>
    %swap3A_1448 = vector.shape_cast %swap3A_1447 : vector<1x128x128xf32> to vector<128x128xf32>
    %swap3A_1449 = vector.shape_cast %mul3A_1443 : vector<128x128xf32> to vector<1x128x128xf32>
    tpu.vector_store %arg3[%swap3A_1444, %swap3A_1445, %swap3A_1446], %swap3A_1449 {strides = array<i32>} : memref<256x128x128xf32, #tpu.memory_space<vmem>>, vector<1x128x128xf32>,
    %slice3A_1450 = vector.extract_strided_slice %transpose3A {offsets = [0, 85], sizes = [128, 1], strides = [1, 1]} : vector<128x256xf32> to vector<128x1xf32>
    %broadcast_in_dim3A_1451 = vector.shape_cast %slice3A_1450 : vector<128x1xf32> to vector<128x1xf32>
    %broadcast_in_dim3A_1452 = vector.broadcast %broadcast_in_dim3A_1451 : vector<128x1xf32> to vector<128x128xf32>
    %sub3A_1453 = vector.broadcast %get3A_4 : vector<1x128xf32> to vector<128x128xf32>
    %sub3A_1454 = arith.subf %broadcast_in_dim3A_1452, %sub3A_1453 : vector<128x128xf32>
    %mul3A_1455 = arith.mulf %sub3A_1454, %sub3A_1454 : vector<128x128xf32>
    %mul3A_1456 = vector.broadcast %get3A_7 : vector<1x128xf32> to vector<128x128xf32>
    %mul3A_1457 = arith.mulf %mul3A_1455, %mul3A_1456 : vector<128x128xf32>
    %exp23A_1458 = math.exp2 %mul3A_1457 : vector<128x128xf32>
    %mul3A_1459 = vector.broadcast %get3A_10 : vector<1x128xf32> to vector<128x128xf32>
    %mul3A_1460 = arith.mulf %mul3A_1459, %exp23A_1458 : vector<128x128xf32>
    %swap3A_1461 = arith.constant 85 : index
    %swap3A_1462 = arith.constant 0 : index
    %swap3A_1463 = arith.constant 0 : index
    %swap3A_1464 = vector.load %arg3[%swap3A_1461, %swap3A_1462, %swap3A_1463] : memref<256x128x128xf32, #tpu.memory_space<vmem>>, vector<1x128x128xf32>
    %swap3A_1465 = vector.shape_cast %swap3A_1464 : vector<1x128x128xf32> to vector<128x128xf32>
    %swap3A_1466 = vector.shape_cast %mul3A_1460 : vector<128x128xf32> to vector<1x128x128xf32>
    tpu.vector_store %arg3[%swap3A_1461, %swap3A_1462, %swap3A_1463], %swap3A_1466 {strides = array<i32>} : memref<256x128x128xf32, #tpu.memory_space<vmem>>, vector<1x128x128xf32>,
    %slice3A_1467 = vector.extract_strided_slice %transpose3A {offsets = [0, 86], sizes = [128, 1], strides = [1, 1]} : vector<128x256xf32> to vector<128x1xf32>
    %broadcast_in_dim3A_1468 = vector.shape_cast %slice3A_1467 : vector<128x1xf32> to vector<128x1xf32>
    %broadcast_in_dim3A_1469 = vector.broadcast %broadcast_in_dim3A_1468 : vector<128x1xf32> to vector<128x128xf32>
    %sub3A_1470 = vector.broadcast %get3A_4 : vector<1x128xf32> to vector<128x128xf32>
    %sub3A_1471 = arith.subf %broadcast_in_dim3A_1469, %sub3A_1470 : vector<128x128xf32>
    %mul3A_1472 = arith.mulf %sub3A_1471, %sub3A_1471 : vector<128x128xf32>
    %mul3A_1473 = vector.broadcast %get3A_7 : vector<1x128xf32> to vector<128x128xf32>
    %mul3A_1474 = arith.mulf %mul3A_1472, %mul3A_1473 : vector<128x128xf32>
    %exp23A_1475 = math.exp2 %mul3A_1474 : vector<128x128xf32>
    %mul3A_1476 = vector.broadcast %get3A_10 : vector<1x128xf32> to vector<128x128xf32>
    %mul3A_1477 = arith.mulf %mul3A_1476, %exp23A_1475 : vector<128x128xf32>
    %swap3A_1478 = arith.constant 86 : index
    %swap3A_1479 = arith.constant 0 : index
    %swap3A_1480 = arith.constant 0 : index
    %swap3A_1481 = vector.load %arg3[%swap3A_1478, %swap3A_1479, %swap3A_1480] : memref<256x128x128xf32, #tpu.memory_space<vmem>>, vector<1x128x128xf32>
    %swap3A_1482 = vector.shape_cast %swap3A_1481 : vector<1x128x128xf32> to vector<128x128xf32>
    %swap3A_1483 = vector.shape_cast %mul3A_1477 : vector<128x128xf32> to vector<1x128x128xf32>
    tpu.vector_store %arg3[%swap3A_1478, %swap3A_1479, %swap3A_1480], %swap3A_1483 {strides = array<i32>} : memref<256x128x128xf32, #tpu.memory_space<vmem>>, vector<1x128x128xf32>,
    %slice3A_1484 = vector.extract_strided_slice %transpose3A {offsets = [0, 87], sizes = [128, 1], strides = [1, 1]} : vector<128x256xf32> to vector<128x1xf32>
    %broadcast_in_dim3A_1485 = vector.shape_cast %slice3A_1484 : vector<128x1xf32> to vector<128x1xf32>
    %broadcast_in_dim3A_1486 = vector.broadcast %broadcast_in_dim3A_1485 : vector<128x1xf32> to vector<128x128xf32>
    %sub3A_1487 = vector.broadcast %get3A_4 : vector<1x128xf32> to vector<128x128xf32>
    %sub3A_1488 = arith.subf %broadcast_in_dim3A_1486, %sub3A_1487 : vector<128x128xf32>
    %mul3A_1489 = arith.mulf %sub3A_1488, %sub3A_1488 : vector<128x128xf32>
    %mul3A_1490 = vector.broadcast %get3A_7 : vector<1x128xf32> to vector<128x128xf32>
    %mul3A_1491 = arith.mulf %mul3A_1489, %mul3A_1490 : vector<128x128xf32>
    %exp23A_1492 = math.exp2 %mul3A_1491 : vector<128x128xf32>
    %mul3A_1493 = vector.broadcast %get3A_10 : vector<1x128xf32> to vector<128x128xf32>
    %mul3A_1494 = arith.mulf %mul3A_1493, %exp23A_1492 : vector<128x128xf32>
    %swap3A_1495 = arith.constant 87 : index
    %swap3A_1496 = arith.constant 0 : index
    %swap3A_1497 = arith.constant 0 : index
    %swap3A_1498 = vector.load %arg3[%swap3A_1495, %swap3A_1496, %swap3A_1497] : memref<256x128x128xf32, #tpu.memory_space<vmem>>, vector<1x128x128xf32>
    %swap3A_1499 = vector.shape_cast %swap3A_1498 : vector<1x128x128xf32> to vector<128x128xf32>
    %swap3A_1500 = vector.shape_cast %mul3A_1494 : vector<128x128xf32> to vector<1x128x128xf32>
    tpu.vector_store %arg3[%swap3A_1495, %swap3A_1496, %swap3A_1497], %swap3A_1500 {strides = array<i32>} : memref<256x128x128xf32, #tpu.memory_space<vmem>>, vector<1x128x128xf32>,
    %slice3A_1501 = vector.extract_strided_slice %transpose3A {offsets = [0, 88], sizes = [128, 1], strides = [1, 1]} : vector<128x256xf32> to vector<128x1xf32>
    %broadcast_in_dim3A_1502 = vector.shape_cast %slice3A_1501 : vector<128x1xf32> to vector<128x1xf32>
    %broadcast_in_dim3A_1503 = vector.broadcast %broadcast_in_dim3A_1502 : vector<128x1xf32> to vector<128x128xf32>
    %sub3A_1504 = vector.broadcast %get3A_4 : vector<1x128xf32> to vector<128x128xf32>
    %sub3A_1505 = arith.subf %broadcast_in_dim3A_1503, %sub3A_1504 : vector<128x128xf32>
    %mul3A_1506 = arith.mulf %sub3A_1505, %sub3A_1505 : vector<128x128xf32>
    %mul3A_1507 = vector.broadcast %get3A_7 : vector<1x128xf32> to vector<128x128xf32>
    %mul3A_1508 = arith.mulf %mul3A_1506, %mul3A_1507 : vector<128x128xf32>
    %exp23A_1509 = math.exp2 %mul3A_1508 : vector<128x128xf32>
    %mul3A_1510 = vector.broadcast %get3A_10 : vector<1x128xf32> to vector<128x128xf32>
    %mul3A_1511 = arith.mulf %mul3A_1510, %exp23A_1509 : vector<128x128xf32>
    %swap3A_1512 = arith.constant 88 : index
    %swap3A_1513 = arith.constant 0 : index
    %swap3A_1514 = arith.constant 0 : index
    %swap3A_1515 = vector.load %arg3[%swap3A_1512, %swap3A_1513, %swap3A_1514] : memref<256x128x128xf32, #tpu.memory_space<vmem>>, vector<1x128x128xf32>
    %swap3A_1516 = vector.shape_cast %swap3A_1515 : vector<1x128x128xf32> to vector<128x128xf32>
    %swap3A_1517 = vector.shape_cast %mul3A_1511 : vector<128x128xf32> to vector<1x128x128xf32>
    tpu.vector_store %arg3[%swap3A_1512, %swap3A_1513, %swap3A_1514], %swap3A_1517 {strides = array<i32>} : memref<256x128x128xf32, #tpu.memory_space<vmem>>, vector<1x128x128xf32>,
    %slice3A_1518 = vector.extract_strided_slice %transpose3A {offsets = [0, 89], sizes = [128, 1], strides = [1, 1]} : vector<128x256xf32> to vector<128x1xf32>
    %broadcast_in_dim3A_1519 = vector.shape_cast %slice3A_1518 : vector<128x1xf32> to vector<128x1xf32>
    %broadcast_in_dim3A_1520 = vector.broadcast %broadcast_in_dim3A_1519 : vector<128x1xf32> to vector<128x128xf32>
    %sub3A_1521 = vector.broadcast %get3A_4 : vector<1x128xf32> to vector<128x128xf32>
    %sub3A_1522 = arith.subf %broadcast_in_dim3A_1520, %sub3A_1521 : vector<128x128xf32>
    %mul3A_1523 = arith.mulf %sub3A_1522, %sub3A_1522 : vector<128x128xf32>
    %mul3A_1524 = vector.broadcast %get3A_7 : vector<1x128xf32> to vector<128x128xf32>
    %mul3A_1525 = arith.mulf %mul3A_1523, %mul3A_1524 : vector<128x128xf32>
    %exp23A_1526 = math.exp2 %mul3A_1525 : vector<128x128xf32>
    %mul3A_1527 = vector.broadcast %get3A_10 : vector<1x128xf32> to vector<128x128xf32>
    %mul3A_1528 = arith.mulf %mul3A_1527, %exp23A_1526 : vector<128x128xf32>
    %swap3A_1529 = arith.constant 89 : index
    %swap3A_1530 = arith.constant 0 : index
    %swap3A_1531 = arith.constant 0 : index
    %swap3A_1532 = vector.load %arg3[%swap3A_1529, %swap3A_1530, %swap3A_1531] : memref<256x128x128xf32, #tpu.memory_space<vmem>>, vector<1x128x128xf32>
    %swap3A_1533 = vector.shape_cast %swap3A_1532 : vector<1x128x128xf32> to vector<128x128xf32>
    %swap3A_1534 = vector.shape_cast %mul3A_1528 : vector<128x128xf32> to vector<1x128x128xf32>
    tpu.vector_store %arg3[%swap3A_1529, %swap3A_1530, %swap3A_1531], %swap3A_1534 {strides = array<i32>} : memref<256x128x128xf32, #tpu.memory_space<vmem>>, vector<1x128x128xf32>,
    %slice3A_1535 = vector.extract_strided_slice %transpose3A {offsets = [0, 90], sizes = [128, 1], strides = [1, 1]} : vector<128x256xf32> to vector<128x1xf32>
    %broadcast_in_dim3A_1536 = vector.shape_cast %slice3A_1535 : vector<128x1xf32> to vector<128x1xf32>
    %broadcast_in_dim3A_1537 = vector.broadcast %broadcast_in_dim3A_1536 : vector<128x1xf32> to vector<128x128xf32>
    %sub3A_1538 = vector.broadcast %get3A_4 : vector<1x128xf32> to vector<128x128xf32>
    %sub3A_1539 = arith.subf %broadcast_in_dim3A_1537, %sub3A_1538 : vector<128x128xf32>
    %mul3A_1540 = arith.mulf %sub3A_1539, %sub3A_1539 : vector<128x128xf32>
    %mul3A_1541 = vector.broadcast %get3A_7 : vector<1x128xf32> to vector<128x128xf32>
    %mul3A_1542 = arith.mulf %mul3A_1540, %mul3A_1541 : vector<128x128xf32>
    %exp23A_1543 = math.exp2 %mul3A_1542 : vector<128x128xf32>
    %mul3A_1544 = vector.broadcast %get3A_10 : vector<1x128xf32> to vector<128x128xf32>
    %mul3A_1545 = arith.mulf %mul3A_1544, %exp23A_1543 : vector<128x128xf32>
    %swap3A_1546 = arith.constant 90 : index
    %swap3A_1547 = arith.constant 0 : index
    %swap3A_1548 = arith.constant 0 : index
    %swap3A_1549 = vector.load %arg3[%swap3A_1546, %swap3A_1547, %swap3A_1548] : memref<256x128x128xf32, #tpu.memory_space<vmem>>, vector<1x128x128xf32>
    %swap3A_1550 = vector.shape_cast %swap3A_1549 : vector<1x128x128xf32> to vector<128x128xf32>
    %swap3A_1551 = vector.shape_cast %mul3A_1545 : vector<128x128xf32> to vector<1x128x128xf32>
    tpu.vector_store %arg3[%swap3A_1546, %swap3A_1547, %swap3A_1548], %swap3A_1551 {strides = array<i32>} : memref<256x128x128xf32, #tpu.memory_space<vmem>>, vector<1x128x128xf32>,
    %slice3A_1552 = vector.extract_strided_slice %transpose3A {offsets = [0, 91], sizes = [128, 1], strides = [1, 1]} : vector<128x256xf32> to vector<128x1xf32>
    %broadcast_in_dim3A_1553 = vector.shape_cast %slice3A_1552 : vector<128x1xf32> to vector<128x1xf32>
    %broadcast_in_dim3A_1554 = vector.broadcast %broadcast_in_dim3A_1553 : vector<128x1xf32> to vector<128x128xf32>
    %sub3A_1555 = vector.broadcast %get3A_4 : vector<1x128xf32> to vector<128x128xf32>
    %sub3A_1556 = arith.subf %broadcast_in_dim3A_1554, %sub3A_1555 : vector<128x128xf32>
    %mul3A_1557 = arith.mulf %sub3A_1556, %sub3A_1556 : vector<128x128xf32>
    %mul3A_1558 = vector.broadcast %get3A_7 : vector<1x128xf32> to vector<128x128xf32>
    %mul3A_1559 = arith.mulf %mul3A_1557, %mul3A_1558 : vector<128x128xf32>
    %exp23A_1560 = math.exp2 %mul3A_1559 : vector<128x128xf32>
    %mul3A_1561 = vector.broadcast %get3A_10 : vector<1x128xf32> to vector<128x128xf32>
    %mul3A_1562 = arith.mulf %mul3A_1561, %exp23A_1560 : vector<128x128xf32>
    %swap3A_1563 = arith.constant 91 : index
    %swap3A_1564 = arith.constant 0 : index
    %swap3A_1565 = arith.constant 0 : index
    %swap3A_1566 = vector.load %arg3[%swap3A_1563, %swap3A_1564, %swap3A_1565] : memref<256x128x128xf32, #tpu.memory_space<vmem>>, vector<1x128x128xf32>
    %swap3A_1567 = vector.shape_cast %swap3A_1566 : vector<1x128x128xf32> to vector<128x128xf32>
    %swap3A_1568 = vector.shape_cast %mul3A_1562 : vector<128x128xf32> to vector<1x128x128xf32>
    tpu.vector_store %arg3[%swap3A_1563, %swap3A_1564, %swap3A_1565], %swap3A_1568 {strides = array<i32>} : memref<256x128x128xf32, #tpu.memory_space<vmem>>, vector<1x128x128xf32>,
    %slice3A_1569 = vector.extract_strided_slice %transpose3A {offsets = [0, 92], sizes = [128, 1], strides = [1, 1]} : vector<128x256xf32> to vector<128x1xf32>
    %broadcast_in_dim3A_1570 = vector.shape_cast %slice3A_1569 : vector<128x1xf32> to vector<128x1xf32>
    %broadcast_in_dim3A_1571 = vector.broadcast %broadcast_in_dim3A_1570 : vector<128x1xf32> to vector<128x128xf32>
    %sub3A_1572 = vector.broadcast %get3A_4 : vector<1x128xf32> to vector<128x128xf32>
    %sub3A_1573 = arith.subf %broadcast_in_dim3A_1571, %sub3A_1572 : vector<128x128xf32>
    %mul3A_1574 = arith.mulf %sub3A_1573, %sub3A_1573 : vector<128x128xf32>
    %mul3A_1575 = vector.broadcast %get3A_7 : vector<1x128xf32> to vector<128x128xf32>
    %mul3A_1576 = arith.mulf %mul3A_1574, %mul3A_1575 : vector<128x128xf32>
    %exp23A_1577 = math.exp2 %mul3A_1576 : vector<128x128xf32>
    %mul3A_1578 = vector.broadcast %get3A_10 : vector<1x128xf32> to vector<128x128xf32>
    %mul3A_1579 = arith.mulf %mul3A_1578, %exp23A_1577 : vector<128x128xf32>
    %swap3A_1580 = arith.constant 92 : index
    %swap3A_1581 = arith.constant 0 : index
    %swap3A_1582 = arith.constant 0 : index
    %swap3A_1583 = vector.load %arg3[%swap3A_1580, %swap3A_1581, %swap3A_1582] : memref<256x128x128xf32, #tpu.memory_space<vmem>>, vector<1x128x128xf32>
    %swap3A_1584 = vector.shape_cast %swap3A_1583 : vector<1x128x128xf32> to vector<128x128xf32>
    %swap3A_1585 = vector.shape_cast %mul3A_1579 : vector<128x128xf32> to vector<1x128x128xf32>
    tpu.vector_store %arg3[%swap3A_1580, %swap3A_1581, %swap3A_1582], %swap3A_1585 {strides = array<i32>} : memref<256x128x128xf32, #tpu.memory_space<vmem>>, vector<1x128x128xf32>,
    %slice3A_1586 = vector.extract_strided_slice %transpose3A {offsets = [0, 93], sizes = [128, 1], strides = [1, 1]} : vector<128x256xf32> to vector<128x1xf32>
    %broadcast_in_dim3A_1587 = vector.shape_cast %slice3A_1586 : vector<128x1xf32> to vector<128x1xf32>
    %broadcast_in_dim3A_1588 = vector.broadcast %broadcast_in_dim3A_1587 : vector<128x1xf32> to vector<128x128xf32>
    %sub3A_1589 = vector.broadcast %get3A_4 : vector<1x128xf32> to vector<128x128xf32>
    %sub3A_1590 = arith.subf %broadcast_in_dim3A_1588, %sub3A_1589 : vector<128x128xf32>
    %mul3A_1591 = arith.mulf %sub3A_1590, %sub3A_1590 : vector<128x128xf32>
    %mul3A_1592 = vector.broadcast %get3A_7 : vector<1x128xf32> to vector<128x128xf32>
    %mul3A_1593 = arith.mulf %mul3A_1591, %mul3A_1592 : vector<128x128xf32>
    %exp23A_1594 = math.exp2 %mul3A_1593 : vector<128x128xf32>
    %mul3A_1595 = vector.broadcast %get3A_10 : vector<1x128xf32> to vector<128x128xf32>
    %mul3A_1596 = arith.mulf %mul3A_1595, %exp23A_1594 : vector<128x128xf32>
    %swap3A_1597 = arith.constant 93 : index
    %swap3A_1598 = arith.constant 0 : index
    %swap3A_1599 = arith.constant 0 : index
    %swap3A_1600 = vector.load %arg3[%swap3A_1597, %swap3A_1598, %swap3A_1599] : memref<256x128x128xf32, #tpu.memory_space<vmem>>, vector<1x128x128xf32>
    %swap3A_1601 = vector.shape_cast %swap3A_1600 : vector<1x128x128xf32> to vector<128x128xf32>
    %swap3A_1602 = vector.shape_cast %mul3A_1596 : vector<128x128xf32> to vector<1x128x128xf32>
    tpu.vector_store %arg3[%swap3A_1597, %swap3A_1598, %swap3A_1599], %swap3A_1602 {strides = array<i32>} : memref<256x128x128xf32, #tpu.memory_space<vmem>>, vector<1x128x128xf32>,
    %slice3A_1603 = vector.extract_strided_slice %transpose3A {offsets = [0, 94], sizes = [128, 1], strides = [1, 1]} : vector<128x256xf32> to vector<128x1xf32>
    %broadcast_in_dim3A_1604 = vector.shape_cast %slice3A_1603 : vector<128x1xf32> to vector<128x1xf32>
    %broadcast_in_dim3A_1605 = vector.broadcast %broadcast_in_dim3A_1604 : vector<128x1xf32> to vector<128x128xf32>
    %sub3A_1606 = vector.broadcast %get3A_4 : vector<1x128xf32> to vector<128x128xf32>
    %sub3A_1607 = arith.subf %broadcast_in_dim3A_1605, %sub3A_1606 : vector<128x128xf32>
    %mul3A_1608 = arith.mulf %sub3A_1607, %sub3A_1607 : vector<128x128xf32>
    %mul3A_1609 = vector.broadcast %get3A_7 : vector<1x128xf32> to vector<128x128xf32>
    %mul3A_1610 = arith.mulf %mul3A_1608, %mul3A_1609 : vector<128x128xf32>
    %exp23A_1611 = math.exp2 %mul3A_1610 : vector<128x128xf32>
    %mul3A_1612 = vector.broadcast %get3A_10 : vector<1x128xf32> to vector<128x128xf32>
    %mul3A_1613 = arith.mulf %mul3A_1612, %exp23A_1611 : vector<128x128xf32>
    %swap3A_1614 = arith.constant 94 : index
    %swap3A_1615 = arith.constant 0 : index
    %swap3A_1616 = arith.constant 0 : index
    %swap3A_1617 = vector.load %arg3[%swap3A_1614, %swap3A_1615, %swap3A_1616] : memref<256x128x128xf32, #tpu.memory_space<vmem>>, vector<1x128x128xf32>
    %swap3A_1618 = vector.shape_cast %swap3A_1617 : vector<1x128x128xf32> to vector<128x128xf32>
    %swap3A_1619 = vector.shape_cast %mul3A_1613 : vector<128x128xf32> to vector<1x128x128xf32>
    tpu.vector_store %arg3[%swap3A_1614, %swap3A_1615, %swap3A_1616], %swap3A_1619 {strides = array<i32>} : memref<256x128x128xf32, #tpu.memory_space<vmem>>, vector<1x128x128xf32>,
    %slice3A_1620 = vector.extract_strided_slice %transpose3A {offsets = [0, 95], sizes = [128, 1], strides = [1, 1]} : vector<128x256xf32> to vector<128x1xf32>
    %broadcast_in_dim3A_1621 = vector.shape_cast %slice3A_1620 : vector<128x1xf32> to vector<128x1xf32>
    %broadcast_in_dim3A_1622 = vector.broadcast %broadcast_in_dim3A_1621 : vector<128x1xf32> to vector<128x128xf32>
    %sub3A_1623 = vector.broadcast %get3A_4 : vector<1x128xf32> to vector<128x128xf32>
    %sub3A_1624 = arith.subf %broadcast_in_dim3A_1622, %sub3A_1623 : vector<128x128xf32>
    %mul3A_1625 = arith.mulf %sub3A_1624, %sub3A_1624 : vector<128x128xf32>
    %mul3A_1626 = vector.broadcast %get3A_7 : vector<1x128xf32> to vector<128x128xf32>
    %mul3A_1627 = arith.mulf %mul3A_1625, %mul3A_1626 : vector<128x128xf32>
    %exp23A_1628 = math.exp2 %mul3A_1627 : vector<128x128xf32>
    %mul3A_1629 = vector.broadcast %get3A_10 : vector<1x128xf32> to vector<128x128xf32>
    %mul3A_1630 = arith.mulf %mul3A_1629, %exp23A_1628 : vector<128x128xf32>
    %swap3A_1631 = arith.constant 95 : index
    %swap3A_1632 = arith.constant 0 : index
    %swap3A_1633 = arith.constant 0 : index
    %swap3A_1634 = vector.load %arg3[%swap3A_1631, %swap3A_1632, %swap3A_1633] : memref<256x128x128xf32, #tpu.memory_space<vmem>>, vector<1x128x128xf32>
    %swap3A_1635 = vector.shape_cast %swap3A_1634 : vector<1x128x128xf32> to vector<128x128xf32>
    %swap3A_1636 = vector.shape_cast %mul3A_1630 : vector<128x128xf32> to vector<1x128x128xf32>
    tpu.vector_store %arg3[%swap3A_1631, %swap3A_1632, %swap3A_1633], %swap3A_1636 {strides = array<i32>} : memref<256x128x128xf32, #tpu.memory_space<vmem>>, vector<1x128x128xf32>,
    %slice3A_1637 = vector.extract_strided_slice %transpose3A {offsets = [0, 96], sizes = [128, 1], strides = [1, 1]} : vector<128x256xf32> to vector<128x1xf32>
    %broadcast_in_dim3A_1638 = vector.shape_cast %slice3A_1637 : vector<128x1xf32> to vector<128x1xf32>
    %broadcast_in_dim3A_1639 = vector.broadcast %broadcast_in_dim3A_1638 : vector<128x1xf32> to vector<128x128xf32>
    %sub3A_1640 = vector.broadcast %get3A_4 : vector<1x128xf32> to vector<128x128xf32>
    %sub3A_1641 = arith.subf %broadcast_in_dim3A_1639, %sub3A_1640 : vector<128x128xf32>
    %mul3A_1642 = arith.mulf %sub3A_1641, %sub3A_1641 : vector<128x128xf32>
    %mul3A_1643 = vector.broadcast %get3A_7 : vector<1x128xf32> to vector<128x128xf32>
    %mul3A_1644 = arith.mulf %mul3A_1642, %mul3A_1643 : vector<128x128xf32>
    %exp23A_1645 = math.exp2 %mul3A_1644 : vector<128x128xf32>
    %mul3A_1646 = vector.broadcast %get3A_10 : vector<1x128xf32> to vector<128x128xf32>
    %mul3A_1647 = arith.mulf %mul3A_1646, %exp23A_1645 : vector<128x128xf32>
    %swap3A_1648 = arith.constant 96 : index
    %swap3A_1649 = arith.constant 0 : index
    %swap3A_1650 = arith.constant 0 : index
    %swap3A_1651 = vector.load %arg3[%swap3A_1648, %swap3A_1649, %swap3A_1650] : memref<256x128x128xf32, #tpu.memory_space<vmem>>, vector<1x128x128xf32>
    %swap3A_1652 = vector.shape_cast %swap3A_1651 : vector<1x128x128xf32> to vector<128x128xf32>
    %swap3A_1653 = vector.shape_cast %mul3A_1647 : vector<128x128xf32> to vector<1x128x128xf32>
    tpu.vector_store %arg3[%swap3A_1648, %swap3A_1649, %swap3A_1650], %swap3A_1653 {strides = array<i32>} : memref<256x128x128xf32, #tpu.memory_space<vmem>>, vector<1x128x128xf32>,
    %slice3A_1654 = vector.extract_strided_slice %transpose3A {offsets = [0, 97], sizes = [128, 1], strides = [1, 1]} : vector<128x256xf32> to vector<128x1xf32>
    %broadcast_in_dim3A_1655 = vector.shape_cast %slice3A_1654 : vector<128x1xf32> to vector<128x1xf32>
    %broadcast_in_dim3A_1656 = vector.broadcast %broadcast_in_dim3A_1655 : vector<128x1xf32> to vector<128x128xf32>
    %sub3A_1657 = vector.broadcast %get3A_4 : vector<1x128xf32> to vector<128x128xf32>
    %sub3A_1658 = arith.subf %broadcast_in_dim3A_1656, %sub3A_1657 : vector<128x128xf32>
    %mul3A_1659 = arith.mulf %sub3A_1658, %sub3A_1658 : vector<128x128xf32>
    %mul3A_1660 = vector.broadcast %get3A_7 : vector<1x128xf32> to vector<128x128xf32>
    %mul3A_1661 = arith.mulf %mul3A_1659, %mul3A_1660 : vector<128x128xf32>
    %exp23A_1662 = math.exp2 %mul3A_1661 : vector<128x128xf32>
    %mul3A_1663 = vector.broadcast %get3A_10 : vector<1x128xf32> to vector<128x128xf32>
    %mul3A_1664 = arith.mulf %mul3A_1663, %exp23A_1662 : vector<128x128xf32>
    %swap3A_1665 = arith.constant 97 : index
    %swap3A_1666 = arith.constant 0 : index
    %swap3A_1667 = arith.constant 0 : index
    %swap3A_1668 = vector.load %arg3[%swap3A_1665, %swap3A_1666, %swap3A_1667] : memref<256x128x128xf32, #tpu.memory_space<vmem>>, vector<1x128x128xf32>
    %swap3A_1669 = vector.shape_cast %swap3A_1668 : vector<1x128x128xf32> to vector<128x128xf32>
    %swap3A_1670 = vector.shape_cast %mul3A_1664 : vector<128x128xf32> to vector<1x128x128xf32>
    tpu.vector_store %arg3[%swap3A_1665, %swap3A_1666, %swap3A_1667], %swap3A_1670 {strides = array<i32>} : memref<256x128x128xf32, #tpu.memory_space<vmem>>, vector<1x128x128xf32>,
    %slice3A_1671 = vector.extract_strided_slice %transpose3A {offsets = [0, 98], sizes = [128, 1], strides = [1, 1]} : vector<128x256xf32> to vector<128x1xf32>
    %broadcast_in_dim3A_1672 = vector.shape_cast %slice3A_1671 : vector<128x1xf32> to vector<128x1xf32>
    %broadcast_in_dim3A_1673 = vector.broadcast %broadcast_in_dim3A_1672 : vector<128x1xf32> to vector<128x128xf32>
    %sub3A_1674 = vector.broadcast %get3A_4 : vector<1x128xf32> to vector<128x128xf32>
    %sub3A_1675 = arith.subf %broadcast_in_dim3A_1673, %sub3A_1674 : vector<128x128xf32>
    %mul3A_1676 = arith.mulf %sub3A_1675, %sub3A_1675 : vector<128x128xf32>
    %mul3A_1677 = vector.broadcast %get3A_7 : vector<1x128xf32> to vector<128x128xf32>
    %mul3A_1678 = arith.mulf %mul3A_1676, %mul3A_1677 : vector<128x128xf32>
    %exp23A_1679 = math.exp2 %mul3A_1678 : vector<128x128xf32>
    %mul3A_1680 = vector.broadcast %get3A_10 : vector<1x128xf32> to vector<128x128xf32>
    %mul3A_1681 = arith.mulf %mul3A_1680, %exp23A_1679 : vector<128x128xf32>
    %swap3A_1682 = arith.constant 98 : index
    %swap3A_1683 = arith.constant 0 : index
    %swap3A_1684 = arith.constant 0 : index
    %swap3A_1685 = vector.load %arg3[%swap3A_1682, %swap3A_1683, %swap3A_1684] : memref<256x128x128xf32, #tpu.memory_space<vmem>>, vector<1x128x128xf32>
    %swap3A_1686 = vector.shape_cast %swap3A_1685 : vector<1x128x128xf32> to vector<128x128xf32>
    %swap3A_1687 = vector.shape_cast %mul3A_1681 : vector<128x128xf32> to vector<1x128x128xf32>
    tpu.vector_store %arg3[%swap3A_1682, %swap3A_1683, %swap3A_1684], %swap3A_1687 {strides = array<i32>} : memref<256x128x128xf32, #tpu.memory_space<vmem>>, vector<1x128x128xf32>,
    %slice3A_1688 = vector.extract_strided_slice %transpose3A {offsets = [0, 99], sizes = [128, 1], strides = [1, 1]} : vector<128x256xf32> to vector<128x1xf32>
    %broadcast_in_dim3A_1689 = vector.shape_cast %slice3A_1688 : vector<128x1xf32> to vector<128x1xf32>
    %broadcast_in_dim3A_1690 = vector.broadcast %broadcast_in_dim3A_1689 : vector<128x1xf32> to vector<128x128xf32>
    %sub3A_1691 = vector.broadcast %get3A_4 : vector<1x128xf32> to vector<128x128xf32>
    %sub3A_1692 = arith.subf %broadcast_in_dim3A_1690, %sub3A_1691 : vector<128x128xf32>
    %mul3A_1693 = arith.mulf %sub3A_1692, %sub3A_1692 : vector<128x128xf32>
    %mul3A_1694 = vector.broadcast %get3A_7 : vector<1x128xf32> to vector<128x128xf32>
    %mul3A_1695 = arith.mulf %mul3A_1693, %mul3A_1694 : vector<128x128xf32>
    %exp23A_1696 = math.exp2 %mul3A_1695 : vector<128x128xf32>
    %mul3A_1697 = vector.broadcast %get3A_10 : vector<1x128xf32> to vector<128x128xf32>
    %mul3A_1698 = arith.mulf %mul3A_1697, %exp23A_1696 : vector<128x128xf32>
    %swap3A_1699 = arith.constant 99 : index
    %swap3A_1700 = arith.constant 0 : index
    %swap3A_1701 = arith.constant 0 : index
    %swap3A_1702 = vector.load %arg3[%swap3A_1699, %swap3A_1700, %swap3A_1701] : memref<256x128x128xf32, #tpu.memory_space<vmem>>, vector<1x128x128xf32>
    %swap3A_1703 = vector.shape_cast %swap3A_1702 : vector<1x128x128xf32> to vector<128x128xf32>
    %swap3A_1704 = vector.shape_cast %mul3A_1698 : vector<128x128xf32> to vector<1x128x128xf32>
    tpu.vector_store %arg3[%swap3A_1699, %swap3A_1700, %swap3A_1701], %swap3A_1704 {strides = array<i32>} : memref<256x128x128xf32, #tpu.memory_space<vmem>>, vector<1x128x128xf32>,
    %slice3A_1705 = vector.extract_strided_slice %transpose3A {offsets = [0, 100], sizes = [128, 1], strides = [1, 1]} : vector<128x256xf32> to vector<128x1xf32>
    %broadcast_in_dim3A_1706 = vector.shape_cast %slice3A_1705 : vector<128x1xf32> to vector<128x1xf32>
    %broadcast_in_dim3A_1707 = vector.broadcast %broadcast_in_dim3A_1706 : vector<128x1xf32> to vector<128x128xf32>
    %sub3A_1708 = vector.broadcast %get3A_4 : vector<1x128xf32> to vector<128x128xf32>
    %sub3A_1709 = arith.subf %broadcast_in_dim3A_1707, %sub3A_1708 : vector<128x128xf32>
    %mul3A_1710 = arith.mulf %sub3A_1709, %sub3A_1709 : vector<128x128xf32>
    %mul3A_1711 = vector.broadcast %get3A_7 : vector<1x128xf32> to vector<128x128xf32>
    %mul3A_1712 = arith.mulf %mul3A_1710, %mul3A_1711 : vector<128x128xf32>
    %exp23A_1713 = math.exp2 %mul3A_1712 : vector<128x128xf32>
    %mul3A_1714 = vector.broadcast %get3A_10 : vector<1x128xf32> to vector<128x128xf32>
    %mul3A_1715 = arith.mulf %mul3A_1714, %exp23A_1713 : vector<128x128xf32>
    %swap3A_1716 = arith.constant 100 : index
    %swap3A_1717 = arith.constant 0 : index
    %swap3A_1718 = arith.constant 0 : index
    %swap3A_1719 = vector.load %arg3[%swap3A_1716, %swap3A_1717, %swap3A_1718] : memref<256x128x128xf32, #tpu.memory_space<vmem>>, vector<1x128x128xf32>
    %swap3A_1720 = vector.shape_cast %swap3A_1719 : vector<1x128x128xf32> to vector<128x128xf32>
    %swap3A_1721 = vector.shape_cast %mul3A_1715 : vector<128x128xf32> to vector<1x128x128xf32>
    tpu.vector_store %arg3[%swap3A_1716, %swap3A_1717, %swap3A_1718], %swap3A_1721 {strides = array<i32>} : memref<256x128x128xf32, #tpu.memory_space<vmem>>, vector<1x128x128xf32>,
    %slice3A_1722 = vector.extract_strided_slice %transpose3A {offsets = [0, 101], sizes = [128, 1], strides = [1, 1]} : vector<128x256xf32> to vector<128x1xf32>
    %broadcast_in_dim3A_1723 = vector.shape_cast %slice3A_1722 : vector<128x1xf32> to vector<128x1xf32>
    %broadcast_in_dim3A_1724 = vector.broadcast %broadcast_in_dim3A_1723 : vector<128x1xf32> to vector<128x128xf32>
    %sub3A_1725 = vector.broadcast %get3A_4 : vector<1x128xf32> to vector<128x128xf32>
    %sub3A_1726 = arith.subf %broadcast_in_dim3A_1724, %sub3A_1725 : vector<128x128xf32>
    %mul3A_1727 = arith.mulf %sub3A_1726, %sub3A_1726 : vector<128x128xf32>
    %mul3A_1728 = vector.broadcast %get3A_7 : vector<1x128xf32> to vector<128x128xf32>
    %mul3A_1729 = arith.mulf %mul3A_1727, %mul3A_1728 : vector<128x128xf32>
    %exp23A_1730 = math.exp2 %mul3A_1729 : vector<128x128xf32>
    %mul3A_1731 = vector.broadcast %get3A_10 : vector<1x128xf32> to vector<128x128xf32>
    %mul3A_1732 = arith.mulf %mul3A_1731, %exp23A_1730 : vector<128x128xf32>
    %swap3A_1733 = arith.constant 101 : index
    %swap3A_1734 = arith.constant 0 : index
    %swap3A_1735 = arith.constant 0 : index
    %swap3A_1736 = vector.load %arg3[%swap3A_1733, %swap3A_1734, %swap3A_1735] : memref<256x128x128xf32, #tpu.memory_space<vmem>>, vector<1x128x128xf32>
    %swap3A_1737 = vector.shape_cast %swap3A_1736 : vector<1x128x128xf32> to vector<128x128xf32>
    %swap3A_1738 = vector.shape_cast %mul3A_1732 : vector<128x128xf32> to vector<1x128x128xf32>
    tpu.vector_store %arg3[%swap3A_1733, %swap3A_1734, %swap3A_1735], %swap3A_1738 {strides = array<i32>} : memref<256x128x128xf32, #tpu.memory_space<vmem>>, vector<1x128x128xf32>,
    %slice3A_1739 = vector.extract_strided_slice %transpose3A {offsets = [0, 102], sizes = [128, 1], strides = [1, 1]} : vector<128x256xf32> to vector<128x1xf32>
    %broadcast_in_dim3A_1740 = vector.shape_cast %slice3A_1739 : vector<128x1xf32> to vector<128x1xf32>
    %broadcast_in_dim3A_1741 = vector.broadcast %broadcast_in_dim3A_1740 : vector<128x1xf32> to vector<128x128xf32>
    %sub3A_1742 = vector.broadcast %get3A_4 : vector<1x128xf32> to vector<128x128xf32>
    %sub3A_1743 = arith.subf %broadcast_in_dim3A_1741, %sub3A_1742 : vector<128x128xf32>
    %mul3A_1744 = arith.mulf %sub3A_1743, %sub3A_1743 : vector<128x128xf32>
    %mul3A_1745 = vector.broadcast %get3A_7 : vector<1x128xf32> to vector<128x128xf32>
    %mul3A_1746 = arith.mulf %mul3A_1744, %mul3A_1745 : vector<128x128xf32>
    %exp23A_1747 = math.exp2 %mul3A_1746 : vector<128x128xf32>
    %mul3A_1748 = vector.broadcast %get3A_10 : vector<1x128xf32> to vector<128x128xf32>
    %mul3A_1749 = arith.mulf %mul3A_1748, %exp23A_1747 : vector<128x128xf32>
    %swap3A_1750 = arith.constant 102 : index
    %swap3A_1751 = arith.constant 0 : index
    %swap3A_1752 = arith.constant 0 : index
    %swap3A_1753 = vector.load %arg3[%swap3A_1750, %swap3A_1751, %swap3A_1752] : memref<256x128x128xf32, #tpu.memory_space<vmem>>, vector<1x128x128xf32>
    %swap3A_1754 = vector.shape_cast %swap3A_1753 : vector<1x128x128xf32> to vector<128x128xf32>
    %swap3A_1755 = vector.shape_cast %mul3A_1749 : vector<128x128xf32> to vector<1x128x128xf32>
    tpu.vector_store %arg3[%swap3A_1750, %swap3A_1751, %swap3A_1752], %swap3A_1755 {strides = array<i32>} : memref<256x128x128xf32, #tpu.memory_space<vmem>>, vector<1x128x128xf32>,
    %slice3A_1756 = vector.extract_strided_slice %transpose3A {offsets = [0, 103], sizes = [128, 1], strides = [1, 1]} : vector<128x256xf32> to vector<128x1xf32>
    %broadcast_in_dim3A_1757 = vector.shape_cast %slice3A_1756 : vector<128x1xf32> to vector<128x1xf32>
    %broadcast_in_dim3A_1758 = vector.broadcast %broadcast_in_dim3A_1757 : vector<128x1xf32> to vector<128x128xf32>
    %sub3A_1759 = vector.broadcast %get3A_4 : vector<1x128xf32> to vector<128x128xf32>
    %sub3A_1760 = arith.subf %broadcast_in_dim3A_1758, %sub3A_1759 : vector<128x128xf32>
    %mul3A_1761 = arith.mulf %sub3A_1760, %sub3A_1760 : vector<128x128xf32>
    %mul3A_1762 = vector.broadcast %get3A_7 : vector<1x128xf32> to vector<128x128xf32>
    %mul3A_1763 = arith.mulf %mul3A_1761, %mul3A_1762 : vector<128x128xf32>
    %exp23A_1764 = math.exp2 %mul3A_1763 : vector<128x128xf32>
    %mul3A_1765 = vector.broadcast %get3A_10 : vector<1x128xf32> to vector<128x128xf32>
    %mul3A_1766 = arith.mulf %mul3A_1765, %exp23A_1764 : vector<128x128xf32>
    %swap3A_1767 = arith.constant 103 : index
    %swap3A_1768 = arith.constant 0 : index
    %swap3A_1769 = arith.constant 0 : index
    %swap3A_1770 = vector.load %arg3[%swap3A_1767, %swap3A_1768, %swap3A_1769] : memref<256x128x128xf32, #tpu.memory_space<vmem>>, vector<1x128x128xf32>
    %swap3A_1771 = vector.shape_cast %swap3A_1770 : vector<1x128x128xf32> to vector<128x128xf32>
    %swap3A_1772 = vector.shape_cast %mul3A_1766 : vector<128x128xf32> to vector<1x128x128xf32>
    tpu.vector_store %arg3[%swap3A_1767, %swap3A_1768, %swap3A_1769], %swap3A_1772 {strides = array<i32>} : memref<256x128x128xf32, #tpu.memory_space<vmem>>, vector<1x128x128xf32>,
    %slice3A_1773 = vector.extract_strided_slice %transpose3A {offsets = [0, 104], sizes = [128, 1], strides = [1, 1]} : vector<128x256xf32> to vector<128x1xf32>
    %broadcast_in_dim3A_1774 = vector.shape_cast %slice3A_1773 : vector<128x1xf32> to vector<128x1xf32>
    %broadcast_in_dim3A_1775 = vector.broadcast %broadcast_in_dim3A_1774 : vector<128x1xf32> to vector<128x128xf32>
    %sub3A_1776 = vector.broadcast %get3A_4 : vector<1x128xf32> to vector<128x128xf32>
    %sub3A_1777 = arith.subf %broadcast_in_dim3A_1775, %sub3A_1776 : vector<128x128xf32>
    %mul3A_1778 = arith.mulf %sub3A_1777, %sub3A_1777 : vector<128x128xf32>
    %mul3A_1779 = vector.broadcast %get3A_7 : vector<1x128xf32> to vector<128x128xf32>
    %mul3A_1780 = arith.mulf %mul3A_1778, %mul3A_1779 : vector<128x128xf32>
    %exp23A_1781 = math.exp2 %mul3A_1780 : vector<128x128xf32>
    %mul3A_1782 = vector.broadcast %get3A_10 : vector<1x128xf32> to vector<128x128xf32>
    %mul3A_1783 = arith.mulf %mul3A_1782, %exp23A_1781 : vector<128x128xf32>
    %swap3A_1784 = arith.constant 104 : index
    %swap3A_1785 = arith.constant 0 : index
    %swap3A_1786 = arith.constant 0 : index
    %swap3A_1787 = vector.load %arg3[%swap3A_1784, %swap3A_1785, %swap3A_1786] : memref<256x128x128xf32, #tpu.memory_space<vmem>>, vector<1x128x128xf32>
    %swap3A_1788 = vector.shape_cast %swap3A_1787 : vector<1x128x128xf32> to vector<128x128xf32>
    %swap3A_1789 = vector.shape_cast %mul3A_1783 : vector<128x128xf32> to vector<1x128x128xf32>
    tpu.vector_store %arg3[%swap3A_1784, %swap3A_1785, %swap3A_1786], %swap3A_1789 {strides = array<i32>} : memref<256x128x128xf32, #tpu.memory_space<vmem>>, vector<1x128x128xf32>,
    %slice3A_1790 = vector.extract_strided_slice %transpose3A {offsets = [0, 105], sizes = [128, 1], strides = [1, 1]} : vector<128x256xf32> to vector<128x1xf32>
    %broadcast_in_dim3A_1791 = vector.shape_cast %slice3A_1790 : vector<128x1xf32> to vector<128x1xf32>
    %broadcast_in_dim3A_1792 = vector.broadcast %broadcast_in_dim3A_1791 : vector<128x1xf32> to vector<128x128xf32>
    %sub3A_1793 = vector.broadcast %get3A_4 : vector<1x128xf32> to vector<128x128xf32>
    %sub3A_1794 = arith.subf %broadcast_in_dim3A_1792, %sub3A_1793 : vector<128x128xf32>
    %mul3A_1795 = arith.mulf %sub3A_1794, %sub3A_1794 : vector<128x128xf32>
    %mul3A_1796 = vector.broadcast %get3A_7 : vector<1x128xf32> to vector<128x128xf32>
    %mul3A_1797 = arith.mulf %mul3A_1795, %mul3A_1796 : vector<128x128xf32>
    %exp23A_1798 = math.exp2 %mul3A_1797 : vector<128x128xf32>
    %mul3A_1799 = vector.broadcast %get3A_10 : vector<1x128xf32> to vector<128x128xf32>
    %mul3A_1800 = arith.mulf %mul3A_1799, %exp23A_1798 : vector<128x128xf32>
    %swap3A_1801 = arith.constant 105 : index
    %swap3A_1802 = arith.constant 0 : index
    %swap3A_1803 = arith.constant 0 : index
    %swap3A_1804 = vector.load %arg3[%swap3A_1801, %swap3A_1802, %swap3A_1803] : memref<256x128x128xf32, #tpu.memory_space<vmem>>, vector<1x128x128xf32>
    %swap3A_1805 = vector.shape_cast %swap3A_1804 : vector<1x128x128xf32> to vector<128x128xf32>
    %swap3A_1806 = vector.shape_cast %mul3A_1800 : vector<128x128xf32> to vector<1x128x128xf32>
    tpu.vector_store %arg3[%swap3A_1801, %swap3A_1802, %swap3A_1803], %swap3A_1806 {strides = array<i32>} : memref<256x128x128xf32, #tpu.memory_space<vmem>>, vector<1x128x128xf32>,
    %slice3A_1807 = vector.extract_strided_slice %transpose3A {offsets = [0, 106], sizes = [128, 1], strides = [1, 1]} : vector<128x256xf32> to vector<128x1xf32>
    %broadcast_in_dim3A_1808 = vector.shape_cast %slice3A_1807 : vector<128x1xf32> to vector<128x1xf32>
    %broadcast_in_dim3A_1809 = vector.broadcast %broadcast_in_dim3A_1808 : vector<128x1xf32> to vector<128x128xf32>
    %sub3A_1810 = vector.broadcast %get3A_4 : vector<1x128xf32> to vector<128x128xf32>
    %sub3A_1811 = arith.subf %broadcast_in_dim3A_1809, %sub3A_1810 : vector<128x128xf32>
    %mul3A_1812 = arith.mulf %sub3A_1811, %sub3A_1811 : vector<128x128xf32>
    %mul3A_1813 = vector.broadcast %get3A_7 : vector<1x128xf32> to vector<128x128xf32>
    %mul3A_1814 = arith.mulf %mul3A_1812, %mul3A_1813 : vector<128x128xf32>
    %exp23A_1815 = math.exp2 %mul3A_1814 : vector<128x128xf32>
    %mul3A_1816 = vector.broadcast %get3A_10 : vector<1x128xf32> to vector<128x128xf32>
    %mul3A_1817 = arith.mulf %mul3A_1816, %exp23A_1815 : vector<128x128xf32>
    %swap3A_1818 = arith.constant 106 : index
    %swap3A_1819 = arith.constant 0 : index
    %swap3A_1820 = arith.constant 0 : index
    %swap3A_1821 = vector.load %arg3[%swap3A_1818, %swap3A_1819, %swap3A_1820] : memref<256x128x128xf32, #tpu.memory_space<vmem>>, vector<1x128x128xf32>
    %swap3A_1822 = vector.shape_cast %swap3A_1821 : vector<1x128x128xf32> to vector<128x128xf32>
    %swap3A_1823 = vector.shape_cast %mul3A_1817 : vector<128x128xf32> to vector<1x128x128xf32>
    tpu.vector_store %arg3[%swap3A_1818, %swap3A_1819, %swap3A_1820], %swap3A_1823 {strides = array<i32>} : memref<256x128x128xf32, #tpu.memory_space<vmem>>, vector<1x128x128xf32>,
    %slice3A_1824 = vector.extract_strided_slice %transpose3A {offsets = [0, 107], sizes = [128, 1], strides = [1, 1]} : vector<128x256xf32> to vector<128x1xf32>
    %broadcast_in_dim3A_1825 = vector.shape_cast %slice3A_1824 : vector<128x1xf32> to vector<128x1xf32>
    %broadcast_in_dim3A_1826 = vector.broadcast %broadcast_in_dim3A_1825 : vector<128x1xf32> to vector<128x128xf32>
    %sub3A_1827 = vector.broadcast %get3A_4 : vector<1x128xf32> to vector<128x128xf32>
    %sub3A_1828 = arith.subf %broadcast_in_dim3A_1826, %sub3A_1827 : vector<128x128xf32>
    %mul3A_1829 = arith.mulf %sub3A_1828, %sub3A_1828 : vector<128x128xf32>
    %mul3A_1830 = vector.broadcast %get3A_7 : vector<1x128xf32> to vector<128x128xf32>
    %mul3A_1831 = arith.mulf %mul3A_1829, %mul3A_1830 : vector<128x128xf32>
    %exp23A_1832 = math.exp2 %mul3A_1831 : vector<128x128xf32>
    %mul3A_1833 = vector.broadcast %get3A_10 : vector<1x128xf32> to vector<128x128xf32>
    %mul3A_1834 = arith.mulf %mul3A_1833, %exp23A_1832 : vector<128x128xf32>
    %swap3A_1835 = arith.constant 107 : index
    %swap3A_1836 = arith.constant 0 : index
    %swap3A_1837 = arith.constant 0 : index
    %swap3A_1838 = vector.load %arg3[%swap3A_1835, %swap3A_1836, %swap3A_1837] : memref<256x128x128xf32, #tpu.memory_space<vmem>>, vector<1x128x128xf32>
    %swap3A_1839 = vector.shape_cast %swap3A_1838 : vector<1x128x128xf32> to vector<128x128xf32>
    %swap3A_1840 = vector.shape_cast %mul3A_1834 : vector<128x128xf32> to vector<1x128x128xf32>
    tpu.vector_store %arg3[%swap3A_1835, %swap3A_1836, %swap3A_1837], %swap3A_1840 {strides = array<i32>} : memref<256x128x128xf32, #tpu.memory_space<vmem>>, vector<1x128x128xf32>,
    %slice3A_1841 = vector.extract_strided_slice %transpose3A {offsets = [0, 108], sizes = [128, 1], strides = [1, 1]} : vector<128x256xf32> to vector<128x1xf32>
    %broadcast_in_dim3A_1842 = vector.shape_cast %slice3A_1841 : vector<128x1xf32> to vector<128x1xf32>
    %broadcast_in_dim3A_1843 = vector.broadcast %broadcast_in_dim3A_1842 : vector<128x1xf32> to vector<128x128xf32>
    %sub3A_1844 = vector.broadcast %get3A_4 : vector<1x128xf32> to vector<128x128xf32>
    %sub3A_1845 = arith.subf %broadcast_in_dim3A_1843, %sub3A_1844 : vector<128x128xf32>
    %mul3A_1846 = arith.mulf %sub3A_1845, %sub3A_1845 : vector<128x128xf32>
    %mul3A_1847 = vector.broadcast %get3A_7 : vector<1x128xf32> to vector<128x128xf32>
    %mul3A_1848 = arith.mulf %mul3A_1846, %mul3A_1847 : vector<128x128xf32>
    %exp23A_1849 = math.exp2 %mul3A_1848 : vector<128x128xf32>
    %mul3A_1850 = vector.broadcast %get3A_10 : vector<1x128xf32> to vector<128x128xf32>
    %mul3A_1851 = arith.mulf %mul3A_1850, %exp23A_1849 : vector<128x128xf32>
    %swap3A_1852 = arith.constant 108 : index
    %swap3A_1853 = arith.constant 0 : index
    %swap3A_1854 = arith.constant 0 : index
    %swap3A_1855 = vector.load %arg3[%swap3A_1852, %swap3A_1853, %swap3A_1854] : memref<256x128x128xf32, #tpu.memory_space<vmem>>, vector<1x128x128xf32>
    %swap3A_1856 = vector.shape_cast %swap3A_1855 : vector<1x128x128xf32> to vector<128x128xf32>
    %swap3A_1857 = vector.shape_cast %mul3A_1851 : vector<128x128xf32> to vector<1x128x128xf32>
    tpu.vector_store %arg3[%swap3A_1852, %swap3A_1853, %swap3A_1854], %swap3A_1857 {strides = array<i32>} : memref<256x128x128xf32, #tpu.memory_space<vmem>>, vector<1x128x128xf32>,
    %slice3A_1858 = vector.extract_strided_slice %transpose3A {offsets = [0, 109], sizes = [128, 1], strides = [1, 1]} : vector<128x256xf32> to vector<128x1xf32>
    %broadcast_in_dim3A_1859 = vector.shape_cast %slice3A_1858 : vector<128x1xf32> to vector<128x1xf32>
    %broadcast_in_dim3A_1860 = vector.broadcast %broadcast_in_dim3A_1859 : vector<128x1xf32> to vector<128x128xf32>
    %sub3A_1861 = vector.broadcast %get3A_4 : vector<1x128xf32> to vector<128x128xf32>
    %sub3A_1862 = arith.subf %broadcast_in_dim3A_1860, %sub3A_1861 : vector<128x128xf32>
    %mul3A_1863 = arith.mulf %sub3A_1862, %sub3A_1862 : vector<128x128xf32>
    %mul3A_1864 = vector.broadcast %get3A_7 : vector<1x128xf32> to vector<128x128xf32>
    %mul3A_1865 = arith.mulf %mul3A_1863, %mul3A_1864 : vector<128x128xf32>
    %exp23A_1866 = math.exp2 %mul3A_1865 : vector<128x128xf32>
    %mul3A_1867 = vector.broadcast %get3A_10 : vector<1x128xf32> to vector<128x128xf32>
    %mul3A_1868 = arith.mulf %mul3A_1867, %exp23A_1866 : vector<128x128xf32>
    %swap3A_1869 = arith.constant 109 : index
    %swap3A_1870 = arith.constant 0 : index
    %swap3A_1871 = arith.constant 0 : index
    %swap3A_1872 = vector.load %arg3[%swap3A_1869, %swap3A_1870, %swap3A_1871] : memref<256x128x128xf32, #tpu.memory_space<vmem>>, vector<1x128x128xf32>
    %swap3A_1873 = vector.shape_cast %swap3A_1872 : vector<1x128x128xf32> to vector<128x128xf32>
    %swap3A_1874 = vector.shape_cast %mul3A_1868 : vector<128x128xf32> to vector<1x128x128xf32>
    tpu.vector_store %arg3[%swap3A_1869, %swap3A_1870, %swap3A_1871], %swap3A_1874 {strides = array<i32>} : memref<256x128x128xf32, #tpu.memory_space<vmem>>, vector<1x128x128xf32>,
    %slice3A_1875 = vector.extract_strided_slice %transpose3A {offsets = [0, 110], sizes = [128, 1], strides = [1, 1]} : vector<128x256xf32> to vector<128x1xf32>
    %broadcast_in_dim3A_1876 = vector.shape_cast %slice3A_1875 : vector<128x1xf32> to vector<128x1xf32>
    %broadcast_in_dim3A_1877 = vector.broadcast %broadcast_in_dim3A_1876 : vector<128x1xf32> to vector<128x128xf32>
    %sub3A_1878 = vector.broadcast %get3A_4 : vector<1x128xf32> to vector<128x128xf32>
    %sub3A_1879 = arith.subf %broadcast_in_dim3A_1877, %sub3A_1878 : vector<128x128xf32>
    %mul3A_1880 = arith.mulf %sub3A_1879, %sub3A_1879 : vector<128x128xf32>
    %mul3A_1881 = vector.broadcast %get3A_7 : vector<1x128xf32> to vector<128x128xf32>
    %mul3A_1882 = arith.mulf %mul3A_1880, %mul3A_1881 : vector<128x128xf32>
    %exp23A_1883 = math.exp2 %mul3A_1882 : vector<128x128xf32>
    %mul3A_1884 = vector.broadcast %get3A_10 : vector<1x128xf32> to vector<128x128xf32>
    %mul3A_1885 = arith.mulf %mul3A_1884, %exp23A_1883 : vector<128x128xf32>
    %swap3A_1886 = arith.constant 110 : index
    %swap3A_1887 = arith.constant 0 : index
    %swap3A_1888 = arith.constant 0 : index
    %swap3A_1889 = vector.load %arg3[%swap3A_1886, %swap3A_1887, %swap3A_1888] : memref<256x128x128xf32, #tpu.memory_space<vmem>>, vector<1x128x128xf32>
    %swap3A_1890 = vector.shape_cast %swap3A_1889 : vector<1x128x128xf32> to vector<128x128xf32>
    %swap3A_1891 = vector.shape_cast %mul3A_1885 : vector<128x128xf32> to vector<1x128x128xf32>
    tpu.vector_store %arg3[%swap3A_1886, %swap3A_1887, %swap3A_1888], %swap3A_1891 {strides = array<i32>} : memref<256x128x128xf32, #tpu.memory_space<vmem>>, vector<1x128x128xf32>,
    %slice3A_1892 = vector.extract_strided_slice %transpose3A {offsets = [0, 111], sizes = [128, 1], strides = [1, 1]} : vector<128x256xf32> to vector<128x1xf32>
    %broadcast_in_dim3A_1893 = vector.shape_cast %slice3A_1892 : vector<128x1xf32> to vector<128x1xf32>
    %broadcast_in_dim3A_1894 = vector.broadcast %broadcast_in_dim3A_1893 : vector<128x1xf32> to vector<128x128xf32>
    %sub3A_1895 = vector.broadcast %get3A_4 : vector<1x128xf32> to vector<128x128xf32>
    %sub3A_1896 = arith.subf %broadcast_in_dim3A_1894, %sub3A_1895 : vector<128x128xf32>
    %mul3A_1897 = arith.mulf %sub3A_1896, %sub3A_1896 : vector<128x128xf32>
    %mul3A_1898 = vector.broadcast %get3A_7 : vector<1x128xf32> to vector<128x128xf32>
    %mul3A_1899 = arith.mulf %mul3A_1897, %mul3A_1898 : vector<128x128xf32>
    %exp23A_1900 = math.exp2 %mul3A_1899 : vector<128x128xf32>
    %mul3A_1901 = vector.broadcast %get3A_10 : vector<1x128xf32> to vector<128x128xf32>
    %mul3A_1902 = arith.mulf %mul3A_1901, %exp23A_1900 : vector<128x128xf32>
    %swap3A_1903 = arith.constant 111 : index
    %swap3A_1904 = arith.constant 0 : index
    %swap3A_1905 = arith.constant 0 : index
    %swap3A_1906 = vector.load %arg3[%swap3A_1903, %swap3A_1904, %swap3A_1905] : memref<256x128x128xf32, #tpu.memory_space<vmem>>, vector<1x128x128xf32>
    %swap3A_1907 = vector.shape_cast %swap3A_1906 : vector<1x128x128xf32> to vector<128x128xf32>
    %swap3A_1908 = vector.shape_cast %mul3A_1902 : vector<128x128xf32> to vector<1x128x128xf32>
    tpu.vector_store %arg3[%swap3A_1903, %swap3A_1904, %swap3A_1905], %swap3A_1908 {strides = array<i32>} : memref<256x128x128xf32, #tpu.memory_space<vmem>>, vector<1x128x128xf32>,
    %slice3A_1909 = vector.extract_strided_slice %transpose3A {offsets = [0, 112], sizes = [128, 1], strides = [1, 1]} : vector<128x256xf32> to vector<128x1xf32>
    %broadcast_in_dim3A_1910 = vector.shape_cast %slice3A_1909 : vector<128x1xf32> to vector<128x1xf32>
    %broadcast_in_dim3A_1911 = vector.broadcast %broadcast_in_dim3A_1910 : vector<128x1xf32> to vector<128x128xf32>
    %sub3A_1912 = vector.broadcast %get3A_4 : vector<1x128xf32> to vector<128x128xf32>
    %sub3A_1913 = arith.subf %broadcast_in_dim3A_1911, %sub3A_1912 : vector<128x128xf32>
    %mul3A_1914 = arith.mulf %sub3A_1913, %sub3A_1913 : vector<128x128xf32>
    %mul3A_1915 = vector.broadcast %get3A_7 : vector<1x128xf32> to vector<128x128xf32>
    %mul3A_1916 = arith.mulf %mul3A_1914, %mul3A_1915 : vector<128x128xf32>
    %exp23A_1917 = math.exp2 %mul3A_1916 : vector<128x128xf32>
    %mul3A_1918 = vector.broadcast %get3A_10 : vector<1x128xf32> to vector<128x128xf32>
    %mul3A_1919 = arith.mulf %mul3A_1918, %exp23A_1917 : vector<128x128xf32>
    %swap3A_1920 = arith.constant 112 : index
    %swap3A_1921 = arith.constant 0 : index
    %swap3A_1922 = arith.constant 0 : index
    %swap3A_1923 = vector.load %arg3[%swap3A_1920, %swap3A_1921, %swap3A_1922] : memref<256x128x128xf32, #tpu.memory_space<vmem>>, vector<1x128x128xf32>
    %swap3A_1924 = vector.shape_cast %swap3A_1923 : vector<1x128x128xf32> to vector<128x128xf32>
    %swap3A_1925 = vector.shape_cast %mul3A_1919 : vector<128x128xf32> to vector<1x128x128xf32>
    tpu.vector_store %arg3[%swap3A_1920, %swap3A_1921, %swap3A_1922], %swap3A_1925 {strides = array<i32>} : memref<256x128x128xf32, #tpu.memory_space<vmem>>, vector<1x128x128xf32>,
    %slice3A_1926 = vector.extract_strided_slice %transpose3A {offsets = [0, 113], sizes = [128, 1], strides = [1, 1]} : vector<128x256xf32> to vector<128x1xf32>
    %broadcast_in_dim3A_1927 = vector.shape_cast %slice3A_1926 : vector<128x1xf32> to vector<128x1xf32>
    %broadcast_in_dim3A_1928 = vector.broadcast %broadcast_in_dim3A_1927 : vector<128x1xf32> to vector<128x128xf32>
    %sub3A_1929 = vector.broadcast %get3A_4 : vector<1x128xf32> to vector<128x128xf32>
    %sub3A_1930 = arith.subf %broadcast_in_dim3A_1928, %sub3A_1929 : vector<128x128xf32>
    %mul3A_1931 = arith.mulf %sub3A_1930, %sub3A_1930 : vector<128x128xf32>
    %mul3A_1932 = vector.broadcast %get3A_7 : vector<1x128xf32> to vector<128x128xf32>
    %mul3A_1933 = arith.mulf %mul3A_1931, %mul3A_1932 : vector<128x128xf32>
    %exp23A_1934 = math.exp2 %mul3A_1933 : vector<128x128xf32>
    %mul3A_1935 = vector.broadcast %get3A_10 : vector<1x128xf32> to vector<128x128xf32>
    %mul3A_1936 = arith.mulf %mul3A_1935, %exp23A_1934 : vector<128x128xf32>
    %swap3A_1937 = arith.constant 113 : index
    %swap3A_1938 = arith.constant 0 : index
    %swap3A_1939 = arith.constant 0 : index
    %swap3A_1940 = vector.load %arg3[%swap3A_1937, %swap3A_1938, %swap3A_1939] : memref<256x128x128xf32, #tpu.memory_space<vmem>>, vector<1x128x128xf32>
    %swap3A_1941 = vector.shape_cast %swap3A_1940 : vector<1x128x128xf32> to vector<128x128xf32>
    %swap3A_1942 = vector.shape_cast %mul3A_1936 : vector<128x128xf32> to vector<1x128x128xf32>
    tpu.vector_store %arg3[%swap3A_1937, %swap3A_1938, %swap3A_1939], %swap3A_1942 {strides = array<i32>} : memref<256x128x128xf32, #tpu.memory_space<vmem>>, vector<1x128x128xf32>,
    %slice3A_1943 = vector.extract_strided_slice %transpose3A {offsets = [0, 114], sizes = [128, 1], strides = [1, 1]} : vector<128x256xf32> to vector<128x1xf32>
    %broadcast_in_dim3A_1944 = vector.shape_cast %slice3A_1943 : vector<128x1xf32> to vector<128x1xf32>
    %broadcast_in_dim3A_1945 = vector.broadcast %broadcast_in_dim3A_1944 : vector<128x1xf32> to vector<128x128xf32>
    %sub3A_1946 = vector.broadcast %get3A_4 : vector<1x128xf32> to vector<128x128xf32>
    %sub3A_1947 = arith.subf %broadcast_in_dim3A_1945, %sub3A_1946 : vector<128x128xf32>
    %mul3A_1948 = arith.mulf %sub3A_1947, %sub3A_1947 : vector<128x128xf32>
    %mul3A_1949 = vector.broadcast %get3A_7 : vector<1x128xf32> to vector<128x128xf32>
    %mul3A_1950 = arith.mulf %mul3A_1948, %mul3A_1949 : vector<128x128xf32>
    %exp23A_1951 = math.exp2 %mul3A_1950 : vector<128x128xf32>
    %mul3A_1952 = vector.broadcast %get3A_10 : vector<1x128xf32> to vector<128x128xf32>
    %mul3A_1953 = arith.mulf %mul3A_1952, %exp23A_1951 : vector<128x128xf32>
    %swap3A_1954 = arith.constant 114 : index
    %swap3A_1955 = arith.constant 0 : index
    %swap3A_1956 = arith.constant 0 : index
    %swap3A_1957 = vector.load %arg3[%swap3A_1954, %swap3A_1955, %swap3A_1956] : memref<256x128x128xf32, #tpu.memory_space<vmem>>, vector<1x128x128xf32>
    %swap3A_1958 = vector.shape_cast %swap3A_1957 : vector<1x128x128xf32> to vector<128x128xf32>
    %swap3A_1959 = vector.shape_cast %mul3A_1953 : vector<128x128xf32> to vector<1x128x128xf32>
    tpu.vector_store %arg3[%swap3A_1954, %swap3A_1955, %swap3A_1956], %swap3A_1959 {strides = array<i32>} : memref<256x128x128xf32, #tpu.memory_space<vmem>>, vector<1x128x128xf32>,
    %slice3A_1960 = vector.extract_strided_slice %transpose3A {offsets = [0, 115], sizes = [128, 1], strides = [1, 1]} : vector<128x256xf32> to vector<128x1xf32>
    %broadcast_in_dim3A_1961 = vector.shape_cast %slice3A_1960 : vector<128x1xf32> to vector<128x1xf32>
    %broadcast_in_dim3A_1962 = vector.broadcast %broadcast_in_dim3A_1961 : vector<128x1xf32> to vector<128x128xf32>
    %sub3A_1963 = vector.broadcast %get3A_4 : vector<1x128xf32> to vector<128x128xf32>
    %sub3A_1964 = arith.subf %broadcast_in_dim3A_1962, %sub3A_1963 : vector<128x128xf32>
    %mul3A_1965 = arith.mulf %sub3A_1964, %sub3A_1964 : vector<128x128xf32>
    %mul3A_1966 = vector.broadcast %get3A_7 : vector<1x128xf32> to vector<128x128xf32>
    %mul3A_1967 = arith.mulf %mul3A_1965, %mul3A_1966 : vector<128x128xf32>
    %exp23A_1968 = math.exp2 %mul3A_1967 : vector<128x128xf32>
    %mul3A_1969 = vector.broadcast %get3A_10 : vector<1x128xf32> to vector<128x128xf32>
    %mul3A_1970 = arith.mulf %mul3A_1969, %exp23A_1968 : vector<128x128xf32>
    %swap3A_1971 = arith.constant 115 : index
    %swap3A_1972 = arith.constant 0 : index
    %swap3A_1973 = arith.constant 0 : index
    %swap3A_1974 = vector.load %arg3[%swap3A_1971, %swap3A_1972, %swap3A_1973] : memref<256x128x128xf32, #tpu.memory_space<vmem>>, vector<1x128x128xf32>
    %swap3A_1975 = vector.shape_cast %swap3A_1974 : vector<1x128x128xf32> to vector<128x128xf32>
    %swap3A_1976 = vector.shape_cast %mul3A_1970 : vector<128x128xf32> to vector<1x128x128xf32>
    tpu.vector_store %arg3[%swap3A_1971, %swap3A_1972, %swap3A_1973], %swap3A_1976 {strides = array<i32>} : memref<256x128x128xf32, #tpu.memory_space<vmem>>, vector<1x128x128xf32>,
    %slice3A_1977 = vector.extract_strided_slice %transpose3A {offsets = [0, 116], sizes = [128, 1], strides = [1, 1]} : vector<128x256xf32> to vector<128x1xf32>
    %broadcast_in_dim3A_1978 = vector.shape_cast %slice3A_1977 : vector<128x1xf32> to vector<128x1xf32>
    %broadcast_in_dim3A_1979 = vector.broadcast %broadcast_in_dim3A_1978 : vector<128x1xf32> to vector<128x128xf32>
    %sub3A_1980 = vector.broadcast %get3A_4 : vector<1x128xf32> to vector<128x128xf32>
    %sub3A_1981 = arith.subf %broadcast_in_dim3A_1979, %sub3A_1980 : vector<128x128xf32>
    %mul3A_1982 = arith.mulf %sub3A_1981, %sub3A_1981 : vector<128x128xf32>
    %mul3A_1983 = vector.broadcast %get3A_7 : vector<1x128xf32> to vector<128x128xf32>
    %mul3A_1984 = arith.mulf %mul3A_1982, %mul3A_1983 : vector<128x128xf32>
    %exp23A_1985 = math.exp2 %mul3A_1984 : vector<128x128xf32>
    %mul3A_1986 = vector.broadcast %get3A_10 : vector<1x128xf32> to vector<128x128xf32>
    %mul3A_1987 = arith.mulf %mul3A_1986, %exp23A_1985 : vector<128x128xf32>
    %swap3A_1988 = arith.constant 116 : index
    %swap3A_1989 = arith.constant 0 : index
    %swap3A_1990 = arith.constant 0 : index
    %swap3A_1991 = vector.load %arg3[%swap3A_1988, %swap3A_1989, %swap3A_1990] : memref<256x128x128xf32, #tpu.memory_space<vmem>>, vector<1x128x128xf32>
    %swap3A_1992 = vector.shape_cast %swap3A_1991 : vector<1x128x128xf32> to vector<128x128xf32>
    %swap3A_1993 = vector.shape_cast %mul3A_1987 : vector<128x128xf32> to vector<1x128x128xf32>
    tpu.vector_store %arg3[%swap3A_1988, %swap3A_1989, %swap3A_1990], %swap3A_1993 {strides = array<i32>} : memref<256x128x128xf32, #tpu.memory_space<vmem>>, vector<1x128x128xf32>,
    %slice3A_1994 = vector.extract_strided_slice %transpose3A {offsets = [0, 117], sizes = [128, 1], strides = [1, 1]} : vector<128x256xf32> to vector<128x1xf32>
    %broadcast_in_dim3A_1995 = vector.shape_cast %slice3A_1994 : vector<128x1xf32> to vector<128x1xf32>
    %broadcast_in_dim3A_1996 = vector.broadcast %broadcast_in_dim3A_1995 : vector<128x1xf32> to vector<128x128xf32>
    %sub3A_1997 = vector.broadcast %get3A_4 : vector<1x128xf32> to vector<128x128xf32>
    %sub3A_1998 = arith.subf %broadcast_in_dim3A_1996, %sub3A_1997 : vector<128x128xf32>
    %mul3A_1999 = arith.mulf %sub3A_1998, %sub3A_1998 : vector<128x128xf32>
    %mul3A_2000 = vector.broadcast %get3A_7 : vector<1x128xf32> to vector<128x128xf32>
    %mul3A_2001 = arith.mulf %mul3A_1999, %mul3A_2000 : vector<128x128xf32>
    %exp23A_2002 = math.exp2 %mul3A_2001 : vector<128x128xf32>
    %mul3A_2003 = vector.broadcast %get3A_10 : vector<1x128xf32> to vector<128x128xf32>
    %mul3A_2004 = arith.mulf %mul3A_2003, %exp23A_2002 : vector<128x128xf32>
    %swap3A_2005 = arith.constant 117 : index
    %swap3A_2006 = arith.constant 0 : index
    %swap3A_2007 = arith.constant 0 : index
    %swap3A_2008 = vector.load %arg3[%swap3A_2005, %swap3A_2006, %swap3A_2007] : memref<256x128x128xf32, #tpu.memory_space<vmem>>, vector<1x128x128xf32>
    %swap3A_2009 = vector.shape_cast %swap3A_2008 : vector<1x128x128xf32> to vector<128x128xf32>
    %swap3A_2010 = vector.shape_cast %mul3A_2004 : vector<128x128xf32> to vector<1x128x128xf32>
    tpu.vector_store %arg3[%swap3A_2005, %swap3A_2006, %swap3A_2007], %swap3A_2010 {strides = array<i32>} : memref<256x128x128xf32, #tpu.memory_space<vmem>>, vector<1x128x128xf32>,
    %slice3A_2011 = vector.extract_strided_slice %transpose3A {offsets = [0, 118], sizes = [128, 1], strides = [1, 1]} : vector<128x256xf32> to vector<128x1xf32>
    %broadcast_in_dim3A_2012 = vector.shape_cast %slice3A_2011 : vector<128x1xf32> to vector<128x1xf32>
    %broadcast_in_dim3A_2013 = vector.broadcast %broadcast_in_dim3A_2012 : vector<128x1xf32> to vector<128x128xf32>
    %sub3A_2014 = vector.broadcast %get3A_4 : vector<1x128xf32> to vector<128x128xf32>
    %sub3A_2015 = arith.subf %broadcast_in_dim3A_2013, %sub3A_2014 : vector<128x128xf32>
    %mul3A_2016 = arith.mulf %sub3A_2015, %sub3A_2015 : vector<128x128xf32>
    %mul3A_2017 = vector.broadcast %get3A_7 : vector<1x128xf32> to vector<128x128xf32>
    %mul3A_2018 = arith.mulf %mul3A_2016, %mul3A_2017 : vector<128x128xf32>
    %exp23A_2019 = math.exp2 %mul3A_2018 : vector<128x128xf32>
    %mul3A_2020 = vector.broadcast %get3A_10 : vector<1x128xf32> to vector<128x128xf32>
    %mul3A_2021 = arith.mulf %mul3A_2020, %exp23A_2019 : vector<128x128xf32>
    %swap3A_2022 = arith.constant 118 : index
    %swap3A_2023 = arith.constant 0 : index
    %swap3A_2024 = arith.constant 0 : index
    %swap3A_2025 = vector.load %arg3[%swap3A_2022, %swap3A_2023, %swap3A_2024] : memref<256x128x128xf32, #tpu.memory_space<vmem>>, vector<1x128x128xf32>
    %swap3A_2026 = vector.shape_cast %swap3A_2025 : vector<1x128x128xf32> to vector<128x128xf32>
    %swap3A_2027 = vector.shape_cast %mul3A_2021 : vector<128x128xf32> to vector<1x128x128xf32>
    tpu.vector_store %arg3[%swap3A_2022, %swap3A_2023, %swap3A_2024], %swap3A_2027 {strides = array<i32>} : memref<256x128x128xf32, #tpu.memory_space<vmem>>, vector<1x128x128xf32>,
    %slice3A_2028 = vector.extract_strided_slice %transpose3A {offsets = [0, 119], sizes = [128, 1], strides = [1, 1]} : vector<128x256xf32> to vector<128x1xf32>
    %broadcast_in_dim3A_2029 = vector.shape_cast %slice3A_2028 : vector<128x1xf32> to vector<128x1xf32>
    %broadcast_in_dim3A_2030 = vector.broadcast %broadcast_in_dim3A_2029 : vector<128x1xf32> to vector<128x128xf32>
    %sub3A_2031 = vector.broadcast %get3A_4 : vector<1x128xf32> to vector<128x128xf32>
    %sub3A_2032 = arith.subf %broadcast_in_dim3A_2030, %sub3A_2031 : vector<128x128xf32>
    %mul3A_2033 = arith.mulf %sub3A_2032, %sub3A_2032 : vector<128x128xf32>
    %mul3A_2034 = vector.broadcast %get3A_7 : vector<1x128xf32> to vector<128x128xf32>
    %mul3A_2035 = arith.mulf %mul3A_2033, %mul3A_2034 : vector<128x128xf32>
    %exp23A_2036 = math.exp2 %mul3A_2035 : vector<128x128xf32>
    %mul3A_2037 = vector.broadcast %get3A_10 : vector<1x128xf32> to vector<128x128xf32>
    %mul3A_2038 = arith.mulf %mul3A_2037, %exp23A_2036 : vector<128x128xf32>
    %swap3A_2039 = arith.constant 119 : index
    %swap3A_2040 = arith.constant 0 : index
    %swap3A_2041 = arith.constant 0 : index
    %swap3A_2042 = vector.load %arg3[%swap3A_2039, %swap3A_2040, %swap3A_2041] : memref<256x128x128xf32, #tpu.memory_space<vmem>>, vector<1x128x128xf32>
    %swap3A_2043 = vector.shape_cast %swap3A_2042 : vector<1x128x128xf32> to vector<128x128xf32>
    %swap3A_2044 = vector.shape_cast %mul3A_2038 : vector<128x128xf32> to vector<1x128x128xf32>
    tpu.vector_store %arg3[%swap3A_2039, %swap3A_2040, %swap3A_2041], %swap3A_2044 {strides = array<i32>} : memref<256x128x128xf32, #tpu.memory_space<vmem>>, vector<1x128x128xf32>,
    %slice3A_2045 = vector.extract_strided_slice %transpose3A {offsets = [0, 120], sizes = [128, 1], strides = [1, 1]} : vector<128x256xf32> to vector<128x1xf32>
    %broadcast_in_dim3A_2046 = vector.shape_cast %slice3A_2045 : vector<128x1xf32> to vector<128x1xf32>
    %broadcast_in_dim3A_2047 = vector.broadcast %broadcast_in_dim3A_2046 : vector<128x1xf32> to vector<128x128xf32>
    %sub3A_2048 = vector.broadcast %get3A_4 : vector<1x128xf32> to vector<128x128xf32>
    %sub3A_2049 = arith.subf %broadcast_in_dim3A_2047, %sub3A_2048 : vector<128x128xf32>
    %mul3A_2050 = arith.mulf %sub3A_2049, %sub3A_2049 : vector<128x128xf32>
    %mul3A_2051 = vector.broadcast %get3A_7 : vector<1x128xf32> to vector<128x128xf32>
    %mul3A_2052 = arith.mulf %mul3A_2050, %mul3A_2051 : vector<128x128xf32>
    %exp23A_2053 = math.exp2 %mul3A_2052 : vector<128x128xf32>
    %mul3A_2054 = vector.broadcast %get3A_10 : vector<1x128xf32> to vector<128x128xf32>
    %mul3A_2055 = arith.mulf %mul3A_2054, %exp23A_2053 : vector<128x128xf32>
    %swap3A_2056 = arith.constant 120 : index
    %swap3A_2057 = arith.constant 0 : index
    %swap3A_2058 = arith.constant 0 : index
    %swap3A_2059 = vector.load %arg3[%swap3A_2056, %swap3A_2057, %swap3A_2058] : memref<256x128x128xf32, #tpu.memory_space<vmem>>, vector<1x128x128xf32>
    %swap3A_2060 = vector.shape_cast %swap3A_2059 : vector<1x128x128xf32> to vector<128x128xf32>
    %swap3A_2061 = vector.shape_cast %mul3A_2055 : vector<128x128xf32> to vector<1x128x128xf32>
    tpu.vector_store %arg3[%swap3A_2056, %swap3A_2057, %swap3A_2058], %swap3A_2061 {strides = array<i32>} : memref<256x128x128xf32, #tpu.memory_space<vmem>>, vector<1x128x128xf32>,
    %slice3A_2062 = vector.extract_strided_slice %transpose3A {offsets = [0, 121], sizes = [128, 1], strides = [1, 1]} : vector<128x256xf32> to vector<128x1xf32>
    %broadcast_in_dim3A_2063 = vector.shape_cast %slice3A_2062 : vector<128x1xf32> to vector<128x1xf32>
    %broadcast_in_dim3A_2064 = vector.broadcast %broadcast_in_dim3A_2063 : vector<128x1xf32> to vector<128x128xf32>
    %sub3A_2065 = vector.broadcast %get3A_4 : vector<1x128xf32> to vector<128x128xf32>
    %sub3A_2066 = arith.subf %broadcast_in_dim3A_2064, %sub3A_2065 : vector<128x128xf32>
    %mul3A_2067 = arith.mulf %sub3A_2066, %sub3A_2066 : vector<128x128xf32>
    %mul3A_2068 = vector.broadcast %get3A_7 : vector<1x128xf32> to vector<128x128xf32>
    %mul3A_2069 = arith.mulf %mul3A_2067, %mul3A_2068 : vector<128x128xf32>
    %exp23A_2070 = math.exp2 %mul3A_2069 : vector<128x128xf32>
    %mul3A_2071 = vector.broadcast %get3A_10 : vector<1x128xf32> to vector<128x128xf32>
    %mul3A_2072 = arith.mulf %mul3A_2071, %exp23A_2070 : vector<128x128xf32>
    %swap3A_2073 = arith.constant 121 : index
    %swap3A_2074 = arith.constant 0 : index
    %swap3A_2075 = arith.constant 0 : index
    %swap3A_2076 = vector.load %arg3[%swap3A_2073, %swap3A_2074, %swap3A_2075] : memref<256x128x128xf32, #tpu.memory_space<vmem>>, vector<1x128x128xf32>
    %swap3A_2077 = vector.shape_cast %swap3A_2076 : vector<1x128x128xf32> to vector<128x128xf32>
    %swap3A_2078 = vector.shape_cast %mul3A_2072 : vector<128x128xf32> to vector<1x128x128xf32>
    tpu.vector_store %arg3[%swap3A_2073, %swap3A_2074, %swap3A_2075], %swap3A_2078 {strides = array<i32>} : memref<256x128x128xf32, #tpu.memory_space<vmem>>, vector<1x128x128xf32>,
    %slice3A_2079 = vector.extract_strided_slice %transpose3A {offsets = [0, 122], sizes = [128, 1], strides = [1, 1]} : vector<128x256xf32> to vector<128x1xf32>
    %broadcast_in_dim3A_2080 = vector.shape_cast %slice3A_2079 : vector<128x1xf32> to vector<128x1xf32>
    %broadcast_in_dim3A_2081 = vector.broadcast %broadcast_in_dim3A_2080 : vector<128x1xf32> to vector<128x128xf32>
    %sub3A_2082 = vector.broadcast %get3A_4 : vector<1x128xf32> to vector<128x128xf32>
    %sub3A_2083 = arith.subf %broadcast_in_dim3A_2081, %sub3A_2082 : vector<128x128xf32>
    %mul3A_2084 = arith.mulf %sub3A_2083, %sub3A_2083 : vector<128x128xf32>
    %mul3A_2085 = vector.broadcast %get3A_7 : vector<1x128xf32> to vector<128x128xf32>
    %mul3A_2086 = arith.mulf %mul3A_2084, %mul3A_2085 : vector<128x128xf32>
    %exp23A_2087 = math.exp2 %mul3A_2086 : vector<128x128xf32>
    %mul3A_2088 = vector.broadcast %get3A_10 : vector<1x128xf32> to vector<128x128xf32>
    %mul3A_2089 = arith.mulf %mul3A_2088, %exp23A_2087 : vector<128x128xf32>
    %swap3A_2090 = arith.constant 122 : index
    %swap3A_2091 = arith.constant 0 : index
    %swap3A_2092 = arith.constant 0 : index
    %swap3A_2093 = vector.load %arg3[%swap3A_2090, %swap3A_2091, %swap3A_2092] : memref<256x128x128xf32, #tpu.memory_space<vmem>>, vector<1x128x128xf32>
    %swap3A_2094 = vector.shape_cast %swap3A_2093 : vector<1x128x128xf32> to vector<128x128xf32>
    %swap3A_2095 = vector.shape_cast %mul3A_2089 : vector<128x128xf32> to vector<1x128x128xf32>
    tpu.vector_store %arg3[%swap3A_2090, %swap3A_2091, %swap3A_2092], %swap3A_2095 {strides = array<i32>} : memref<256x128x128xf32, #tpu.memory_space<vmem>>, vector<1x128x128xf32>,
    %slice3A_2096 = vector.extract_strided_slice %transpose3A {offsets = [0, 123], sizes = [128, 1], strides = [1, 1]} : vector<128x256xf32> to vector<128x1xf32>
    %broadcast_in_dim3A_2097 = vector.shape_cast %slice3A_2096 : vector<128x1xf32> to vector<128x1xf32>
    %broadcast_in_dim3A_2098 = vector.broadcast %broadcast_in_dim3A_2097 : vector<128x1xf32> to vector<128x128xf32>
    %sub3A_2099 = vector.broadcast %get3A_4 : vector<1x128xf32> to vector<128x128xf32>
    %sub3A_2100 = arith.subf %broadcast_in_dim3A_2098, %sub3A_2099 : vector<128x128xf32>
    %mul3A_2101 = arith.mulf %sub3A_2100, %sub3A_2100 : vector<128x128xf32>
    %mul3A_2102 = vector.broadcast %get3A_7 : vector<1x128xf32> to vector<128x128xf32>
    %mul3A_2103 = arith.mulf %mul3A_2101, %mul3A_2102 : vector<128x128xf32>
    %exp23A_2104 = math.exp2 %mul3A_2103 : vector<128x128xf32>
    %mul3A_2105 = vector.broadcast %get3A_10 : vector<1x128xf32> to vector<128x128xf32>
    %mul3A_2106 = arith.mulf %mul3A_2105, %exp23A_2104 : vector<128x128xf32>
    %swap3A_2107 = arith.constant 123 : index
    %swap3A_2108 = arith.constant 0 : index
    %swap3A_2109 = arith.constant 0 : index
    %swap3A_2110 = vector.load %arg3[%swap3A_2107, %swap3A_2108, %swap3A_2109] : memref<256x128x128xf32, #tpu.memory_space<vmem>>, vector<1x128x128xf32>
    %swap3A_2111 = vector.shape_cast %swap3A_2110 : vector<1x128x128xf32> to vector<128x128xf32>
    %swap3A_2112 = vector.shape_cast %mul3A_2106 : vector<128x128xf32> to vector<1x128x128xf32>
    tpu.vector_store %arg3[%swap3A_2107, %swap3A_2108, %swap3A_2109], %swap3A_2112 {strides = array<i32>} : memref<256x128x128xf32, #tpu.memory_space<vmem>>, vector<1x128x128xf32>,
    %slice3A_2113 = vector.extract_strided_slice %transpose3A {offsets = [0, 124], sizes = [128, 1], strides = [1, 1]} : vector<128x256xf32> to vector<128x1xf32>
    %broadcast_in_dim3A_2114 = vector.shape_cast %slice3A_2113 : vector<128x1xf32> to vector<128x1xf32>
    %broadcast_in_dim3A_2115 = vector.broadcast %broadcast_in_dim3A_2114 : vector<128x1xf32> to vector<128x128xf32>
    %sub3A_2116 = vector.broadcast %get3A_4 : vector<1x128xf32> to vector<128x128xf32>
    %sub3A_2117 = arith.subf %broadcast_in_dim3A_2115, %sub3A_2116 : vector<128x128xf32>
    %mul3A_2118 = arith.mulf %sub3A_2117, %sub3A_2117 : vector<128x128xf32>
    %mul3A_2119 = vector.broadcast %get3A_7 : vector<1x128xf32> to vector<128x128xf32>
    %mul3A_2120 = arith.mulf %mul3A_2118, %mul3A_2119 : vector<128x128xf32>
    %exp23A_2121 = math.exp2 %mul3A_2120 : vector<128x128xf32>
    %mul3A_2122 = vector.broadcast %get3A_10 : vector<1x128xf32> to vector<128x128xf32>
    %mul3A_2123 = arith.mulf %mul3A_2122, %exp23A_2121 : vector<128x128xf32>
    %swap3A_2124 = arith.constant 124 : index
    %swap3A_2125 = arith.constant 0 : index
    %swap3A_2126 = arith.constant 0 : index
    %swap3A_2127 = vector.load %arg3[%swap3A_2124, %swap3A_2125, %swap3A_2126] : memref<256x128x128xf32, #tpu.memory_space<vmem>>, vector<1x128x128xf32>
    %swap3A_2128 = vector.shape_cast %swap3A_2127 : vector<1x128x128xf32> to vector<128x128xf32>
    %swap3A_2129 = vector.shape_cast %mul3A_2123 : vector<128x128xf32> to vector<1x128x128xf32>
    tpu.vector_store %arg3[%swap3A_2124, %swap3A_2125, %swap3A_2126], %swap3A_2129 {strides = array<i32>} : memref<256x128x128xf32, #tpu.memory_space<vmem>>, vector<1x128x128xf32>,
    %slice3A_2130 = vector.extract_strided_slice %transpose3A {offsets = [0, 125], sizes = [128, 1], strides = [1, 1]} : vector<128x256xf32> to vector<128x1xf32>
    %broadcast_in_dim3A_2131 = vector.shape_cast %slice3A_2130 : vector<128x1xf32> to vector<128x1xf32>
    %broadcast_in_dim3A_2132 = vector.broadcast %broadcast_in_dim3A_2131 : vector<128x1xf32> to vector<128x128xf32>
    %sub3A_2133 = vector.broadcast %get3A_4 : vector<1x128xf32> to vector<128x128xf32>
    %sub3A_2134 = arith.subf %broadcast_in_dim3A_2132, %sub3A_2133 : vector<128x128xf32>
    %mul3A_2135 = arith.mulf %sub3A_2134, %sub3A_2134 : vector<128x128xf32>
    %mul3A_2136 = vector.broadcast %get3A_7 : vector<1x128xf32> to vector<128x128xf32>
    %mul3A_2137 = arith.mulf %mul3A_2135, %mul3A_2136 : vector<128x128xf32>
    %exp23A_2138 = math.exp2 %mul3A_2137 : vector<128x128xf32>
    %mul3A_2139 = vector.broadcast %get3A_10 : vector<1x128xf32> to vector<128x128xf32>
    %mul3A_2140 = arith.mulf %mul3A_2139, %exp23A_2138 : vector<128x128xf32>
    %swap3A_2141 = arith.constant 125 : index
    %swap3A_2142 = arith.constant 0 : index
    %swap3A_2143 = arith.constant 0 : index
    %swap3A_2144 = vector.load %arg3[%swap3A_2141, %swap3A_2142, %swap3A_2143] : memref<256x128x128xf32, #tpu.memory_space<vmem>>, vector<1x128x128xf32>
    %swap3A_2145 = vector.shape_cast %swap3A_2144 : vector<1x128x128xf32> to vector<128x128xf32>
    %swap3A_2146 = vector.shape_cast %mul3A_2140 : vector<128x128xf32> to vector<1x128x128xf32>
    tpu.vector_store %arg3[%swap3A_2141, %swap3A_2142, %swap3A_2143], %swap3A_2146 {strides = array<i32>} : memref<256x128x128xf32, #tpu.memory_space<vmem>>, vector<1x128x128xf32>,
    %slice3A_2147 = vector.extract_strided_slice %transpose3A {offsets = [0, 126], sizes = [128, 1], strides = [1, 1]} : vector<128x256xf32> to vector<128x1xf32>
    %broadcast_in_dim3A_2148 = vector.shape_cast %slice3A_2147 : vector<128x1xf32> to vector<128x1xf32>
    %broadcast_in_dim3A_2149 = vector.broadcast %broadcast_in_dim3A_2148 : vector<128x1xf32> to vector<128x128xf32>
    %sub3A_2150 = vector.broadcast %get3A_4 : vector<1x128xf32> to vector<128x128xf32>
    %sub3A_2151 = arith.subf %broadcast_in_dim3A_2149, %sub3A_2150 : vector<128x128xf32>
    %mul3A_2152 = arith.mulf %sub3A_2151, %sub3A_2151 : vector<128x128xf32>
    %mul3A_2153 = vector.broadcast %get3A_7 : vector<1x128xf32> to vector<128x128xf32>
    %mul3A_2154 = arith.mulf %mul3A_2152, %mul3A_2153 : vector<128x128xf32>
    %exp23A_2155 = math.exp2 %mul3A_2154 : vector<128x128xf32>
    %mul3A_2156 = vector.broadcast %get3A_10 : vector<1x128xf32> to vector<128x128xf32>
    %mul3A_2157 = arith.mulf %mul3A_2156, %exp23A_2155 : vector<128x128xf32>
    %swap3A_2158 = arith.constant 126 : index
    %swap3A_2159 = arith.constant 0 : index
    %swap3A_2160 = arith.constant 0 : index
    %swap3A_2161 = vector.load %arg3[%swap3A_2158, %swap3A_2159, %swap3A_2160] : memref<256x128x128xf32, #tpu.memory_space<vmem>>, vector<1x128x128xf32>
    %swap3A_2162 = vector.shape_cast %swap3A_2161 : vector<1x128x128xf32> to vector<128x128xf32>
    %swap3A_2163 = vector.shape_cast %mul3A_2157 : vector<128x128xf32> to vector<1x128x128xf32>
    tpu.vector_store %arg3[%swap3A_2158, %swap3A_2159, %swap3A_2160], %swap3A_2163 {strides = array<i32>} : memref<256x128x128xf32, #tpu.memory_space<vmem>>, vector<1x128x128xf32>,
    %slice3A_2164 = vector.extract_strided_slice %transpose3A {offsets = [0, 127], sizes = [128, 1], strides = [1, 1]} : vector<128x256xf32> to vector<128x1xf32>
    %broadcast_in_dim3A_2165 = vector.shape_cast %slice3A_2164 : vector<128x1xf32> to vector<128x1xf32>
    %broadcast_in_dim3A_2166 = vector.broadcast %broadcast_in_dim3A_2165 : vector<128x1xf32> to vector<128x128xf32>
    %sub3A_2167 = vector.broadcast %get3A_4 : vector<1x128xf32> to vector<128x128xf32>
    %sub3A_2168 = arith.subf %broadcast_in_dim3A_2166, %sub3A_2167 : vector<128x128xf32>
    %mul3A_2169 = arith.mulf %sub3A_2168, %sub3A_2168 : vector<128x128xf32>
    %mul3A_2170 = vector.broadcast %get3A_7 : vector<1x128xf32> to vector<128x128xf32>
    %mul3A_2171 = arith.mulf %mul3A_2169, %mul3A_2170 : vector<128x128xf32>
    %exp23A_2172 = math.exp2 %mul3A_2171 : vector<128x128xf32>
    %mul3A_2173 = vector.broadcast %get3A_10 : vector<1x128xf32> to vector<128x128xf32>
    %mul3A_2174 = arith.mulf %mul3A_2173, %exp23A_2172 : vector<128x128xf32>
    %swap3A_2175 = arith.constant 127 : index
    %swap3A_2176 = arith.constant 0 : index
    %swap3A_2177 = arith.constant 0 : index
    %swap3A_2178 = vector.load %arg3[%swap3A_2175, %swap3A_2176, %swap3A_2177] : memref<256x128x128xf32, #tpu.memory_space<vmem>>, vector<1x128x128xf32>
    %swap3A_2179 = vector.shape_cast %swap3A_2178 : vector<1x128x128xf32> to vector<128x128xf32>
    %swap3A_2180 = vector.shape_cast %mul3A_2174 : vector<128x128xf32> to vector<1x128x128xf32>
    tpu.vector_store %arg3[%swap3A_2175, %swap3A_2176, %swap3A_2177], %swap3A_2180 {strides = array<i32>} : memref<256x128x128xf32, #tpu.memory_space<vmem>>, vector<1x128x128xf32>,
    %slice3A_2181 = vector.extract_strided_slice %transpose3A {offsets = [0, 128], sizes = [128, 1], strides = [1, 1]} : vector<128x256xf32> to vector<128x1xf32>
    %broadcast_in_dim3A_2182 = vector.shape_cast %slice3A_2181 : vector<128x1xf32> to vector<128x1xf32>
    %broadcast_in_dim3A_2183 = vector.broadcast %broadcast_in_dim3A_2182 : vector<128x1xf32> to vector<128x128xf32>
    %sub3A_2184 = vector.broadcast %get3A_4 : vector<1x128xf32> to vector<128x128xf32>
    %sub3A_2185 = arith.subf %broadcast_in_dim3A_2183, %sub3A_2184 : vector<128x128xf32>
    %mul3A_2186 = arith.mulf %sub3A_2185, %sub3A_2185 : vector<128x128xf32>
    %mul3A_2187 = vector.broadcast %get3A_7 : vector<1x128xf32> to vector<128x128xf32>
    %mul3A_2188 = arith.mulf %mul3A_2186, %mul3A_2187 : vector<128x128xf32>
    %exp23A_2189 = math.exp2 %mul3A_2188 : vector<128x128xf32>
    %mul3A_2190 = vector.broadcast %get3A_10 : vector<1x128xf32> to vector<128x128xf32>
    %mul3A_2191 = arith.mulf %mul3A_2190, %exp23A_2189 : vector<128x128xf32>
    %swap3A_2192 = arith.constant 128 : index
    %swap3A_2193 = arith.constant 0 : index
    %swap3A_2194 = arith.constant 0 : index
    %swap3A_2195 = vector.load %arg3[%swap3A_2192, %swap3A_2193, %swap3A_2194] : memref<256x128x128xf32, #tpu.memory_space<vmem>>, vector<1x128x128xf32>
    %swap3A_2196 = vector.shape_cast %swap3A_2195 : vector<1x128x128xf32> to vector<128x128xf32>
    %swap3A_2197 = vector.shape_cast %mul3A_2191 : vector<128x128xf32> to vector<1x128x128xf32>
    tpu.vector_store %arg3[%swap3A_2192, %swap3A_2193, %swap3A_2194], %swap3A_2197 {strides = array<i32>} : memref<256x128x128xf32, #tpu.memory_space<vmem>>, vector<1x128x128xf32>,
    %slice3A_2198 = vector.extract_strided_slice %transpose3A {offsets = [0, 129], sizes = [128, 1], strides = [1, 1]} : vector<128x256xf32> to vector<128x1xf32>
    %broadcast_in_dim3A_2199 = vector.shape_cast %slice3A_2198 : vector<128x1xf32> to vector<128x1xf32>
    %broadcast_in_dim3A_2200 = vector.broadcast %broadcast_in_dim3A_2199 : vector<128x1xf32> to vector<128x128xf32>
    %sub3A_2201 = vector.broadcast %get3A_4 : vector<1x128xf32> to vector<128x128xf32>
    %sub3A_2202 = arith.subf %broadcast_in_dim3A_2200, %sub3A_2201 : vector<128x128xf32>
    %mul3A_2203 = arith.mulf %sub3A_2202, %sub3A_2202 : vector<128x128xf32>
    %mul3A_2204 = vector.broadcast %get3A_7 : vector<1x128xf32> to vector<128x128xf32>
    %mul3A_2205 = arith.mulf %mul3A_2203, %mul3A_2204 : vector<128x128xf32>
    %exp23A_2206 = math.exp2 %mul3A_2205 : vector<128x128xf32>
    %mul3A_2207 = vector.broadcast %get3A_10 : vector<1x128xf32> to vector<128x128xf32>
    %mul3A_2208 = arith.mulf %mul3A_2207, %exp23A_2206 : vector<128x128xf32>
    %swap3A_2209 = arith.constant 129 : index
    %swap3A_2210 = arith.constant 0 : index
    %swap3A_2211 = arith.constant 0 : index
    %swap3A_2212 = vector.load %arg3[%swap3A_2209, %swap3A_2210, %swap3A_2211] : memref<256x128x128xf32, #tpu.memory_space<vmem>>, vector<1x128x128xf32>
    %swap3A_2213 = vector.shape_cast %swap3A_2212 : vector<1x128x128xf32> to vector<128x128xf32>
    %swap3A_2214 = vector.shape_cast %mul3A_2208 : vector<128x128xf32> to vector<1x128x128xf32>
    tpu.vector_store %arg3[%swap3A_2209, %swap3A_2210, %swap3A_2211], %swap3A_2214 {strides = array<i32>} : memref<256x128x128xf32, #tpu.memory_space<vmem>>, vector<1x128x128xf32>,
    %slice3A_2215 = vector.extract_strided_slice %transpose3A {offsets = [0, 130], sizes = [128, 1], strides = [1, 1]} : vector<128x256xf32> to vector<128x1xf32>
    %broadcast_in_dim3A_2216 = vector.shape_cast %slice3A_2215 : vector<128x1xf32> to vector<128x1xf32>
    %broadcast_in_dim3A_2217 = vector.broadcast %broadcast_in_dim3A_2216 : vector<128x1xf32> to vector<128x128xf32>
    %sub3A_2218 = vector.broadcast %get3A_4 : vector<1x128xf32> to vector<128x128xf32>
    %sub3A_2219 = arith.subf %broadcast_in_dim3A_2217, %sub3A_2218 : vector<128x128xf32>
    %mul3A_2220 = arith.mulf %sub3A_2219, %sub3A_2219 : vector<128x128xf32>
    %mul3A_2221 = vector.broadcast %get3A_7 : vector<1x128xf32> to vector<128x128xf32>
    %mul3A_2222 = arith.mulf %mul3A_2220, %mul3A_2221 : vector<128x128xf32>
    %exp23A_2223 = math.exp2 %mul3A_2222 : vector<128x128xf32>
    %mul3A_2224 = vector.broadcast %get3A_10 : vector<1x128xf32> to vector<128x128xf32>
    %mul3A_2225 = arith.mulf %mul3A_2224, %exp23A_2223 : vector<128x128xf32>
    %swap3A_2226 = arith.constant 130 : index
    %swap3A_2227 = arith.constant 0 : index
    %swap3A_2228 = arith.constant 0 : index
    %swap3A_2229 = vector.load %arg3[%swap3A_2226, %swap3A_2227, %swap3A_2228] : memref<256x128x128xf32, #tpu.memory_space<vmem>>, vector<1x128x128xf32>
    %swap3A_2230 = vector.shape_cast %swap3A_2229 : vector<1x128x128xf32> to vector<128x128xf32>
    %swap3A_2231 = vector.shape_cast %mul3A_2225 : vector<128x128xf32> to vector<1x128x128xf32>
    tpu.vector_store %arg3[%swap3A_2226, %swap3A_2227, %swap3A_2228], %swap3A_2231 {strides = array<i32>} : memref<256x128x128xf32, #tpu.memory_space<vmem>>, vector<1x128x128xf32>,
    %slice3A_2232 = vector.extract_strided_slice %transpose3A {offsets = [0, 131], sizes = [128, 1], strides = [1, 1]} : vector<128x256xf32> to vector<128x1xf32>
    %broadcast_in_dim3A_2233 = vector.shape_cast %slice3A_2232 : vector<128x1xf32> to vector<128x1xf32>
    %broadcast_in_dim3A_2234 = vector.broadcast %broadcast_in_dim3A_2233 : vector<128x1xf32> to vector<128x128xf32>
    %sub3A_2235 = vector.broadcast %get3A_4 : vector<1x128xf32> to vector<128x128xf32>
    %sub3A_2236 = arith.subf %broadcast_in_dim3A_2234, %sub3A_2235 : vector<128x128xf32>
    %mul3A_2237 = arith.mulf %sub3A_2236, %sub3A_2236 : vector<128x128xf32>
    %mul3A_2238 = vector.broadcast %get3A_7 : vector<1x128xf32> to vector<128x128xf32>
    %mul3A_2239 = arith.mulf %mul3A_2237, %mul3A_2238 : vector<128x128xf32>
    %exp23A_2240 = math.exp2 %mul3A_2239 : vector<128x128xf32>
    %mul3A_2241 = vector.broadcast %get3A_10 : vector<1x128xf32> to vector<128x128xf32>
    %mul3A_2242 = arith.mulf %mul3A_2241, %exp23A_2240 : vector<128x128xf32>
    %swap3A_2243 = arith.constant 131 : index
    %swap3A_2244 = arith.constant 0 : index
    %swap3A_2245 = arith.constant 0 : index
    %swap3A_2246 = vector.load %arg3[%swap3A_2243, %swap3A_2244, %swap3A_2245] : memref<256x128x128xf32, #tpu.memory_space<vmem>>, vector<1x128x128xf32>
    %swap3A_2247 = vector.shape_cast %swap3A_2246 : vector<1x128x128xf32> to vector<128x128xf32>
    %swap3A_2248 = vector.shape_cast %mul3A_2242 : vector<128x128xf32> to vector<1x128x128xf32>
    tpu.vector_store %arg3[%swap3A_2243, %swap3A_2244, %swap3A_2245], %swap3A_2248 {strides = array<i32>} : memref<256x128x128xf32, #tpu.memory_space<vmem>>, vector<1x128x128xf32>,
    %slice3A_2249 = vector.extract_strided_slice %transpose3A {offsets = [0, 132], sizes = [128, 1], strides = [1, 1]} : vector<128x256xf32> to vector<128x1xf32>
    %broadcast_in_dim3A_2250 = vector.shape_cast %slice3A_2249 : vector<128x1xf32> to vector<128x1xf32>
    %broadcast_in_dim3A_2251 = vector.broadcast %broadcast_in_dim3A_2250 : vector<128x1xf32> to vector<128x128xf32>
    %sub3A_2252 = vector.broadcast %get3A_4 : vector<1x128xf32> to vector<128x128xf32>
    %sub3A_2253 = arith.subf %broadcast_in_dim3A_2251, %sub3A_2252 : vector<128x128xf32>
    %mul3A_2254 = arith.mulf %sub3A_2253, %sub3A_2253 : vector<128x128xf32>
    %mul3A_2255 = vector.broadcast %get3A_7 : vector<1x128xf32> to vector<128x128xf32>
    %mul3A_2256 = arith.mulf %mul3A_2254, %mul3A_2255 : vector<128x128xf32>
    %exp23A_2257 = math.exp2 %mul3A_2256 : vector<128x128xf32>
    %mul3A_2258 = vector.broadcast %get3A_10 : vector<1x128xf32> to vector<128x128xf32>
    %mul3A_2259 = arith.mulf %mul3A_2258, %exp23A_2257 : vector<128x128xf32>
    %swap3A_2260 = arith.constant 132 : index
    %swap3A_2261 = arith.constant 0 : index
    %swap3A_2262 = arith.constant 0 : index
    %swap3A_2263 = vector.load %arg3[%swap3A_2260, %swap3A_2261, %swap3A_2262] : memref<256x128x128xf32, #tpu.memory_space<vmem>>, vector<1x128x128xf32>
    %swap3A_2264 = vector.shape_cast %swap3A_2263 : vector<1x128x128xf32> to vector<128x128xf32>
    %swap3A_2265 = vector.shape_cast %mul3A_2259 : vector<128x128xf32> to vector<1x128x128xf32>
    tpu.vector_store %arg3[%swap3A_2260, %swap3A_2261, %swap3A_2262], %swap3A_2265 {strides = array<i32>} : memref<256x128x128xf32, #tpu.memory_space<vmem>>, vector<1x128x128xf32>,
    %slice3A_2266 = vector.extract_strided_slice %transpose3A {offsets = [0, 133], sizes = [128, 1], strides = [1, 1]} : vector<128x256xf32> to vector<128x1xf32>
    %broadcast_in_dim3A_2267 = vector.shape_cast %slice3A_2266 : vector<128x1xf32> to vector<128x1xf32>
    %broadcast_in_dim3A_2268 = vector.broadcast %broadcast_in_dim3A_2267 : vector<128x1xf32> to vector<128x128xf32>
    %sub3A_2269 = vector.broadcast %get3A_4 : vector<1x128xf32> to vector<128x128xf32>
    %sub3A_2270 = arith.subf %broadcast_in_dim3A_2268, %sub3A_2269 : vector<128x128xf32>
    %mul3A_2271 = arith.mulf %sub3A_2270, %sub3A_2270 : vector<128x128xf32>
    %mul3A_2272 = vector.broadcast %get3A_7 : vector<1x128xf32> to vector<128x128xf32>
    %mul3A_2273 = arith.mulf %mul3A_2271, %mul3A_2272 : vector<128x128xf32>
    %exp23A_2274 = math.exp2 %mul3A_2273 : vector<128x128xf32>
    %mul3A_2275 = vector.broadcast %get3A_10 : vector<1x128xf32> to vector<128x128xf32>
    %mul3A_2276 = arith.mulf %mul3A_2275, %exp23A_2274 : vector<128x128xf32>
    %swap3A_2277 = arith.constant 133 : index
    %swap3A_2278 = arith.constant 0 : index
    %swap3A_2279 = arith.constant 0 : index
    %swap3A_2280 = vector.load %arg3[%swap3A_2277, %swap3A_2278, %swap3A_2279] : memref<256x128x128xf32, #tpu.memory_space<vmem>>, vector<1x128x128xf32>
    %swap3A_2281 = vector.shape_cast %swap3A_2280 : vector<1x128x128xf32> to vector<128x128xf32>
    %swap3A_2282 = vector.shape_cast %mul3A_2276 : vector<128x128xf32> to vector<1x128x128xf32>
    tpu.vector_store %arg3[%swap3A_2277, %swap3A_2278, %swap3A_2279], %swap3A_2282 {strides = array<i32>} : memref<256x128x128xf32, #tpu.memory_space<vmem>>, vector<1x128x128xf32>,
    %slice3A_2283 = vector.extract_strided_slice %transpose3A {offsets = [0, 134], sizes = [128, 1], strides = [1, 1]} : vector<128x256xf32> to vector<128x1xf32>
    %broadcast_in_dim3A_2284 = vector.shape_cast %slice3A_2283 : vector<128x1xf32> to vector<128x1xf32>
    %broadcast_in_dim3A_2285 = vector.broadcast %broadcast_in_dim3A_2284 : vector<128x1xf32> to vector<128x128xf32>
    %sub3A_2286 = vector.broadcast %get3A_4 : vector<1x128xf32> to vector<128x128xf32>
    %sub3A_2287 = arith.subf %broadcast_in_dim3A_2285, %sub3A_2286 : vector<128x128xf32>
    %mul3A_2288 = arith.mulf %sub3A_2287, %sub3A_2287 : vector<128x128xf32>
    %mul3A_2289 = vector.broadcast %get3A_7 : vector<1x128xf32> to vector<128x128xf32>
    %mul3A_2290 = arith.mulf %mul3A_2288, %mul3A_2289 : vector<128x128xf32>
    %exp23A_2291 = math.exp2 %mul3A_2290 : vector<128x128xf32>
    %mul3A_2292 = vector.broadcast %get3A_10 : vector<1x128xf32> to vector<128x128xf32>
    %mul3A_2293 = arith.mulf %mul3A_2292, %exp23A_2291 : vector<128x128xf32>
    %swap3A_2294 = arith.constant 134 : index
    %swap3A_2295 = arith.constant 0 : index
    %swap3A_2296 = arith.constant 0 : index
    %swap3A_2297 = vector.load %arg3[%swap3A_2294, %swap3A_2295, %swap3A_2296] : memref<256x128x128xf32, #tpu.memory_space<vmem>>, vector<1x128x128xf32>
    %swap3A_2298 = vector.shape_cast %swap3A_2297 : vector<1x128x128xf32> to vector<128x128xf32>
    %swap3A_2299 = vector.shape_cast %mul3A_2293 : vector<128x128xf32> to vector<1x128x128xf32>
    tpu.vector_store %arg3[%swap3A_2294, %swap3A_2295, %swap3A_2296], %swap3A_2299 {strides = array<i32>} : memref<256x128x128xf32, #tpu.memory_space<vmem>>, vector<1x128x128xf32>,
    %slice3A_2300 = vector.extract_strided_slice %transpose3A {offsets = [0, 135], sizes = [128, 1], strides = [1, 1]} : vector<128x256xf32> to vector<128x1xf32>
    %broadcast_in_dim3A_2301 = vector.shape_cast %slice3A_2300 : vector<128x1xf32> to vector<128x1xf32>
    %broadcast_in_dim3A_2302 = vector.broadcast %broadcast_in_dim3A_2301 : vector<128x1xf32> to vector<128x128xf32>
    %sub3A_2303 = vector.broadcast %get3A_4 : vector<1x128xf32> to vector<128x128xf32>
    %sub3A_2304 = arith.subf %broadcast_in_dim3A_2302, %sub3A_2303 : vector<128x128xf32>
    %mul3A_2305 = arith.mulf %sub3A_2304, %sub3A_2304 : vector<128x128xf32>
    %mul3A_2306 = vector.broadcast %get3A_7 : vector<1x128xf32> to vector<128x128xf32>
    %mul3A_2307 = arith.mulf %mul3A_2305, %mul3A_2306 : vector<128x128xf32>
    %exp23A_2308 = math.exp2 %mul3A_2307 : vector<128x128xf32>
    %mul3A_2309 = vector.broadcast %get3A_10 : vector<1x128xf32> to vector<128x128xf32>
    %mul3A_2310 = arith.mulf %mul3A_2309, %exp23A_2308 : vector<128x128xf32>
    %swap3A_2311 = arith.constant 135 : index
    %swap3A_2312 = arith.constant 0 : index
    %swap3A_2313 = arith.constant 0 : index
    %swap3A_2314 = vector.load %arg3[%swap3A_2311, %swap3A_2312, %swap3A_2313] : memref<256x128x128xf32, #tpu.memory_space<vmem>>, vector<1x128x128xf32>
    %swap3A_2315 = vector.shape_cast %swap3A_2314 : vector<1x128x128xf32> to vector<128x128xf32>
    %swap3A_2316 = vector.shape_cast %mul3A_2310 : vector<128x128xf32> to vector<1x128x128xf32>
    tpu.vector_store %arg3[%swap3A_2311, %swap3A_2312, %swap3A_2313], %swap3A_2316 {strides = array<i32>} : memref<256x128x128xf32, #tpu.memory_space<vmem>>, vector<1x128x128xf32>,
    %slice3A_2317 = vector.extract_strided_slice %transpose3A {offsets = [0, 136], sizes = [128, 1], strides = [1, 1]} : vector<128x256xf32> to vector<128x1xf32>
    %broadcast_in_dim3A_2318 = vector.shape_cast %slice3A_2317 : vector<128x1xf32> to vector<128x1xf32>
    %broadcast_in_dim3A_2319 = vector.broadcast %broadcast_in_dim3A_2318 : vector<128x1xf32> to vector<128x128xf32>
    %sub3A_2320 = vector.broadcast %get3A_4 : vector<1x128xf32> to vector<128x128xf32>
    %sub3A_2321 = arith.subf %broadcast_in_dim3A_2319, %sub3A_2320 : vector<128x128xf32>
    %mul3A_2322 = arith.mulf %sub3A_2321, %sub3A_2321 : vector<128x128xf32>
    %mul3A_2323 = vector.broadcast %get3A_7 : vector<1x128xf32> to vector<128x128xf32>
    %mul3A_2324 = arith.mulf %mul3A_2322, %mul3A_2323 : vector<128x128xf32>
    %exp23A_2325 = math.exp2 %mul3A_2324 : vector<128x128xf32>
    %mul3A_2326 = vector.broadcast %get3A_10 : vector<1x128xf32> to vector<128x128xf32>
    %mul3A_2327 = arith.mulf %mul3A_2326, %exp23A_2325 : vector<128x128xf32>
    %swap3A_2328 = arith.constant 136 : index
    %swap3A_2329 = arith.constant 0 : index
    %swap3A_2330 = arith.constant 0 : index
    %swap3A_2331 = vector.load %arg3[%swap3A_2328, %swap3A_2329, %swap3A_2330] : memref<256x128x128xf32, #tpu.memory_space<vmem>>, vector<1x128x128xf32>
    %swap3A_2332 = vector.shape_cast %swap3A_2331 : vector<1x128x128xf32> to vector<128x128xf32>
    %swap3A_2333 = vector.shape_cast %mul3A_2327 : vector<128x128xf32> to vector<1x128x128xf32>
    tpu.vector_store %arg3[%swap3A_2328, %swap3A_2329, %swap3A_2330], %swap3A_2333 {strides = array<i32>} : memref<256x128x128xf32, #tpu.memory_space<vmem>>, vector<1x128x128xf32>,
    %slice3A_2334 = vector.extract_strided_slice %transpose3A {offsets = [0, 137], sizes = [128, 1], strides = [1, 1]} : vector<128x256xf32> to vector<128x1xf32>
    %broadcast_in_dim3A_2335 = vector.shape_cast %slice3A_2334 : vector<128x1xf32> to vector<128x1xf32>
    %broadcast_in_dim3A_2336 = vector.broadcast %broadcast_in_dim3A_2335 : vector<128x1xf32> to vector<128x128xf32>
    %sub3A_2337 = vector.broadcast %get3A_4 : vector<1x128xf32> to vector<128x128xf32>
    %sub3A_2338 = arith.subf %broadcast_in_dim3A_2336, %sub3A_2337 : vector<128x128xf32>
    %mul3A_2339 = arith.mulf %sub3A_2338, %sub3A_2338 : vector<128x128xf32>
    %mul3A_2340 = vector.broadcast %get3A_7 : vector<1x128xf32> to vector<128x128xf32>
    %mul3A_2341 = arith.mulf %mul3A_2339, %mul3A_2340 : vector<128x128xf32>
    %exp23A_2342 = math.exp2 %mul3A_2341 : vector<128x128xf32>
    %mul3A_2343 = vector.broadcast %get3A_10 : vector<1x128xf32> to vector<128x128xf32>
    %mul3A_2344 = arith.mulf %mul3A_2343, %exp23A_2342 : vector<128x128xf32>
    %swap3A_2345 = arith.constant 137 : index
    %swap3A_2346 = arith.constant 0 : index
    %swap3A_2347 = arith.constant 0 : index
    %swap3A_2348 = vector.load %arg3[%swap3A_2345, %swap3A_2346, %swap3A_2347] : memref<256x128x128xf32, #tpu.memory_space<vmem>>, vector<1x128x128xf32>
    %swap3A_2349 = vector.shape_cast %swap3A_2348 : vector<1x128x128xf32> to vector<128x128xf32>
    %swap3A_2350 = vector.shape_cast %mul3A_2344 : vector<128x128xf32> to vector<1x128x128xf32>
    tpu.vector_store %arg3[%swap3A_2345, %swap3A_2346, %swap3A_2347], %swap3A_2350 {strides = array<i32>} : memref<256x128x128xf32, #tpu.memory_space<vmem>>, vector<1x128x128xf32>,
    %slice3A_2351 = vector.extract_strided_slice %transpose3A {offsets = [0, 138], sizes = [128, 1], strides = [1, 1]} : vector<128x256xf32> to vector<128x1xf32>
    %broadcast_in_dim3A_2352 = vector.shape_cast %slice3A_2351 : vector<128x1xf32> to vector<128x1xf32>
    %broadcast_in_dim3A_2353 = vector.broadcast %broadcast_in_dim3A_2352 : vector<128x1xf32> to vector<128x128xf32>
    %sub3A_2354 = vector.broadcast %get3A_4 : vector<1x128xf32> to vector<128x128xf32>
    %sub3A_2355 = arith.subf %broadcast_in_dim3A_2353, %sub3A_2354 : vector<128x128xf32>
    %mul3A_2356 = arith.mulf %sub3A_2355, %sub3A_2355 : vector<128x128xf32>
    %mul3A_2357 = vector.broadcast %get3A_7 : vector<1x128xf32> to vector<128x128xf32>
    %mul3A_2358 = arith.mulf %mul3A_2356, %mul3A_2357 : vector<128x128xf32>
    %exp23A_2359 = math.exp2 %mul3A_2358 : vector<128x128xf32>
    %mul3A_2360 = vector.broadcast %get3A_10 : vector<1x128xf32> to vector<128x128xf32>
    %mul3A_2361 = arith.mulf %mul3A_2360, %exp23A_2359 : vector<128x128xf32>
    %swap3A_2362 = arith.constant 138 : index
    %swap3A_2363 = arith.constant 0 : index
    %swap3A_2364 = arith.constant 0 : index
    %swap3A_2365 = vector.load %arg3[%swap3A_2362, %swap3A_2363, %swap3A_2364] : memref<256x128x128xf32, #tpu.memory_space<vmem>>, vector<1x128x128xf32>
    %swap3A_2366 = vector.shape_cast %swap3A_2365 : vector<1x128x128xf32> to vector<128x128xf32>
    %swap3A_2367 = vector.shape_cast %mul3A_2361 : vector<128x128xf32> to vector<1x128x128xf32>
    tpu.vector_store %arg3[%swap3A_2362, %swap3A_2363, %swap3A_2364], %swap3A_2367 {strides = array<i32>} : memref<256x128x128xf32, #tpu.memory_space<vmem>>, vector<1x128x128xf32>,
    %slice3A_2368 = vector.extract_strided_slice %transpose3A {offsets = [0, 139], sizes = [128, 1], strides = [1, 1]} : vector<128x256xf32> to vector<128x1xf32>
    %broadcast_in_dim3A_2369 = vector.shape_cast %slice3A_2368 : vector<128x1xf32> to vector<128x1xf32>
    %broadcast_in_dim3A_2370 = vector.broadcast %broadcast_in_dim3A_2369 : vector<128x1xf32> to vector<128x128xf32>
    %sub3A_2371 = vector.broadcast %get3A_4 : vector<1x128xf32> to vector<128x128xf32>
    %sub3A_2372 = arith.subf %broadcast_in_dim3A_2370, %sub3A_2371 : vector<128x128xf32>
    %mul3A_2373 = arith.mulf %sub3A_2372, %sub3A_2372 : vector<128x128xf32>
    %mul3A_2374 = vector.broadcast %get3A_7 : vector<1x128xf32> to vector<128x128xf32>
    %mul3A_2375 = arith.mulf %mul3A_2373, %mul3A_2374 : vector<128x128xf32>
    %exp23A_2376 = math.exp2 %mul3A_2375 : vector<128x128xf32>
    %mul3A_2377 = vector.broadcast %get3A_10 : vector<1x128xf32> to vector<128x128xf32>
    %mul3A_2378 = arith.mulf %mul3A_2377, %exp23A_2376 : vector<128x128xf32>
    %swap3A_2379 = arith.constant 139 : index
    %swap3A_2380 = arith.constant 0 : index
    %swap3A_2381 = arith.constant 0 : index
    %swap3A_2382 = vector.load %arg3[%swap3A_2379, %swap3A_2380, %swap3A_2381] : memref<256x128x128xf32, #tpu.memory_space<vmem>>, vector<1x128x128xf32>
    %swap3A_2383 = vector.shape_cast %swap3A_2382 : vector<1x128x128xf32> to vector<128x128xf32>
    %swap3A_2384 = vector.shape_cast %mul3A_2378 : vector<128x128xf32> to vector<1x128x128xf32>
    tpu.vector_store %arg3[%swap3A_2379, %swap3A_2380, %swap3A_2381], %swap3A_2384 {strides = array<i32>} : memref<256x128x128xf32, #tpu.memory_space<vmem>>, vector<1x128x128xf32>,
    %slice3A_2385 = vector.extract_strided_slice %transpose3A {offsets = [0, 140], sizes = [128, 1], strides = [1, 1]} : vector<128x256xf32> to vector<128x1xf32>
    %broadcast_in_dim3A_2386 = vector.shape_cast %slice3A_2385 : vector<128x1xf32> to vector<128x1xf32>
    %broadcast_in_dim3A_2387 = vector.broadcast %broadcast_in_dim3A_2386 : vector<128x1xf32> to vector<128x128xf32>
    %sub3A_2388 = vector.broadcast %get3A_4 : vector<1x128xf32> to vector<128x128xf32>
    %sub3A_2389 = arith.subf %broadcast_in_dim3A_2387, %sub3A_2388 : vector<128x128xf32>
    %mul3A_2390 = arith.mulf %sub3A_2389, %sub3A_2389 : vector<128x128xf32>
    %mul3A_2391 = vector.broadcast %get3A_7 : vector<1x128xf32> to vector<128x128xf32>
    %mul3A_2392 = arith.mulf %mul3A_2390, %mul3A_2391 : vector<128x128xf32>
    %exp23A_2393 = math.exp2 %mul3A_2392 : vector<128x128xf32>
    %mul3A_2394 = vector.broadcast %get3A_10 : vector<1x128xf32> to vector<128x128xf32>
    %mul3A_2395 = arith.mulf %mul3A_2394, %exp23A_2393 : vector<128x128xf32>
    %swap3A_2396 = arith.constant 140 : index
    %swap3A_2397 = arith.constant 0 : index
    %swap3A_2398 = arith.constant 0 : index
    %swap3A_2399 = vector.load %arg3[%swap3A_2396, %swap3A_2397, %swap3A_2398] : memref<256x128x128xf32, #tpu.memory_space<vmem>>, vector<1x128x128xf32>
    %swap3A_2400 = vector.shape_cast %swap3A_2399 : vector<1x128x128xf32> to vector<128x128xf32>
    %swap3A_2401 = vector.shape_cast %mul3A_2395 : vector<128x128xf32> to vector<1x128x128xf32>
    tpu.vector_store %arg3[%swap3A_2396, %swap3A_2397, %swap3A_2398], %swap3A_2401 {strides = array<i32>} : memref<256x128x128xf32, #tpu.memory_space<vmem>>, vector<1x128x128xf32>,
    %slice3A_2402 = vector.extract_strided_slice %transpose3A {offsets = [0, 141], sizes = [128, 1], strides = [1, 1]} : vector<128x256xf32> to vector<128x1xf32>
    %broadcast_in_dim3A_2403 = vector.shape_cast %slice3A_2402 : vector<128x1xf32> to vector<128x1xf32>
    %broadcast_in_dim3A_2404 = vector.broadcast %broadcast_in_dim3A_2403 : vector<128x1xf32> to vector<128x128xf32>
    %sub3A_2405 = vector.broadcast %get3A_4 : vector<1x128xf32> to vector<128x128xf32>
    %sub3A_2406 = arith.subf %broadcast_in_dim3A_2404, %sub3A_2405 : vector<128x128xf32>
    %mul3A_2407 = arith.mulf %sub3A_2406, %sub3A_2406 : vector<128x128xf32>
    %mul3A_2408 = vector.broadcast %get3A_7 : vector<1x128xf32> to vector<128x128xf32>
    %mul3A_2409 = arith.mulf %mul3A_2407, %mul3A_2408 : vector<128x128xf32>
    %exp23A_2410 = math.exp2 %mul3A_2409 : vector<128x128xf32>
    %mul3A_2411 = vector.broadcast %get3A_10 : vector<1x128xf32> to vector<128x128xf32>
    %mul3A_2412 = arith.mulf %mul3A_2411, %exp23A_2410 : vector<128x128xf32>
    %swap3A_2413 = arith.constant 141 : index
    %swap3A_2414 = arith.constant 0 : index
    %swap3A_2415 = arith.constant 0 : index
    %swap3A_2416 = vector.load %arg3[%swap3A_2413, %swap3A_2414, %swap3A_2415] : memref<256x128x128xf32, #tpu.memory_space<vmem>>, vector<1x128x128xf32>
    %swap3A_2417 = vector.shape_cast %swap3A_2416 : vector<1x128x128xf32> to vector<128x128xf32>
    %swap3A_2418 = vector.shape_cast %mul3A_2412 : vector<128x128xf32> to vector<1x128x128xf32>
    tpu.vector_store %arg3[%swap3A_2413, %swap3A_2414, %swap3A_2415], %swap3A_2418 {strides = array<i32>} : memref<256x128x128xf32, #tpu.memory_space<vmem>>, vector<1x128x128xf32>,
    %slice3A_2419 = vector.extract_strided_slice %transpose3A {offsets = [0, 142], sizes = [128, 1], strides = [1, 1]} : vector<128x256xf32> to vector<128x1xf32>
    %broadcast_in_dim3A_2420 = vector.shape_cast %slice3A_2419 : vector<128x1xf32> to vector<128x1xf32>
    %broadcast_in_dim3A_2421 = vector.broadcast %broadcast_in_dim3A_2420 : vector<128x1xf32> to vector<128x128xf32>
    %sub3A_2422 = vector.broadcast %get3A_4 : vector<1x128xf32> to vector<128x128xf32>
    %sub3A_2423 = arith.subf %broadcast_in_dim3A_2421, %sub3A_2422 : vector<128x128xf32>
    %mul3A_2424 = arith.mulf %sub3A_2423, %sub3A_2423 : vector<128x128xf32>
    %mul3A_2425 = vector.broadcast %get3A_7 : vector<1x128xf32> to vector<128x128xf32>
    %mul3A_2426 = arith.mulf %mul3A_2424, %mul3A_2425 : vector<128x128xf32>
    %exp23A_2427 = math.exp2 %mul3A_2426 : vector<128x128xf32>
    %mul3A_2428 = vector.broadcast %get3A_10 : vector<1x128xf32> to vector<128x128xf32>
    %mul3A_2429 = arith.mulf %mul3A_2428, %exp23A_2427 : vector<128x128xf32>
    %swap3A_2430 = arith.constant 142 : index
    %swap3A_2431 = arith.constant 0 : index
    %swap3A_2432 = arith.constant 0 : index
    %swap3A_2433 = vector.load %arg3[%swap3A_2430, %swap3A_2431, %swap3A_2432] : memref<256x128x128xf32, #tpu.memory_space<vmem>>, vector<1x128x128xf32>
    %swap3A_2434 = vector.shape_cast %swap3A_2433 : vector<1x128x128xf32> to vector<128x128xf32>
    %swap3A_2435 = vector.shape_cast %mul3A_2429 : vector<128x128xf32> to vector<1x128x128xf32>
    tpu.vector_store %arg3[%swap3A_2430, %swap3A_2431, %swap3A_2432], %swap3A_2435 {strides = array<i32>} : memref<256x128x128xf32, #tpu.memory_space<vmem>>, vector<1x128x128xf32>,
    %slice3A_2436 = vector.extract_strided_slice %transpose3A {offsets = [0, 143], sizes = [128, 1], strides = [1, 1]} : vector<128x256xf32> to vector<128x1xf32>
    %broadcast_in_dim3A_2437 = vector.shape_cast %slice3A_2436 : vector<128x1xf32> to vector<128x1xf32>
    %broadcast_in_dim3A_2438 = vector.broadcast %broadcast_in_dim3A_2437 : vector<128x1xf32> to vector<128x128xf32>
    %sub3A_2439 = vector.broadcast %get3A_4 : vector<1x128xf32> to vector<128x128xf32>
    %sub3A_2440 = arith.subf %broadcast_in_dim3A_2438, %sub3A_2439 : vector<128x128xf32>
    %mul3A_2441 = arith.mulf %sub3A_2440, %sub3A_2440 : vector<128x128xf32>
    %mul3A_2442 = vector.broadcast %get3A_7 : vector<1x128xf32> to vector<128x128xf32>
    %mul3A_2443 = arith.mulf %mul3A_2441, %mul3A_2442 : vector<128x128xf32>
    %exp23A_2444 = math.exp2 %mul3A_2443 : vector<128x128xf32>
    %mul3A_2445 = vector.broadcast %get3A_10 : vector<1x128xf32> to vector<128x128xf32>
    %mul3A_2446 = arith.mulf %mul3A_2445, %exp23A_2444 : vector<128x128xf32>
    %swap3A_2447 = arith.constant 143 : index
    %swap3A_2448 = arith.constant 0 : index
    %swap3A_2449 = arith.constant 0 : index
    %swap3A_2450 = vector.load %arg3[%swap3A_2447, %swap3A_2448, %swap3A_2449] : memref<256x128x128xf32, #tpu.memory_space<vmem>>, vector<1x128x128xf32>
    %swap3A_2451 = vector.shape_cast %swap3A_2450 : vector<1x128x128xf32> to vector<128x128xf32>
    %swap3A_2452 = vector.shape_cast %mul3A_2446 : vector<128x128xf32> to vector<1x128x128xf32>
    tpu.vector_store %arg3[%swap3A_2447, %swap3A_2448, %swap3A_2449], %swap3A_2452 {strides = array<i32>} : memref<256x128x128xf32, #tpu.memory_space<vmem>>, vector<1x128x128xf32>,
    %slice3A_2453 = vector.extract_strided_slice %transpose3A {offsets = [0, 144], sizes = [128, 1], strides = [1, 1]} : vector<128x256xf32> to vector<128x1xf32>
    %broadcast_in_dim3A_2454 = vector.shape_cast %slice3A_2453 : vector<128x1xf32> to vector<128x1xf32>
    %broadcast_in_dim3A_2455 = vector.broadcast %broadcast_in_dim3A_2454 : vector<128x1xf32> to vector<128x128xf32>
    %sub3A_2456 = vector.broadcast %get3A_4 : vector<1x128xf32> to vector<128x128xf32>
    %sub3A_2457 = arith.subf %broadcast_in_dim3A_2455, %sub3A_2456 : vector<128x128xf32>
    %mul3A_2458 = arith.mulf %sub3A_2457, %sub3A_2457 : vector<128x128xf32>
    %mul3A_2459 = vector.broadcast %get3A_7 : vector<1x128xf32> to vector<128x128xf32>
    %mul3A_2460 = arith.mulf %mul3A_2458, %mul3A_2459 : vector<128x128xf32>
    %exp23A_2461 = math.exp2 %mul3A_2460 : vector<128x128xf32>
    %mul3A_2462 = vector.broadcast %get3A_10 : vector<1x128xf32> to vector<128x128xf32>
    %mul3A_2463 = arith.mulf %mul3A_2462, %exp23A_2461 : vector<128x128xf32>
    %swap3A_2464 = arith.constant 144 : index
    %swap3A_2465 = arith.constant 0 : index
    %swap3A_2466 = arith.constant 0 : index
    %swap3A_2467 = vector.load %arg3[%swap3A_2464, %swap3A_2465, %swap3A_2466] : memref<256x128x128xf32, #tpu.memory_space<vmem>>, vector<1x128x128xf32>
    %swap3A_2468 = vector.shape_cast %swap3A_2467 : vector<1x128x128xf32> to vector<128x128xf32>
    %swap3A_2469 = vector.shape_cast %mul3A_2463 : vector<128x128xf32> to vector<1x128x128xf32>
    tpu.vector_store %arg3[%swap3A_2464, %swap3A_2465, %swap3A_2466], %swap3A_2469 {strides = array<i32>} : memref<256x128x128xf32, #tpu.memory_space<vmem>>, vector<1x128x128xf32>,
    %slice3A_2470 = vector.extract_strided_slice %transpose3A {offsets = [0, 145], sizes = [128, 1], strides = [1, 1]} : vector<128x256xf32> to vector<128x1xf32>
    %broadcast_in_dim3A_2471 = vector.shape_cast %slice3A_2470 : vector<128x1xf32> to vector<128x1xf32>
    %broadcast_in_dim3A_2472 = vector.broadcast %broadcast_in_dim3A_2471 : vector<128x1xf32> to vector<128x128xf32>
    %sub3A_2473 = vector.broadcast %get3A_4 : vector<1x128xf32> to vector<128x128xf32>
    %sub3A_2474 = arith.subf %broadcast_in_dim3A_2472, %sub3A_2473 : vector<128x128xf32>
    %mul3A_2475 = arith.mulf %sub3A_2474, %sub3A_2474 : vector<128x128xf32>
    %mul3A_2476 = vector.broadcast %get3A_7 : vector<1x128xf32> to vector<128x128xf32>
    %mul3A_2477 = arith.mulf %mul3A_2475, %mul3A_2476 : vector<128x128xf32>
    %exp23A_2478 = math.exp2 %mul3A_2477 : vector<128x128xf32>
    %mul3A_2479 = vector.broadcast %get3A_10 : vector<1x128xf32> to vector<128x128xf32>
    %mul3A_2480 = arith.mulf %mul3A_2479, %exp23A_2478 : vector<128x128xf32>
    %swap3A_2481 = arith.constant 145 : index
    %swap3A_2482 = arith.constant 0 : index
    %swap3A_2483 = arith.constant 0 : index
    %swap3A_2484 = vector.load %arg3[%swap3A_2481, %swap3A_2482, %swap3A_2483] : memref<256x128x128xf32, #tpu.memory_space<vmem>>, vector<1x128x128xf32>
    %swap3A_2485 = vector.shape_cast %swap3A_2484 : vector<1x128x128xf32> to vector<128x128xf32>
    %swap3A_2486 = vector.shape_cast %mul3A_2480 : vector<128x128xf32> to vector<1x128x128xf32>
    tpu.vector_store %arg3[%swap3A_2481, %swap3A_2482, %swap3A_2483], %swap3A_2486 {strides = array<i32>} : memref<256x128x128xf32, #tpu.memory_space<vmem>>, vector<1x128x128xf32>,
    %slice3A_2487 = vector.extract_strided_slice %transpose3A {offsets = [0, 146], sizes = [128, 1], strides = [1, 1]} : vector<128x256xf32> to vector<128x1xf32>
    %broadcast_in_dim3A_2488 = vector.shape_cast %slice3A_2487 : vector<128x1xf32> to vector<128x1xf32>
    %broadcast_in_dim3A_2489 = vector.broadcast %broadcast_in_dim3A_2488 : vector<128x1xf32> to vector<128x128xf32>
    %sub3A_2490 = vector.broadcast %get3A_4 : vector<1x128xf32> to vector<128x128xf32>
    %sub3A_2491 = arith.subf %broadcast_in_dim3A_2489, %sub3A_2490 : vector<128x128xf32>
    %mul3A_2492 = arith.mulf %sub3A_2491, %sub3A_2491 : vector<128x128xf32>
    %mul3A_2493 = vector.broadcast %get3A_7 : vector<1x128xf32> to vector<128x128xf32>
    %mul3A_2494 = arith.mulf %mul3A_2492, %mul3A_2493 : vector<128x128xf32>
    %exp23A_2495 = math.exp2 %mul3A_2494 : vector<128x128xf32>
    %mul3A_2496 = vector.broadcast %get3A_10 : vector<1x128xf32> to vector<128x128xf32>
    %mul3A_2497 = arith.mulf %mul3A_2496, %exp23A_2495 : vector<128x128xf32>
    %swap3A_2498 = arith.constant 146 : index
    %swap3A_2499 = arith.constant 0 : index
    %swap3A_2500 = arith.constant 0 : index
    %swap3A_2501 = vector.load %arg3[%swap3A_2498, %swap3A_2499, %swap3A_2500] : memref<256x128x128xf32, #tpu.memory_space<vmem>>, vector<1x128x128xf32>
    %swap3A_2502 = vector.shape_cast %swap3A_2501 : vector<1x128x128xf32> to vector<128x128xf32>
    %swap3A_2503 = vector.shape_cast %mul3A_2497 : vector<128x128xf32> to vector<1x128x128xf32>
    tpu.vector_store %arg3[%swap3A_2498, %swap3A_2499, %swap3A_2500], %swap3A_2503 {strides = array<i32>} : memref<256x128x128xf32, #tpu.memory_space<vmem>>, vector<1x128x128xf32>,
    %slice3A_2504 = vector.extract_strided_slice %transpose3A {offsets = [0, 147], sizes = [128, 1], strides = [1, 1]} : vector<128x256xf32> to vector<128x1xf32>
    %broadcast_in_dim3A_2505 = vector.shape_cast %slice3A_2504 : vector<128x1xf32> to vector<128x1xf32>
    %broadcast_in_dim3A_2506 = vector.broadcast %broadcast_in_dim3A_2505 : vector<128x1xf32> to vector<128x128xf32>
    %sub3A_2507 = vector.broadcast %get3A_4 : vector<1x128xf32> to vector<128x128xf32>
    %sub3A_2508 = arith.subf %broadcast_in_dim3A_2506, %sub3A_2507 : vector<128x128xf32>
    %mul3A_2509 = arith.mulf %sub3A_2508, %sub3A_2508 : vector<128x128xf32>
    %mul3A_2510 = vector.broadcast %get3A_7 : vector<1x128xf32> to vector<128x128xf32>
    %mul3A_2511 = arith.mulf %mul3A_2509, %mul3A_2510 : vector<128x128xf32>
    %exp23A_2512 = math.exp2 %mul3A_2511 : vector<128x128xf32>
    %mul3A_2513 = vector.broadcast %get3A_10 : vector<1x128xf32> to vector<128x128xf32>
    %mul3A_2514 = arith.mulf %mul3A_2513, %exp23A_2512 : vector<128x128xf32>
    %swap3A_2515 = arith.constant 147 : index
    %swap3A_2516 = arith.constant 0 : index
    %swap3A_2517 = arith.constant 0 : index
    %swap3A_2518 = vector.load %arg3[%swap3A_2515, %swap3A_2516, %swap3A_2517] : memref<256x128x128xf32, #tpu.memory_space<vmem>>, vector<1x128x128xf32>
    %swap3A_2519 = vector.shape_cast %swap3A_2518 : vector<1x128x128xf32> to vector<128x128xf32>
    %swap3A_2520 = vector.shape_cast %mul3A_2514 : vector<128x128xf32> to vector<1x128x128xf32>
    tpu.vector_store %arg3[%swap3A_2515, %swap3A_2516, %swap3A_2517], %swap3A_2520 {strides = array<i32>} : memref<256x128x128xf32, #tpu.memory_space<vmem>>, vector<1x128x128xf32>,
    %slice3A_2521 = vector.extract_strided_slice %transpose3A {offsets = [0, 148], sizes = [128, 1], strides = [1, 1]} : vector<128x256xf32> to vector<128x1xf32>
    %broadcast_in_dim3A_2522 = vector.shape_cast %slice3A_2521 : vector<128x1xf32> to vector<128x1xf32>
    %broadcast_in_dim3A_2523 = vector.broadcast %broadcast_in_dim3A_2522 : vector<128x1xf32> to vector<128x128xf32>
    %sub3A_2524 = vector.broadcast %get3A_4 : vector<1x128xf32> to vector<128x128xf32>
    %sub3A_2525 = arith.subf %broadcast_in_dim3A_2523, %sub3A_2524 : vector<128x128xf32>
    %mul3A_2526 = arith.mulf %sub3A_2525, %sub3A_2525 : vector<128x128xf32>
    %mul3A_2527 = vector.broadcast %get3A_7 : vector<1x128xf32> to vector<128x128xf32>
    %mul3A_2528 = arith.mulf %mul3A_2526, %mul3A_2527 : vector<128x128xf32>
    %exp23A_2529 = math.exp2 %mul3A_2528 : vector<128x128xf32>
    %mul3A_2530 = vector.broadcast %get3A_10 : vector<1x128xf32> to vector<128x128xf32>
    %mul3A_2531 = arith.mulf %mul3A_2530, %exp23A_2529 : vector<128x128xf32>
    %swap3A_2532 = arith.constant 148 : index
    %swap3A_2533 = arith.constant 0 : index
    %swap3A_2534 = arith.constant 0 : index
    %swap3A_2535 = vector.load %arg3[%swap3A_2532, %swap3A_2533, %swap3A_2534] : memref<256x128x128xf32, #tpu.memory_space<vmem>>, vector<1x128x128xf32>
    %swap3A_2536 = vector.shape_cast %swap3A_2535 : vector<1x128x128xf32> to vector<128x128xf32>
    %swap3A_2537 = vector.shape_cast %mul3A_2531 : vector<128x128xf32> to vector<1x128x128xf32>
    tpu.vector_store %arg3[%swap3A_2532, %swap3A_2533, %swap3A_2534], %swap3A_2537 {strides = array<i32>} : memref<256x128x128xf32, #tpu.memory_space<vmem>>, vector<1x128x128xf32>,
    %slice3A_2538 = vector.extract_strided_slice %transpose3A {offsets = [0, 149], sizes = [128, 1], strides = [1, 1]} : vector<128x256xf32> to vector<128x1xf32>
    %broadcast_in_dim3A_2539 = vector.shape_cast %slice3A_2538 : vector<128x1xf32> to vector<128x1xf32>
    %broadcast_in_dim3A_2540 = vector.broadcast %broadcast_in_dim3A_2539 : vector<128x1xf32> to vector<128x128xf32>
    %sub3A_2541 = vector.broadcast %get3A_4 : vector<1x128xf32> to vector<128x128xf32>
    %sub3A_2542 = arith.subf %broadcast_in_dim3A_2540, %sub3A_2541 : vector<128x128xf32>
    %mul3A_2543 = arith.mulf %sub3A_2542, %sub3A_2542 : vector<128x128xf32>
    %mul3A_2544 = vector.broadcast %get3A_7 : vector<1x128xf32> to vector<128x128xf32>
    %mul3A_2545 = arith.mulf %mul3A_2543, %mul3A_2544 : vector<128x128xf32>
    %exp23A_2546 = math.exp2 %mul3A_2545 : vector<128x128xf32>
    %mul3A_2547 = vector.broadcast %get3A_10 : vector<1x128xf32> to vector<128x128xf32>
    %mul3A_2548 = arith.mulf %mul3A_2547, %exp23A_2546 : vector<128x128xf32>
    %swap3A_2549 = arith.constant 149 : index
    %swap3A_2550 = arith.constant 0 : index
    %swap3A_2551 = arith.constant 0 : index
    %swap3A_2552 = vector.load %arg3[%swap3A_2549, %swap3A_2550, %swap3A_2551] : memref<256x128x128xf32, #tpu.memory_space<vmem>>, vector<1x128x128xf32>
    %swap3A_2553 = vector.shape_cast %swap3A_2552 : vector<1x128x128xf32> to vector<128x128xf32>
    %swap3A_2554 = vector.shape_cast %mul3A_2548 : vector<128x128xf32> to vector<1x128x128xf32>
    tpu.vector_store %arg3[%swap3A_2549, %swap3A_2550, %swap3A_2551], %swap3A_2554 {strides = array<i32>} : memref<256x128x128xf32, #tpu.memory_space<vmem>>, vector<1x128x128xf32>,
    %slice3A_2555 = vector.extract_strided_slice %transpose3A {offsets = [0, 150], sizes = [128, 1], strides = [1, 1]} : vector<128x256xf32> to vector<128x1xf32>
    %broadcast_in_dim3A_2556 = vector.shape_cast %slice3A_2555 : vector<128x1xf32> to vector<128x1xf32>
    %broadcast_in_dim3A_2557 = vector.broadcast %broadcast_in_dim3A_2556 : vector<128x1xf32> to vector<128x128xf32>
    %sub3A_2558 = vector.broadcast %get3A_4 : vector<1x128xf32> to vector<128x128xf32>
    %sub3A_2559 = arith.subf %broadcast_in_dim3A_2557, %sub3A_2558 : vector<128x128xf32>
    %mul3A_2560 = arith.mulf %sub3A_2559, %sub3A_2559 : vector<128x128xf32>
    %mul3A_2561 = vector.broadcast %get3A_7 : vector<1x128xf32> to vector<128x128xf32>
    %mul3A_2562 = arith.mulf %mul3A_2560, %mul3A_2561 : vector<128x128xf32>
    %exp23A_2563 = math.exp2 %mul3A_2562 : vector<128x128xf32>
    %mul3A_2564 = vector.broadcast %get3A_10 : vector<1x128xf32> to vector<128x128xf32>
    %mul3A_2565 = arith.mulf %mul3A_2564, %exp23A_2563 : vector<128x128xf32>
    %swap3A_2566 = arith.constant 150 : index
    %swap3A_2567 = arith.constant 0 : index
    %swap3A_2568 = arith.constant 0 : index
    %swap3A_2569 = vector.load %arg3[%swap3A_2566, %swap3A_2567, %swap3A_2568] : memref<256x128x128xf32, #tpu.memory_space<vmem>>, vector<1x128x128xf32>
    %swap3A_2570 = vector.shape_cast %swap3A_2569 : vector<1x128x128xf32> to vector<128x128xf32>
    %swap3A_2571 = vector.shape_cast %mul3A_2565 : vector<128x128xf32> to vector<1x128x128xf32>
    tpu.vector_store %arg3[%swap3A_2566, %swap3A_2567, %swap3A_2568], %swap3A_2571 {strides = array<i32>} : memref<256x128x128xf32, #tpu.memory_space<vmem>>, vector<1x128x128xf32>,
    %slice3A_2572 = vector.extract_strided_slice %transpose3A {offsets = [0, 151], sizes = [128, 1], strides = [1, 1]} : vector<128x256xf32> to vector<128x1xf32>
    %broadcast_in_dim3A_2573 = vector.shape_cast %slice3A_2572 : vector<128x1xf32> to vector<128x1xf32>
    %broadcast_in_dim3A_2574 = vector.broadcast %broadcast_in_dim3A_2573 : vector<128x1xf32> to vector<128x128xf32>
    %sub3A_2575 = vector.broadcast %get3A_4 : vector<1x128xf32> to vector<128x128xf32>
    %sub3A_2576 = arith.subf %broadcast_in_dim3A_2574, %sub3A_2575 : vector<128x128xf32>
    %mul3A_2577 = arith.mulf %sub3A_2576, %sub3A_2576 : vector<128x128xf32>
    %mul3A_2578 = vector.broadcast %get3A_7 : vector<1x128xf32> to vector<128x128xf32>
    %mul3A_2579 = arith.mulf %mul3A_2577, %mul3A_2578 : vector<128x128xf32>
    %exp23A_2580 = math.exp2 %mul3A_2579 : vector<128x128xf32>
    %mul3A_2581 = vector.broadcast %get3A_10 : vector<1x128xf32> to vector<128x128xf32>
    %mul3A_2582 = arith.mulf %mul3A_2581, %exp23A_2580 : vector<128x128xf32>
    %swap3A_2583 = arith.constant 151 : index
    %swap3A_2584 = arith.constant 0 : index
    %swap3A_2585 = arith.constant 0 : index
    %swap3A_2586 = vector.load %arg3[%swap3A_2583, %swap3A_2584, %swap3A_2585] : memref<256x128x128xf32, #tpu.memory_space<vmem>>, vector<1x128x128xf32>
    %swap3A_2587 = vector.shape_cast %swap3A_2586 : vector<1x128x128xf32> to vector<128x128xf32>
    %swap3A_2588 = vector.shape_cast %mul3A_2582 : vector<128x128xf32> to vector<1x128x128xf32>
    tpu.vector_store %arg3[%swap3A_2583, %swap3A_2584, %swap3A_2585], %swap3A_2588 {strides = array<i32>} : memref<256x128x128xf32, #tpu.memory_space<vmem>>, vector<1x128x128xf32>,
    %slice3A_2589 = vector.extract_strided_slice %transpose3A {offsets = [0, 152], sizes = [128, 1], strides = [1, 1]} : vector<128x256xf32> to vector<128x1xf32>
    %broadcast_in_dim3A_2590 = vector.shape_cast %slice3A_2589 : vector<128x1xf32> to vector<128x1xf32>
    %broadcast_in_dim3A_2591 = vector.broadcast %broadcast_in_dim3A_2590 : vector<128x1xf32> to vector<128x128xf32>
    %sub3A_2592 = vector.broadcast %get3A_4 : vector<1x128xf32> to vector<128x128xf32>
    %sub3A_2593 = arith.subf %broadcast_in_dim3A_2591, %sub3A_2592 : vector<128x128xf32>
    %mul3A_2594 = arith.mulf %sub3A_2593, %sub3A_2593 : vector<128x128xf32>
    %mul3A_2595 = vector.broadcast %get3A_7 : vector<1x128xf32> to vector<128x128xf32>
    %mul3A_2596 = arith.mulf %mul3A_2594, %mul3A_2595 : vector<128x128xf32>
    %exp23A_2597 = math.exp2 %mul3A_2596 : vector<128x128xf32>
    %mul3A_2598 = vector.broadcast %get3A_10 : vector<1x128xf32> to vector<128x128xf32>
    %mul3A_2599 = arith.mulf %mul3A_2598, %exp23A_2597 : vector<128x128xf32>
    %swap3A_2600 = arith.constant 152 : index
    %swap3A_2601 = arith.constant 0 : index
    %swap3A_2602 = arith.constant 0 : index
    %swap3A_2603 = vector.load %arg3[%swap3A_2600, %swap3A_2601, %swap3A_2602] : memref<256x128x128xf32, #tpu.memory_space<vmem>>, vector<1x128x128xf32>
    %swap3A_2604 = vector.shape_cast %swap3A_2603 : vector<1x128x128xf32> to vector<128x128xf32>
    %swap3A_2605 = vector.shape_cast %mul3A_2599 : vector<128x128xf32> to vector<1x128x128xf32>
    tpu.vector_store %arg3[%swap3A_2600, %swap3A_2601, %swap3A_2602], %swap3A_2605 {strides = array<i32>} : memref<256x128x128xf32, #tpu.memory_space<vmem>>, vector<1x128x128xf32>,
    %slice3A_2606 = vector.extract_strided_slice %transpose3A {offsets = [0, 153], sizes = [128, 1], strides = [1, 1]} : vector<128x256xf32> to vector<128x1xf32>
    %broadcast_in_dim3A_2607 = vector.shape_cast %slice3A_2606 : vector<128x1xf32> to vector<128x1xf32>
    %broadcast_in_dim3A_2608 = vector.broadcast %broadcast_in_dim3A_2607 : vector<128x1xf32> to vector<128x128xf32>
    %sub3A_2609 = vector.broadcast %get3A_4 : vector<1x128xf32> to vector<128x128xf32>
    %sub3A_2610 = arith.subf %broadcast_in_dim3A_2608, %sub3A_2609 : vector<128x128xf32>
    %mul3A_2611 = arith.mulf %sub3A_2610, %sub3A_2610 : vector<128x128xf32>
    %mul3A_2612 = vector.broadcast %get3A_7 : vector<1x128xf32> to vector<128x128xf32>
    %mul3A_2613 = arith.mulf %mul3A_2611, %mul3A_2612 : vector<128x128xf32>
    %exp23A_2614 = math.exp2 %mul3A_2613 : vector<128x128xf32>
    %mul3A_2615 = vector.broadcast %get3A_10 : vector<1x128xf32> to vector<128x128xf32>
    %mul3A_2616 = arith.mulf %mul3A_2615, %exp23A_2614 : vector<128x128xf32>
    %swap3A_2617 = arith.constant 153 : index
    %swap3A_2618 = arith.constant 0 : index
    %swap3A_2619 = arith.constant 0 : index
    %swap3A_2620 = vector.load %arg3[%swap3A_2617, %swap3A_2618, %swap3A_2619] : memref<256x128x128xf32, #tpu.memory_space<vmem>>, vector<1x128x128xf32>
    %swap3A_2621 = vector.shape_cast %swap3A_2620 : vector<1x128x128xf32> to vector<128x128xf32>
    %swap3A_2622 = vector.shape_cast %mul3A_2616 : vector<128x128xf32> to vector<1x128x128xf32>
    tpu.vector_store %arg3[%swap3A_2617, %swap3A_2618, %swap3A_2619], %swap3A_2622 {strides = array<i32>} : memref<256x128x128xf32, #tpu.memory_space<vmem>>, vector<1x128x128xf32>,
    %slice3A_2623 = vector.extract_strided_slice %transpose3A {offsets = [0, 154], sizes = [128, 1], strides = [1, 1]} : vector<128x256xf32> to vector<128x1xf32>
    %broadcast_in_dim3A_2624 = vector.shape_cast %slice3A_2623 : vector<128x1xf32> to vector<128x1xf32>
    %broadcast_in_dim3A_2625 = vector.broadcast %broadcast_in_dim3A_2624 : vector<128x1xf32> to vector<128x128xf32>
    %sub3A_2626 = vector.broadcast %get3A_4 : vector<1x128xf32> to vector<128x128xf32>
    %sub3A_2627 = arith.subf %broadcast_in_dim3A_2625, %sub3A_2626 : vector<128x128xf32>
    %mul3A_2628 = arith.mulf %sub3A_2627, %sub3A_2627 : vector<128x128xf32>
    %mul3A_2629 = vector.broadcast %get3A_7 : vector<1x128xf32> to vector<128x128xf32>
    %mul3A_2630 = arith.mulf %mul3A_2628, %mul3A_2629 : vector<128x128xf32>
    %exp23A_2631 = math.exp2 %mul3A_2630 : vector<128x128xf32>
    %mul3A_2632 = vector.broadcast %get3A_10 : vector<1x128xf32> to vector<128x128xf32>
    %mul3A_2633 = arith.mulf %mul3A_2632, %exp23A_2631 : vector<128x128xf32>
    %swap3A_2634 = arith.constant 154 : index
    %swap3A_2635 = arith.constant 0 : index
    %swap3A_2636 = arith.constant 0 : index
    %swap3A_2637 = vector.load %arg3[%swap3A_2634, %swap3A_2635, %swap3A_2636] : memref<256x128x128xf32, #tpu.memory_space<vmem>>, vector<1x128x128xf32>
    %swap3A_2638 = vector.shape_cast %swap3A_2637 : vector<1x128x128xf32> to vector<128x128xf32>
    %swap3A_2639 = vector.shape_cast %mul3A_2633 : vector<128x128xf32> to vector<1x128x128xf32>
    tpu.vector_store %arg3[%swap3A_2634, %swap3A_2635, %swap3A_2636], %swap3A_2639 {strides = array<i32>} : memref<256x128x128xf32, #tpu.memory_space<vmem>>, vector<1x128x128xf32>,
    %slice3A_2640 = vector.extract_strided_slice %transpose3A {offsets = [0, 155], sizes = [128, 1], strides = [1, 1]} : vector<128x256xf32> to vector<128x1xf32>
    %broadcast_in_dim3A_2641 = vector.shape_cast %slice3A_2640 : vector<128x1xf32> to vector<128x1xf32>
    %broadcast_in_dim3A_2642 = vector.broadcast %broadcast_in_dim3A_2641 : vector<128x1xf32> to vector<128x128xf32>
    %sub3A_2643 = vector.broadcast %get3A_4 : vector<1x128xf32> to vector<128x128xf32>
    %sub3A_2644 = arith.subf %broadcast_in_dim3A_2642, %sub3A_2643 : vector<128x128xf32>
    %mul3A_2645 = arith.mulf %sub3A_2644, %sub3A_2644 : vector<128x128xf32>
    %mul3A_2646 = vector.broadcast %get3A_7 : vector<1x128xf32> to vector<128x128xf32>
    %mul3A_2647 = arith.mulf %mul3A_2645, %mul3A_2646 : vector<128x128xf32>
    %exp23A_2648 = math.exp2 %mul3A_2647 : vector<128x128xf32>
    %mul3A_2649 = vector.broadcast %get3A_10 : vector<1x128xf32> to vector<128x128xf32>
    %mul3A_2650 = arith.mulf %mul3A_2649, %exp23A_2648 : vector<128x128xf32>
    %swap3A_2651 = arith.constant 155 : index
    %swap3A_2652 = arith.constant 0 : index
    %swap3A_2653 = arith.constant 0 : index
    %swap3A_2654 = vector.load %arg3[%swap3A_2651, %swap3A_2652, %swap3A_2653] : memref<256x128x128xf32, #tpu.memory_space<vmem>>, vector<1x128x128xf32>
    %swap3A_2655 = vector.shape_cast %swap3A_2654 : vector<1x128x128xf32> to vector<128x128xf32>
    %swap3A_2656 = vector.shape_cast %mul3A_2650 : vector<128x128xf32> to vector<1x128x128xf32>
    tpu.vector_store %arg3[%swap3A_2651, %swap3A_2652, %swap3A_2653], %swap3A_2656 {strides = array<i32>} : memref<256x128x128xf32, #tpu.memory_space<vmem>>, vector<1x128x128xf32>,
    %slice3A_2657 = vector.extract_strided_slice %transpose3A {offsets = [0, 156], sizes = [128, 1], strides = [1, 1]} : vector<128x256xf32> to vector<128x1xf32>
    %broadcast_in_dim3A_2658 = vector.shape_cast %slice3A_2657 : vector<128x1xf32> to vector<128x1xf32>
    %broadcast_in_dim3A_2659 = vector.broadcast %broadcast_in_dim3A_2658 : vector<128x1xf32> to vector<128x128xf32>
    %sub3A_2660 = vector.broadcast %get3A_4 : vector<1x128xf32> to vector<128x128xf32>
    %sub3A_2661 = arith.subf %broadcast_in_dim3A_2659, %sub3A_2660 : vector<128x128xf32>
    %mul3A_2662 = arith.mulf %sub3A_2661, %sub3A_2661 : vector<128x128xf32>
    %mul3A_2663 = vector.broadcast %get3A_7 : vector<1x128xf32> to vector<128x128xf32>
    %mul3A_2664 = arith.mulf %mul3A_2662, %mul3A_2663 : vector<128x128xf32>
    %exp23A_2665 = math.exp2 %mul3A_2664 : vector<128x128xf32>
    %mul3A_2666 = vector.broadcast %get3A_10 : vector<1x128xf32> to vector<128x128xf32>
    %mul3A_2667 = arith.mulf %mul3A_2666, %exp23A_2665 : vector<128x128xf32>
    %swap3A_2668 = arith.constant 156 : index
    %swap3A_2669 = arith.constant 0 : index
    %swap3A_2670 = arith.constant 0 : index
    %swap3A_2671 = vector.load %arg3[%swap3A_2668, %swap3A_2669, %swap3A_2670] : memref<256x128x128xf32, #tpu.memory_space<vmem>>, vector<1x128x128xf32>
    %swap3A_2672 = vector.shape_cast %swap3A_2671 : vector<1x128x128xf32> to vector<128x128xf32>
    %swap3A_2673 = vector.shape_cast %mul3A_2667 : vector<128x128xf32> to vector<1x128x128xf32>
    tpu.vector_store %arg3[%swap3A_2668, %swap3A_2669, %swap3A_2670], %swap3A_2673 {strides = array<i32>} : memref<256x128x128xf32, #tpu.memory_space<vmem>>, vector<1x128x128xf32>,
    %slice3A_2674 = vector.extract_strided_slice %transpose3A {offsets = [0, 157], sizes = [128, 1], strides = [1, 1]} : vector<128x256xf32> to vector<128x1xf32>
    %broadcast_in_dim3A_2675 = vector.shape_cast %slice3A_2674 : vector<128x1xf32> to vector<128x1xf32>
    %broadcast_in_dim3A_2676 = vector.broadcast %broadcast_in_dim3A_2675 : vector<128x1xf32> to vector<128x128xf32>
    %sub3A_2677 = vector.broadcast %get3A_4 : vector<1x128xf32> to vector<128x128xf32>
    %sub3A_2678 = arith.subf %broadcast_in_dim3A_2676, %sub3A_2677 : vector<128x128xf32>
    %mul3A_2679 = arith.mulf %sub3A_2678, %sub3A_2678 : vector<128x128xf32>
    %mul3A_2680 = vector.broadcast %get3A_7 : vector<1x128xf32> to vector<128x128xf32>
    %mul3A_2681 = arith.mulf %mul3A_2679, %mul3A_2680 : vector<128x128xf32>
    %exp23A_2682 = math.exp2 %mul3A_2681 : vector<128x128xf32>
    %mul3A_2683 = vector.broadcast %get3A_10 : vector<1x128xf32> to vector<128x128xf32>
    %mul3A_2684 = arith.mulf %mul3A_2683, %exp23A_2682 : vector<128x128xf32>
    %swap3A_2685 = arith.constant 157 : index
    %swap3A_2686 = arith.constant 0 : index
    %swap3A_2687 = arith.constant 0 : index
    %swap3A_2688 = vector.load %arg3[%swap3A_2685, %swap3A_2686, %swap3A_2687] : memref<256x128x128xf32, #tpu.memory_space<vmem>>, vector<1x128x128xf32>
    %swap3A_2689 = vector.shape_cast %swap3A_2688 : vector<1x128x128xf32> to vector<128x128xf32>
    %swap3A_2690 = vector.shape_cast %mul3A_2684 : vector<128x128xf32> to vector<1x128x128xf32>
    tpu.vector_store %arg3[%swap3A_2685, %swap3A_2686, %swap3A_2687], %swap3A_2690 {strides = array<i32>} : memref<256x128x128xf32, #tpu.memory_space<vmem>>, vector<1x128x128xf32>,
    %slice3A_2691 = vector.extract_strided_slice %transpose3A {offsets = [0, 158], sizes = [128, 1], strides = [1, 1]} : vector<128x256xf32> to vector<128x1xf32>
    %broadcast_in_dim3A_2692 = vector.shape_cast %slice3A_2691 : vector<128x1xf32> to vector<128x1xf32>
    %broadcast_in_dim3A_2693 = vector.broadcast %broadcast_in_dim3A_2692 : vector<128x1xf32> to vector<128x128xf32>
    %sub3A_2694 = vector.broadcast %get3A_4 : vector<1x128xf32> to vector<128x128xf32>
    %sub3A_2695 = arith.subf %broadcast_in_dim3A_2693, %sub3A_2694 : vector<128x128xf32>
    %mul3A_2696 = arith.mulf %sub3A_2695, %sub3A_2695 : vector<128x128xf32>
    %mul3A_2697 = vector.broadcast %get3A_7 : vector<1x128xf32> to vector<128x128xf32>
    %mul3A_2698 = arith.mulf %mul3A_2696, %mul3A_2697 : vector<128x128xf32>
    %exp23A_2699 = math.exp2 %mul3A_2698 : vector<128x128xf32>
    %mul3A_2700 = vector.broadcast %get3A_10 : vector<1x128xf32> to vector<128x128xf32>
    %mul3A_2701 = arith.mulf %mul3A_2700, %exp23A_2699 : vector<128x128xf32>
    %swap3A_2702 = arith.constant 158 : index
    %swap3A_2703 = arith.constant 0 : index
    %swap3A_2704 = arith.constant 0 : index
    %swap3A_2705 = vector.load %arg3[%swap3A_2702, %swap3A_2703, %swap3A_2704] : memref<256x128x128xf32, #tpu.memory_space<vmem>>, vector<1x128x128xf32>
    %swap3A_2706 = vector.shape_cast %swap3A_2705 : vector<1x128x128xf32> to vector<128x128xf32>
    %swap3A_2707 = vector.shape_cast %mul3A_2701 : vector<128x128xf32> to vector<1x128x128xf32>
    tpu.vector_store %arg3[%swap3A_2702, %swap3A_2703, %swap3A_2704], %swap3A_2707 {strides = array<i32>} : memref<256x128x128xf32, #tpu.memory_space<vmem>>, vector<1x128x128xf32>,
    %slice3A_2708 = vector.extract_strided_slice %transpose3A {offsets = [0, 159], sizes = [128, 1], strides = [1, 1]} : vector<128x256xf32> to vector<128x1xf32>
    %broadcast_in_dim3A_2709 = vector.shape_cast %slice3A_2708 : vector<128x1xf32> to vector<128x1xf32>
    %broadcast_in_dim3A_2710 = vector.broadcast %broadcast_in_dim3A_2709 : vector<128x1xf32> to vector<128x128xf32>
    %sub3A_2711 = vector.broadcast %get3A_4 : vector<1x128xf32> to vector<128x128xf32>
    %sub3A_2712 = arith.subf %broadcast_in_dim3A_2710, %sub3A_2711 : vector<128x128xf32>
    %mul3A_2713 = arith.mulf %sub3A_2712, %sub3A_2712 : vector<128x128xf32>
    %mul3A_2714 = vector.broadcast %get3A_7 : vector<1x128xf32> to vector<128x128xf32>
    %mul3A_2715 = arith.mulf %mul3A_2713, %mul3A_2714 : vector<128x128xf32>
    %exp23A_2716 = math.exp2 %mul3A_2715 : vector<128x128xf32>
    %mul3A_2717 = vector.broadcast %get3A_10 : vector<1x128xf32> to vector<128x128xf32>
    %mul3A_2718 = arith.mulf %mul3A_2717, %exp23A_2716 : vector<128x128xf32>
    %swap3A_2719 = arith.constant 159 : index
    %swap3A_2720 = arith.constant 0 : index
    %swap3A_2721 = arith.constant 0 : index
    %swap3A_2722 = vector.load %arg3[%swap3A_2719, %swap3A_2720, %swap3A_2721] : memref<256x128x128xf32, #tpu.memory_space<vmem>>, vector<1x128x128xf32>
    %swap3A_2723 = vector.shape_cast %swap3A_2722 : vector<1x128x128xf32> to vector<128x128xf32>
    %swap3A_2724 = vector.shape_cast %mul3A_2718 : vector<128x128xf32> to vector<1x128x128xf32>
    tpu.vector_store %arg3[%swap3A_2719, %swap3A_2720, %swap3A_2721], %swap3A_2724 {strides = array<i32>} : memref<256x128x128xf32, #tpu.memory_space<vmem>>, vector<1x128x128xf32>,
    %slice3A_2725 = vector.extract_strided_slice %transpose3A {offsets = [0, 160], sizes = [128, 1], strides = [1, 1]} : vector<128x256xf32> to vector<128x1xf32>
    %broadcast_in_dim3A_2726 = vector.shape_cast %slice3A_2725 : vector<128x1xf32> to vector<128x1xf32>
    %broadcast_in_dim3A_2727 = vector.broadcast %broadcast_in_dim3A_2726 : vector<128x1xf32> to vector<128x128xf32>
    %sub3A_2728 = vector.broadcast %get3A_4 : vector<1x128xf32> to vector<128x128xf32>
    %sub3A_2729 = arith.subf %broadcast_in_dim3A_2727, %sub3A_2728 : vector<128x128xf32>
    %mul3A_2730 = arith.mulf %sub3A_2729, %sub3A_2729 : vector<128x128xf32>
    %mul3A_2731 = vector.broadcast %get3A_7 : vector<1x128xf32> to vector<128x128xf32>
    %mul3A_2732 = arith.mulf %mul3A_2730, %mul3A_2731 : vector<128x128xf32>
    %exp23A_2733 = math.exp2 %mul3A_2732 : vector<128x128xf32>
    %mul3A_2734 = vector.broadcast %get3A_10 : vector<1x128xf32> to vector<128x128xf32>
    %mul3A_2735 = arith.mulf %mul3A_2734, %exp23A_2733 : vector<128x128xf32>
    %swap3A_2736 = arith.constant 160 : index
    %swap3A_2737 = arith.constant 0 : index
    %swap3A_2738 = arith.constant 0 : index
    %swap3A_2739 = vector.load %arg3[%swap3A_2736, %swap3A_2737, %swap3A_2738] : memref<256x128x128xf32, #tpu.memory_space<vmem>>, vector<1x128x128xf32>
    %swap3A_2740 = vector.shape_cast %swap3A_2739 : vector<1x128x128xf32> to vector<128x128xf32>
    %swap3A_2741 = vector.shape_cast %mul3A_2735 : vector<128x128xf32> to vector<1x128x128xf32>
    tpu.vector_store %arg3[%swap3A_2736, %swap3A_2737, %swap3A_2738], %swap3A_2741 {strides = array<i32>} : memref<256x128x128xf32, #tpu.memory_space<vmem>>, vector<1x128x128xf32>,
    %slice3A_2742 = vector.extract_strided_slice %transpose3A {offsets = [0, 161], sizes = [128, 1], strides = [1, 1]} : vector<128x256xf32> to vector<128x1xf32>
    %broadcast_in_dim3A_2743 = vector.shape_cast %slice3A_2742 : vector<128x1xf32> to vector<128x1xf32>
    %broadcast_in_dim3A_2744 = vector.broadcast %broadcast_in_dim3A_2743 : vector<128x1xf32> to vector<128x128xf32>
    %sub3A_2745 = vector.broadcast %get3A_4 : vector<1x128xf32> to vector<128x128xf32>
    %sub3A_2746 = arith.subf %broadcast_in_dim3A_2744, %sub3A_2745 : vector<128x128xf32>
    %mul3A_2747 = arith.mulf %sub3A_2746, %sub3A_2746 : vector<128x128xf32>
    %mul3A_2748 = vector.broadcast %get3A_7 : vector<1x128xf32> to vector<128x128xf32>
    %mul3A_2749 = arith.mulf %mul3A_2747, %mul3A_2748 : vector<128x128xf32>
    %exp23A_2750 = math.exp2 %mul3A_2749 : vector<128x128xf32>
    %mul3A_2751 = vector.broadcast %get3A_10 : vector<1x128xf32> to vector<128x128xf32>
    %mul3A_2752 = arith.mulf %mul3A_2751, %exp23A_2750 : vector<128x128xf32>
    %swap3A_2753 = arith.constant 161 : index
    %swap3A_2754 = arith.constant 0 : index
    %swap3A_2755 = arith.constant 0 : index
    %swap3A_2756 = vector.load %arg3[%swap3A_2753, %swap3A_2754, %swap3A_2755] : memref<256x128x128xf32, #tpu.memory_space<vmem>>, vector<1x128x128xf32>
    %swap3A_2757 = vector.shape_cast %swap3A_2756 : vector<1x128x128xf32> to vector<128x128xf32>
    %swap3A_2758 = vector.shape_cast %mul3A_2752 : vector<128x128xf32> to vector<1x128x128xf32>
    tpu.vector_store %arg3[%swap3A_2753, %swap3A_2754, %swap3A_2755], %swap3A_2758 {strides = array<i32>} : memref<256x128x128xf32, #tpu.memory_space<vmem>>, vector<1x128x128xf32>,
    %slice3A_2759 = vector.extract_strided_slice %transpose3A {offsets = [0, 162], sizes = [128, 1], strides = [1, 1]} : vector<128x256xf32> to vector<128x1xf32>
    %broadcast_in_dim3A_2760 = vector.shape_cast %slice3A_2759 : vector<128x1xf32> to vector<128x1xf32>
    %broadcast_in_dim3A_2761 = vector.broadcast %broadcast_in_dim3A_2760 : vector<128x1xf32> to vector<128x128xf32>
    %sub3A_2762 = vector.broadcast %get3A_4 : vector<1x128xf32> to vector<128x128xf32>
    %sub3A_2763 = arith.subf %broadcast_in_dim3A_2761, %sub3A_2762 : vector<128x128xf32>
    %mul3A_2764 = arith.mulf %sub3A_2763, %sub3A_2763 : vector<128x128xf32>
    %mul3A_2765 = vector.broadcast %get3A_7 : vector<1x128xf32> to vector<128x128xf32>
    %mul3A_2766 = arith.mulf %mul3A_2764, %mul3A_2765 : vector<128x128xf32>
    %exp23A_2767 = math.exp2 %mul3A_2766 : vector<128x128xf32>
    %mul3A_2768 = vector.broadcast %get3A_10 : vector<1x128xf32> to vector<128x128xf32>
    %mul3A_2769 = arith.mulf %mul3A_2768, %exp23A_2767 : vector<128x128xf32>
    %swap3A_2770 = arith.constant 162 : index
    %swap3A_2771 = arith.constant 0 : index
    %swap3A_2772 = arith.constant 0 : index
    %swap3A_2773 = vector.load %arg3[%swap3A_2770, %swap3A_2771, %swap3A_2772] : memref<256x128x128xf32, #tpu.memory_space<vmem>>, vector<1x128x128xf32>
    %swap3A_2774 = vector.shape_cast %swap3A_2773 : vector<1x128x128xf32> to vector<128x128xf32>
    %swap3A_2775 = vector.shape_cast %mul3A_2769 : vector<128x128xf32> to vector<1x128x128xf32>
    tpu.vector_store %arg3[%swap3A_2770, %swap3A_2771, %swap3A_2772], %swap3A_2775 {strides = array<i32>} : memref<256x128x128xf32, #tpu.memory_space<vmem>>, vector<1x128x128xf32>,
    %slice3A_2776 = vector.extract_strided_slice %transpose3A {offsets = [0, 163], sizes = [128, 1], strides = [1, 1]} : vector<128x256xf32> to vector<128x1xf32>
    %broadcast_in_dim3A_2777 = vector.shape_cast %slice3A_2776 : vector<128x1xf32> to vector<128x1xf32>
    %broadcast_in_dim3A_2778 = vector.broadcast %broadcast_in_dim3A_2777 : vector<128x1xf32> to vector<128x128xf32>
    %sub3A_2779 = vector.broadcast %get3A_4 : vector<1x128xf32> to vector<128x128xf32>
    %sub3A_2780 = arith.subf %broadcast_in_dim3A_2778, %sub3A_2779 : vector<128x128xf32>
    %mul3A_2781 = arith.mulf %sub3A_2780, %sub3A_2780 : vector<128x128xf32>
    %mul3A_2782 = vector.broadcast %get3A_7 : vector<1x128xf32> to vector<128x128xf32>
    %mul3A_2783 = arith.mulf %mul3A_2781, %mul3A_2782 : vector<128x128xf32>
    %exp23A_2784 = math.exp2 %mul3A_2783 : vector<128x128xf32>
    %mul3A_2785 = vector.broadcast %get3A_10 : vector<1x128xf32> to vector<128x128xf32>
    %mul3A_2786 = arith.mulf %mul3A_2785, %exp23A_2784 : vector<128x128xf32>
    %swap3A_2787 = arith.constant 163 : index
    %swap3A_2788 = arith.constant 0 : index
    %swap3A_2789 = arith.constant 0 : index
    %swap3A_2790 = vector.load %arg3[%swap3A_2787, %swap3A_2788, %swap3A_2789] : memref<256x128x128xf32, #tpu.memory_space<vmem>>, vector<1x128x128xf32>
    %swap3A_2791 = vector.shape_cast %swap3A_2790 : vector<1x128x128xf32> to vector<128x128xf32>
    %swap3A_2792 = vector.shape_cast %mul3A_2786 : vector<128x128xf32> to vector<1x128x128xf32>
    tpu.vector_store %arg3[%swap3A_2787, %swap3A_2788, %swap3A_2789], %swap3A_2792 {strides = array<i32>} : memref<256x128x128xf32, #tpu.memory_space<vmem>>, vector<1x128x128xf32>,
    %slice3A_2793 = vector.extract_strided_slice %transpose3A {offsets = [0, 164], sizes = [128, 1], strides = [1, 1]} : vector<128x256xf32> to vector<128x1xf32>
    %broadcast_in_dim3A_2794 = vector.shape_cast %slice3A_2793 : vector<128x1xf32> to vector<128x1xf32>
    %broadcast_in_dim3A_2795 = vector.broadcast %broadcast_in_dim3A_2794 : vector<128x1xf32> to vector<128x128xf32>
    %sub3A_2796 = vector.broadcast %get3A_4 : vector<1x128xf32> to vector<128x128xf32>
    %sub3A_2797 = arith.subf %broadcast_in_dim3A_2795, %sub3A_2796 : vector<128x128xf32>
    %mul3A_2798 = arith.mulf %sub3A_2797, %sub3A_2797 : vector<128x128xf32>
    %mul3A_2799 = vector.broadcast %get3A_7 : vector<1x128xf32> to vector<128x128xf32>
    %mul3A_2800 = arith.mulf %mul3A_2798, %mul3A_2799 : vector<128x128xf32>
    %exp23A_2801 = math.exp2 %mul3A_2800 : vector<128x128xf32>
    %mul3A_2802 = vector.broadcast %get3A_10 : vector<1x128xf32> to vector<128x128xf32>
    %mul3A_2803 = arith.mulf %mul3A_2802, %exp23A_2801 : vector<128x128xf32>
    %swap3A_2804 = arith.constant 164 : index
    %swap3A_2805 = arith.constant 0 : index
    %swap3A_2806 = arith.constant 0 : index
    %swap3A_2807 = vector.load %arg3[%swap3A_2804, %swap3A_2805, %swap3A_2806] : memref<256x128x128xf32, #tpu.memory_space<vmem>>, vector<1x128x128xf32>
    %swap3A_2808 = vector.shape_cast %swap3A_2807 : vector<1x128x128xf32> to vector<128x128xf32>
    %swap3A_2809 = vector.shape_cast %mul3A_2803 : vector<128x128xf32> to vector<1x128x128xf32>
    tpu.vector_store %arg3[%swap3A_2804, %swap3A_2805, %swap3A_2806], %swap3A_2809 {strides = array<i32>} : memref<256x128x128xf32, #tpu.memory_space<vmem>>, vector<1x128x128xf32>,
    %slice3A_2810 = vector.extract_strided_slice %transpose3A {offsets = [0, 165], sizes = [128, 1], strides = [1, 1]} : vector<128x256xf32> to vector<128x1xf32>
    %broadcast_in_dim3A_2811 = vector.shape_cast %slice3A_2810 : vector<128x1xf32> to vector<128x1xf32>
    %broadcast_in_dim3A_2812 = vector.broadcast %broadcast_in_dim3A_2811 : vector<128x1xf32> to vector<128x128xf32>
    %sub3A_2813 = vector.broadcast %get3A_4 : vector<1x128xf32> to vector<128x128xf32>
    %sub3A_2814 = arith.subf %broadcast_in_dim3A_2812, %sub3A_2813 : vector<128x128xf32>
    %mul3A_2815 = arith.mulf %sub3A_2814, %sub3A_2814 : vector<128x128xf32>
    %mul3A_2816 = vector.broadcast %get3A_7 : vector<1x128xf32> to vector<128x128xf32>
    %mul3A_2817 = arith.mulf %mul3A_2815, %mul3A_2816 : vector<128x128xf32>
    %exp23A_2818 = math.exp2 %mul3A_2817 : vector<128x128xf32>
    %mul3A_2819 = vector.broadcast %get3A_10 : vector<1x128xf32> to vector<128x128xf32>
    %mul3A_2820 = arith.mulf %mul3A_2819, %exp23A_2818 : vector<128x128xf32>
    %swap3A_2821 = arith.constant 165 : index
    %swap3A_2822 = arith.constant 0 : index
    %swap3A_2823 = arith.constant 0 : index
    %swap3A_2824 = vector.load %arg3[%swap3A_2821, %swap3A_2822, %swap3A_2823] : memref<256x128x128xf32, #tpu.memory_space<vmem>>, vector<1x128x128xf32>
    %swap3A_2825 = vector.shape_cast %swap3A_2824 : vector<1x128x128xf32> to vector<128x128xf32>
    %swap3A_2826 = vector.shape_cast %mul3A_2820 : vector<128x128xf32> to vector<1x128x128xf32>
    tpu.vector_store %arg3[%swap3A_2821, %swap3A_2822, %swap3A_2823], %swap3A_2826 {strides = array<i32>} : memref<256x128x128xf32, #tpu.memory_space<vmem>>, vector<1x128x128xf32>,
    %slice3A_2827 = vector.extract_strided_slice %transpose3A {offsets = [0, 166], sizes = [128, 1], strides = [1, 1]} : vector<128x256xf32> to vector<128x1xf32>
    %broadcast_in_dim3A_2828 = vector.shape_cast %slice3A_2827 : vector<128x1xf32> to vector<128x1xf32>
    %broadcast_in_dim3A_2829 = vector.broadcast %broadcast_in_dim3A_2828 : vector<128x1xf32> to vector<128x128xf32>
    %sub3A_2830 = vector.broadcast %get3A_4 : vector<1x128xf32> to vector<128x128xf32>
    %sub3A_2831 = arith.subf %broadcast_in_dim3A_2829, %sub3A_2830 : vector<128x128xf32>
    %mul3A_2832 = arith.mulf %sub3A_2831, %sub3A_2831 : vector<128x128xf32>
    %mul3A_2833 = vector.broadcast %get3A_7 : vector<1x128xf32> to vector<128x128xf32>
    %mul3A_2834 = arith.mulf %mul3A_2832, %mul3A_2833 : vector<128x128xf32>
    %exp23A_2835 = math.exp2 %mul3A_2834 : vector<128x128xf32>
    %mul3A_2836 = vector.broadcast %get3A_10 : vector<1x128xf32> to vector<128x128xf32>
    %mul3A_2837 = arith.mulf %mul3A_2836, %exp23A_2835 : vector<128x128xf32>
    %swap3A_2838 = arith.constant 166 : index
    %swap3A_2839 = arith.constant 0 : index
    %swap3A_2840 = arith.constant 0 : index
    %swap3A_2841 = vector.load %arg3[%swap3A_2838, %swap3A_2839, %swap3A_2840] : memref<256x128x128xf32, #tpu.memory_space<vmem>>, vector<1x128x128xf32>
    %swap3A_2842 = vector.shape_cast %swap3A_2841 : vector<1x128x128xf32> to vector<128x128xf32>
    %swap3A_2843 = vector.shape_cast %mul3A_2837 : vector<128x128xf32> to vector<1x128x128xf32>
    tpu.vector_store %arg3[%swap3A_2838, %swap3A_2839, %swap3A_2840], %swap3A_2843 {strides = array<i32>} : memref<256x128x128xf32, #tpu.memory_space<vmem>>, vector<1x128x128xf32>,
    %slice3A_2844 = vector.extract_strided_slice %transpose3A {offsets = [0, 167], sizes = [128, 1], strides = [1, 1]} : vector<128x256xf32> to vector<128x1xf32>
    %broadcast_in_dim3A_2845 = vector.shape_cast %slice3A_2844 : vector<128x1xf32> to vector<128x1xf32>
    %broadcast_in_dim3A_2846 = vector.broadcast %broadcast_in_dim3A_2845 : vector<128x1xf32> to vector<128x128xf32>
    %sub3A_2847 = vector.broadcast %get3A_4 : vector<1x128xf32> to vector<128x128xf32>
    %sub3A_2848 = arith.subf %broadcast_in_dim3A_2846, %sub3A_2847 : vector<128x128xf32>
    %mul3A_2849 = arith.mulf %sub3A_2848, %sub3A_2848 : vector<128x128xf32>
    %mul3A_2850 = vector.broadcast %get3A_7 : vector<1x128xf32> to vector<128x128xf32>
    %mul3A_2851 = arith.mulf %mul3A_2849, %mul3A_2850 : vector<128x128xf32>
    %exp23A_2852 = math.exp2 %mul3A_2851 : vector<128x128xf32>
    %mul3A_2853 = vector.broadcast %get3A_10 : vector<1x128xf32> to vector<128x128xf32>
    %mul3A_2854 = arith.mulf %mul3A_2853, %exp23A_2852 : vector<128x128xf32>
    %swap3A_2855 = arith.constant 167 : index
    %swap3A_2856 = arith.constant 0 : index
    %swap3A_2857 = arith.constant 0 : index
    %swap3A_2858 = vector.load %arg3[%swap3A_2855, %swap3A_2856, %swap3A_2857] : memref<256x128x128xf32, #tpu.memory_space<vmem>>, vector<1x128x128xf32>
    %swap3A_2859 = vector.shape_cast %swap3A_2858 : vector<1x128x128xf32> to vector<128x128xf32>
    %swap3A_2860 = vector.shape_cast %mul3A_2854 : vector<128x128xf32> to vector<1x128x128xf32>
    tpu.vector_store %arg3[%swap3A_2855, %swap3A_2856, %swap3A_2857], %swap3A_2860 {strides = array<i32>} : memref<256x128x128xf32, #tpu.memory_space<vmem>>, vector<1x128x128xf32>,
    %slice3A_2861 = vector.extract_strided_slice %transpose3A {offsets = [0, 168], sizes = [128, 1], strides = [1, 1]} : vector<128x256xf32> to vector<128x1xf32>
    %broadcast_in_dim3A_2862 = vector.shape_cast %slice3A_2861 : vector<128x1xf32> to vector<128x1xf32>
    %broadcast_in_dim3A_2863 = vector.broadcast %broadcast_in_dim3A_2862 : vector<128x1xf32> to vector<128x128xf32>
    %sub3A_2864 = vector.broadcast %get3A_4 : vector<1x128xf32> to vector<128x128xf32>
    %sub3A_2865 = arith.subf %broadcast_in_dim3A_2863, %sub3A_2864 : vector<128x128xf32>
    %mul3A_2866 = arith.mulf %sub3A_2865, %sub3A_2865 : vector<128x128xf32>
    %mul3A_2867 = vector.broadcast %get3A_7 : vector<1x128xf32> to vector<128x128xf32>
    %mul3A_2868 = arith.mulf %mul3A_2866, %mul3A_2867 : vector<128x128xf32>
    %exp23A_2869 = math.exp2 %mul3A_2868 : vector<128x128xf32>
    %mul3A_2870 = vector.broadcast %get3A_10 : vector<1x128xf32> to vector<128x128xf32>
    %mul3A_2871 = arith.mulf %mul3A_2870, %exp23A_2869 : vector<128x128xf32>
    %swap3A_2872 = arith.constant 168 : index
    %swap3A_2873 = arith.constant 0 : index
    %swap3A_2874 = arith.constant 0 : index
    %swap3A_2875 = vector.load %arg3[%swap3A_2872, %swap3A_2873, %swap3A_2874] : memref<256x128x128xf32, #tpu.memory_space<vmem>>, vector<1x128x128xf32>
    %swap3A_2876 = vector.shape_cast %swap3A_2875 : vector<1x128x128xf32> to vector<128x128xf32>
    %swap3A_2877 = vector.shape_cast %mul3A_2871 : vector<128x128xf32> to vector<1x128x128xf32>
    tpu.vector_store %arg3[%swap3A_2872, %swap3A_2873, %swap3A_2874], %swap3A_2877 {strides = array<i32>} : memref<256x128x128xf32, #tpu.memory_space<vmem>>, vector<1x128x128xf32>,
    %slice3A_2878 = vector.extract_strided_slice %transpose3A {offsets = [0, 169], sizes = [128, 1], strides = [1, 1]} : vector<128x256xf32> to vector<128x1xf32>
    %broadcast_in_dim3A_2879 = vector.shape_cast %slice3A_2878 : vector<128x1xf32> to vector<128x1xf32>
    %broadcast_in_dim3A_2880 = vector.broadcast %broadcast_in_dim3A_2879 : vector<128x1xf32> to vector<128x128xf32>
    %sub3A_2881 = vector.broadcast %get3A_4 : vector<1x128xf32> to vector<128x128xf32>
    %sub3A_2882 = arith.subf %broadcast_in_dim3A_2880, %sub3A_2881 : vector<128x128xf32>
    %mul3A_2883 = arith.mulf %sub3A_2882, %sub3A_2882 : vector<128x128xf32>
    %mul3A_2884 = vector.broadcast %get3A_7 : vector<1x128xf32> to vector<128x128xf32>
    %mul3A_2885 = arith.mulf %mul3A_2883, %mul3A_2884 : vector<128x128xf32>
    %exp23A_2886 = math.exp2 %mul3A_2885 : vector<128x128xf32>
    %mul3A_2887 = vector.broadcast %get3A_10 : vector<1x128xf32> to vector<128x128xf32>
    %mul3A_2888 = arith.mulf %mul3A_2887, %exp23A_2886 : vector<128x128xf32>
    %swap3A_2889 = arith.constant 169 : index
    %swap3A_2890 = arith.constant 0 : index
    %swap3A_2891 = arith.constant 0 : index
    %swap3A_2892 = vector.load %arg3[%swap3A_2889, %swap3A_2890, %swap3A_2891] : memref<256x128x128xf32, #tpu.memory_space<vmem>>, vector<1x128x128xf32>
    %swap3A_2893 = vector.shape_cast %swap3A_2892 : vector<1x128x128xf32> to vector<128x128xf32>
    %swap3A_2894 = vector.shape_cast %mul3A_2888 : vector<128x128xf32> to vector<1x128x128xf32>
    tpu.vector_store %arg3[%swap3A_2889, %swap3A_2890, %swap3A_2891], %swap3A_2894 {strides = array<i32>} : memref<256x128x128xf32, #tpu.memory_space<vmem>>, vector<1x128x128xf32>,
    %slice3A_2895 = vector.extract_strided_slice %transpose3A {offsets = [0, 170], sizes = [128, 1], strides = [1, 1]} : vector<128x256xf32> to vector<128x1xf32>
    %broadcast_in_dim3A_2896 = vector.shape_cast %slice3A_2895 : vector<128x1xf32> to vector<128x1xf32>
    %broadcast_in_dim3A_2897 = vector.broadcast %broadcast_in_dim3A_2896 : vector<128x1xf32> to vector<128x128xf32>
    %sub3A_2898 = vector.broadcast %get3A_4 : vector<1x128xf32> to vector<128x128xf32>
    %sub3A_2899 = arith.subf %broadcast_in_dim3A_2897, %sub3A_2898 : vector<128x128xf32>
    %mul3A_2900 = arith.mulf %sub3A_2899, %sub3A_2899 : vector<128x128xf32>
    %mul3A_2901 = vector.broadcast %get3A_7 : vector<1x128xf32> to vector<128x128xf32>
    %mul3A_2902 = arith.mulf %mul3A_2900, %mul3A_2901 : vector<128x128xf32>
    %exp23A_2903 = math.exp2 %mul3A_2902 : vector<128x128xf32>
    %mul3A_2904 = vector.broadcast %get3A_10 : vector<1x128xf32> to vector<128x128xf32>
    %mul3A_2905 = arith.mulf %mul3A_2904, %exp23A_2903 : vector<128x128xf32>
    %swap3A_2906 = arith.constant 170 : index
    %swap3A_2907 = arith.constant 0 : index
    %swap3A_2908 = arith.constant 0 : index
    %swap3A_2909 = vector.load %arg3[%swap3A_2906, %swap3A_2907, %swap3A_2908] : memref<256x128x128xf32, #tpu.memory_space<vmem>>, vector<1x128x128xf32>
    %swap3A_2910 = vector.shape_cast %swap3A_2909 : vector<1x128x128xf32> to vector<128x128xf32>
    %swap3A_2911 = vector.shape_cast %mul3A_2905 : vector<128x128xf32> to vector<1x128x128xf32>
    tpu.vector_store %arg3[%swap3A_2906, %swap3A_2907, %swap3A_2908], %swap3A_2911 {strides = array<i32>} : memref<256x128x128xf32, #tpu.memory_space<vmem>>, vector<1x128x128xf32>,
    %slice3A_2912 = vector.extract_strided_slice %transpose3A {offsets = [0, 171], sizes = [128, 1], strides = [1, 1]} : vector<128x256xf32> to vector<128x1xf32>
    %broadcast_in_dim3A_2913 = vector.shape_cast %slice3A_2912 : vector<128x1xf32> to vector<128x1xf32>
    %broadcast_in_dim3A_2914 = vector.broadcast %broadcast_in_dim3A_2913 : vector<128x1xf32> to vector<128x128xf32>
    %sub3A_2915 = vector.broadcast %get3A_4 : vector<1x128xf32> to vector<128x128xf32>
    %sub3A_2916 = arith.subf %broadcast_in_dim3A_2914, %sub3A_2915 : vector<128x128xf32>
    %mul3A_2917 = arith.mulf %sub3A_2916, %sub3A_2916 : vector<128x128xf32>
    %mul3A_2918 = vector.broadcast %get3A_7 : vector<1x128xf32> to vector<128x128xf32>
    %mul3A_2919 = arith.mulf %mul3A_2917, %mul3A_2918 : vector<128x128xf32>
    %exp23A_2920 = math.exp2 %mul3A_2919 : vector<128x128xf32>
    %mul3A_2921 = vector.broadcast %get3A_10 : vector<1x128xf32> to vector<128x128xf32>
    %mul3A_2922 = arith.mulf %mul3A_2921, %exp23A_2920 : vector<128x128xf32>
    %swap3A_2923 = arith.constant 171 : index
    %swap3A_2924 = arith.constant 0 : index
    %swap3A_2925 = arith.constant 0 : index
    %swap3A_2926 = vector.load %arg3[%swap3A_2923, %swap3A_2924, %swap3A_2925] : memref<256x128x128xf32, #tpu.memory_space<vmem>>, vector<1x128x128xf32>
    %swap3A_2927 = vector.shape_cast %swap3A_2926 : vector<1x128x128xf32> to vector<128x128xf32>
    %swap3A_2928 = vector.shape_cast %mul3A_2922 : vector<128x128xf32> to vector<1x128x128xf32>
    tpu.vector_store %arg3[%swap3A_2923, %swap3A_2924, %swap3A_2925], %swap3A_2928 {strides = array<i32>} : memref<256x128x128xf32, #tpu.memory_space<vmem>>, vector<1x128x128xf32>,
    %slice3A_2929 = vector.extract_strided_slice %transpose3A {offsets = [0, 172], sizes = [128, 1], strides = [1, 1]} : vector<128x256xf32> to vector<128x1xf32>
    %broadcast_in_dim3A_2930 = vector.shape_cast %slice3A_2929 : vector<128x1xf32> to vector<128x1xf32>
    %broadcast_in_dim3A_2931 = vector.broadcast %broadcast_in_dim3A_2930 : vector<128x1xf32> to vector<128x128xf32>
    %sub3A_2932 = vector.broadcast %get3A_4 : vector<1x128xf32> to vector<128x128xf32>
    %sub3A_2933 = arith.subf %broadcast_in_dim3A_2931, %sub3A_2932 : vector<128x128xf32>
    %mul3A_2934 = arith.mulf %sub3A_2933, %sub3A_2933 : vector<128x128xf32>
    %mul3A_2935 = vector.broadcast %get3A_7 : vector<1x128xf32> to vector<128x128xf32>
    %mul3A_2936 = arith.mulf %mul3A_2934, %mul3A_2935 : vector<128x128xf32>
    %exp23A_2937 = math.exp2 %mul3A_2936 : vector<128x128xf32>
    %mul3A_2938 = vector.broadcast %get3A_10 : vector<1x128xf32> to vector<128x128xf32>
    %mul3A_2939 = arith.mulf %mul3A_2938, %exp23A_2937 : vector<128x128xf32>
    %swap3A_2940 = arith.constant 172 : index
    %swap3A_2941 = arith.constant 0 : index
    %swap3A_2942 = arith.constant 0 : index
    %swap3A_2943 = vector.load %arg3[%swap3A_2940, %swap3A_2941, %swap3A_2942] : memref<256x128x128xf32, #tpu.memory_space<vmem>>, vector<1x128x128xf32>
    %swap3A_2944 = vector.shape_cast %swap3A_2943 : vector<1x128x128xf32> to vector<128x128xf32>
    %swap3A_2945 = vector.shape_cast %mul3A_2939 : vector<128x128xf32> to vector<1x128x128xf32>
    tpu.vector_store %arg3[%swap3A_2940, %swap3A_2941, %swap3A_2942], %swap3A_2945 {strides = array<i32>} : memref<256x128x128xf32, #tpu.memory_space<vmem>>, vector<1x128x128xf32>,
    %slice3A_2946 = vector.extract_strided_slice %transpose3A {offsets = [0, 173], sizes = [128, 1], strides = [1, 1]} : vector<128x256xf32> to vector<128x1xf32>
    %broadcast_in_dim3A_2947 = vector.shape_cast %slice3A_2946 : vector<128x1xf32> to vector<128x1xf32>
    %broadcast_in_dim3A_2948 = vector.broadcast %broadcast_in_dim3A_2947 : vector<128x1xf32> to vector<128x128xf32>
    %sub3A_2949 = vector.broadcast %get3A_4 : vector<1x128xf32> to vector<128x128xf32>
    %sub3A_2950 = arith.subf %broadcast_in_dim3A_2948, %sub3A_2949 : vector<128x128xf32>
    %mul3A_2951 = arith.mulf %sub3A_2950, %sub3A_2950 : vector<128x128xf32>
    %mul3A_2952 = vector.broadcast %get3A_7 : vector<1x128xf32> to vector<128x128xf32>
    %mul3A_2953 = arith.mulf %mul3A_2951, %mul3A_2952 : vector<128x128xf32>
    %exp23A_2954 = math.exp2 %mul3A_2953 : vector<128x128xf32>
    %mul3A_2955 = vector.broadcast %get3A_10 : vector<1x128xf32> to vector<128x128xf32>
    %mul3A_2956 = arith.mulf %mul3A_2955, %exp23A_2954 : vector<128x128xf32>
    %swap3A_2957 = arith.constant 173 : index
    %swap3A_2958 = arith.constant 0 : index
    %swap3A_2959 = arith.constant 0 : index
    %swap3A_2960 = vector.load %arg3[%swap3A_2957, %swap3A_2958, %swap3A_2959] : memref<256x128x128xf32, #tpu.memory_space<vmem>>, vector<1x128x128xf32>
    %swap3A_2961 = vector.shape_cast %swap3A_2960 : vector<1x128x128xf32> to vector<128x128xf32>
    %swap3A_2962 = vector.shape_cast %mul3A_2956 : vector<128x128xf32> to vector<1x128x128xf32>
    tpu.vector_store %arg3[%swap3A_2957, %swap3A_2958, %swap3A_2959], %swap3A_2962 {strides = array<i32>} : memref<256x128x128xf32, #tpu.memory_space<vmem>>, vector<1x128x128xf32>,
    %slice3A_2963 = vector.extract_strided_slice %transpose3A {offsets = [0, 174], sizes = [128, 1], strides = [1, 1]} : vector<128x256xf32> to vector<128x1xf32>
    %broadcast_in_dim3A_2964 = vector.shape_cast %slice3A_2963 : vector<128x1xf32> to vector<128x1xf32>
    %broadcast_in_dim3A_2965 = vector.broadcast %broadcast_in_dim3A_2964 : vector<128x1xf32> to vector<128x128xf32>
    %sub3A_2966 = vector.broadcast %get3A_4 : vector<1x128xf32> to vector<128x128xf32>
    %sub3A_2967 = arith.subf %broadcast_in_dim3A_2965, %sub3A_2966 : vector<128x128xf32>
    %mul3A_2968 = arith.mulf %sub3A_2967, %sub3A_2967 : vector<128x128xf32>
    %mul3A_2969 = vector.broadcast %get3A_7 : vector<1x128xf32> to vector<128x128xf32>
    %mul3A_2970 = arith.mulf %mul3A_2968, %mul3A_2969 : vector<128x128xf32>
    %exp23A_2971 = math.exp2 %mul3A_2970 : vector<128x128xf32>
    %mul3A_2972 = vector.broadcast %get3A_10 : vector<1x128xf32> to vector<128x128xf32>
    %mul3A_2973 = arith.mulf %mul3A_2972, %exp23A_2971 : vector<128x128xf32>
    %swap3A_2974 = arith.constant 174 : index
    %swap3A_2975 = arith.constant 0 : index
    %swap3A_2976 = arith.constant 0 : index
    %swap3A_2977 = vector.load %arg3[%swap3A_2974, %swap3A_2975, %swap3A_2976] : memref<256x128x128xf32, #tpu.memory_space<vmem>>, vector<1x128x128xf32>
    %swap3A_2978 = vector.shape_cast %swap3A_2977 : vector<1x128x128xf32> to vector<128x128xf32>
    %swap3A_2979 = vector.shape_cast %mul3A_2973 : vector<128x128xf32> to vector<1x128x128xf32>
    tpu.vector_store %arg3[%swap3A_2974, %swap3A_2975, %swap3A_2976], %swap3A_2979 {strides = array<i32>} : memref<256x128x128xf32, #tpu.memory_space<vmem>>, vector<1x128x128xf32>,
    %slice3A_2980 = vector.extract_strided_slice %transpose3A {offsets = [0, 175], sizes = [128, 1], strides = [1, 1]} : vector<128x256xf32> to vector<128x1xf32>
    %broadcast_in_dim3A_2981 = vector.shape_cast %slice3A_2980 : vector<128x1xf32> to vector<128x1xf32>
    %broadcast_in_dim3A_2982 = vector.broadcast %broadcast_in_dim3A_2981 : vector<128x1xf32> to vector<128x128xf32>
    %sub3A_2983 = vector.broadcast %get3A_4 : vector<1x128xf32> to vector<128x128xf32>
    %sub3A_2984 = arith.subf %broadcast_in_dim3A_2982, %sub3A_2983 : vector<128x128xf32>
    %mul3A_2985 = arith.mulf %sub3A_2984, %sub3A_2984 : vector<128x128xf32>
    %mul3A_2986 = vector.broadcast %get3A_7 : vector<1x128xf32> to vector<128x128xf32>
    %mul3A_2987 = arith.mulf %mul3A_2985, %mul3A_2986 : vector<128x128xf32>
    %exp23A_2988 = math.exp2 %mul3A_2987 : vector<128x128xf32>
    %mul3A_2989 = vector.broadcast %get3A_10 : vector<1x128xf32> to vector<128x128xf32>
    %mul3A_2990 = arith.mulf %mul3A_2989, %exp23A_2988 : vector<128x128xf32>
    %swap3A_2991 = arith.constant 175 : index
    %swap3A_2992 = arith.constant 0 : index
    %swap3A_2993 = arith.constant 0 : index
    %swap3A_2994 = vector.load %arg3[%swap3A_2991, %swap3A_2992, %swap3A_2993] : memref<256x128x128xf32, #tpu.memory_space<vmem>>, vector<1x128x128xf32>
    %swap3A_2995 = vector.shape_cast %swap3A_2994 : vector<1x128x128xf32> to vector<128x128xf32>
    %swap3A_2996 = vector.shape_cast %mul3A_2990 : vector<128x128xf32> to vector<1x128x128xf32>
    tpu.vector_store %arg3[%swap3A_2991, %swap3A_2992, %swap3A_2993], %swap3A_2996 {strides = array<i32>} : memref<256x128x128xf32, #tpu.memory_space<vmem>>, vector<1x128x128xf32>,
    %slice3A_2997 = vector.extract_strided_slice %transpose3A {offsets = [0, 176], sizes = [128, 1], strides = [1, 1]} : vector<128x256xf32> to vector<128x1xf32>
    %broadcast_in_dim3A_2998 = vector.shape_cast %slice3A_2997 : vector<128x1xf32> to vector<128x1xf32>
    %broadcast_in_dim3A_2999 = vector.broadcast %broadcast_in_dim3A_2998 : vector<128x1xf32> to vector<128x128xf32>
    %sub3A_3000 = vector.broadcast %get3A_4 : vector<1x128xf32> to vector<128x128xf32>
    %sub3A_3001 = arith.subf %broadcast_in_dim3A_2999, %sub3A_3000 : vector<128x128xf32>
    %mul3A_3002 = arith.mulf %sub3A_3001, %sub3A_3001 : vector<128x128xf32>
    %mul3A_3003 = vector.broadcast %get3A_7 : vector<1x128xf32> to vector<128x128xf32>
    %mul3A_3004 = arith.mulf %mul3A_3002, %mul3A_3003 : vector<128x128xf32>
    %exp23A_3005 = math.exp2 %mul3A_3004 : vector<128x128xf32>
    %mul3A_3006 = vector.broadcast %get3A_10 : vector<1x128xf32> to vector<128x128xf32>
    %mul3A_3007 = arith.mulf %mul3A_3006, %exp23A_3005 : vector<128x128xf32>
    %swap3A_3008 = arith.constant 176 : index
    %swap3A_3009 = arith.constant 0 : index
    %swap3A_3010 = arith.constant 0 : index
    %swap3A_3011 = vector.load %arg3[%swap3A_3008, %swap3A_3009, %swap3A_3010] : memref<256x128x128xf32, #tpu.memory_space<vmem>>, vector<1x128x128xf32>
    %swap3A_3012 = vector.shape_cast %swap3A_3011 : vector<1x128x128xf32> to vector<128x128xf32>
    %swap3A_3013 = vector.shape_cast %mul3A_3007 : vector<128x128xf32> to vector<1x128x128xf32>
    tpu.vector_store %arg3[%swap3A_3008, %swap3A_3009, %swap3A_3010], %swap3A_3013 {strides = array<i32>} : memref<256x128x128xf32, #tpu.memory_space<vmem>>, vector<1x128x128xf32>,
    %slice3A_3014 = vector.extract_strided_slice %transpose3A {offsets = [0, 177], sizes = [128, 1], strides = [1, 1]} : vector<128x256xf32> to vector<128x1xf32>
    %broadcast_in_dim3A_3015 = vector.shape_cast %slice3A_3014 : vector<128x1xf32> to vector<128x1xf32>
    %broadcast_in_dim3A_3016 = vector.broadcast %broadcast_in_dim3A_3015 : vector<128x1xf32> to vector<128x128xf32>
    %sub3A_3017 = vector.broadcast %get3A_4 : vector<1x128xf32> to vector<128x128xf32>
    %sub3A_3018 = arith.subf %broadcast_in_dim3A_3016, %sub3A_3017 : vector<128x128xf32>
    %mul3A_3019 = arith.mulf %sub3A_3018, %sub3A_3018 : vector<128x128xf32>
    %mul3A_3020 = vector.broadcast %get3A_7 : vector<1x128xf32> to vector<128x128xf32>
    %mul3A_3021 = arith.mulf %mul3A_3019, %mul3A_3020 : vector<128x128xf32>
    %exp23A_3022 = math.exp2 %mul3A_3021 : vector<128x128xf32>
    %mul3A_3023 = vector.broadcast %get3A_10 : vector<1x128xf32> to vector<128x128xf32>
    %mul3A_3024 = arith.mulf %mul3A_3023, %exp23A_3022 : vector<128x128xf32>
    %swap3A_3025 = arith.constant 177 : index
    %swap3A_3026 = arith.constant 0 : index
    %swap3A_3027 = arith.constant 0 : index
    %swap3A_3028 = vector.load %arg3[%swap3A_3025, %swap3A_3026, %swap3A_3027] : memref<256x128x128xf32, #tpu.memory_space<vmem>>, vector<1x128x128xf32>
    %swap3A_3029 = vector.shape_cast %swap3A_3028 : vector<1x128x128xf32> to vector<128x128xf32>
    %swap3A_3030 = vector.shape_cast %mul3A_3024 : vector<128x128xf32> to vector<1x128x128xf32>
    tpu.vector_store %arg3[%swap3A_3025, %swap3A_3026, %swap3A_3027], %swap3A_3030 {strides = array<i32>} : memref<256x128x128xf32, #tpu.memory_space<vmem>>, vector<1x128x128xf32>,
    %slice3A_3031 = vector.extract_strided_slice %transpose3A {offsets = [0, 178], sizes = [128, 1], strides = [1, 1]} : vector<128x256xf32> to vector<128x1xf32>
    %broadcast_in_dim3A_3032 = vector.shape_cast %slice3A_3031 : vector<128x1xf32> to vector<128x1xf32>
    %broadcast_in_dim3A_3033 = vector.broadcast %broadcast_in_dim3A_3032 : vector<128x1xf32> to vector<128x128xf32>
    %sub3A_3034 = vector.broadcast %get3A_4 : vector<1x128xf32> to vector<128x128xf32>
    %sub3A_3035 = arith.subf %broadcast_in_dim3A_3033, %sub3A_3034 : vector<128x128xf32>
    %mul3A_3036 = arith.mulf %sub3A_3035, %sub3A_3035 : vector<128x128xf32>
    %mul3A_3037 = vector.broadcast %get3A_7 : vector<1x128xf32> to vector<128x128xf32>
    %mul3A_3038 = arith.mulf %mul3A_3036, %mul3A_3037 : vector<128x128xf32>
    %exp23A_3039 = math.exp2 %mul3A_3038 : vector<128x128xf32>
    %mul3A_3040 = vector.broadcast %get3A_10 : vector<1x128xf32> to vector<128x128xf32>
    %mul3A_3041 = arith.mulf %mul3A_3040, %exp23A_3039 : vector<128x128xf32>
    %swap3A_3042 = arith.constant 178 : index
    %swap3A_3043 = arith.constant 0 : index
    %swap3A_3044 = arith.constant 0 : index
    %swap3A_3045 = vector.load %arg3[%swap3A_3042, %swap3A_3043, %swap3A_3044] : memref<256x128x128xf32, #tpu.memory_space<vmem>>, vector<1x128x128xf32>
    %swap3A_3046 = vector.shape_cast %swap3A_3045 : vector<1x128x128xf32> to vector<128x128xf32>
    %swap3A_3047 = vector.shape_cast %mul3A_3041 : vector<128x128xf32> to vector<1x128x128xf32>
    tpu.vector_store %arg3[%swap3A_3042, %swap3A_3043, %swap3A_3044], %swap3A_3047 {strides = array<i32>} : memref<256x128x128xf32, #tpu.memory_space<vmem>>, vector<1x128x128xf32>,
    %slice3A_3048 = vector.extract_strided_slice %transpose3A {offsets = [0, 179], sizes = [128, 1], strides = [1, 1]} : vector<128x256xf32> to vector<128x1xf32>
    %broadcast_in_dim3A_3049 = vector.shape_cast %slice3A_3048 : vector<128x1xf32> to vector<128x1xf32>
    %broadcast_in_dim3A_3050 = vector.broadcast %broadcast_in_dim3A_3049 : vector<128x1xf32> to vector<128x128xf32>
    %sub3A_3051 = vector.broadcast %get3A_4 : vector<1x128xf32> to vector<128x128xf32>
    %sub3A_3052 = arith.subf %broadcast_in_dim3A_3050, %sub3A_3051 : vector<128x128xf32>
    %mul3A_3053 = arith.mulf %sub3A_3052, %sub3A_3052 : vector<128x128xf32>
    %mul3A_3054 = vector.broadcast %get3A_7 : vector<1x128xf32> to vector<128x128xf32>
    %mul3A_3055 = arith.mulf %mul3A_3053, %mul3A_3054 : vector<128x128xf32>
    %exp23A_3056 = math.exp2 %mul3A_3055 : vector<128x128xf32>
    %mul3A_3057 = vector.broadcast %get3A_10 : vector<1x128xf32> to vector<128x128xf32>
    %mul3A_3058 = arith.mulf %mul3A_3057, %exp23A_3056 : vector<128x128xf32>
    %swap3A_3059 = arith.constant 179 : index
    %swap3A_3060 = arith.constant 0 : index
    %swap3A_3061 = arith.constant 0 : index
    %swap3A_3062 = vector.load %arg3[%swap3A_3059, %swap3A_3060, %swap3A_3061] : memref<256x128x128xf32, #tpu.memory_space<vmem>>, vector<1x128x128xf32>
    %swap3A_3063 = vector.shape_cast %swap3A_3062 : vector<1x128x128xf32> to vector<128x128xf32>
    %swap3A_3064 = vector.shape_cast %mul3A_3058 : vector<128x128xf32> to vector<1x128x128xf32>
    tpu.vector_store %arg3[%swap3A_3059, %swap3A_3060, %swap3A_3061], %swap3A_3064 {strides = array<i32>} : memref<256x128x128xf32, #tpu.memory_space<vmem>>, vector<1x128x128xf32>,
    %slice3A_3065 = vector.extract_strided_slice %transpose3A {offsets = [0, 180], sizes = [128, 1], strides = [1, 1]} : vector<128x256xf32> to vector<128x1xf32>
    %broadcast_in_dim3A_3066 = vector.shape_cast %slice3A_3065 : vector<128x1xf32> to vector<128x1xf32>
    %broadcast_in_dim3A_3067 = vector.broadcast %broadcast_in_dim3A_3066 : vector<128x1xf32> to vector<128x128xf32>
    %sub3A_3068 = vector.broadcast %get3A_4 : vector<1x128xf32> to vector<128x128xf32>
    %sub3A_3069 = arith.subf %broadcast_in_dim3A_3067, %sub3A_3068 : vector<128x128xf32>
    %mul3A_3070 = arith.mulf %sub3A_3069, %sub3A_3069 : vector<128x128xf32>
    %mul3A_3071 = vector.broadcast %get3A_7 : vector<1x128xf32> to vector<128x128xf32>
    %mul3A_3072 = arith.mulf %mul3A_3070, %mul3A_3071 : vector<128x128xf32>
    %exp23A_3073 = math.exp2 %mul3A_3072 : vector<128x128xf32>
    %mul3A_3074 = vector.broadcast %get3A_10 : vector<1x128xf32> to vector<128x128xf32>
    %mul3A_3075 = arith.mulf %mul3A_3074, %exp23A_3073 : vector<128x128xf32>
    %swap3A_3076 = arith.constant 180 : index
    %swap3A_3077 = arith.constant 0 : index
    %swap3A_3078 = arith.constant 0 : index
    %swap3A_3079 = vector.load %arg3[%swap3A_3076, %swap3A_3077, %swap3A_3078] : memref<256x128x128xf32, #tpu.memory_space<vmem>>, vector<1x128x128xf32>
    %swap3A_3080 = vector.shape_cast %swap3A_3079 : vector<1x128x128xf32> to vector<128x128xf32>
    %swap3A_3081 = vector.shape_cast %mul3A_3075 : vector<128x128xf32> to vector<1x128x128xf32>
    tpu.vector_store %arg3[%swap3A_3076, %swap3A_3077, %swap3A_3078], %swap3A_3081 {strides = array<i32>} : memref<256x128x128xf32, #tpu.memory_space<vmem>>, vector<1x128x128xf32>,
    %slice3A_3082 = vector.extract_strided_slice %transpose3A {offsets = [0, 181], sizes = [128, 1], strides = [1, 1]} : vector<128x256xf32> to vector<128x1xf32>
    %broadcast_in_dim3A_3083 = vector.shape_cast %slice3A_3082 : vector<128x1xf32> to vector<128x1xf32>
    %broadcast_in_dim3A_3084 = vector.broadcast %broadcast_in_dim3A_3083 : vector<128x1xf32> to vector<128x128xf32>
    %sub3A_3085 = vector.broadcast %get3A_4 : vector<1x128xf32> to vector<128x128xf32>
    %sub3A_3086 = arith.subf %broadcast_in_dim3A_3084, %sub3A_3085 : vector<128x128xf32>
    %mul3A_3087 = arith.mulf %sub3A_3086, %sub3A_3086 : vector<128x128xf32>
    %mul3A_3088 = vector.broadcast %get3A_7 : vector<1x128xf32> to vector<128x128xf32>
    %mul3A_3089 = arith.mulf %mul3A_3087, %mul3A_3088 : vector<128x128xf32>
    %exp23A_3090 = math.exp2 %mul3A_3089 : vector<128x128xf32>
    %mul3A_3091 = vector.broadcast %get3A_10 : vector<1x128xf32> to vector<128x128xf32>
    %mul3A_3092 = arith.mulf %mul3A_3091, %exp23A_3090 : vector<128x128xf32>
    %swap3A_3093 = arith.constant 181 : index
    %swap3A_3094 = arith.constant 0 : index
    %swap3A_3095 = arith.constant 0 : index
    %swap3A_3096 = vector.load %arg3[%swap3A_3093, %swap3A_3094, %swap3A_3095] : memref<256x128x128xf32, #tpu.memory_space<vmem>>, vector<1x128x128xf32>
    %swap3A_3097 = vector.shape_cast %swap3A_3096 : vector<1x128x128xf32> to vector<128x128xf32>
    %swap3A_3098 = vector.shape_cast %mul3A_3092 : vector<128x128xf32> to vector<1x128x128xf32>
    tpu.vector_store %arg3[%swap3A_3093, %swap3A_3094, %swap3A_3095], %swap3A_3098 {strides = array<i32>} : memref<256x128x128xf32, #tpu.memory_space<vmem>>, vector<1x128x128xf32>,
    %slice3A_3099 = vector.extract_strided_slice %transpose3A {offsets = [0, 182], sizes = [128, 1], strides = [1, 1]} : vector<128x256xf32> to vector<128x1xf32>
    %broadcast_in_dim3A_3100 = vector.shape_cast %slice3A_3099 : vector<128x1xf32> to vector<128x1xf32>
    %broadcast_in_dim3A_3101 = vector.broadcast %broadcast_in_dim3A_3100 : vector<128x1xf32> to vector<128x128xf32>
    %sub3A_3102 = vector.broadcast %get3A_4 : vector<1x128xf32> to vector<128x128xf32>
    %sub3A_3103 = arith.subf %broadcast_in_dim3A_3101, %sub3A_3102 : vector<128x128xf32>
    %mul3A_3104 = arith.mulf %sub3A_3103, %sub3A_3103 : vector<128x128xf32>
    %mul3A_3105 = vector.broadcast %get3A_7 : vector<1x128xf32> to vector<128x128xf32>
    %mul3A_3106 = arith.mulf %mul3A_3104, %mul3A_3105 : vector<128x128xf32>
    %exp23A_3107 = math.exp2 %mul3A_3106 : vector<128x128xf32>
    %mul3A_3108 = vector.broadcast %get3A_10 : vector<1x128xf32> to vector<128x128xf32>
    %mul3A_3109 = arith.mulf %mul3A_3108, %exp23A_3107 : vector<128x128xf32>
    %swap3A_3110 = arith.constant 182 : index
    %swap3A_3111 = arith.constant 0 : index
    %swap3A_3112 = arith.constant 0 : index
    %swap3A_3113 = vector.load %arg3[%swap3A_3110, %swap3A_3111, %swap3A_3112] : memref<256x128x128xf32, #tpu.memory_space<vmem>>, vector<1x128x128xf32>
    %swap3A_3114 = vector.shape_cast %swap3A_3113 : vector<1x128x128xf32> to vector<128x128xf32>
    %swap3A_3115 = vector.shape_cast %mul3A_3109 : vector<128x128xf32> to vector<1x128x128xf32>
    tpu.vector_store %arg3[%swap3A_3110, %swap3A_3111, %swap3A_3112], %swap3A_3115 {strides = array<i32>} : memref<256x128x128xf32, #tpu.memory_space<vmem>>, vector<1x128x128xf32>,
    %slice3A_3116 = vector.extract_strided_slice %transpose3A {offsets = [0, 183], sizes = [128, 1], strides = [1, 1]} : vector<128x256xf32> to vector<128x1xf32>
    %broadcast_in_dim3A_3117 = vector.shape_cast %slice3A_3116 : vector<128x1xf32> to vector<128x1xf32>
    %broadcast_in_dim3A_3118 = vector.broadcast %broadcast_in_dim3A_3117 : vector<128x1xf32> to vector<128x128xf32>
    %sub3A_3119 = vector.broadcast %get3A_4 : vector<1x128xf32> to vector<128x128xf32>
    %sub3A_3120 = arith.subf %broadcast_in_dim3A_3118, %sub3A_3119 : vector<128x128xf32>
    %mul3A_3121 = arith.mulf %sub3A_3120, %sub3A_3120 : vector<128x128xf32>
    %mul3A_3122 = vector.broadcast %get3A_7 : vector<1x128xf32> to vector<128x128xf32>
    %mul3A_3123 = arith.mulf %mul3A_3121, %mul3A_3122 : vector<128x128xf32>
    %exp23A_3124 = math.exp2 %mul3A_3123 : vector<128x128xf32>
    %mul3A_3125 = vector.broadcast %get3A_10 : vector<1x128xf32> to vector<128x128xf32>
    %mul3A_3126 = arith.mulf %mul3A_3125, %exp23A_3124 : vector<128x128xf32>
    %swap3A_3127 = arith.constant 183 : index
    %swap3A_3128 = arith.constant 0 : index
    %swap3A_3129 = arith.constant 0 : index
    %swap3A_3130 = vector.load %arg3[%swap3A_3127, %swap3A_3128, %swap3A_3129] : memref<256x128x128xf32, #tpu.memory_space<vmem>>, vector<1x128x128xf32>
    %swap3A_3131 = vector.shape_cast %swap3A_3130 : vector<1x128x128xf32> to vector<128x128xf32>
    %swap3A_3132 = vector.shape_cast %mul3A_3126 : vector<128x128xf32> to vector<1x128x128xf32>
    tpu.vector_store %arg3[%swap3A_3127, %swap3A_3128, %swap3A_3129], %swap3A_3132 {strides = array<i32>} : memref<256x128x128xf32, #tpu.memory_space<vmem>>, vector<1x128x128xf32>,
    %slice3A_3133 = vector.extract_strided_slice %transpose3A {offsets = [0, 184], sizes = [128, 1], strides = [1, 1]} : vector<128x256xf32> to vector<128x1xf32>
    %broadcast_in_dim3A_3134 = vector.shape_cast %slice3A_3133 : vector<128x1xf32> to vector<128x1xf32>
    %broadcast_in_dim3A_3135 = vector.broadcast %broadcast_in_dim3A_3134 : vector<128x1xf32> to vector<128x128xf32>
    %sub3A_3136 = vector.broadcast %get3A_4 : vector<1x128xf32> to vector<128x128xf32>
    %sub3A_3137 = arith.subf %broadcast_in_dim3A_3135, %sub3A_3136 : vector<128x128xf32>
    %mul3A_3138 = arith.mulf %sub3A_3137, %sub3A_3137 : vector<128x128xf32>
    %mul3A_3139 = vector.broadcast %get3A_7 : vector<1x128xf32> to vector<128x128xf32>
    %mul3A_3140 = arith.mulf %mul3A_3138, %mul3A_3139 : vector<128x128xf32>
    %exp23A_3141 = math.exp2 %mul3A_3140 : vector<128x128xf32>
    %mul3A_3142 = vector.broadcast %get3A_10 : vector<1x128xf32> to vector<128x128xf32>
    %mul3A_3143 = arith.mulf %mul3A_3142, %exp23A_3141 : vector<128x128xf32>
    %swap3A_3144 = arith.constant 184 : index
    %swap3A_3145 = arith.constant 0 : index
    %swap3A_3146 = arith.constant 0 : index
    %swap3A_3147 = vector.load %arg3[%swap3A_3144, %swap3A_3145, %swap3A_3146] : memref<256x128x128xf32, #tpu.memory_space<vmem>>, vector<1x128x128xf32>
    %swap3A_3148 = vector.shape_cast %swap3A_3147 : vector<1x128x128xf32> to vector<128x128xf32>
    %swap3A_3149 = vector.shape_cast %mul3A_3143 : vector<128x128xf32> to vector<1x128x128xf32>
    tpu.vector_store %arg3[%swap3A_3144, %swap3A_3145, %swap3A_3146], %swap3A_3149 {strides = array<i32>} : memref<256x128x128xf32, #tpu.memory_space<vmem>>, vector<1x128x128xf32>,
    %slice3A_3150 = vector.extract_strided_slice %transpose3A {offsets = [0, 185], sizes = [128, 1], strides = [1, 1]} : vector<128x256xf32> to vector<128x1xf32>
    %broadcast_in_dim3A_3151 = vector.shape_cast %slice3A_3150 : vector<128x1xf32> to vector<128x1xf32>
    %broadcast_in_dim3A_3152 = vector.broadcast %broadcast_in_dim3A_3151 : vector<128x1xf32> to vector<128x128xf32>
    %sub3A_3153 = vector.broadcast %get3A_4 : vector<1x128xf32> to vector<128x128xf32>
    %sub3A_3154 = arith.subf %broadcast_in_dim3A_3152, %sub3A_3153 : vector<128x128xf32>
    %mul3A_3155 = arith.mulf %sub3A_3154, %sub3A_3154 : vector<128x128xf32>
    %mul3A_3156 = vector.broadcast %get3A_7 : vector<1x128xf32> to vector<128x128xf32>
    %mul3A_3157 = arith.mulf %mul3A_3155, %mul3A_3156 : vector<128x128xf32>
    %exp23A_3158 = math.exp2 %mul3A_3157 : vector<128x128xf32>
    %mul3A_3159 = vector.broadcast %get3A_10 : vector<1x128xf32> to vector<128x128xf32>
    %mul3A_3160 = arith.mulf %mul3A_3159, %exp23A_3158 : vector<128x128xf32>
    %swap3A_3161 = arith.constant 185 : index
    %swap3A_3162 = arith.constant 0 : index
    %swap3A_3163 = arith.constant 0 : index
    %swap3A_3164 = vector.load %arg3[%swap3A_3161, %swap3A_3162, %swap3A_3163] : memref<256x128x128xf32, #tpu.memory_space<vmem>>, vector<1x128x128xf32>
    %swap3A_3165 = vector.shape_cast %swap3A_3164 : vector<1x128x128xf32> to vector<128x128xf32>
    %swap3A_3166 = vector.shape_cast %mul3A_3160 : vector<128x128xf32> to vector<1x128x128xf32>
    tpu.vector_store %arg3[%swap3A_3161, %swap3A_3162, %swap3A_3163], %swap3A_3166 {strides = array<i32>} : memref<256x128x128xf32, #tpu.memory_space<vmem>>, vector<1x128x128xf32>,
    %slice3A_3167 = vector.extract_strided_slice %transpose3A {offsets = [0, 186], sizes = [128, 1], strides = [1, 1]} : vector<128x256xf32> to vector<128x1xf32>
    %broadcast_in_dim3A_3168 = vector.shape_cast %slice3A_3167 : vector<128x1xf32> to vector<128x1xf32>
    %broadcast_in_dim3A_3169 = vector.broadcast %broadcast_in_dim3A_3168 : vector<128x1xf32> to vector<128x128xf32>
    %sub3A_3170 = vector.broadcast %get3A_4 : vector<1x128xf32> to vector<128x128xf32>
    %sub3A_3171 = arith.subf %broadcast_in_dim3A_3169, %sub3A_3170 : vector<128x128xf32>
    %mul3A_3172 = arith.mulf %sub3A_3171, %sub3A_3171 : vector<128x128xf32>
    %mul3A_3173 = vector.broadcast %get3A_7 : vector<1x128xf32> to vector<128x128xf32>
    %mul3A_3174 = arith.mulf %mul3A_3172, %mul3A_3173 : vector<128x128xf32>
    %exp23A_3175 = math.exp2 %mul3A_3174 : vector<128x128xf32>
    %mul3A_3176 = vector.broadcast %get3A_10 : vector<1x128xf32> to vector<128x128xf32>
    %mul3A_3177 = arith.mulf %mul3A_3176, %exp23A_3175 : vector<128x128xf32>
    %swap3A_3178 = arith.constant 186 : index
    %swap3A_3179 = arith.constant 0 : index
    %swap3A_3180 = arith.constant 0 : index
    %swap3A_3181 = vector.load %arg3[%swap3A_3178, %swap3A_3179, %swap3A_3180] : memref<256x128x128xf32, #tpu.memory_space<vmem>>, vector<1x128x128xf32>
    %swap3A_3182 = vector.shape_cast %swap3A_3181 : vector<1x128x128xf32> to vector<128x128xf32>
    %swap3A_3183 = vector.shape_cast %mul3A_3177 : vector<128x128xf32> to vector<1x128x128xf32>
    tpu.vector_store %arg3[%swap3A_3178, %swap3A_3179, %swap3A_3180], %swap3A_3183 {strides = array<i32>} : memref<256x128x128xf32, #tpu.memory_space<vmem>>, vector<1x128x128xf32>,
    %slice3A_3184 = vector.extract_strided_slice %transpose3A {offsets = [0, 187], sizes = [128, 1], strides = [1, 1]} : vector<128x256xf32> to vector<128x1xf32>
    %broadcast_in_dim3A_3185 = vector.shape_cast %slice3A_3184 : vector<128x1xf32> to vector<128x1xf32>
    %broadcast_in_dim3A_3186 = vector.broadcast %broadcast_in_dim3A_3185 : vector<128x1xf32> to vector<128x128xf32>
    %sub3A_3187 = vector.broadcast %get3A_4 : vector<1x128xf32> to vector<128x128xf32>
    %sub3A_3188 = arith.subf %broadcast_in_dim3A_3186, %sub3A_3187 : vector<128x128xf32>
    %mul3A_3189 = arith.mulf %sub3A_3188, %sub3A_3188 : vector<128x128xf32>
    %mul3A_3190 = vector.broadcast %get3A_7 : vector<1x128xf32> to vector<128x128xf32>
    %mul3A_3191 = arith.mulf %mul3A_3189, %mul3A_3190 : vector<128x128xf32>
    %exp23A_3192 = math.exp2 %mul3A_3191 : vector<128x128xf32>
    %mul3A_3193 = vector.broadcast %get3A_10 : vector<1x128xf32> to vector<128x128xf32>
    %mul3A_3194 = arith.mulf %mul3A_3193, %exp23A_3192 : vector<128x128xf32>
    %swap3A_3195 = arith.constant 187 : index
    %swap3A_3196 = arith.constant 0 : index
    %swap3A_3197 = arith.constant 0 : index
    %swap3A_3198 = vector.load %arg3[%swap3A_3195, %swap3A_3196, %swap3A_3197] : memref<256x128x128xf32, #tpu.memory_space<vmem>>, vector<1x128x128xf32>
    %swap3A_3199 = vector.shape_cast %swap3A_3198 : vector<1x128x128xf32> to vector<128x128xf32>
    %swap3A_3200 = vector.shape_cast %mul3A_3194 : vector<128x128xf32> to vector<1x128x128xf32>
    tpu.vector_store %arg3[%swap3A_3195, %swap3A_3196, %swap3A_3197], %swap3A_3200 {strides = array<i32>} : memref<256x128x128xf32, #tpu.memory_space<vmem>>, vector<1x128x128xf32>,
    %slice3A_3201 = vector.extract_strided_slice %transpose3A {offsets = [0, 188], sizes = [128, 1], strides = [1, 1]} : vector<128x256xf32> to vector<128x1xf32>
    %broadcast_in_dim3A_3202 = vector.shape_cast %slice3A_3201 : vector<128x1xf32> to vector<128x1xf32>
    %broadcast_in_dim3A_3203 = vector.broadcast %broadcast_in_dim3A_3202 : vector<128x1xf32> to vector<128x128xf32>
    %sub3A_3204 = vector.broadcast %get3A_4 : vector<1x128xf32> to vector<128x128xf32>
    %sub3A_3205 = arith.subf %broadcast_in_dim3A_3203, %sub3A_3204 : vector<128x128xf32>
    %mul3A_3206 = arith.mulf %sub3A_3205, %sub3A_3205 : vector<128x128xf32>
    %mul3A_3207 = vector.broadcast %get3A_7 : vector<1x128xf32> to vector<128x128xf32>
    %mul3A_3208 = arith.mulf %mul3A_3206, %mul3A_3207 : vector<128x128xf32>
    %exp23A_3209 = math.exp2 %mul3A_3208 : vector<128x128xf32>
    %mul3A_3210 = vector.broadcast %get3A_10 : vector<1x128xf32> to vector<128x128xf32>
    %mul3A_3211 = arith.mulf %mul3A_3210, %exp23A_3209 : vector<128x128xf32>
    %swap3A_3212 = arith.constant 188 : index
    %swap3A_3213 = arith.constant 0 : index
    %swap3A_3214 = arith.constant 0 : index
    %swap3A_3215 = vector.load %arg3[%swap3A_3212, %swap3A_3213, %swap3A_3214] : memref<256x128x128xf32, #tpu.memory_space<vmem>>, vector<1x128x128xf32>
    %swap3A_3216 = vector.shape_cast %swap3A_3215 : vector<1x128x128xf32> to vector<128x128xf32>
    %swap3A_3217 = vector.shape_cast %mul3A_3211 : vector<128x128xf32> to vector<1x128x128xf32>
    tpu.vector_store %arg3[%swap3A_3212, %swap3A_3213, %swap3A_3214], %swap3A_3217 {strides = array<i32>} : memref<256x128x128xf32, #tpu.memory_space<vmem>>, vector<1x128x128xf32>,
    %slice3A_3218 = vector.extract_strided_slice %transpose3A {offsets = [0, 189], sizes = [128, 1], strides = [1, 1]} : vector<128x256xf32> to vector<128x1xf32>
    %broadcast_in_dim3A_3219 = vector.shape_cast %slice3A_3218 : vector<128x1xf32> to vector<128x1xf32>
    %broadcast_in_dim3A_3220 = vector.broadcast %broadcast_in_dim3A_3219 : vector<128x1xf32> to vector<128x128xf32>
    %sub3A_3221 = vector.broadcast %get3A_4 : vector<1x128xf32> to vector<128x128xf32>
    %sub3A_3222 = arith.subf %broadcast_in_dim3A_3220, %sub3A_3221 : vector<128x128xf32>
    %mul3A_3223 = arith.mulf %sub3A_3222, %sub3A_3222 : vector<128x128xf32>
    %mul3A_3224 = vector.broadcast %get3A_7 : vector<1x128xf32> to vector<128x128xf32>
    %mul3A_3225 = arith.mulf %mul3A_3223, %mul3A_3224 : vector<128x128xf32>
    %exp23A_3226 = math.exp2 %mul3A_3225 : vector<128x128xf32>
    %mul3A_3227 = vector.broadcast %get3A_10 : vector<1x128xf32> to vector<128x128xf32>
    %mul3A_3228 = arith.mulf %mul3A_3227, %exp23A_3226 : vector<128x128xf32>
    %swap3A_3229 = arith.constant 189 : index
    %swap3A_3230 = arith.constant 0 : index
    %swap3A_3231 = arith.constant 0 : index
    %swap3A_3232 = vector.load %arg3[%swap3A_3229, %swap3A_3230, %swap3A_3231] : memref<256x128x128xf32, #tpu.memory_space<vmem>>, vector<1x128x128xf32>
    %swap3A_3233 = vector.shape_cast %swap3A_3232 : vector<1x128x128xf32> to vector<128x128xf32>
    %swap3A_3234 = vector.shape_cast %mul3A_3228 : vector<128x128xf32> to vector<1x128x128xf32>
    tpu.vector_store %arg3[%swap3A_3229, %swap3A_3230, %swap3A_3231], %swap3A_3234 {strides = array<i32>} : memref<256x128x128xf32, #tpu.memory_space<vmem>>, vector<1x128x128xf32>,
    %slice3A_3235 = vector.extract_strided_slice %transpose3A {offsets = [0, 190], sizes = [128, 1], strides = [1, 1]} : vector<128x256xf32> to vector<128x1xf32>
    %broadcast_in_dim3A_3236 = vector.shape_cast %slice3A_3235 : vector<128x1xf32> to vector<128x1xf32>
    %broadcast_in_dim3A_3237 = vector.broadcast %broadcast_in_dim3A_3236 : vector<128x1xf32> to vector<128x128xf32>
    %sub3A_3238 = vector.broadcast %get3A_4 : vector<1x128xf32> to vector<128x128xf32>
    %sub3A_3239 = arith.subf %broadcast_in_dim3A_3237, %sub3A_3238 : vector<128x128xf32>
    %mul3A_3240 = arith.mulf %sub3A_3239, %sub3A_3239 : vector<128x128xf32>
    %mul3A_3241 = vector.broadcast %get3A_7 : vector<1x128xf32> to vector<128x128xf32>
    %mul3A_3242 = arith.mulf %mul3A_3240, %mul3A_3241 : vector<128x128xf32>
    %exp23A_3243 = math.exp2 %mul3A_3242 : vector<128x128xf32>
    %mul3A_3244 = vector.broadcast %get3A_10 : vector<1x128xf32> to vector<128x128xf32>
    %mul3A_3245 = arith.mulf %mul3A_3244, %exp23A_3243 : vector<128x128xf32>
    %swap3A_3246 = arith.constant 190 : index
    %swap3A_3247 = arith.constant 0 : index
    %swap3A_3248 = arith.constant 0 : index
    %swap3A_3249 = vector.load %arg3[%swap3A_3246, %swap3A_3247, %swap3A_3248] : memref<256x128x128xf32, #tpu.memory_space<vmem>>, vector<1x128x128xf32>
    %swap3A_3250 = vector.shape_cast %swap3A_3249 : vector<1x128x128xf32> to vector<128x128xf32>
    %swap3A_3251 = vector.shape_cast %mul3A_3245 : vector<128x128xf32> to vector<1x128x128xf32>
    tpu.vector_store %arg3[%swap3A_3246, %swap3A_3247, %swap3A_3248], %swap3A_3251 {strides = array<i32>} : memref<256x128x128xf32, #tpu.memory_space<vmem>>, vector<1x128x128xf32>,
    %slice3A_3252 = vector.extract_strided_slice %transpose3A {offsets = [0, 191], sizes = [128, 1], strides = [1, 1]} : vector<128x256xf32> to vector<128x1xf32>
    %broadcast_in_dim3A_3253 = vector.shape_cast %slice3A_3252 : vector<128x1xf32> to vector<128x1xf32>
    %broadcast_in_dim3A_3254 = vector.broadcast %broadcast_in_dim3A_3253 : vector<128x1xf32> to vector<128x128xf32>
    %sub3A_3255 = vector.broadcast %get3A_4 : vector<1x128xf32> to vector<128x128xf32>
    %sub3A_3256 = arith.subf %broadcast_in_dim3A_3254, %sub3A_3255 : vector<128x128xf32>
    %mul3A_3257 = arith.mulf %sub3A_3256, %sub3A_3256 : vector<128x128xf32>
    %mul3A_3258 = vector.broadcast %get3A_7 : vector<1x128xf32> to vector<128x128xf32>
    %mul3A_3259 = arith.mulf %mul3A_3257, %mul3A_3258 : vector<128x128xf32>
    %exp23A_3260 = math.exp2 %mul3A_3259 : vector<128x128xf32>
    %mul3A_3261 = vector.broadcast %get3A_10 : vector<1x128xf32> to vector<128x128xf32>
    %mul3A_3262 = arith.mulf %mul3A_3261, %exp23A_3260 : vector<128x128xf32>
    %swap3A_3263 = arith.constant 191 : index
    %swap3A_3264 = arith.constant 0 : index
    %swap3A_3265 = arith.constant 0 : index
    %swap3A_3266 = vector.load %arg3[%swap3A_3263, %swap3A_3264, %swap3A_3265] : memref<256x128x128xf32, #tpu.memory_space<vmem>>, vector<1x128x128xf32>
    %swap3A_3267 = vector.shape_cast %swap3A_3266 : vector<1x128x128xf32> to vector<128x128xf32>
    %swap3A_3268 = vector.shape_cast %mul3A_3262 : vector<128x128xf32> to vector<1x128x128xf32>
    tpu.vector_store %arg3[%swap3A_3263, %swap3A_3264, %swap3A_3265], %swap3A_3268 {strides = array<i32>} : memref<256x128x128xf32, #tpu.memory_space<vmem>>, vector<1x128x128xf32>,
    %slice3A_3269 = vector.extract_strided_slice %transpose3A {offsets = [0, 192], sizes = [128, 1], strides = [1, 1]} : vector<128x256xf32> to vector<128x1xf32>
    %broadcast_in_dim3A_3270 = vector.shape_cast %slice3A_3269 : vector<128x1xf32> to vector<128x1xf32>
    %broadcast_in_dim3A_3271 = vector.broadcast %broadcast_in_dim3A_3270 : vector<128x1xf32> to vector<128x128xf32>
    %sub3A_3272 = vector.broadcast %get3A_4 : vector<1x128xf32> to vector<128x128xf32>
    %sub3A_3273 = arith.subf %broadcast_in_dim3A_3271, %sub3A_3272 : vector<128x128xf32>
    %mul3A_3274 = arith.mulf %sub3A_3273, %sub3A_3273 : vector<128x128xf32>
    %mul3A_3275 = vector.broadcast %get3A_7 : vector<1x128xf32> to vector<128x128xf32>
    %mul3A_3276 = arith.mulf %mul3A_3274, %mul3A_3275 : vector<128x128xf32>
    %exp23A_3277 = math.exp2 %mul3A_3276 : vector<128x128xf32>
    %mul3A_3278 = vector.broadcast %get3A_10 : vector<1x128xf32> to vector<128x128xf32>
    %mul3A_3279 = arith.mulf %mul3A_3278, %exp23A_3277 : vector<128x128xf32>
    %swap3A_3280 = arith.constant 192 : index
    %swap3A_3281 = arith.constant 0 : index
    %swap3A_3282 = arith.constant 0 : index
    %swap3A_3283 = vector.load %arg3[%swap3A_3280, %swap3A_3281, %swap3A_3282] : memref<256x128x128xf32, #tpu.memory_space<vmem>>, vector<1x128x128xf32>
    %swap3A_3284 = vector.shape_cast %swap3A_3283 : vector<1x128x128xf32> to vector<128x128xf32>
    %swap3A_3285 = vector.shape_cast %mul3A_3279 : vector<128x128xf32> to vector<1x128x128xf32>
    tpu.vector_store %arg3[%swap3A_3280, %swap3A_3281, %swap3A_3282], %swap3A_3285 {strides = array<i32>} : memref<256x128x128xf32, #tpu.memory_space<vmem>>, vector<1x128x128xf32>,
    %slice3A_3286 = vector.extract_strided_slice %transpose3A {offsets = [0, 193], sizes = [128, 1], strides = [1, 1]} : vector<128x256xf32> to vector<128x1xf32>
    %broadcast_in_dim3A_3287 = vector.shape_cast %slice3A_3286 : vector<128x1xf32> to vector<128x1xf32>
    %broadcast_in_dim3A_3288 = vector.broadcast %broadcast_in_dim3A_3287 : vector<128x1xf32> to vector<128x128xf32>
    %sub3A_3289 = vector.broadcast %get3A_4 : vector<1x128xf32> to vector<128x128xf32>
    %sub3A_3290 = arith.subf %broadcast_in_dim3A_3288, %sub3A_3289 : vector<128x128xf32>
    %mul3A_3291 = arith.mulf %sub3A_3290, %sub3A_3290 : vector<128x128xf32>
    %mul3A_3292 = vector.broadcast %get3A_7 : vector<1x128xf32> to vector<128x128xf32>
    %mul3A_3293 = arith.mulf %mul3A_3291, %mul3A_3292 : vector<128x128xf32>
    %exp23A_3294 = math.exp2 %mul3A_3293 : vector<128x128xf32>
    %mul3A_3295 = vector.broadcast %get3A_10 : vector<1x128xf32> to vector<128x128xf32>
    %mul3A_3296 = arith.mulf %mul3A_3295, %exp23A_3294 : vector<128x128xf32>
    %swap3A_3297 = arith.constant 193 : index
    %swap3A_3298 = arith.constant 0 : index
    %swap3A_3299 = arith.constant 0 : index
    %swap3A_3300 = vector.load %arg3[%swap3A_3297, %swap3A_3298, %swap3A_3299] : memref<256x128x128xf32, #tpu.memory_space<vmem>>, vector<1x128x128xf32>
    %swap3A_3301 = vector.shape_cast %swap3A_3300 : vector<1x128x128xf32> to vector<128x128xf32>
    %swap3A_3302 = vector.shape_cast %mul3A_3296 : vector<128x128xf32> to vector<1x128x128xf32>
    tpu.vector_store %arg3[%swap3A_3297, %swap3A_3298, %swap3A_3299], %swap3A_3302 {strides = array<i32>} : memref<256x128x128xf32, #tpu.memory_space<vmem>>, vector<1x128x128xf32>,
    %slice3A_3303 = vector.extract_strided_slice %transpose3A {offsets = [0, 194], sizes = [128, 1], strides = [1, 1]} : vector<128x256xf32> to vector<128x1xf32>
    %broadcast_in_dim3A_3304 = vector.shape_cast %slice3A_3303 : vector<128x1xf32> to vector<128x1xf32>
    %broadcast_in_dim3A_3305 = vector.broadcast %broadcast_in_dim3A_3304 : vector<128x1xf32> to vector<128x128xf32>
    %sub3A_3306 = vector.broadcast %get3A_4 : vector<1x128xf32> to vector<128x128xf32>
    %sub3A_3307 = arith.subf %broadcast_in_dim3A_3305, %sub3A_3306 : vector<128x128xf32>
    %mul3A_3308 = arith.mulf %sub3A_3307, %sub3A_3307 : vector<128x128xf32>
    %mul3A_3309 = vector.broadcast %get3A_7 : vector<1x128xf32> to vector<128x128xf32>
    %mul3A_3310 = arith.mulf %mul3A_3308, %mul3A_3309 : vector<128x128xf32>
    %exp23A_3311 = math.exp2 %mul3A_3310 : vector<128x128xf32>
    %mul3A_3312 = vector.broadcast %get3A_10 : vector<1x128xf32> to vector<128x128xf32>
    %mul3A_3313 = arith.mulf %mul3A_3312, %exp23A_3311 : vector<128x128xf32>
    %swap3A_3314 = arith.constant 194 : index
    %swap3A_3315 = arith.constant 0 : index
    %swap3A_3316 = arith.constant 0 : index
    %swap3A_3317 = vector.load %arg3[%swap3A_3314, %swap3A_3315, %swap3A_3316] : memref<256x128x128xf32, #tpu.memory_space<vmem>>, vector<1x128x128xf32>
    %swap3A_3318 = vector.shape_cast %swap3A_3317 : vector<1x128x128xf32> to vector<128x128xf32>
    %swap3A_3319 = vector.shape_cast %mul3A_3313 : vector<128x128xf32> to vector<1x128x128xf32>
    tpu.vector_store %arg3[%swap3A_3314, %swap3A_3315, %swap3A_3316], %swap3A_3319 {strides = array<i32>} : memref<256x128x128xf32, #tpu.memory_space<vmem>>, vector<1x128x128xf32>,
    %slice3A_3320 = vector.extract_strided_slice %transpose3A {offsets = [0, 195], sizes = [128, 1], strides = [1, 1]} : vector<128x256xf32> to vector<128x1xf32>
    %broadcast_in_dim3A_3321 = vector.shape_cast %slice3A_3320 : vector<128x1xf32> to vector<128x1xf32>
    %broadcast_in_dim3A_3322 = vector.broadcast %broadcast_in_dim3A_3321 : vector<128x1xf32> to vector<128x128xf32>
    %sub3A_3323 = vector.broadcast %get3A_4 : vector<1x128xf32> to vector<128x128xf32>
    %sub3A_3324 = arith.subf %broadcast_in_dim3A_3322, %sub3A_3323 : vector<128x128xf32>
    %mul3A_3325 = arith.mulf %sub3A_3324, %sub3A_3324 : vector<128x128xf32>
    %mul3A_3326 = vector.broadcast %get3A_7 : vector<1x128xf32> to vector<128x128xf32>
    %mul3A_3327 = arith.mulf %mul3A_3325, %mul3A_3326 : vector<128x128xf32>
    %exp23A_3328 = math.exp2 %mul3A_3327 : vector<128x128xf32>
    %mul3A_3329 = vector.broadcast %get3A_10 : vector<1x128xf32> to vector<128x128xf32>
    %mul3A_3330 = arith.mulf %mul3A_3329, %exp23A_3328 : vector<128x128xf32>
    %swap3A_3331 = arith.constant 195 : index
    %swap3A_3332 = arith.constant 0 : index
    %swap3A_3333 = arith.constant 0 : index
    %swap3A_3334 = vector.load %arg3[%swap3A_3331, %swap3A_3332, %swap3A_3333] : memref<256x128x128xf32, #tpu.memory_space<vmem>>, vector<1x128x128xf32>
    %swap3A_3335 = vector.shape_cast %swap3A_3334 : vector<1x128x128xf32> to vector<128x128xf32>
    %swap3A_3336 = vector.shape_cast %mul3A_3330 : vector<128x128xf32> to vector<1x128x128xf32>
    tpu.vector_store %arg3[%swap3A_3331, %swap3A_3332, %swap3A_3333], %swap3A_3336 {strides = array<i32>} : memref<256x128x128xf32, #tpu.memory_space<vmem>>, vector<1x128x128xf32>,
    %slice3A_3337 = vector.extract_strided_slice %transpose3A {offsets = [0, 196], sizes = [128, 1], strides = [1, 1]} : vector<128x256xf32> to vector<128x1xf32>
    %broadcast_in_dim3A_3338 = vector.shape_cast %slice3A_3337 : vector<128x1xf32> to vector<128x1xf32>
    %broadcast_in_dim3A_3339 = vector.broadcast %broadcast_in_dim3A_3338 : vector<128x1xf32> to vector<128x128xf32>
    %sub3A_3340 = vector.broadcast %get3A_4 : vector<1x128xf32> to vector<128x128xf32>
    %sub3A_3341 = arith.subf %broadcast_in_dim3A_3339, %sub3A_3340 : vector<128x128xf32>
    %mul3A_3342 = arith.mulf %sub3A_3341, %sub3A_3341 : vector<128x128xf32>
    %mul3A_3343 = vector.broadcast %get3A_7 : vector<1x128xf32> to vector<128x128xf32>
    %mul3A_3344 = arith.mulf %mul3A_3342, %mul3A_3343 : vector<128x128xf32>
    %exp23A_3345 = math.exp2 %mul3A_3344 : vector<128x128xf32>
    %mul3A_3346 = vector.broadcast %get3A_10 : vector<1x128xf32> to vector<128x128xf32>
    %mul3A_3347 = arith.mulf %mul3A_3346, %exp23A_3345 : vector<128x128xf32>
    %swap3A_3348 = arith.constant 196 : index
    %swap3A_3349 = arith.constant 0 : index
    %swap3A_3350 = arith.constant 0 : index
    %swap3A_3351 = vector.load %arg3[%swap3A_3348, %swap3A_3349, %swap3A_3350] : memref<256x128x128xf32, #tpu.memory_space<vmem>>, vector<1x128x128xf32>
    %swap3A_3352 = vector.shape_cast %swap3A_3351 : vector<1x128x128xf32> to vector<128x128xf32>
    %swap3A_3353 = vector.shape_cast %mul3A_3347 : vector<128x128xf32> to vector<1x128x128xf32>
    tpu.vector_store %arg3[%swap3A_3348, %swap3A_3349, %swap3A_3350], %swap3A_3353 {strides = array<i32>} : memref<256x128x128xf32, #tpu.memory_space<vmem>>, vector<1x128x128xf32>,
    %slice3A_3354 = vector.extract_strided_slice %transpose3A {offsets = [0, 197], sizes = [128, 1], strides = [1, 1]} : vector<128x256xf32> to vector<128x1xf32>
    %broadcast_in_dim3A_3355 = vector.shape_cast %slice3A_3354 : vector<128x1xf32> to vector<128x1xf32>
    %broadcast_in_dim3A_3356 = vector.broadcast %broadcast_in_dim3A_3355 : vector<128x1xf32> to vector<128x128xf32>
    %sub3A_3357 = vector.broadcast %get3A_4 : vector<1x128xf32> to vector<128x128xf32>
    %sub3A_3358 = arith.subf %broadcast_in_dim3A_3356, %sub3A_3357 : vector<128x128xf32>
    %mul3A_3359 = arith.mulf %sub3A_3358, %sub3A_3358 : vector<128x128xf32>
    %mul3A_3360 = vector.broadcast %get3A_7 : vector<1x128xf32> to vector<128x128xf32>
    %mul3A_3361 = arith.mulf %mul3A_3359, %mul3A_3360 : vector<128x128xf32>
    %exp23A_3362 = math.exp2 %mul3A_3361 : vector<128x128xf32>
    %mul3A_3363 = vector.broadcast %get3A_10 : vector<1x128xf32> to vector<128x128xf32>
    %mul3A_3364 = arith.mulf %mul3A_3363, %exp23A_3362 : vector<128x128xf32>
    %swap3A_3365 = arith.constant 197 : index
    %swap3A_3366 = arith.constant 0 : index
    %swap3A_3367 = arith.constant 0 : index
    %swap3A_3368 = vector.load %arg3[%swap3A_3365, %swap3A_3366, %swap3A_3367] : memref<256x128x128xf32, #tpu.memory_space<vmem>>, vector<1x128x128xf32>
    %swap3A_3369 = vector.shape_cast %swap3A_3368 : vector<1x128x128xf32> to vector<128x128xf32>
    %swap3A_3370 = vector.shape_cast %mul3A_3364 : vector<128x128xf32> to vector<1x128x128xf32>
    tpu.vector_store %arg3[%swap3A_3365, %swap3A_3366, %swap3A_3367], %swap3A_3370 {strides = array<i32>} : memref<256x128x128xf32, #tpu.memory_space<vmem>>, vector<1x128x128xf32>,
    %slice3A_3371 = vector.extract_strided_slice %transpose3A {offsets = [0, 198], sizes = [128, 1], strides = [1, 1]} : vector<128x256xf32> to vector<128x1xf32>
    %broadcast_in_dim3A_3372 = vector.shape_cast %slice3A_3371 : vector<128x1xf32> to vector<128x1xf32>
    %broadcast_in_dim3A_3373 = vector.broadcast %broadcast_in_dim3A_3372 : vector<128x1xf32> to vector<128x128xf32>
    %sub3A_3374 = vector.broadcast %get3A_4 : vector<1x128xf32> to vector<128x128xf32>
    %sub3A_3375 = arith.subf %broadcast_in_dim3A_3373, %sub3A_3374 : vector<128x128xf32>
    %mul3A_3376 = arith.mulf %sub3A_3375, %sub3A_3375 : vector<128x128xf32>
    %mul3A_3377 = vector.broadcast %get3A_7 : vector<1x128xf32> to vector<128x128xf32>
    %mul3A_3378 = arith.mulf %mul3A_3376, %mul3A_3377 : vector<128x128xf32>
    %exp23A_3379 = math.exp2 %mul3A_3378 : vector<128x128xf32>
    %mul3A_3380 = vector.broadcast %get3A_10 : vector<1x128xf32> to vector<128x128xf32>
    %mul3A_3381 = arith.mulf %mul3A_3380, %exp23A_3379 : vector<128x128xf32>
    %swap3A_3382 = arith.constant 198 : index
    %swap3A_3383 = arith.constant 0 : index
    %swap3A_3384 = arith.constant 0 : index
    %swap3A_3385 = vector.load %arg3[%swap3A_3382, %swap3A_3383, %swap3A_3384] : memref<256x128x128xf32, #tpu.memory_space<vmem>>, vector<1x128x128xf32>
    %swap3A_3386 = vector.shape_cast %swap3A_3385 : vector<1x128x128xf32> to vector<128x128xf32>
    %swap3A_3387 = vector.shape_cast %mul3A_3381 : vector<128x128xf32> to vector<1x128x128xf32>
    tpu.vector_store %arg3[%swap3A_3382, %swap3A_3383, %swap3A_3384], %swap3A_3387 {strides = array<i32>} : memref<256x128x128xf32, #tpu.memory_space<vmem>>, vector<1x128x128xf32>,
    %slice3A_3388 = vector.extract_strided_slice %transpose3A {offsets = [0, 199], sizes = [128, 1], strides = [1, 1]} : vector<128x256xf32> to vector<128x1xf32>
    %broadcast_in_dim3A_3389 = vector.shape_cast %slice3A_3388 : vector<128x1xf32> to vector<128x1xf32>
    %broadcast_in_dim3A_3390 = vector.broadcast %broadcast_in_dim3A_3389 : vector<128x1xf32> to vector<128x128xf32>
    %sub3A_3391 = vector.broadcast %get3A_4 : vector<1x128xf32> to vector<128x128xf32>
    %sub3A_3392 = arith.subf %broadcast_in_dim3A_3390, %sub3A_3391 : vector<128x128xf32>
    %mul3A_3393 = arith.mulf %sub3A_3392, %sub3A_3392 : vector<128x128xf32>
    %mul3A_3394 = vector.broadcast %get3A_7 : vector<1x128xf32> to vector<128x128xf32>
    %mul3A_3395 = arith.mulf %mul3A_3393, %mul3A_3394 : vector<128x128xf32>
    %exp23A_3396 = math.exp2 %mul3A_3395 : vector<128x128xf32>
    %mul3A_3397 = vector.broadcast %get3A_10 : vector<1x128xf32> to vector<128x128xf32>
    %mul3A_3398 = arith.mulf %mul3A_3397, %exp23A_3396 : vector<128x128xf32>
    %swap3A_3399 = arith.constant 199 : index
    %swap3A_3400 = arith.constant 0 : index
    %swap3A_3401 = arith.constant 0 : index
    %swap3A_3402 = vector.load %arg3[%swap3A_3399, %swap3A_3400, %swap3A_3401] : memref<256x128x128xf32, #tpu.memory_space<vmem>>, vector<1x128x128xf32>
    %swap3A_3403 = vector.shape_cast %swap3A_3402 : vector<1x128x128xf32> to vector<128x128xf32>
    %swap3A_3404 = vector.shape_cast %mul3A_3398 : vector<128x128xf32> to vector<1x128x128xf32>
    tpu.vector_store %arg3[%swap3A_3399, %swap3A_3400, %swap3A_3401], %swap3A_3404 {strides = array<i32>} : memref<256x128x128xf32, #tpu.memory_space<vmem>>, vector<1x128x128xf32>,
    %slice3A_3405 = vector.extract_strided_slice %transpose3A {offsets = [0, 200], sizes = [128, 1], strides = [1, 1]} : vector<128x256xf32> to vector<128x1xf32>
    %broadcast_in_dim3A_3406 = vector.shape_cast %slice3A_3405 : vector<128x1xf32> to vector<128x1xf32>
    %broadcast_in_dim3A_3407 = vector.broadcast %broadcast_in_dim3A_3406 : vector<128x1xf32> to vector<128x128xf32>
    %sub3A_3408 = vector.broadcast %get3A_4 : vector<1x128xf32> to vector<128x128xf32>
    %sub3A_3409 = arith.subf %broadcast_in_dim3A_3407, %sub3A_3408 : vector<128x128xf32>
    %mul3A_3410 = arith.mulf %sub3A_3409, %sub3A_3409 : vector<128x128xf32>
    %mul3A_3411 = vector.broadcast %get3A_7 : vector<1x128xf32> to vector<128x128xf32>
    %mul3A_3412 = arith.mulf %mul3A_3410, %mul3A_3411 : vector<128x128xf32>
    %exp23A_3413 = math.exp2 %mul3A_3412 : vector<128x128xf32>
    %mul3A_3414 = vector.broadcast %get3A_10 : vector<1x128xf32> to vector<128x128xf32>
    %mul3A_3415 = arith.mulf %mul3A_3414, %exp23A_3413 : vector<128x128xf32>
    %swap3A_3416 = arith.constant 200 : index
    %swap3A_3417 = arith.constant 0 : index
    %swap3A_3418 = arith.constant 0 : index
    %swap3A_3419 = vector.load %arg3[%swap3A_3416, %swap3A_3417, %swap3A_3418] : memref<256x128x128xf32, #tpu.memory_space<vmem>>, vector<1x128x128xf32>
    %swap3A_3420 = vector.shape_cast %swap3A_3419 : vector<1x128x128xf32> to vector<128x128xf32>
    %swap3A_3421 = vector.shape_cast %mul3A_3415 : vector<128x128xf32> to vector<1x128x128xf32>
    tpu.vector_store %arg3[%swap3A_3416, %swap3A_3417, %swap3A_3418], %swap3A_3421 {strides = array<i32>} : memref<256x128x128xf32, #tpu.memory_space<vmem>>, vector<1x128x128xf32>,
    %slice3A_3422 = vector.extract_strided_slice %transpose3A {offsets = [0, 201], sizes = [128, 1], strides = [1, 1]} : vector<128x256xf32> to vector<128x1xf32>
    %broadcast_in_dim3A_3423 = vector.shape_cast %slice3A_3422 : vector<128x1xf32> to vector<128x1xf32>
    %broadcast_in_dim3A_3424 = vector.broadcast %broadcast_in_dim3A_3423 : vector<128x1xf32> to vector<128x128xf32>
    %sub3A_3425 = vector.broadcast %get3A_4 : vector<1x128xf32> to vector<128x128xf32>
    %sub3A_3426 = arith.subf %broadcast_in_dim3A_3424, %sub3A_3425 : vector<128x128xf32>
    %mul3A_3427 = arith.mulf %sub3A_3426, %sub3A_3426 : vector<128x128xf32>
    %mul3A_3428 = vector.broadcast %get3A_7 : vector<1x128xf32> to vector<128x128xf32>
    %mul3A_3429 = arith.mulf %mul3A_3427, %mul3A_3428 : vector<128x128xf32>
    %exp23A_3430 = math.exp2 %mul3A_3429 : vector<128x128xf32>
    %mul3A_3431 = vector.broadcast %get3A_10 : vector<1x128xf32> to vector<128x128xf32>
    %mul3A_3432 = arith.mulf %mul3A_3431, %exp23A_3430 : vector<128x128xf32>
    %swap3A_3433 = arith.constant 201 : index
    %swap3A_3434 = arith.constant 0 : index
    %swap3A_3435 = arith.constant 0 : index
    %swap3A_3436 = vector.load %arg3[%swap3A_3433, %swap3A_3434, %swap3A_3435] : memref<256x128x128xf32, #tpu.memory_space<vmem>>, vector<1x128x128xf32>
    %swap3A_3437 = vector.shape_cast %swap3A_3436 : vector<1x128x128xf32> to vector<128x128xf32>
    %swap3A_3438 = vector.shape_cast %mul3A_3432 : vector<128x128xf32> to vector<1x128x128xf32>
    tpu.vector_store %arg3[%swap3A_3433, %swap3A_3434, %swap3A_3435], %swap3A_3438 {strides = array<i32>} : memref<256x128x128xf32, #tpu.memory_space<vmem>>, vector<1x128x128xf32>,
    %slice3A_3439 = vector.extract_strided_slice %transpose3A {offsets = [0, 202], sizes = [128, 1], strides = [1, 1]} : vector<128x256xf32> to vector<128x1xf32>
    %broadcast_in_dim3A_3440 = vector.shape_cast %slice3A_3439 : vector<128x1xf32> to vector<128x1xf32>
    %broadcast_in_dim3A_3441 = vector.broadcast %broadcast_in_dim3A_3440 : vector<128x1xf32> to vector<128x128xf32>
    %sub3A_3442 = vector.broadcast %get3A_4 : vector<1x128xf32> to vector<128x128xf32>
    %sub3A_3443 = arith.subf %broadcast_in_dim3A_3441, %sub3A_3442 : vector<128x128xf32>
    %mul3A_3444 = arith.mulf %sub3A_3443, %sub3A_3443 : vector<128x128xf32>
    %mul3A_3445 = vector.broadcast %get3A_7 : vector<1x128xf32> to vector<128x128xf32>
    %mul3A_3446 = arith.mulf %mul3A_3444, %mul3A_3445 : vector<128x128xf32>
    %exp23A_3447 = math.exp2 %mul3A_3446 : vector<128x128xf32>
    %mul3A_3448 = vector.broadcast %get3A_10 : vector<1x128xf32> to vector<128x128xf32>
    %mul3A_3449 = arith.mulf %mul3A_3448, %exp23A_3447 : vector<128x128xf32>
    %swap3A_3450 = arith.constant 202 : index
    %swap3A_3451 = arith.constant 0 : index
    %swap3A_3452 = arith.constant 0 : index
    %swap3A_3453 = vector.load %arg3[%swap3A_3450, %swap3A_3451, %swap3A_3452] : memref<256x128x128xf32, #tpu.memory_space<vmem>>, vector<1x128x128xf32>
    %swap3A_3454 = vector.shape_cast %swap3A_3453 : vector<1x128x128xf32> to vector<128x128xf32>
    %swap3A_3455 = vector.shape_cast %mul3A_3449 : vector<128x128xf32> to vector<1x128x128xf32>
    tpu.vector_store %arg3[%swap3A_3450, %swap3A_3451, %swap3A_3452], %swap3A_3455 {strides = array<i32>} : memref<256x128x128xf32, #tpu.memory_space<vmem>>, vector<1x128x128xf32>,
    %slice3A_3456 = vector.extract_strided_slice %transpose3A {offsets = [0, 203], sizes = [128, 1], strides = [1, 1]} : vector<128x256xf32> to vector<128x1xf32>
    %broadcast_in_dim3A_3457 = vector.shape_cast %slice3A_3456 : vector<128x1xf32> to vector<128x1xf32>
    %broadcast_in_dim3A_3458 = vector.broadcast %broadcast_in_dim3A_3457 : vector<128x1xf32> to vector<128x128xf32>
    %sub3A_3459 = vector.broadcast %get3A_4 : vector<1x128xf32> to vector<128x128xf32>
    %sub3A_3460 = arith.subf %broadcast_in_dim3A_3458, %sub3A_3459 : vector<128x128xf32>
    %mul3A_3461 = arith.mulf %sub3A_3460, %sub3A_3460 : vector<128x128xf32>
    %mul3A_3462 = vector.broadcast %get3A_7 : vector<1x128xf32> to vector<128x128xf32>
    %mul3A_3463 = arith.mulf %mul3A_3461, %mul3A_3462 : vector<128x128xf32>
    %exp23A_3464 = math.exp2 %mul3A_3463 : vector<128x128xf32>
    %mul3A_3465 = vector.broadcast %get3A_10 : vector<1x128xf32> to vector<128x128xf32>
    %mul3A_3466 = arith.mulf %mul3A_3465, %exp23A_3464 : vector<128x128xf32>
    %swap3A_3467 = arith.constant 203 : index
    %swap3A_3468 = arith.constant 0 : index
    %swap3A_3469 = arith.constant 0 : index
    %swap3A_3470 = vector.load %arg3[%swap3A_3467, %swap3A_3468, %swap3A_3469] : memref<256x128x128xf32, #tpu.memory_space<vmem>>, vector<1x128x128xf32>
    %swap3A_3471 = vector.shape_cast %swap3A_3470 : vector<1x128x128xf32> to vector<128x128xf32>
    %swap3A_3472 = vector.shape_cast %mul3A_3466 : vector<128x128xf32> to vector<1x128x128xf32>
    tpu.vector_store %arg3[%swap3A_3467, %swap3A_3468, %swap3A_3469], %swap3A_3472 {strides = array<i32>} : memref<256x128x128xf32, #tpu.memory_space<vmem>>, vector<1x128x128xf32>,
    %slice3A_3473 = vector.extract_strided_slice %transpose3A {offsets = [0, 204], sizes = [128, 1], strides = [1, 1]} : vector<128x256xf32> to vector<128x1xf32>
    %broadcast_in_dim3A_3474 = vector.shape_cast %slice3A_3473 : vector<128x1xf32> to vector<128x1xf32>
    %broadcast_in_dim3A_3475 = vector.broadcast %broadcast_in_dim3A_3474 : vector<128x1xf32> to vector<128x128xf32>
    %sub3A_3476 = vector.broadcast %get3A_4 : vector<1x128xf32> to vector<128x128xf32>
    %sub3A_3477 = arith.subf %broadcast_in_dim3A_3475, %sub3A_3476 : vector<128x128xf32>
    %mul3A_3478 = arith.mulf %sub3A_3477, %sub3A_3477 : vector<128x128xf32>
    %mul3A_3479 = vector.broadcast %get3A_7 : vector<1x128xf32> to vector<128x128xf32>
    %mul3A_3480 = arith.mulf %mul3A_3478, %mul3A_3479 : vector<128x128xf32>
    %exp23A_3481 = math.exp2 %mul3A_3480 : vector<128x128xf32>
    %mul3A_3482 = vector.broadcast %get3A_10 : vector<1x128xf32> to vector<128x128xf32>
    %mul3A_3483 = arith.mulf %mul3A_3482, %exp23A_3481 : vector<128x128xf32>
    %swap3A_3484 = arith.constant 204 : index
    %swap3A_3485 = arith.constant 0 : index
    %swap3A_3486 = arith.constant 0 : index
    %swap3A_3487 = vector.load %arg3[%swap3A_3484, %swap3A_3485, %swap3A_3486] : memref<256x128x128xf32, #tpu.memory_space<vmem>>, vector<1x128x128xf32>
    %swap3A_3488 = vector.shape_cast %swap3A_3487 : vector<1x128x128xf32> to vector<128x128xf32>
    %swap3A_3489 = vector.shape_cast %mul3A_3483 : vector<128x128xf32> to vector<1x128x128xf32>
    tpu.vector_store %arg3[%swap3A_3484, %swap3A_3485, %swap3A_3486], %swap3A_3489 {strides = array<i32>} : memref<256x128x128xf32, #tpu.memory_space<vmem>>, vector<1x128x128xf32>,
    %slice3A_3490 = vector.extract_strided_slice %transpose3A {offsets = [0, 205], sizes = [128, 1], strides = [1, 1]} : vector<128x256xf32> to vector<128x1xf32>
    %broadcast_in_dim3A_3491 = vector.shape_cast %slice3A_3490 : vector<128x1xf32> to vector<128x1xf32>
    %broadcast_in_dim3A_3492 = vector.broadcast %broadcast_in_dim3A_3491 : vector<128x1xf32> to vector<128x128xf32>
    %sub3A_3493 = vector.broadcast %get3A_4 : vector<1x128xf32> to vector<128x128xf32>
    %sub3A_3494 = arith.subf %broadcast_in_dim3A_3492, %sub3A_3493 : vector<128x128xf32>
    %mul3A_3495 = arith.mulf %sub3A_3494, %sub3A_3494 : vector<128x128xf32>
    %mul3A_3496 = vector.broadcast %get3A_7 : vector<1x128xf32> to vector<128x128xf32>
    %mul3A_3497 = arith.mulf %mul3A_3495, %mul3A_3496 : vector<128x128xf32>
    %exp23A_3498 = math.exp2 %mul3A_3497 : vector<128x128xf32>
    %mul3A_3499 = vector.broadcast %get3A_10 : vector<1x128xf32> to vector<128x128xf32>
    %mul3A_3500 = arith.mulf %mul3A_3499, %exp23A_3498 : vector<128x128xf32>
    %swap3A_3501 = arith.constant 205 : index
    %swap3A_3502 = arith.constant 0 : index
    %swap3A_3503 = arith.constant 0 : index
    %swap3A_3504 = vector.load %arg3[%swap3A_3501, %swap3A_3502, %swap3A_3503] : memref<256x128x128xf32, #tpu.memory_space<vmem>>, vector<1x128x128xf32>
    %swap3A_3505 = vector.shape_cast %swap3A_3504 : vector<1x128x128xf32> to vector<128x128xf32>
    %swap3A_3506 = vector.shape_cast %mul3A_3500 : vector<128x128xf32> to vector<1x128x128xf32>
    tpu.vector_store %arg3[%swap3A_3501, %swap3A_3502, %swap3A_3503], %swap3A_3506 {strides = array<i32>} : memref<256x128x128xf32, #tpu.memory_space<vmem>>, vector<1x128x128xf32>,
    %slice3A_3507 = vector.extract_strided_slice %transpose3A {offsets = [0, 206], sizes = [128, 1], strides = [1, 1]} : vector<128x256xf32> to vector<128x1xf32>
    %broadcast_in_dim3A_3508 = vector.shape_cast %slice3A_3507 : vector<128x1xf32> to vector<128x1xf32>
    %broadcast_in_dim3A_3509 = vector.broadcast %broadcast_in_dim3A_3508 : vector<128x1xf32> to vector<128x128xf32>
    %sub3A_3510 = vector.broadcast %get3A_4 : vector<1x128xf32> to vector<128x128xf32>
    %sub3A_3511 = arith.subf %broadcast_in_dim3A_3509, %sub3A_3510 : vector<128x128xf32>
    %mul3A_3512 = arith.mulf %sub3A_3511, %sub3A_3511 : vector<128x128xf32>
    %mul3A_3513 = vector.broadcast %get3A_7 : vector<1x128xf32> to vector<128x128xf32>
    %mul3A_3514 = arith.mulf %mul3A_3512, %mul3A_3513 : vector<128x128xf32>
    %exp23A_3515 = math.exp2 %mul3A_3514 : vector<128x128xf32>
    %mul3A_3516 = vector.broadcast %get3A_10 : vector<1x128xf32> to vector<128x128xf32>
    %mul3A_3517 = arith.mulf %mul3A_3516, %exp23A_3515 : vector<128x128xf32>
    %swap3A_3518 = arith.constant 206 : index
    %swap3A_3519 = arith.constant 0 : index
    %swap3A_3520 = arith.constant 0 : index
    %swap3A_3521 = vector.load %arg3[%swap3A_3518, %swap3A_3519, %swap3A_3520] : memref<256x128x128xf32, #tpu.memory_space<vmem>>, vector<1x128x128xf32>
    %swap3A_3522 = vector.shape_cast %swap3A_3521 : vector<1x128x128xf32> to vector<128x128xf32>
    %swap3A_3523 = vector.shape_cast %mul3A_3517 : vector<128x128xf32> to vector<1x128x128xf32>
    tpu.vector_store %arg3[%swap3A_3518, %swap3A_3519, %swap3A_3520], %swap3A_3523 {strides = array<i32>} : memref<256x128x128xf32, #tpu.memory_space<vmem>>, vector<1x128x128xf32>,
    %slice3A_3524 = vector.extract_strided_slice %transpose3A {offsets = [0, 207], sizes = [128, 1], strides = [1, 1]} : vector<128x256xf32> to vector<128x1xf32>
    %broadcast_in_dim3A_3525 = vector.shape_cast %slice3A_3524 : vector<128x1xf32> to vector<128x1xf32>
    %broadcast_in_dim3A_3526 = vector.broadcast %broadcast_in_dim3A_3525 : vector<128x1xf32> to vector<128x128xf32>
    %sub3A_3527 = vector.broadcast %get3A_4 : vector<1x128xf32> to vector<128x128xf32>
    %sub3A_3528 = arith.subf %broadcast_in_dim3A_3526, %sub3A_3527 : vector<128x128xf32>
    %mul3A_3529 = arith.mulf %sub3A_3528, %sub3A_3528 : vector<128x128xf32>
    %mul3A_3530 = vector.broadcast %get3A_7 : vector<1x128xf32> to vector<128x128xf32>
    %mul3A_3531 = arith.mulf %mul3A_3529, %mul3A_3530 : vector<128x128xf32>
    %exp23A_3532 = math.exp2 %mul3A_3531 : vector<128x128xf32>
    %mul3A_3533 = vector.broadcast %get3A_10 : vector<1x128xf32> to vector<128x128xf32>
    %mul3A_3534 = arith.mulf %mul3A_3533, %exp23A_3532 : vector<128x128xf32>
    %swap3A_3535 = arith.constant 207 : index
    %swap3A_3536 = arith.constant 0 : index
    %swap3A_3537 = arith.constant 0 : index
    %swap3A_3538 = vector.load %arg3[%swap3A_3535, %swap3A_3536, %swap3A_3537] : memref<256x128x128xf32, #tpu.memory_space<vmem>>, vector<1x128x128xf32>
    %swap3A_3539 = vector.shape_cast %swap3A_3538 : vector<1x128x128xf32> to vector<128x128xf32>
    %swap3A_3540 = vector.shape_cast %mul3A_3534 : vector<128x128xf32> to vector<1x128x128xf32>
    tpu.vector_store %arg3[%swap3A_3535, %swap3A_3536, %swap3A_3537], %swap3A_3540 {strides = array<i32>} : memref<256x128x128xf32, #tpu.memory_space<vmem>>, vector<1x128x128xf32>,
    %slice3A_3541 = vector.extract_strided_slice %transpose3A {offsets = [0, 208], sizes = [128, 1], strides = [1, 1]} : vector<128x256xf32> to vector<128x1xf32>
    %broadcast_in_dim3A_3542 = vector.shape_cast %slice3A_3541 : vector<128x1xf32> to vector<128x1xf32>
    %broadcast_in_dim3A_3543 = vector.broadcast %broadcast_in_dim3A_3542 : vector<128x1xf32> to vector<128x128xf32>
    %sub3A_3544 = vector.broadcast %get3A_4 : vector<1x128xf32> to vector<128x128xf32>
    %sub3A_3545 = arith.subf %broadcast_in_dim3A_3543, %sub3A_3544 : vector<128x128xf32>
    %mul3A_3546 = arith.mulf %sub3A_3545, %sub3A_3545 : vector<128x128xf32>
    %mul3A_3547 = vector.broadcast %get3A_7 : vector<1x128xf32> to vector<128x128xf32>
    %mul3A_3548 = arith.mulf %mul3A_3546, %mul3A_3547 : vector<128x128xf32>
    %exp23A_3549 = math.exp2 %mul3A_3548 : vector<128x128xf32>
    %mul3A_3550 = vector.broadcast %get3A_10 : vector<1x128xf32> to vector<128x128xf32>
    %mul3A_3551 = arith.mulf %mul3A_3550, %exp23A_3549 : vector<128x128xf32>
    %swap3A_3552 = arith.constant 208 : index
    %swap3A_3553 = arith.constant 0 : index
    %swap3A_3554 = arith.constant 0 : index
    %swap3A_3555 = vector.load %arg3[%swap3A_3552, %swap3A_3553, %swap3A_3554] : memref<256x128x128xf32, #tpu.memory_space<vmem>>, vector<1x128x128xf32>
    %swap3A_3556 = vector.shape_cast %swap3A_3555 : vector<1x128x128xf32> to vector<128x128xf32>
    %swap3A_3557 = vector.shape_cast %mul3A_3551 : vector<128x128xf32> to vector<1x128x128xf32>
    tpu.vector_store %arg3[%swap3A_3552, %swap3A_3553, %swap3A_3554], %swap3A_3557 {strides = array<i32>} : memref<256x128x128xf32, #tpu.memory_space<vmem>>, vector<1x128x128xf32>,
    %slice3A_3558 = vector.extract_strided_slice %transpose3A {offsets = [0, 209], sizes = [128, 1], strides = [1, 1]} : vector<128x256xf32> to vector<128x1xf32>
    %broadcast_in_dim3A_3559 = vector.shape_cast %slice3A_3558 : vector<128x1xf32> to vector<128x1xf32>
    %broadcast_in_dim3A_3560 = vector.broadcast %broadcast_in_dim3A_3559 : vector<128x1xf32> to vector<128x128xf32>
    %sub3A_3561 = vector.broadcast %get3A_4 : vector<1x128xf32> to vector<128x128xf32>
    %sub3A_3562 = arith.subf %broadcast_in_dim3A_3560, %sub3A_3561 : vector<128x128xf32>
    %mul3A_3563 = arith.mulf %sub3A_3562, %sub3A_3562 : vector<128x128xf32>
    %mul3A_3564 = vector.broadcast %get3A_7 : vector<1x128xf32> to vector<128x128xf32>
    %mul3A_3565 = arith.mulf %mul3A_3563, %mul3A_3564 : vector<128x128xf32>
    %exp23A_3566 = math.exp2 %mul3A_3565 : vector<128x128xf32>
    %mul3A_3567 = vector.broadcast %get3A_10 : vector<1x128xf32> to vector<128x128xf32>
    %mul3A_3568 = arith.mulf %mul3A_3567, %exp23A_3566 : vector<128x128xf32>
    %swap3A_3569 = arith.constant 209 : index
    %swap3A_3570 = arith.constant 0 : index
    %swap3A_3571 = arith.constant 0 : index
    %swap3A_3572 = vector.load %arg3[%swap3A_3569, %swap3A_3570, %swap3A_3571] : memref<256x128x128xf32, #tpu.memory_space<vmem>>, vector<1x128x128xf32>
    %swap3A_3573 = vector.shape_cast %swap3A_3572 : vector<1x128x128xf32> to vector<128x128xf32>
    %swap3A_3574 = vector.shape_cast %mul3A_3568 : vector<128x128xf32> to vector<1x128x128xf32>
    tpu.vector_store %arg3[%swap3A_3569, %swap3A_3570, %swap3A_3571], %swap3A_3574 {strides = array<i32>} : memref<256x128x128xf32, #tpu.memory_space<vmem>>, vector<1x128x128xf32>,
    %slice3A_3575 = vector.extract_strided_slice %transpose3A {offsets = [0, 210], sizes = [128, 1], strides = [1, 1]} : vector<128x256xf32> to vector<128x1xf32>
    %broadcast_in_dim3A_3576 = vector.shape_cast %slice3A_3575 : vector<128x1xf32> to vector<128x1xf32>
    %broadcast_in_dim3A_3577 = vector.broadcast %broadcast_in_dim3A_3576 : vector<128x1xf32> to vector<128x128xf32>
    %sub3A_3578 = vector.broadcast %get3A_4 : vector<1x128xf32> to vector<128x128xf32>
    %sub3A_3579 = arith.subf %broadcast_in_dim3A_3577, %sub3A_3578 : vector<128x128xf32>
    %mul3A_3580 = arith.mulf %sub3A_3579, %sub3A_3579 : vector<128x128xf32>
    %mul3A_3581 = vector.broadcast %get3A_7 : vector<1x128xf32> to vector<128x128xf32>
    %mul3A_3582 = arith.mulf %mul3A_3580, %mul3A_3581 : vector<128x128xf32>
    %exp23A_3583 = math.exp2 %mul3A_3582 : vector<128x128xf32>
    %mul3A_3584 = vector.broadcast %get3A_10 : vector<1x128xf32> to vector<128x128xf32>
    %mul3A_3585 = arith.mulf %mul3A_3584, %exp23A_3583 : vector<128x128xf32>
    %swap3A_3586 = arith.constant 210 : index
    %swap3A_3587 = arith.constant 0 : index
    %swap3A_3588 = arith.constant 0 : index
    %swap3A_3589 = vector.load %arg3[%swap3A_3586, %swap3A_3587, %swap3A_3588] : memref<256x128x128xf32, #tpu.memory_space<vmem>>, vector<1x128x128xf32>
    %swap3A_3590 = vector.shape_cast %swap3A_3589 : vector<1x128x128xf32> to vector<128x128xf32>
    %swap3A_3591 = vector.shape_cast %mul3A_3585 : vector<128x128xf32> to vector<1x128x128xf32>
    tpu.vector_store %arg3[%swap3A_3586, %swap3A_3587, %swap3A_3588], %swap3A_3591 {strides = array<i32>} : memref<256x128x128xf32, #tpu.memory_space<vmem>>, vector<1x128x128xf32>,
    %slice3A_3592 = vector.extract_strided_slice %transpose3A {offsets = [0, 211], sizes = [128, 1], strides = [1, 1]} : vector<128x256xf32> to vector<128x1xf32>
    %broadcast_in_dim3A_3593 = vector.shape_cast %slice3A_3592 : vector<128x1xf32> to vector<128x1xf32>
    %broadcast_in_dim3A_3594 = vector.broadcast %broadcast_in_dim3A_3593 : vector<128x1xf32> to vector<128x128xf32>
    %sub3A_3595 = vector.broadcast %get3A_4 : vector<1x128xf32> to vector<128x128xf32>
    %sub3A_3596 = arith.subf %broadcast_in_dim3A_3594, %sub3A_3595 : vector<128x128xf32>
    %mul3A_3597 = arith.mulf %sub3A_3596, %sub3A_3596 : vector<128x128xf32>
    %mul3A_3598 = vector.broadcast %get3A_7 : vector<1x128xf32> to vector<128x128xf32>
    %mul3A_3599 = arith.mulf %mul3A_3597, %mul3A_3598 : vector<128x128xf32>
    %exp23A_3600 = math.exp2 %mul3A_3599 : vector<128x128xf32>
    %mul3A_3601 = vector.broadcast %get3A_10 : vector<1x128xf32> to vector<128x128xf32>
    %mul3A_3602 = arith.mulf %mul3A_3601, %exp23A_3600 : vector<128x128xf32>
    %swap3A_3603 = arith.constant 211 : index
    %swap3A_3604 = arith.constant 0 : index
    %swap3A_3605 = arith.constant 0 : index
    %swap3A_3606 = vector.load %arg3[%swap3A_3603, %swap3A_3604, %swap3A_3605] : memref<256x128x128xf32, #tpu.memory_space<vmem>>, vector<1x128x128xf32>
    %swap3A_3607 = vector.shape_cast %swap3A_3606 : vector<1x128x128xf32> to vector<128x128xf32>
    %swap3A_3608 = vector.shape_cast %mul3A_3602 : vector<128x128xf32> to vector<1x128x128xf32>
    tpu.vector_store %arg3[%swap3A_3603, %swap3A_3604, %swap3A_3605], %swap3A_3608 {strides = array<i32>} : memref<256x128x128xf32, #tpu.memory_space<vmem>>, vector<1x128x128xf32>,
    %slice3A_3609 = vector.extract_strided_slice %transpose3A {offsets = [0, 212], sizes = [128, 1], strides = [1, 1]} : vector<128x256xf32> to vector<128x1xf32>
    %broadcast_in_dim3A_3610 = vector.shape_cast %slice3A_3609 : vector<128x1xf32> to vector<128x1xf32>
    %broadcast_in_dim3A_3611 = vector.broadcast %broadcast_in_dim3A_3610 : vector<128x1xf32> to vector<128x128xf32>
    %sub3A_3612 = vector.broadcast %get3A_4 : vector<1x128xf32> to vector<128x128xf32>
    %sub3A_3613 = arith.subf %broadcast_in_dim3A_3611, %sub3A_3612 : vector<128x128xf32>
    %mul3A_3614 = arith.mulf %sub3A_3613, %sub3A_3613 : vector<128x128xf32>
    %mul3A_3615 = vector.broadcast %get3A_7 : vector<1x128xf32> to vector<128x128xf32>
    %mul3A_3616 = arith.mulf %mul3A_3614, %mul3A_3615 : vector<128x128xf32>
    %exp23A_3617 = math.exp2 %mul3A_3616 : vector<128x128xf32>
    %mul3A_3618 = vector.broadcast %get3A_10 : vector<1x128xf32> to vector<128x128xf32>
    %mul3A_3619 = arith.mulf %mul3A_3618, %exp23A_3617 : vector<128x128xf32>
    %swap3A_3620 = arith.constant 212 : index
    %swap3A_3621 = arith.constant 0 : index
    %swap3A_3622 = arith.constant 0 : index
    %swap3A_3623 = vector.load %arg3[%swap3A_3620, %swap3A_3621, %swap3A_3622] : memref<256x128x128xf32, #tpu.memory_space<vmem>>, vector<1x128x128xf32>
    %swap3A_3624 = vector.shape_cast %swap3A_3623 : vector<1x128x128xf32> to vector<128x128xf32>
    %swap3A_3625 = vector.shape_cast %mul3A_3619 : vector<128x128xf32> to vector<1x128x128xf32>
    tpu.vector_store %arg3[%swap3A_3620, %swap3A_3621, %swap3A_3622], %swap3A_3625 {strides = array<i32>} : memref<256x128x128xf32, #tpu.memory_space<vmem>>, vector<1x128x128xf32>,
    %slice3A_3626 = vector.extract_strided_slice %transpose3A {offsets = [0, 213], sizes = [128, 1], strides = [1, 1]} : vector<128x256xf32> to vector<128x1xf32>
    %broadcast_in_dim3A_3627 = vector.shape_cast %slice3A_3626 : vector<128x1xf32> to vector<128x1xf32>
    %broadcast_in_dim3A_3628 = vector.broadcast %broadcast_in_dim3A_3627 : vector<128x1xf32> to vector<128x128xf32>
    %sub3A_3629 = vector.broadcast %get3A_4 : vector<1x128xf32> to vector<128x128xf32>
    %sub3A_3630 = arith.subf %broadcast_in_dim3A_3628, %sub3A_3629 : vector<128x128xf32>
    %mul3A_3631 = arith.mulf %sub3A_3630, %sub3A_3630 : vector<128x128xf32>
    %mul3A_3632 = vector.broadcast %get3A_7 : vector<1x128xf32> to vector<128x128xf32>
    %mul3A_3633 = arith.mulf %mul3A_3631, %mul3A_3632 : vector<128x128xf32>
    %exp23A_3634 = math.exp2 %mul3A_3633 : vector<128x128xf32>
    %mul3A_3635 = vector.broadcast %get3A_10 : vector<1x128xf32> to vector<128x128xf32>
    %mul3A_3636 = arith.mulf %mul3A_3635, %exp23A_3634 : vector<128x128xf32>
    %swap3A_3637 = arith.constant 213 : index
    %swap3A_3638 = arith.constant 0 : index
    %swap3A_3639 = arith.constant 0 : index
    %swap3A_3640 = vector.load %arg3[%swap3A_3637, %swap3A_3638, %swap3A_3639] : memref<256x128x128xf32, #tpu.memory_space<vmem>>, vector<1x128x128xf32>
    %swap3A_3641 = vector.shape_cast %swap3A_3640 : vector<1x128x128xf32> to vector<128x128xf32>
    %swap3A_3642 = vector.shape_cast %mul3A_3636 : vector<128x128xf32> to vector<1x128x128xf32>
    tpu.vector_store %arg3[%swap3A_3637, %swap3A_3638, %swap3A_3639], %swap3A_3642 {strides = array<i32>} : memref<256x128x128xf32, #tpu.memory_space<vmem>>, vector<1x128x128xf32>,
    %slice3A_3643 = vector.extract_strided_slice %transpose3A {offsets = [0, 214], sizes = [128, 1], strides = [1, 1]} : vector<128x256xf32> to vector<128x1xf32>
    %broadcast_in_dim3A_3644 = vector.shape_cast %slice3A_3643 : vector<128x1xf32> to vector<128x1xf32>
    %broadcast_in_dim3A_3645 = vector.broadcast %broadcast_in_dim3A_3644 : vector<128x1xf32> to vector<128x128xf32>
    %sub3A_3646 = vector.broadcast %get3A_4 : vector<1x128xf32> to vector<128x128xf32>
    %sub3A_3647 = arith.subf %broadcast_in_dim3A_3645, %sub3A_3646 : vector<128x128xf32>
    %mul3A_3648 = arith.mulf %sub3A_3647, %sub3A_3647 : vector<128x128xf32>
    %mul3A_3649 = vector.broadcast %get3A_7 : vector<1x128xf32> to vector<128x128xf32>
    %mul3A_3650 = arith.mulf %mul3A_3648, %mul3A_3649 : vector<128x128xf32>
    %exp23A_3651 = math.exp2 %mul3A_3650 : vector<128x128xf32>
    %mul3A_3652 = vector.broadcast %get3A_10 : vector<1x128xf32> to vector<128x128xf32>
    %mul3A_3653 = arith.mulf %mul3A_3652, %exp23A_3651 : vector<128x128xf32>
    %swap3A_3654 = arith.constant 214 : index
    %swap3A_3655 = arith.constant 0 : index
    %swap3A_3656 = arith.constant 0 : index
    %swap3A_3657 = vector.load %arg3[%swap3A_3654, %swap3A_3655, %swap3A_3656] : memref<256x128x128xf32, #tpu.memory_space<vmem>>, vector<1x128x128xf32>
    %swap3A_3658 = vector.shape_cast %swap3A_3657 : vector<1x128x128xf32> to vector<128x128xf32>
    %swap3A_3659 = vector.shape_cast %mul3A_3653 : vector<128x128xf32> to vector<1x128x128xf32>
    tpu.vector_store %arg3[%swap3A_3654, %swap3A_3655, %swap3A_3656], %swap3A_3659 {strides = array<i32>} : memref<256x128x128xf32, #tpu.memory_space<vmem>>, vector<1x128x128xf32>,
    %slice3A_3660 = vector.extract_strided_slice %transpose3A {offsets = [0, 215], sizes = [128, 1], strides = [1, 1]} : vector<128x256xf32> to vector<128x1xf32>
    %broadcast_in_dim3A_3661 = vector.shape_cast %slice3A_3660 : vector<128x1xf32> to vector<128x1xf32>
    %broadcast_in_dim3A_3662 = vector.broadcast %broadcast_in_dim3A_3661 : vector<128x1xf32> to vector<128x128xf32>
    %sub3A_3663 = vector.broadcast %get3A_4 : vector<1x128xf32> to vector<128x128xf32>
    %sub3A_3664 = arith.subf %broadcast_in_dim3A_3662, %sub3A_3663 : vector<128x128xf32>
    %mul3A_3665 = arith.mulf %sub3A_3664, %sub3A_3664 : vector<128x128xf32>
    %mul3A_3666 = vector.broadcast %get3A_7 : vector<1x128xf32> to vector<128x128xf32>
    %mul3A_3667 = arith.mulf %mul3A_3665, %mul3A_3666 : vector<128x128xf32>
    %exp23A_3668 = math.exp2 %mul3A_3667 : vector<128x128xf32>
    %mul3A_3669 = vector.broadcast %get3A_10 : vector<1x128xf32> to vector<128x128xf32>
    %mul3A_3670 = arith.mulf %mul3A_3669, %exp23A_3668 : vector<128x128xf32>
    %swap3A_3671 = arith.constant 215 : index
    %swap3A_3672 = arith.constant 0 : index
    %swap3A_3673 = arith.constant 0 : index
    %swap3A_3674 = vector.load %arg3[%swap3A_3671, %swap3A_3672, %swap3A_3673] : memref<256x128x128xf32, #tpu.memory_space<vmem>>, vector<1x128x128xf32>
    %swap3A_3675 = vector.shape_cast %swap3A_3674 : vector<1x128x128xf32> to vector<128x128xf32>
    %swap3A_3676 = vector.shape_cast %mul3A_3670 : vector<128x128xf32> to vector<1x128x128xf32>
    tpu.vector_store %arg3[%swap3A_3671, %swap3A_3672, %swap3A_3673], %swap3A_3676 {strides = array<i32>} : memref<256x128x128xf32, #tpu.memory_space<vmem>>, vector<1x128x128xf32>,
    %slice3A_3677 = vector.extract_strided_slice %transpose3A {offsets = [0, 216], sizes = [128, 1], strides = [1, 1]} : vector<128x256xf32> to vector<128x1xf32>
    %broadcast_in_dim3A_3678 = vector.shape_cast %slice3A_3677 : vector<128x1xf32> to vector<128x1xf32>
    %broadcast_in_dim3A_3679 = vector.broadcast %broadcast_in_dim3A_3678 : vector<128x1xf32> to vector<128x128xf32>
    %sub3A_3680 = vector.broadcast %get3A_4 : vector<1x128xf32> to vector<128x128xf32>
    %sub3A_3681 = arith.subf %broadcast_in_dim3A_3679, %sub3A_3680 : vector<128x128xf32>
    %mul3A_3682 = arith.mulf %sub3A_3681, %sub3A_3681 : vector<128x128xf32>
    %mul3A_3683 = vector.broadcast %get3A_7 : vector<1x128xf32> to vector<128x128xf32>
    %mul3A_3684 = arith.mulf %mul3A_3682, %mul3A_3683 : vector<128x128xf32>
    %exp23A_3685 = math.exp2 %mul3A_3684 : vector<128x128xf32>
    %mul3A_3686 = vector.broadcast %get3A_10 : vector<1x128xf32> to vector<128x128xf32>
    %mul3A_3687 = arith.mulf %mul3A_3686, %exp23A_3685 : vector<128x128xf32>
    %swap3A_3688 = arith.constant 216 : index
    %swap3A_3689 = arith.constant 0 : index
    %swap3A_3690 = arith.constant 0 : index
    %swap3A_3691 = vector.load %arg3[%swap3A_3688, %swap3A_3689, %swap3A_3690] : memref<256x128x128xf32, #tpu.memory_space<vmem>>, vector<1x128x128xf32>
    %swap3A_3692 = vector.shape_cast %swap3A_3691 : vector<1x128x128xf32> to vector<128x128xf32>
    %swap3A_3693 = vector.shape_cast %mul3A_3687 : vector<128x128xf32> to vector<1x128x128xf32>
    tpu.vector_store %arg3[%swap3A_3688, %swap3A_3689, %swap3A_3690], %swap3A_3693 {strides = array<i32>} : memref<256x128x128xf32, #tpu.memory_space<vmem>>, vector<1x128x128xf32>,
    %slice3A_3694 = vector.extract_strided_slice %transpose3A {offsets = [0, 217], sizes = [128, 1], strides = [1, 1]} : vector<128x256xf32> to vector<128x1xf32>
    %broadcast_in_dim3A_3695 = vector.shape_cast %slice3A_3694 : vector<128x1xf32> to vector<128x1xf32>
    %broadcast_in_dim3A_3696 = vector.broadcast %broadcast_in_dim3A_3695 : vector<128x1xf32> to vector<128x128xf32>
    %sub3A_3697 = vector.broadcast %get3A_4 : vector<1x128xf32> to vector<128x128xf32>
    %sub3A_3698 = arith.subf %broadcast_in_dim3A_3696, %sub3A_3697 : vector<128x128xf32>
    %mul3A_3699 = arith.mulf %sub3A_3698, %sub3A_3698 : vector<128x128xf32>
    %mul3A_3700 = vector.broadcast %get3A_7 : vector<1x128xf32> to vector<128x128xf32>
    %mul3A_3701 = arith.mulf %mul3A_3699, %mul3A_3700 : vector<128x128xf32>
    %exp23A_3702 = math.exp2 %mul3A_3701 : vector<128x128xf32>
    %mul3A_3703 = vector.broadcast %get3A_10 : vector<1x128xf32> to vector<128x128xf32>
    %mul3A_3704 = arith.mulf %mul3A_3703, %exp23A_3702 : vector<128x128xf32>
    %swap3A_3705 = arith.constant 217 : index
    %swap3A_3706 = arith.constant 0 : index
    %swap3A_3707 = arith.constant 0 : index
    %swap3A_3708 = vector.load %arg3[%swap3A_3705, %swap3A_3706, %swap3A_3707] : memref<256x128x128xf32, #tpu.memory_space<vmem>>, vector<1x128x128xf32>
    %swap3A_3709 = vector.shape_cast %swap3A_3708 : vector<1x128x128xf32> to vector<128x128xf32>
    %swap3A_3710 = vector.shape_cast %mul3A_3704 : vector<128x128xf32> to vector<1x128x128xf32>
    tpu.vector_store %arg3[%swap3A_3705, %swap3A_3706, %swap3A_3707], %swap3A_3710 {strides = array<i32>} : memref<256x128x128xf32, #tpu.memory_space<vmem>>, vector<1x128x128xf32>,
    %slice3A_3711 = vector.extract_strided_slice %transpose3A {offsets = [0, 218], sizes = [128, 1], strides = [1, 1]} : vector<128x256xf32> to vector<128x1xf32>
    %broadcast_in_dim3A_3712 = vector.shape_cast %slice3A_3711 : vector<128x1xf32> to vector<128x1xf32>
    %broadcast_in_dim3A_3713 = vector.broadcast %broadcast_in_dim3A_3712 : vector<128x1xf32> to vector<128x128xf32>
    %sub3A_3714 = vector.broadcast %get3A_4 : vector<1x128xf32> to vector<128x128xf32>
    %sub3A_3715 = arith.subf %broadcast_in_dim3A_3713, %sub3A_3714 : vector<128x128xf32>
    %mul3A_3716 = arith.mulf %sub3A_3715, %sub3A_3715 : vector<128x128xf32>
    %mul3A_3717 = vector.broadcast %get3A_7 : vector<1x128xf32> to vector<128x128xf32>
    %mul3A_3718 = arith.mulf %mul3A_3716, %mul3A_3717 : vector<128x128xf32>
    %exp23A_3719 = math.exp2 %mul3A_3718 : vector<128x128xf32>
    %mul3A_3720 = vector.broadcast %get3A_10 : vector<1x128xf32> to vector<128x128xf32>
    %mul3A_3721 = arith.mulf %mul3A_3720, %exp23A_3719 : vector<128x128xf32>
    %swap3A_3722 = arith.constant 218 : index
    %swap3A_3723 = arith.constant 0 : index
    %swap3A_3724 = arith.constant 0 : index
    %swap3A_3725 = vector.load %arg3[%swap3A_3722, %swap3A_3723, %swap3A_3724] : memref<256x128x128xf32, #tpu.memory_space<vmem>>, vector<1x128x128xf32>
    %swap3A_3726 = vector.shape_cast %swap3A_3725 : vector<1x128x128xf32> to vector<128x128xf32>
    %swap3A_3727 = vector.shape_cast %mul3A_3721 : vector<128x128xf32> to vector<1x128x128xf32>
    tpu.vector_store %arg3[%swap3A_3722, %swap3A_3723, %swap3A_3724], %swap3A_3727 {strides = array<i32>} : memref<256x128x128xf32, #tpu.memory_space<vmem>>, vector<1x128x128xf32>,
    %slice3A_3728 = vector.extract_strided_slice %transpose3A {offsets = [0, 219], sizes = [128, 1], strides = [1, 1]} : vector<128x256xf32> to vector<128x1xf32>
    %broadcast_in_dim3A_3729 = vector.shape_cast %slice3A_3728 : vector<128x1xf32> to vector<128x1xf32>
    %broadcast_in_dim3A_3730 = vector.broadcast %broadcast_in_dim3A_3729 : vector<128x1xf32> to vector<128x128xf32>
    %sub3A_3731 = vector.broadcast %get3A_4 : vector<1x128xf32> to vector<128x128xf32>
    %sub3A_3732 = arith.subf %broadcast_in_dim3A_3730, %sub3A_3731 : vector<128x128xf32>
    %mul3A_3733 = arith.mulf %sub3A_3732, %sub3A_3732 : vector<128x128xf32>
    %mul3A_3734 = vector.broadcast %get3A_7 : vector<1x128xf32> to vector<128x128xf32>
    %mul3A_3735 = arith.mulf %mul3A_3733, %mul3A_3734 : vector<128x128xf32>
    %exp23A_3736 = math.exp2 %mul3A_3735 : vector<128x128xf32>
    %mul3A_3737 = vector.broadcast %get3A_10 : vector<1x128xf32> to vector<128x128xf32>
    %mul3A_3738 = arith.mulf %mul3A_3737, %exp23A_3736 : vector<128x128xf32>
    %swap3A_3739 = arith.constant 219 : index
    %swap3A_3740 = arith.constant 0 : index
    %swap3A_3741 = arith.constant 0 : index
    %swap3A_3742 = vector.load %arg3[%swap3A_3739, %swap3A_3740, %swap3A_3741] : memref<256x128x128xf32, #tpu.memory_space<vmem>>, vector<1x128x128xf32>
    %swap3A_3743 = vector.shape_cast %swap3A_3742 : vector<1x128x128xf32> to vector<128x128xf32>
    %swap3A_3744 = vector.shape_cast %mul3A_3738 : vector<128x128xf32> to vector<1x128x128xf32>
    tpu.vector_store %arg3[%swap3A_3739, %swap3A_3740, %swap3A_3741], %swap3A_3744 {strides = array<i32>} : memref<256x128x128xf32, #tpu.memory_space<vmem>>, vector<1x128x128xf32>,
    %slice3A_3745 = vector.extract_strided_slice %transpose3A {offsets = [0, 220], sizes = [128, 1], strides = [1, 1]} : vector<128x256xf32> to vector<128x1xf32>
    %broadcast_in_dim3A_3746 = vector.shape_cast %slice3A_3745 : vector<128x1xf32> to vector<128x1xf32>
    %broadcast_in_dim3A_3747 = vector.broadcast %broadcast_in_dim3A_3746 : vector<128x1xf32> to vector<128x128xf32>
    %sub3A_3748 = vector.broadcast %get3A_4 : vector<1x128xf32> to vector<128x128xf32>
    %sub3A_3749 = arith.subf %broadcast_in_dim3A_3747, %sub3A_3748 : vector<128x128xf32>
    %mul3A_3750 = arith.mulf %sub3A_3749, %sub3A_3749 : vector<128x128xf32>
    %mul3A_3751 = vector.broadcast %get3A_7 : vector<1x128xf32> to vector<128x128xf32>
    %mul3A_3752 = arith.mulf %mul3A_3750, %mul3A_3751 : vector<128x128xf32>
    %exp23A_3753 = math.exp2 %mul3A_3752 : vector<128x128xf32>
    %mul3A_3754 = vector.broadcast %get3A_10 : vector<1x128xf32> to vector<128x128xf32>
    %mul3A_3755 = arith.mulf %mul3A_3754, %exp23A_3753 : vector<128x128xf32>
    %swap3A_3756 = arith.constant 220 : index
    %swap3A_3757 = arith.constant 0 : index
    %swap3A_3758 = arith.constant 0 : index
    %swap3A_3759 = vector.load %arg3[%swap3A_3756, %swap3A_3757, %swap3A_3758] : memref<256x128x128xf32, #tpu.memory_space<vmem>>, vector<1x128x128xf32>
    %swap3A_3760 = vector.shape_cast %swap3A_3759 : vector<1x128x128xf32> to vector<128x128xf32>
    %swap3A_3761 = vector.shape_cast %mul3A_3755 : vector<128x128xf32> to vector<1x128x128xf32>
    tpu.vector_store %arg3[%swap3A_3756, %swap3A_3757, %swap3A_3758], %swap3A_3761 {strides = array<i32>} : memref<256x128x128xf32, #tpu.memory_space<vmem>>, vector<1x128x128xf32>,
    %slice3A_3762 = vector.extract_strided_slice %transpose3A {offsets = [0, 221], sizes = [128, 1], strides = [1, 1]} : vector<128x256xf32> to vector<128x1xf32>
    %broadcast_in_dim3A_3763 = vector.shape_cast %slice3A_3762 : vector<128x1xf32> to vector<128x1xf32>
    %broadcast_in_dim3A_3764 = vector.broadcast %broadcast_in_dim3A_3763 : vector<128x1xf32> to vector<128x128xf32>
    %sub3A_3765 = vector.broadcast %get3A_4 : vector<1x128xf32> to vector<128x128xf32>
    %sub3A_3766 = arith.subf %broadcast_in_dim3A_3764, %sub3A_3765 : vector<128x128xf32>
    %mul3A_3767 = arith.mulf %sub3A_3766, %sub3A_3766 : vector<128x128xf32>
    %mul3A_3768 = vector.broadcast %get3A_7 : vector<1x128xf32> to vector<128x128xf32>
    %mul3A_3769 = arith.mulf %mul3A_3767, %mul3A_3768 : vector<128x128xf32>
    %exp23A_3770 = math.exp2 %mul3A_3769 : vector<128x128xf32>
    %mul3A_3771 = vector.broadcast %get3A_10 : vector<1x128xf32> to vector<128x128xf32>
    %mul3A_3772 = arith.mulf %mul3A_3771, %exp23A_3770 : vector<128x128xf32>
    %swap3A_3773 = arith.constant 221 : index
    %swap3A_3774 = arith.constant 0 : index
    %swap3A_3775 = arith.constant 0 : index
    %swap3A_3776 = vector.load %arg3[%swap3A_3773, %swap3A_3774, %swap3A_3775] : memref<256x128x128xf32, #tpu.memory_space<vmem>>, vector<1x128x128xf32>
    %swap3A_3777 = vector.shape_cast %swap3A_3776 : vector<1x128x128xf32> to vector<128x128xf32>
    %swap3A_3778 = vector.shape_cast %mul3A_3772 : vector<128x128xf32> to vector<1x128x128xf32>
    tpu.vector_store %arg3[%swap3A_3773, %swap3A_3774, %swap3A_3775], %swap3A_3778 {strides = array<i32>} : memref<256x128x128xf32, #tpu.memory_space<vmem>>, vector<1x128x128xf32>,
    %slice3A_3779 = vector.extract_strided_slice %transpose3A {offsets = [0, 222], sizes = [128, 1], strides = [1, 1]} : vector<128x256xf32> to vector<128x1xf32>
    %broadcast_in_dim3A_3780 = vector.shape_cast %slice3A_3779 : vector<128x1xf32> to vector<128x1xf32>
    %broadcast_in_dim3A_3781 = vector.broadcast %broadcast_in_dim3A_3780 : vector<128x1xf32> to vector<128x128xf32>
    %sub3A_3782 = vector.broadcast %get3A_4 : vector<1x128xf32> to vector<128x128xf32>
    %sub3A_3783 = arith.subf %broadcast_in_dim3A_3781, %sub3A_3782 : vector<128x128xf32>
    %mul3A_3784 = arith.mulf %sub3A_3783, %sub3A_3783 : vector<128x128xf32>
    %mul3A_3785 = vector.broadcast %get3A_7 : vector<1x128xf32> to vector<128x128xf32>
    %mul3A_3786 = arith.mulf %mul3A_3784, %mul3A_3785 : vector<128x128xf32>
    %exp23A_3787 = math.exp2 %mul3A_3786 : vector<128x128xf32>
    %mul3A_3788 = vector.broadcast %get3A_10 : vector<1x128xf32> to vector<128x128xf32>
    %mul3A_3789 = arith.mulf %mul3A_3788, %exp23A_3787 : vector<128x128xf32>
    %swap3A_3790 = arith.constant 222 : index
    %swap3A_3791 = arith.constant 0 : index
    %swap3A_3792 = arith.constant 0 : index
    %swap3A_3793 = vector.load %arg3[%swap3A_3790, %swap3A_3791, %swap3A_3792] : memref<256x128x128xf32, #tpu.memory_space<vmem>>, vector<1x128x128xf32>
    %swap3A_3794 = vector.shape_cast %swap3A_3793 : vector<1x128x128xf32> to vector<128x128xf32>
    %swap3A_3795 = vector.shape_cast %mul3A_3789 : vector<128x128xf32> to vector<1x128x128xf32>
    tpu.vector_store %arg3[%swap3A_3790, %swap3A_3791, %swap3A_3792], %swap3A_3795 {strides = array<i32>} : memref<256x128x128xf32, #tpu.memory_space<vmem>>, vector<1x128x128xf32>,
    %slice3A_3796 = vector.extract_strided_slice %transpose3A {offsets = [0, 223], sizes = [128, 1], strides = [1, 1]} : vector<128x256xf32> to vector<128x1xf32>
    %broadcast_in_dim3A_3797 = vector.shape_cast %slice3A_3796 : vector<128x1xf32> to vector<128x1xf32>
    %broadcast_in_dim3A_3798 = vector.broadcast %broadcast_in_dim3A_3797 : vector<128x1xf32> to vector<128x128xf32>
    %sub3A_3799 = vector.broadcast %get3A_4 : vector<1x128xf32> to vector<128x128xf32>
    %sub3A_3800 = arith.subf %broadcast_in_dim3A_3798, %sub3A_3799 : vector<128x128xf32>
    %mul3A_3801 = arith.mulf %sub3A_3800, %sub3A_3800 : vector<128x128xf32>
    %mul3A_3802 = vector.broadcast %get3A_7 : vector<1x128xf32> to vector<128x128xf32>
    %mul3A_3803 = arith.mulf %mul3A_3801, %mul3A_3802 : vector<128x128xf32>
    %exp23A_3804 = math.exp2 %mul3A_3803 : vector<128x128xf32>
    %mul3A_3805 = vector.broadcast %get3A_10 : vector<1x128xf32> to vector<128x128xf32>
    %mul3A_3806 = arith.mulf %mul3A_3805, %exp23A_3804 : vector<128x128xf32>
    %swap3A_3807 = arith.constant 223 : index
    %swap3A_3808 = arith.constant 0 : index
    %swap3A_3809 = arith.constant 0 : index
    %swap3A_3810 = vector.load %arg3[%swap3A_3807, %swap3A_3808, %swap3A_3809] : memref<256x128x128xf32, #tpu.memory_space<vmem>>, vector<1x128x128xf32>
    %swap3A_3811 = vector.shape_cast %swap3A_3810 : vector<1x128x128xf32> to vector<128x128xf32>
    %swap3A_3812 = vector.shape_cast %mul3A_3806 : vector<128x128xf32> to vector<1x128x128xf32>
    tpu.vector_store %arg3[%swap3A_3807, %swap3A_3808, %swap3A_3809], %swap3A_3812 {strides = array<i32>} : memref<256x128x128xf32, #tpu.memory_space<vmem>>, vector<1x128x128xf32>,
    %slice3A_3813 = vector.extract_strided_slice %transpose3A {offsets = [0, 224], sizes = [128, 1], strides = [1, 1]} : vector<128x256xf32> to vector<128x1xf32>
    %broadcast_in_dim3A_3814 = vector.shape_cast %slice3A_3813 : vector<128x1xf32> to vector<128x1xf32>
    %broadcast_in_dim3A_3815 = vector.broadcast %broadcast_in_dim3A_3814 : vector<128x1xf32> to vector<128x128xf32>
    %sub3A_3816 = vector.broadcast %get3A_4 : vector<1x128xf32> to vector<128x128xf32>
    %sub3A_3817 = arith.subf %broadcast_in_dim3A_3815, %sub3A_3816 : vector<128x128xf32>
    %mul3A_3818 = arith.mulf %sub3A_3817, %sub3A_3817 : vector<128x128xf32>
    %mul3A_3819 = vector.broadcast %get3A_7 : vector<1x128xf32> to vector<128x128xf32>
    %mul3A_3820 = arith.mulf %mul3A_3818, %mul3A_3819 : vector<128x128xf32>
    %exp23A_3821 = math.exp2 %mul3A_3820 : vector<128x128xf32>
    %mul3A_3822 = vector.broadcast %get3A_10 : vector<1x128xf32> to vector<128x128xf32>
    %mul3A_3823 = arith.mulf %mul3A_3822, %exp23A_3821 : vector<128x128xf32>
    %swap3A_3824 = arith.constant 224 : index
    %swap3A_3825 = arith.constant 0 : index
    %swap3A_3826 = arith.constant 0 : index
    %swap3A_3827 = vector.load %arg3[%swap3A_3824, %swap3A_3825, %swap3A_3826] : memref<256x128x128xf32, #tpu.memory_space<vmem>>, vector<1x128x128xf32>
    %swap3A_3828 = vector.shape_cast %swap3A_3827 : vector<1x128x128xf32> to vector<128x128xf32>
    %swap3A_3829 = vector.shape_cast %mul3A_3823 : vector<128x128xf32> to vector<1x128x128xf32>
    tpu.vector_store %arg3[%swap3A_3824, %swap3A_3825, %swap3A_3826], %swap3A_3829 {strides = array<i32>} : memref<256x128x128xf32, #tpu.memory_space<vmem>>, vector<1x128x128xf32>,
    %slice3A_3830 = vector.extract_strided_slice %transpose3A {offsets = [0, 225], sizes = [128, 1], strides = [1, 1]} : vector<128x256xf32> to vector<128x1xf32>
    %broadcast_in_dim3A_3831 = vector.shape_cast %slice3A_3830 : vector<128x1xf32> to vector<128x1xf32>
    %broadcast_in_dim3A_3832 = vector.broadcast %broadcast_in_dim3A_3831 : vector<128x1xf32> to vector<128x128xf32>
    %sub3A_3833 = vector.broadcast %get3A_4 : vector<1x128xf32> to vector<128x128xf32>
    %sub3A_3834 = arith.subf %broadcast_in_dim3A_3832, %sub3A_3833 : vector<128x128xf32>
    %mul3A_3835 = arith.mulf %sub3A_3834, %sub3A_3834 : vector<128x128xf32>
    %mul3A_3836 = vector.broadcast %get3A_7 : vector<1x128xf32> to vector<128x128xf32>
    %mul3A_3837 = arith.mulf %mul3A_3835, %mul3A_3836 : vector<128x128xf32>
    %exp23A_3838 = math.exp2 %mul3A_3837 : vector<128x128xf32>
    %mul3A_3839 = vector.broadcast %get3A_10 : vector<1x128xf32> to vector<128x128xf32>
    %mul3A_3840 = arith.mulf %mul3A_3839, %exp23A_3838 : vector<128x128xf32>
    %swap3A_3841 = arith.constant 225 : index
    %swap3A_3842 = arith.constant 0 : index
    %swap3A_3843 = arith.constant 0 : index
    %swap3A_3844 = vector.load %arg3[%swap3A_3841, %swap3A_3842, %swap3A_3843] : memref<256x128x128xf32, #tpu.memory_space<vmem>>, vector<1x128x128xf32>
    %swap3A_3845 = vector.shape_cast %swap3A_3844 : vector<1x128x128xf32> to vector<128x128xf32>
    %swap3A_3846 = vector.shape_cast %mul3A_3840 : vector<128x128xf32> to vector<1x128x128xf32>
    tpu.vector_store %arg3[%swap3A_3841, %swap3A_3842, %swap3A_3843], %swap3A_3846 {strides = array<i32>} : memref<256x128x128xf32, #tpu.memory_space<vmem>>, vector<1x128x128xf32>,
    %slice3A_3847 = vector.extract_strided_slice %transpose3A {offsets = [0, 226], sizes = [128, 1], strides = [1, 1]} : vector<128x256xf32> to vector<128x1xf32>
    %broadcast_in_dim3A_3848 = vector.shape_cast %slice3A_3847 : vector<128x1xf32> to vector<128x1xf32>
    %broadcast_in_dim3A_3849 = vector.broadcast %broadcast_in_dim3A_3848 : vector<128x1xf32> to vector<128x128xf32>
    %sub3A_3850 = vector.broadcast %get3A_4 : vector<1x128xf32> to vector<128x128xf32>
    %sub3A_3851 = arith.subf %broadcast_in_dim3A_3849, %sub3A_3850 : vector<128x128xf32>
    %mul3A_3852 = arith.mulf %sub3A_3851, %sub3A_3851 : vector<128x128xf32>
    %mul3A_3853 = vector.broadcast %get3A_7 : vector<1x128xf32> to vector<128x128xf32>
    %mul3A_3854 = arith.mulf %mul3A_3852, %mul3A_3853 : vector<128x128xf32>
    %exp23A_3855 = math.exp2 %mul3A_3854 : vector<128x128xf32>
    %mul3A_3856 = vector.broadcast %get3A_10 : vector<1x128xf32> to vector<128x128xf32>
    %mul3A_3857 = arith.mulf %mul3A_3856, %exp23A_3855 : vector<128x128xf32>
    %swap3A_3858 = arith.constant 226 : index
    %swap3A_3859 = arith.constant 0 : index
    %swap3A_3860 = arith.constant 0 : index
    %swap3A_3861 = vector.load %arg3[%swap3A_3858, %swap3A_3859, %swap3A_3860] : memref<256x128x128xf32, #tpu.memory_space<vmem>>, vector<1x128x128xf32>
    %swap3A_3862 = vector.shape_cast %swap3A_3861 : vector<1x128x128xf32> to vector<128x128xf32>
    %swap3A_3863 = vector.shape_cast %mul3A_3857 : vector<128x128xf32> to vector<1x128x128xf32>
    tpu.vector_store %arg3[%swap3A_3858, %swap3A_3859, %swap3A_3860], %swap3A_3863 {strides = array<i32>} : memref<256x128x128xf32, #tpu.memory_space<vmem>>, vector<1x128x128xf32>,
    %slice3A_3864 = vector.extract_strided_slice %transpose3A {offsets = [0, 227], sizes = [128, 1], strides = [1, 1]} : vector<128x256xf32> to vector<128x1xf32>
    %broadcast_in_dim3A_3865 = vector.shape_cast %slice3A_3864 : vector<128x1xf32> to vector<128x1xf32>
    %broadcast_in_dim3A_3866 = vector.broadcast %broadcast_in_dim3A_3865 : vector<128x1xf32> to vector<128x128xf32>
    %sub3A_3867 = vector.broadcast %get3A_4 : vector<1x128xf32> to vector<128x128xf32>
    %sub3A_3868 = arith.subf %broadcast_in_dim3A_3866, %sub3A_3867 : vector<128x128xf32>
    %mul3A_3869 = arith.mulf %sub3A_3868, %sub3A_3868 : vector<128x128xf32>
    %mul3A_3870 = vector.broadcast %get3A_7 : vector<1x128xf32> to vector<128x128xf32>
    %mul3A_3871 = arith.mulf %mul3A_3869, %mul3A_3870 : vector<128x128xf32>
    %exp23A_3872 = math.exp2 %mul3A_3871 : vector<128x128xf32>
    %mul3A_3873 = vector.broadcast %get3A_10 : vector<1x128xf32> to vector<128x128xf32>
    %mul3A_3874 = arith.mulf %mul3A_3873, %exp23A_3872 : vector<128x128xf32>
    %swap3A_3875 = arith.constant 227 : index
    %swap3A_3876 = arith.constant 0 : index
    %swap3A_3877 = arith.constant 0 : index
    %swap3A_3878 = vector.load %arg3[%swap3A_3875, %swap3A_3876, %swap3A_3877] : memref<256x128x128xf32, #tpu.memory_space<vmem>>, vector<1x128x128xf32>
    %swap3A_3879 = vector.shape_cast %swap3A_3878 : vector<1x128x128xf32> to vector<128x128xf32>
    %swap3A_3880 = vector.shape_cast %mul3A_3874 : vector<128x128xf32> to vector<1x128x128xf32>
    tpu.vector_store %arg3[%swap3A_3875, %swap3A_3876, %swap3A_3877], %swap3A_3880 {strides = array<i32>} : memref<256x128x128xf32, #tpu.memory_space<vmem>>, vector<1x128x128xf32>,
    %slice3A_3881 = vector.extract_strided_slice %transpose3A {offsets = [0, 228], sizes = [128, 1], strides = [1, 1]} : vector<128x256xf32> to vector<128x1xf32>
    %broadcast_in_dim3A_3882 = vector.shape_cast %slice3A_3881 : vector<128x1xf32> to vector<128x1xf32>
    %broadcast_in_dim3A_3883 = vector.broadcast %broadcast_in_dim3A_3882 : vector<128x1xf32> to vector<128x128xf32>
    %sub3A_3884 = vector.broadcast %get3A_4 : vector<1x128xf32> to vector<128x128xf32>
    %sub3A_3885 = arith.subf %broadcast_in_dim3A_3883, %sub3A_3884 : vector<128x128xf32>
    %mul3A_3886 = arith.mulf %sub3A_3885, %sub3A_3885 : vector<128x128xf32>
    %mul3A_3887 = vector.broadcast %get3A_7 : vector<1x128xf32> to vector<128x128xf32>
    %mul3A_3888 = arith.mulf %mul3A_3886, %mul3A_3887 : vector<128x128xf32>
    %exp23A_3889 = math.exp2 %mul3A_3888 : vector<128x128xf32>
    %mul3A_3890 = vector.broadcast %get3A_10 : vector<1x128xf32> to vector<128x128xf32>
    %mul3A_3891 = arith.mulf %mul3A_3890, %exp23A_3889 : vector<128x128xf32>
    %swap3A_3892 = arith.constant 228 : index
    %swap3A_3893 = arith.constant 0 : index
    %swap3A_3894 = arith.constant 0 : index
    %swap3A_3895 = vector.load %arg3[%swap3A_3892, %swap3A_3893, %swap3A_3894] : memref<256x128x128xf32, #tpu.memory_space<vmem>>, vector<1x128x128xf32>
    %swap3A_3896 = vector.shape_cast %swap3A_3895 : vector<1x128x128xf32> to vector<128x128xf32>
    %swap3A_3897 = vector.shape_cast %mul3A_3891 : vector<128x128xf32> to vector<1x128x128xf32>
    tpu.vector_store %arg3[%swap3A_3892, %swap3A_3893, %swap3A_3894], %swap3A_3897 {strides = array<i32>} : memref<256x128x128xf32, #tpu.memory_space<vmem>>, vector<1x128x128xf32>,
    %slice3A_3898 = vector.extract_strided_slice %transpose3A {offsets = [0, 229], sizes = [128, 1], strides = [1, 1]} : vector<128x256xf32> to vector<128x1xf32>
    %broadcast_in_dim3A_3899 = vector.shape_cast %slice3A_3898 : vector<128x1xf32> to vector<128x1xf32>
    %broadcast_in_dim3A_3900 = vector.broadcast %broadcast_in_dim3A_3899 : vector<128x1xf32> to vector<128x128xf32>
    %sub3A_3901 = vector.broadcast %get3A_4 : vector<1x128xf32> to vector<128x128xf32>
    %sub3A_3902 = arith.subf %broadcast_in_dim3A_3900, %sub3A_3901 : vector<128x128xf32>
    %mul3A_3903 = arith.mulf %sub3A_3902, %sub3A_3902 : vector<128x128xf32>
    %mul3A_3904 = vector.broadcast %get3A_7 : vector<1x128xf32> to vector<128x128xf32>
    %mul3A_3905 = arith.mulf %mul3A_3903, %mul3A_3904 : vector<128x128xf32>
    %exp23A_3906 = math.exp2 %mul3A_3905 : vector<128x128xf32>
    %mul3A_3907 = vector.broadcast %get3A_10 : vector<1x128xf32> to vector<128x128xf32>
    %mul3A_3908 = arith.mulf %mul3A_3907, %exp23A_3906 : vector<128x128xf32>
    %swap3A_3909 = arith.constant 229 : index
    %swap3A_3910 = arith.constant 0 : index
    %swap3A_3911 = arith.constant 0 : index
    %swap3A_3912 = vector.load %arg3[%swap3A_3909, %swap3A_3910, %swap3A_3911] : memref<256x128x128xf32, #tpu.memory_space<vmem>>, vector<1x128x128xf32>
    %swap3A_3913 = vector.shape_cast %swap3A_3912 : vector<1x128x128xf32> to vector<128x128xf32>
    %swap3A_3914 = vector.shape_cast %mul3A_3908 : vector<128x128xf32> to vector<1x128x128xf32>
    tpu.vector_store %arg3[%swap3A_3909, %swap3A_3910, %swap3A_3911], %swap3A_3914 {strides = array<i32>} : memref<256x128x128xf32, #tpu.memory_space<vmem>>, vector<1x128x128xf32>,
    %slice3A_3915 = vector.extract_strided_slice %transpose3A {offsets = [0, 230], sizes = [128, 1], strides = [1, 1]} : vector<128x256xf32> to vector<128x1xf32>
    %broadcast_in_dim3A_3916 = vector.shape_cast %slice3A_3915 : vector<128x1xf32> to vector<128x1xf32>
    %broadcast_in_dim3A_3917 = vector.broadcast %broadcast_in_dim3A_3916 : vector<128x1xf32> to vector<128x128xf32>
    %sub3A_3918 = vector.broadcast %get3A_4 : vector<1x128xf32> to vector<128x128xf32>
    %sub3A_3919 = arith.subf %broadcast_in_dim3A_3917, %sub3A_3918 : vector<128x128xf32>
    %mul3A_3920 = arith.mulf %sub3A_3919, %sub3A_3919 : vector<128x128xf32>
    %mul3A_3921 = vector.broadcast %get3A_7 : vector<1x128xf32> to vector<128x128xf32>
    %mul3A_3922 = arith.mulf %mul3A_3920, %mul3A_3921 : vector<128x128xf32>
    %exp23A_3923 = math.exp2 %mul3A_3922 : vector<128x128xf32>
    %mul3A_3924 = vector.broadcast %get3A_10 : vector<1x128xf32> to vector<128x128xf32>
    %mul3A_3925 = arith.mulf %mul3A_3924, %exp23A_3923 : vector<128x128xf32>
    %swap3A_3926 = arith.constant 230 : index
    %swap3A_3927 = arith.constant 0 : index
    %swap3A_3928 = arith.constant 0 : index
    %swap3A_3929 = vector.load %arg3[%swap3A_3926, %swap3A_3927, %swap3A_3928] : memref<256x128x128xf32, #tpu.memory_space<vmem>>, vector<1x128x128xf32>
    %swap3A_3930 = vector.shape_cast %swap3A_3929 : vector<1x128x128xf32> to vector<128x128xf32>
    %swap3A_3931 = vector.shape_cast %mul3A_3925 : vector<128x128xf32> to vector<1x128x128xf32>
    tpu.vector_store %arg3[%swap3A_3926, %swap3A_3927, %swap3A_3928], %swap3A_3931 {strides = array<i32>} : memref<256x128x128xf32, #tpu.memory_space<vmem>>, vector<1x128x128xf32>,
    %slice3A_3932 = vector.extract_strided_slice %transpose3A {offsets = [0, 231], sizes = [128, 1], strides = [1, 1]} : vector<128x256xf32> to vector<128x1xf32>
    %broadcast_in_dim3A_3933 = vector.shape_cast %slice3A_3932 : vector<128x1xf32> to vector<128x1xf32>
    %broadcast_in_dim3A_3934 = vector.broadcast %broadcast_in_dim3A_3933 : vector<128x1xf32> to vector<128x128xf32>
    %sub3A_3935 = vector.broadcast %get3A_4 : vector<1x128xf32> to vector<128x128xf32>
    %sub3A_3936 = arith.subf %broadcast_in_dim3A_3934, %sub3A_3935 : vector<128x128xf32>
    %mul3A_3937 = arith.mulf %sub3A_3936, %sub3A_3936 : vector<128x128xf32>
    %mul3A_3938 = vector.broadcast %get3A_7 : vector<1x128xf32> to vector<128x128xf32>
    %mul3A_3939 = arith.mulf %mul3A_3937, %mul3A_3938 : vector<128x128xf32>
    %exp23A_3940 = math.exp2 %mul3A_3939 : vector<128x128xf32>
    %mul3A_3941 = vector.broadcast %get3A_10 : vector<1x128xf32> to vector<128x128xf32>
    %mul3A_3942 = arith.mulf %mul3A_3941, %exp23A_3940 : vector<128x128xf32>
    %swap3A_3943 = arith.constant 231 : index
    %swap3A_3944 = arith.constant 0 : index
    %swap3A_3945 = arith.constant 0 : index
    %swap3A_3946 = vector.load %arg3[%swap3A_3943, %swap3A_3944, %swap3A_3945] : memref<256x128x128xf32, #tpu.memory_space<vmem>>, vector<1x128x128xf32>
    %swap3A_3947 = vector.shape_cast %swap3A_3946 : vector<1x128x128xf32> to vector<128x128xf32>
    %swap3A_3948 = vector.shape_cast %mul3A_3942 : vector<128x128xf32> to vector<1x128x128xf32>
    tpu.vector_store %arg3[%swap3A_3943, %swap3A_3944, %swap3A_3945], %swap3A_3948 {strides = array<i32>} : memref<256x128x128xf32, #tpu.memory_space<vmem>>, vector<1x128x128xf32>,
    %slice3A_3949 = vector.extract_strided_slice %transpose3A {offsets = [0, 232], sizes = [128, 1], strides = [1, 1]} : vector<128x256xf32> to vector<128x1xf32>
    %broadcast_in_dim3A_3950 = vector.shape_cast %slice3A_3949 : vector<128x1xf32> to vector<128x1xf32>
    %broadcast_in_dim3A_3951 = vector.broadcast %broadcast_in_dim3A_3950 : vector<128x1xf32> to vector<128x128xf32>
    %sub3A_3952 = vector.broadcast %get3A_4 : vector<1x128xf32> to vector<128x128xf32>
    %sub3A_3953 = arith.subf %broadcast_in_dim3A_3951, %sub3A_3952 : vector<128x128xf32>
    %mul3A_3954 = arith.mulf %sub3A_3953, %sub3A_3953 : vector<128x128xf32>
    %mul3A_3955 = vector.broadcast %get3A_7 : vector<1x128xf32> to vector<128x128xf32>
    %mul3A_3956 = arith.mulf %mul3A_3954, %mul3A_3955 : vector<128x128xf32>
    %exp23A_3957 = math.exp2 %mul3A_3956 : vector<128x128xf32>
    %mul3A_3958 = vector.broadcast %get3A_10 : vector<1x128xf32> to vector<128x128xf32>
    %mul3A_3959 = arith.mulf %mul3A_3958, %exp23A_3957 : vector<128x128xf32>
    %swap3A_3960 = arith.constant 232 : index
    %swap3A_3961 = arith.constant 0 : index
    %swap3A_3962 = arith.constant 0 : index
    %swap3A_3963 = vector.load %arg3[%swap3A_3960, %swap3A_3961, %swap3A_3962] : memref<256x128x128xf32, #tpu.memory_space<vmem>>, vector<1x128x128xf32>
    %swap3A_3964 = vector.shape_cast %swap3A_3963 : vector<1x128x128xf32> to vector<128x128xf32>
    %swap3A_3965 = vector.shape_cast %mul3A_3959 : vector<128x128xf32> to vector<1x128x128xf32>
    tpu.vector_store %arg3[%swap3A_3960, %swap3A_3961, %swap3A_3962], %swap3A_3965 {strides = array<i32>} : memref<256x128x128xf32, #tpu.memory_space<vmem>>, vector<1x128x128xf32>,
    %slice3A_3966 = vector.extract_strided_slice %transpose3A {offsets = [0, 233], sizes = [128, 1], strides = [1, 1]} : vector<128x256xf32> to vector<128x1xf32>
    %broadcast_in_dim3A_3967 = vector.shape_cast %slice3A_3966 : vector<128x1xf32> to vector<128x1xf32>
    %broadcast_in_dim3A_3968 = vector.broadcast %broadcast_in_dim3A_3967 : vector<128x1xf32> to vector<128x128xf32>
    %sub3A_3969 = vector.broadcast %get3A_4 : vector<1x128xf32> to vector<128x128xf32>
    %sub3A_3970 = arith.subf %broadcast_in_dim3A_3968, %sub3A_3969 : vector<128x128xf32>
    %mul3A_3971 = arith.mulf %sub3A_3970, %sub3A_3970 : vector<128x128xf32>
    %mul3A_3972 = vector.broadcast %get3A_7 : vector<1x128xf32> to vector<128x128xf32>
    %mul3A_3973 = arith.mulf %mul3A_3971, %mul3A_3972 : vector<128x128xf32>
    %exp23A_3974 = math.exp2 %mul3A_3973 : vector<128x128xf32>
    %mul3A_3975 = vector.broadcast %get3A_10 : vector<1x128xf32> to vector<128x128xf32>
    %mul3A_3976 = arith.mulf %mul3A_3975, %exp23A_3974 : vector<128x128xf32>
    %swap3A_3977 = arith.constant 233 : index
    %swap3A_3978 = arith.constant 0 : index
    %swap3A_3979 = arith.constant 0 : index
    %swap3A_3980 = vector.load %arg3[%swap3A_3977, %swap3A_3978, %swap3A_3979] : memref<256x128x128xf32, #tpu.memory_space<vmem>>, vector<1x128x128xf32>
    %swap3A_3981 = vector.shape_cast %swap3A_3980 : vector<1x128x128xf32> to vector<128x128xf32>
    %swap3A_3982 = vector.shape_cast %mul3A_3976 : vector<128x128xf32> to vector<1x128x128xf32>
    tpu.vector_store %arg3[%swap3A_3977, %swap3A_3978, %swap3A_3979], %swap3A_3982 {strides = array<i32>} : memref<256x128x128xf32, #tpu.memory_space<vmem>>, vector<1x128x128xf32>,
    %slice3A_3983 = vector.extract_strided_slice %transpose3A {offsets = [0, 234], sizes = [128, 1], strides = [1, 1]} : vector<128x256xf32> to vector<128x1xf32>
    %broadcast_in_dim3A_3984 = vector.shape_cast %slice3A_3983 : vector<128x1xf32> to vector<128x1xf32>
    %broadcast_in_dim3A_3985 = vector.broadcast %broadcast_in_dim3A_3984 : vector<128x1xf32> to vector<128x128xf32>
    %sub3A_3986 = vector.broadcast %get3A_4 : vector<1x128xf32> to vector<128x128xf32>
    %sub3A_3987 = arith.subf %broadcast_in_dim3A_3985, %sub3A_3986 : vector<128x128xf32>
    %mul3A_3988 = arith.mulf %sub3A_3987, %sub3A_3987 : vector<128x128xf32>
    %mul3A_3989 = vector.broadcast %get3A_7 : vector<1x128xf32> to vector<128x128xf32>
    %mul3A_3990 = arith.mulf %mul3A_3988, %mul3A_3989 : vector<128x128xf32>
    %exp23A_3991 = math.exp2 %mul3A_3990 : vector<128x128xf32>
    %mul3A_3992 = vector.broadcast %get3A_10 : vector<1x128xf32> to vector<128x128xf32>
    %mul3A_3993 = arith.mulf %mul3A_3992, %exp23A_3991 : vector<128x128xf32>
    %swap3A_3994 = arith.constant 234 : index
    %swap3A_3995 = arith.constant 0 : index
    %swap3A_3996 = arith.constant 0 : index
    %swap3A_3997 = vector.load %arg3[%swap3A_3994, %swap3A_3995, %swap3A_3996] : memref<256x128x128xf32, #tpu.memory_space<vmem>>, vector<1x128x128xf32>
    %swap3A_3998 = vector.shape_cast %swap3A_3997 : vector<1x128x128xf32> to vector<128x128xf32>
    %swap3A_3999 = vector.shape_cast %mul3A_3993 : vector<128x128xf32> to vector<1x128x128xf32>
    tpu.vector_store %arg3[%swap3A_3994, %swap3A_3995, %swap3A_3996], %swap3A_3999 {strides = array<i32>} : memref<256x128x128xf32, #tpu.memory_space<vmem>>, vector<1x128x128xf32>,
    %slice3A_4000 = vector.extract_strided_slice %transpose3A {offsets = [0, 235], sizes = [128, 1], strides = [1, 1]} : vector<128x256xf32> to vector<128x1xf32>
    %broadcast_in_dim3A_4001 = vector.shape_cast %slice3A_4000 : vector<128x1xf32> to vector<128x1xf32>
    %broadcast_in_dim3A_4002 = vector.broadcast %broadcast_in_dim3A_4001 : vector<128x1xf32> to vector<128x128xf32>
    %sub3A_4003 = vector.broadcast %get3A_4 : vector<1x128xf32> to vector<128x128xf32>
    %sub3A_4004 = arith.subf %broadcast_in_dim3A_4002, %sub3A_4003 : vector<128x128xf32>
    %mul3A_4005 = arith.mulf %sub3A_4004, %sub3A_4004 : vector<128x128xf32>
    %mul3A_4006 = vector.broadcast %get3A_7 : vector<1x128xf32> to vector<128x128xf32>
    %mul3A_4007 = arith.mulf %mul3A_4005, %mul3A_4006 : vector<128x128xf32>
    %exp23A_4008 = math.exp2 %mul3A_4007 : vector<128x128xf32>
    %mul3A_4009 = vector.broadcast %get3A_10 : vector<1x128xf32> to vector<128x128xf32>
    %mul3A_4010 = arith.mulf %mul3A_4009, %exp23A_4008 : vector<128x128xf32>
    %swap3A_4011 = arith.constant 235 : index
    %swap3A_4012 = arith.constant 0 : index
    %swap3A_4013 = arith.constant 0 : index
    %swap3A_4014 = vector.load %arg3[%swap3A_4011, %swap3A_4012, %swap3A_4013] : memref<256x128x128xf32, #tpu.memory_space<vmem>>, vector<1x128x128xf32>
    %swap3A_4015 = vector.shape_cast %swap3A_4014 : vector<1x128x128xf32> to vector<128x128xf32>
    %swap3A_4016 = vector.shape_cast %mul3A_4010 : vector<128x128xf32> to vector<1x128x128xf32>
    tpu.vector_store %arg3[%swap3A_4011, %swap3A_4012, %swap3A_4013], %swap3A_4016 {strides = array<i32>} : memref<256x128x128xf32, #tpu.memory_space<vmem>>, vector<1x128x128xf32>,
    %slice3A_4017 = vector.extract_strided_slice %transpose3A {offsets = [0, 236], sizes = [128, 1], strides = [1, 1]} : vector<128x256xf32> to vector<128x1xf32>
    %broadcast_in_dim3A_4018 = vector.shape_cast %slice3A_4017 : vector<128x1xf32> to vector<128x1xf32>
    %broadcast_in_dim3A_4019 = vector.broadcast %broadcast_in_dim3A_4018 : vector<128x1xf32> to vector<128x128xf32>
    %sub3A_4020 = vector.broadcast %get3A_4 : vector<1x128xf32> to vector<128x128xf32>
    %sub3A_4021 = arith.subf %broadcast_in_dim3A_4019, %sub3A_4020 : vector<128x128xf32>
    %mul3A_4022 = arith.mulf %sub3A_4021, %sub3A_4021 : vector<128x128xf32>
    %mul3A_4023 = vector.broadcast %get3A_7 : vector<1x128xf32> to vector<128x128xf32>
    %mul3A_4024 = arith.mulf %mul3A_4022, %mul3A_4023 : vector<128x128xf32>
    %exp23A_4025 = math.exp2 %mul3A_4024 : vector<128x128xf32>
    %mul3A_4026 = vector.broadcast %get3A_10 : vector<1x128xf32> to vector<128x128xf32>
    %mul3A_4027 = arith.mulf %mul3A_4026, %exp23A_4025 : vector<128x128xf32>
    %swap3A_4028 = arith.constant 236 : index
    %swap3A_4029 = arith.constant 0 : index
    %swap3A_4030 = arith.constant 0 : index
    %swap3A_4031 = vector.load %arg3[%swap3A_4028, %swap3A_4029, %swap3A_4030] : memref<256x128x128xf32, #tpu.memory_space<vmem>>, vector<1x128x128xf32>
    %swap3A_4032 = vector.shape_cast %swap3A_4031 : vector<1x128x128xf32> to vector<128x128xf32>
    %swap3A_4033 = vector.shape_cast %mul3A_4027 : vector<128x128xf32> to vector<1x128x128xf32>
    tpu.vector_store %arg3[%swap3A_4028, %swap3A_4029, %swap3A_4030], %swap3A_4033 {strides = array<i32>} : memref<256x128x128xf32, #tpu.memory_space<vmem>>, vector<1x128x128xf32>,
    %slice3A_4034 = vector.extract_strided_slice %transpose3A {offsets = [0, 237], sizes = [128, 1], strides = [1, 1]} : vector<128x256xf32> to vector<128x1xf32>
    %broadcast_in_dim3A_4035 = vector.shape_cast %slice3A_4034 : vector<128x1xf32> to vector<128x1xf32>
    %broadcast_in_dim3A_4036 = vector.broadcast %broadcast_in_dim3A_4035 : vector<128x1xf32> to vector<128x128xf32>
    %sub3A_4037 = vector.broadcast %get3A_4 : vector<1x128xf32> to vector<128x128xf32>
    %sub3A_4038 = arith.subf %broadcast_in_dim3A_4036, %sub3A_4037 : vector<128x128xf32>
    %mul3A_4039 = arith.mulf %sub3A_4038, %sub3A_4038 : vector<128x128xf32>
    %mul3A_4040 = vector.broadcast %get3A_7 : vector<1x128xf32> to vector<128x128xf32>
    %mul3A_4041 = arith.mulf %mul3A_4039, %mul3A_4040 : vector<128x128xf32>
    %exp23A_4042 = math.exp2 %mul3A_4041 : vector<128x128xf32>
    %mul3A_4043 = vector.broadcast %get3A_10 : vector<1x128xf32> to vector<128x128xf32>
    %mul3A_4044 = arith.mulf %mul3A_4043, %exp23A_4042 : vector<128x128xf32>
    %swap3A_4045 = arith.constant 237 : index
    %swap3A_4046 = arith.constant 0 : index
    %swap3A_4047 = arith.constant 0 : index
    %swap3A_4048 = vector.load %arg3[%swap3A_4045, %swap3A_4046, %swap3A_4047] : memref<256x128x128xf32, #tpu.memory_space<vmem>>, vector<1x128x128xf32>
    %swap3A_4049 = vector.shape_cast %swap3A_4048 : vector<1x128x128xf32> to vector<128x128xf32>
    %swap3A_4050 = vector.shape_cast %mul3A_4044 : vector<128x128xf32> to vector<1x128x128xf32>
    tpu.vector_store %arg3[%swap3A_4045, %swap3A_4046, %swap3A_4047], %swap3A_4050 {strides = array<i32>} : memref<256x128x128xf32, #tpu.memory_space<vmem>>, vector<1x128x128xf32>,
    %slice3A_4051 = vector.extract_strided_slice %transpose3A {offsets = [0, 238], sizes = [128, 1], strides = [1, 1]} : vector<128x256xf32> to vector<128x1xf32>
    %broadcast_in_dim3A_4052 = vector.shape_cast %slice3A_4051 : vector<128x1xf32> to vector<128x1xf32>
    %broadcast_in_dim3A_4053 = vector.broadcast %broadcast_in_dim3A_4052 : vector<128x1xf32> to vector<128x128xf32>
    %sub3A_4054 = vector.broadcast %get3A_4 : vector<1x128xf32> to vector<128x128xf32>
    %sub3A_4055 = arith.subf %broadcast_in_dim3A_4053, %sub3A_4054 : vector<128x128xf32>
    %mul3A_4056 = arith.mulf %sub3A_4055, %sub3A_4055 : vector<128x128xf32>
    %mul3A_4057 = vector.broadcast %get3A_7 : vector<1x128xf32> to vector<128x128xf32>
    %mul3A_4058 = arith.mulf %mul3A_4056, %mul3A_4057 : vector<128x128xf32>
    %exp23A_4059 = math.exp2 %mul3A_4058 : vector<128x128xf32>
    %mul3A_4060 = vector.broadcast %get3A_10 : vector<1x128xf32> to vector<128x128xf32>
    %mul3A_4061 = arith.mulf %mul3A_4060, %exp23A_4059 : vector<128x128xf32>
    %swap3A_4062 = arith.constant 238 : index
    %swap3A_4063 = arith.constant 0 : index
    %swap3A_4064 = arith.constant 0 : index
    %swap3A_4065 = vector.load %arg3[%swap3A_4062, %swap3A_4063, %swap3A_4064] : memref<256x128x128xf32, #tpu.memory_space<vmem>>, vector<1x128x128xf32>
    %swap3A_4066 = vector.shape_cast %swap3A_4065 : vector<1x128x128xf32> to vector<128x128xf32>
    %swap3A_4067 = vector.shape_cast %mul3A_4061 : vector<128x128xf32> to vector<1x128x128xf32>
    tpu.vector_store %arg3[%swap3A_4062, %swap3A_4063, %swap3A_4064], %swap3A_4067 {strides = array<i32>} : memref<256x128x128xf32, #tpu.memory_space<vmem>>, vector<1x128x128xf32>,
    %slice3A_4068 = vector.extract_strided_slice %transpose3A {offsets = [0, 239], sizes = [128, 1], strides = [1, 1]} : vector<128x256xf32> to vector<128x1xf32>
    %broadcast_in_dim3A_4069 = vector.shape_cast %slice3A_4068 : vector<128x1xf32> to vector<128x1xf32>
    %broadcast_in_dim3A_4070 = vector.broadcast %broadcast_in_dim3A_4069 : vector<128x1xf32> to vector<128x128xf32>
    %sub3A_4071 = vector.broadcast %get3A_4 : vector<1x128xf32> to vector<128x128xf32>
    %sub3A_4072 = arith.subf %broadcast_in_dim3A_4070, %sub3A_4071 : vector<128x128xf32>
    %mul3A_4073 = arith.mulf %sub3A_4072, %sub3A_4072 : vector<128x128xf32>
    %mul3A_4074 = vector.broadcast %get3A_7 : vector<1x128xf32> to vector<128x128xf32>
    %mul3A_4075 = arith.mulf %mul3A_4073, %mul3A_4074 : vector<128x128xf32>
    %exp23A_4076 = math.exp2 %mul3A_4075 : vector<128x128xf32>
    %mul3A_4077 = vector.broadcast %get3A_10 : vector<1x128xf32> to vector<128x128xf32>
    %mul3A_4078 = arith.mulf %mul3A_4077, %exp23A_4076 : vector<128x128xf32>
    %swap3A_4079 = arith.constant 239 : index
    %swap3A_4080 = arith.constant 0 : index
    %swap3A_4081 = arith.constant 0 : index
    %swap3A_4082 = vector.load %arg3[%swap3A_4079, %swap3A_4080, %swap3A_4081] : memref<256x128x128xf32, #tpu.memory_space<vmem>>, vector<1x128x128xf32>
    %swap3A_4083 = vector.shape_cast %swap3A_4082 : vector<1x128x128xf32> to vector<128x128xf32>
    %swap3A_4084 = vector.shape_cast %mul3A_4078 : vector<128x128xf32> to vector<1x128x128xf32>
    tpu.vector_store %arg3[%swap3A_4079, %swap3A_4080, %swap3A_4081], %swap3A_4084 {strides = array<i32>} : memref<256x128x128xf32, #tpu.memory_space<vmem>>, vector<1x128x128xf32>,
    %slice3A_4085 = vector.extract_strided_slice %transpose3A {offsets = [0, 240], sizes = [128, 1], strides = [1, 1]} : vector<128x256xf32> to vector<128x1xf32>
    %broadcast_in_dim3A_4086 = vector.shape_cast %slice3A_4085 : vector<128x1xf32> to vector<128x1xf32>
    %broadcast_in_dim3A_4087 = vector.broadcast %broadcast_in_dim3A_4086 : vector<128x1xf32> to vector<128x128xf32>
    %sub3A_4088 = vector.broadcast %get3A_4 : vector<1x128xf32> to vector<128x128xf32>
    %sub3A_4089 = arith.subf %broadcast_in_dim3A_4087, %sub3A_4088 : vector<128x128xf32>
    %mul3A_4090 = arith.mulf %sub3A_4089, %sub3A_4089 : vector<128x128xf32>
    %mul3A_4091 = vector.broadcast %get3A_7 : vector<1x128xf32> to vector<128x128xf32>
    %mul3A_4092 = arith.mulf %mul3A_4090, %mul3A_4091 : vector<128x128xf32>
    %exp23A_4093 = math.exp2 %mul3A_4092 : vector<128x128xf32>
    %mul3A_4094 = vector.broadcast %get3A_10 : vector<1x128xf32> to vector<128x128xf32>
    %mul3A_4095 = arith.mulf %mul3A_4094, %exp23A_4093 : vector<128x128xf32>
    %swap3A_4096 = arith.constant 240 : index
    %swap3A_4097 = arith.constant 0 : index
    %swap3A_4098 = arith.constant 0 : index
    %swap3A_4099 = vector.load %arg3[%swap3A_4096, %swap3A_4097, %swap3A_4098] : memref<256x128x128xf32, #tpu.memory_space<vmem>>, vector<1x128x128xf32>
    %swap3A_4100 = vector.shape_cast %swap3A_4099 : vector<1x128x128xf32> to vector<128x128xf32>
    %swap3A_4101 = vector.shape_cast %mul3A_4095 : vector<128x128xf32> to vector<1x128x128xf32>
    tpu.vector_store %arg3[%swap3A_4096, %swap3A_4097, %swap3A_4098], %swap3A_4101 {strides = array<i32>} : memref<256x128x128xf32, #tpu.memory_space<vmem>>, vector<1x128x128xf32>,
    %slice3A_4102 = vector.extract_strided_slice %transpose3A {offsets = [0, 241], sizes = [128, 1], strides = [1, 1]} : vector<128x256xf32> to vector<128x1xf32>
    %broadcast_in_dim3A_4103 = vector.shape_cast %slice3A_4102 : vector<128x1xf32> to vector<128x1xf32>
    %broadcast_in_dim3A_4104 = vector.broadcast %broadcast_in_dim3A_4103 : vector<128x1xf32> to vector<128x128xf32>
    %sub3A_4105 = vector.broadcast %get3A_4 : vector<1x128xf32> to vector<128x128xf32>
    %sub3A_4106 = arith.subf %broadcast_in_dim3A_4104, %sub3A_4105 : vector<128x128xf32>
    %mul3A_4107 = arith.mulf %sub3A_4106, %sub3A_4106 : vector<128x128xf32>
    %mul3A_4108 = vector.broadcast %get3A_7 : vector<1x128xf32> to vector<128x128xf32>
    %mul3A_4109 = arith.mulf %mul3A_4107, %mul3A_4108 : vector<128x128xf32>
    %exp23A_4110 = math.exp2 %mul3A_4109 : vector<128x128xf32>
    %mul3A_4111 = vector.broadcast %get3A_10 : vector<1x128xf32> to vector<128x128xf32>
    %mul3A_4112 = arith.mulf %mul3A_4111, %exp23A_4110 : vector<128x128xf32>
    %swap3A_4113 = arith.constant 241 : index
    %swap3A_4114 = arith.constant 0 : index
    %swap3A_4115 = arith.constant 0 : index
    %swap3A_4116 = vector.load %arg3[%swap3A_4113, %swap3A_4114, %swap3A_4115] : memref<256x128x128xf32, #tpu.memory_space<vmem>>, vector<1x128x128xf32>
    %swap3A_4117 = vector.shape_cast %swap3A_4116 : vector<1x128x128xf32> to vector<128x128xf32>
    %swap3A_4118 = vector.shape_cast %mul3A_4112 : vector<128x128xf32> to vector<1x128x128xf32>
    tpu.vector_store %arg3[%swap3A_4113, %swap3A_4114, %swap3A_4115], %swap3A_4118 {strides = array<i32>} : memref<256x128x128xf32, #tpu.memory_space<vmem>>, vector<1x128x128xf32>,
    %slice3A_4119 = vector.extract_strided_slice %transpose3A {offsets = [0, 242], sizes = [128, 1], strides = [1, 1]} : vector<128x256xf32> to vector<128x1xf32>
    %broadcast_in_dim3A_4120 = vector.shape_cast %slice3A_4119 : vector<128x1xf32> to vector<128x1xf32>
    %broadcast_in_dim3A_4121 = vector.broadcast %broadcast_in_dim3A_4120 : vector<128x1xf32> to vector<128x128xf32>
    %sub3A_4122 = vector.broadcast %get3A_4 : vector<1x128xf32> to vector<128x128xf32>
    %sub3A_4123 = arith.subf %broadcast_in_dim3A_4121, %sub3A_4122 : vector<128x128xf32>
    %mul3A_4124 = arith.mulf %sub3A_4123, %sub3A_4123 : vector<128x128xf32>
    %mul3A_4125 = vector.broadcast %get3A_7 : vector<1x128xf32> to vector<128x128xf32>
    %mul3A_4126 = arith.mulf %mul3A_4124, %mul3A_4125 : vector<128x128xf32>
    %exp23A_4127 = math.exp2 %mul3A_4126 : vector<128x128xf32>
    %mul3A_4128 = vector.broadcast %get3A_10 : vector<1x128xf32> to vector<128x128xf32>
    %mul3A_4129 = arith.mulf %mul3A_4128, %exp23A_4127 : vector<128x128xf32>
    %swap3A_4130 = arith.constant 242 : index
    %swap3A_4131 = arith.constant 0 : index
    %swap3A_4132 = arith.constant 0 : index
    %swap3A_4133 = vector.load %arg3[%swap3A_4130, %swap3A_4131, %swap3A_4132] : memref<256x128x128xf32, #tpu.memory_space<vmem>>, vector<1x128x128xf32>
    %swap3A_4134 = vector.shape_cast %swap3A_4133 : vector<1x128x128xf32> to vector<128x128xf32>
    %swap3A_4135 = vector.shape_cast %mul3A_4129 : vector<128x128xf32> to vector<1x128x128xf32>
    tpu.vector_store %arg3[%swap3A_4130, %swap3A_4131, %swap3A_4132], %swap3A_4135 {strides = array<i32>} : memref<256x128x128xf32, #tpu.memory_space<vmem>>, vector<1x128x128xf32>,
    %slice3A_4136 = vector.extract_strided_slice %transpose3A {offsets = [0, 243], sizes = [128, 1], strides = [1, 1]} : vector<128x256xf32> to vector<128x1xf32>
    %broadcast_in_dim3A_4137 = vector.shape_cast %slice3A_4136 : vector<128x1xf32> to vector<128x1xf32>
    %broadcast_in_dim3A_4138 = vector.broadcast %broadcast_in_dim3A_4137 : vector<128x1xf32> to vector<128x128xf32>
    %sub3A_4139 = vector.broadcast %get3A_4 : vector<1x128xf32> to vector<128x128xf32>
    %sub3A_4140 = arith.subf %broadcast_in_dim3A_4138, %sub3A_4139 : vector<128x128xf32>
    %mul3A_4141 = arith.mulf %sub3A_4140, %sub3A_4140 : vector<128x128xf32>
    %mul3A_4142 = vector.broadcast %get3A_7 : vector<1x128xf32> to vector<128x128xf32>
    %mul3A_4143 = arith.mulf %mul3A_4141, %mul3A_4142 : vector<128x128xf32>
    %exp23A_4144 = math.exp2 %mul3A_4143 : vector<128x128xf32>
    %mul3A_4145 = vector.broadcast %get3A_10 : vector<1x128xf32> to vector<128x128xf32>
    %mul3A_4146 = arith.mulf %mul3A_4145, %exp23A_4144 : vector<128x128xf32>
    %swap3A_4147 = arith.constant 243 : index
    %swap3A_4148 = arith.constant 0 : index
    %swap3A_4149 = arith.constant 0 : index
    %swap3A_4150 = vector.load %arg3[%swap3A_4147, %swap3A_4148, %swap3A_4149] : memref<256x128x128xf32, #tpu.memory_space<vmem>>, vector<1x128x128xf32>
    %swap3A_4151 = vector.shape_cast %swap3A_4150 : vector<1x128x128xf32> to vector<128x128xf32>
    %swap3A_4152 = vector.shape_cast %mul3A_4146 : vector<128x128xf32> to vector<1x128x128xf32>
    tpu.vector_store %arg3[%swap3A_4147, %swap3A_4148, %swap3A_4149], %swap3A_4152 {strides = array<i32>} : memref<256x128x128xf32, #tpu.memory_space<vmem>>, vector<1x128x128xf32>,
    %slice3A_4153 = vector.extract_strided_slice %transpose3A {offsets = [0, 244], sizes = [128, 1], strides = [1, 1]} : vector<128x256xf32> to vector<128x1xf32>
    %broadcast_in_dim3A_4154 = vector.shape_cast %slice3A_4153 : vector<128x1xf32> to vector<128x1xf32>
    %broadcast_in_dim3A_4155 = vector.broadcast %broadcast_in_dim3A_4154 : vector<128x1xf32> to vector<128x128xf32>
    %sub3A_4156 = vector.broadcast %get3A_4 : vector<1x128xf32> to vector<128x128xf32>
    %sub3A_4157 = arith.subf %broadcast_in_dim3A_4155, %sub3A_4156 : vector<128x128xf32>
    %mul3A_4158 = arith.mulf %sub3A_4157, %sub3A_4157 : vector<128x128xf32>
    %mul3A_4159 = vector.broadcast %get3A_7 : vector<1x128xf32> to vector<128x128xf32>
    %mul3A_4160 = arith.mulf %mul3A_4158, %mul3A_4159 : vector<128x128xf32>
    %exp23A_4161 = math.exp2 %mul3A_4160 : vector<128x128xf32>
    %mul3A_4162 = vector.broadcast %get3A_10 : vector<1x128xf32> to vector<128x128xf32>
    %mul3A_4163 = arith.mulf %mul3A_4162, %exp23A_4161 : vector<128x128xf32>
    %swap3A_4164 = arith.constant 244 : index
    %swap3A_4165 = arith.constant 0 : index
    %swap3A_4166 = arith.constant 0 : index
    %swap3A_4167 = vector.load %arg3[%swap3A_4164, %swap3A_4165, %swap3A_4166] : memref<256x128x128xf32, #tpu.memory_space<vmem>>, vector<1x128x128xf32>
    %swap3A_4168 = vector.shape_cast %swap3A_4167 : vector<1x128x128xf32> to vector<128x128xf32>
    %swap3A_4169 = vector.shape_cast %mul3A_4163 : vector<128x128xf32> to vector<1x128x128xf32>
    tpu.vector_store %arg3[%swap3A_4164, %swap3A_4165, %swap3A_4166], %swap3A_4169 {strides = array<i32>} : memref<256x128x128xf32, #tpu.memory_space<vmem>>, vector<1x128x128xf32>,
    %slice3A_4170 = vector.extract_strided_slice %transpose3A {offsets = [0, 245], sizes = [128, 1], strides = [1, 1]} : vector<128x256xf32> to vector<128x1xf32>
    %broadcast_in_dim3A_4171 = vector.shape_cast %slice3A_4170 : vector<128x1xf32> to vector<128x1xf32>
    %broadcast_in_dim3A_4172 = vector.broadcast %broadcast_in_dim3A_4171 : vector<128x1xf32> to vector<128x128xf32>
    %sub3A_4173 = vector.broadcast %get3A_4 : vector<1x128xf32> to vector<128x128xf32>
    %sub3A_4174 = arith.subf %broadcast_in_dim3A_4172, %sub3A_4173 : vector<128x128xf32>
    %mul3A_4175 = arith.mulf %sub3A_4174, %sub3A_4174 : vector<128x128xf32>
    %mul3A_4176 = vector.broadcast %get3A_7 : vector<1x128xf32> to vector<128x128xf32>
    %mul3A_4177 = arith.mulf %mul3A_4175, %mul3A_4176 : vector<128x128xf32>
    %exp23A_4178 = math.exp2 %mul3A_4177 : vector<128x128xf32>
    %mul3A_4179 = vector.broadcast %get3A_10 : vector<1x128xf32> to vector<128x128xf32>
    %mul3A_4180 = arith.mulf %mul3A_4179, %exp23A_4178 : vector<128x128xf32>
    %swap3A_4181 = arith.constant 245 : index
    %swap3A_4182 = arith.constant 0 : index
    %swap3A_4183 = arith.constant 0 : index
    %swap3A_4184 = vector.load %arg3[%swap3A_4181, %swap3A_4182, %swap3A_4183] : memref<256x128x128xf32, #tpu.memory_space<vmem>>, vector<1x128x128xf32>
    %swap3A_4185 = vector.shape_cast %swap3A_4184 : vector<1x128x128xf32> to vector<128x128xf32>
    %swap3A_4186 = vector.shape_cast %mul3A_4180 : vector<128x128xf32> to vector<1x128x128xf32>
    tpu.vector_store %arg3[%swap3A_4181, %swap3A_4182, %swap3A_4183], %swap3A_4186 {strides = array<i32>} : memref<256x128x128xf32, #tpu.memory_space<vmem>>, vector<1x128x128xf32>,
    %slice3A_4187 = vector.extract_strided_slice %transpose3A {offsets = [0, 246], sizes = [128, 1], strides = [1, 1]} : vector<128x256xf32> to vector<128x1xf32>
    %broadcast_in_dim3A_4188 = vector.shape_cast %slice3A_4187 : vector<128x1xf32> to vector<128x1xf32>
    %broadcast_in_dim3A_4189 = vector.broadcast %broadcast_in_dim3A_4188 : vector<128x1xf32> to vector<128x128xf32>
    %sub3A_4190 = vector.broadcast %get3A_4 : vector<1x128xf32> to vector<128x128xf32>
    %sub3A_4191 = arith.subf %broadcast_in_dim3A_4189, %sub3A_4190 : vector<128x128xf32>
    %mul3A_4192 = arith.mulf %sub3A_4191, %sub3A_4191 : vector<128x128xf32>
    %mul3A_4193 = vector.broadcast %get3A_7 : vector<1x128xf32> to vector<128x128xf32>
    %mul3A_4194 = arith.mulf %mul3A_4192, %mul3A_4193 : vector<128x128xf32>
    %exp23A_4195 = math.exp2 %mul3A_4194 : vector<128x128xf32>
    %mul3A_4196 = vector.broadcast %get3A_10 : vector<1x128xf32> to vector<128x128xf32>
    %mul3A_4197 = arith.mulf %mul3A_4196, %exp23A_4195 : vector<128x128xf32>
    %swap3A_4198 = arith.constant 246 : index
    %swap3A_4199 = arith.constant 0 : index
    %swap3A_4200 = arith.constant 0 : index
    %swap3A_4201 = vector.load %arg3[%swap3A_4198, %swap3A_4199, %swap3A_4200] : memref<256x128x128xf32, #tpu.memory_space<vmem>>, vector<1x128x128xf32>
    %swap3A_4202 = vector.shape_cast %swap3A_4201 : vector<1x128x128xf32> to vector<128x128xf32>
    %swap3A_4203 = vector.shape_cast %mul3A_4197 : vector<128x128xf32> to vector<1x128x128xf32>
    tpu.vector_store %arg3[%swap3A_4198, %swap3A_4199, %swap3A_4200], %swap3A_4203 {strides = array<i32>} : memref<256x128x128xf32, #tpu.memory_space<vmem>>, vector<1x128x128xf32>,
    %slice3A_4204 = vector.extract_strided_slice %transpose3A {offsets = [0, 247], sizes = [128, 1], strides = [1, 1]} : vector<128x256xf32> to vector<128x1xf32>
    %broadcast_in_dim3A_4205 = vector.shape_cast %slice3A_4204 : vector<128x1xf32> to vector<128x1xf32>
    %broadcast_in_dim3A_4206 = vector.broadcast %broadcast_in_dim3A_4205 : vector<128x1xf32> to vector<128x128xf32>
    %sub3A_4207 = vector.broadcast %get3A_4 : vector<1x128xf32> to vector<128x128xf32>
    %sub3A_4208 = arith.subf %broadcast_in_dim3A_4206, %sub3A_4207 : vector<128x128xf32>
    %mul3A_4209 = arith.mulf %sub3A_4208, %sub3A_4208 : vector<128x128xf32>
    %mul3A_4210 = vector.broadcast %get3A_7 : vector<1x128xf32> to vector<128x128xf32>
    %mul3A_4211 = arith.mulf %mul3A_4209, %mul3A_4210 : vector<128x128xf32>
    %exp23A_4212 = math.exp2 %mul3A_4211 : vector<128x128xf32>
    %mul3A_4213 = vector.broadcast %get3A_10 : vector<1x128xf32> to vector<128x128xf32>
    %mul3A_4214 = arith.mulf %mul3A_4213, %exp23A_4212 : vector<128x128xf32>
    %swap3A_4215 = arith.constant 247 : index
    %swap3A_4216 = arith.constant 0 : index
    %swap3A_4217 = arith.constant 0 : index
    %swap3A_4218 = vector.load %arg3[%swap3A_4215, %swap3A_4216, %swap3A_4217] : memref<256x128x128xf32, #tpu.memory_space<vmem>>, vector<1x128x128xf32>
    %swap3A_4219 = vector.shape_cast %swap3A_4218 : vector<1x128x128xf32> to vector<128x128xf32>
    %swap3A_4220 = vector.shape_cast %mul3A_4214 : vector<128x128xf32> to vector<1x128x128xf32>
    tpu.vector_store %arg3[%swap3A_4215, %swap3A_4216, %swap3A_4217], %swap3A_4220 {strides = array<i32>} : memref<256x128x128xf32, #tpu.memory_space<vmem>>, vector<1x128x128xf32>,
    %slice3A_4221 = vector.extract_strided_slice %transpose3A {offsets = [0, 248], sizes = [128, 1], strides = [1, 1]} : vector<128x256xf32> to vector<128x1xf32>
    %broadcast_in_dim3A_4222 = vector.shape_cast %slice3A_4221 : vector<128x1xf32> to vector<128x1xf32>
    %broadcast_in_dim3A_4223 = vector.broadcast %broadcast_in_dim3A_4222 : vector<128x1xf32> to vector<128x128xf32>
    %sub3A_4224 = vector.broadcast %get3A_4 : vector<1x128xf32> to vector<128x128xf32>
    %sub3A_4225 = arith.subf %broadcast_in_dim3A_4223, %sub3A_4224 : vector<128x128xf32>
    %mul3A_4226 = arith.mulf %sub3A_4225, %sub3A_4225 : vector<128x128xf32>
    %mul3A_4227 = vector.broadcast %get3A_7 : vector<1x128xf32> to vector<128x128xf32>
    %mul3A_4228 = arith.mulf %mul3A_4226, %mul3A_4227 : vector<128x128xf32>
    %exp23A_4229 = math.exp2 %mul3A_4228 : vector<128x128xf32>
    %mul3A_4230 = vector.broadcast %get3A_10 : vector<1x128xf32> to vector<128x128xf32>
    %mul3A_4231 = arith.mulf %mul3A_4230, %exp23A_4229 : vector<128x128xf32>
    %swap3A_4232 = arith.constant 248 : index
    %swap3A_4233 = arith.constant 0 : index
    %swap3A_4234 = arith.constant 0 : index
    %swap3A_4235 = vector.load %arg3[%swap3A_4232, %swap3A_4233, %swap3A_4234] : memref<256x128x128xf32, #tpu.memory_space<vmem>>, vector<1x128x128xf32>
    %swap3A_4236 = vector.shape_cast %swap3A_4235 : vector<1x128x128xf32> to vector<128x128xf32>
    %swap3A_4237 = vector.shape_cast %mul3A_4231 : vector<128x128xf32> to vector<1x128x128xf32>
    tpu.vector_store %arg3[%swap3A_4232, %swap3A_4233, %swap3A_4234], %swap3A_4237 {strides = array<i32>} : memref<256x128x128xf32, #tpu.memory_space<vmem>>, vector<1x128x128xf32>,
    %slice3A_4238 = vector.extract_strided_slice %transpose3A {offsets = [0, 249], sizes = [128, 1], strides = [1, 1]} : vector<128x256xf32> to vector<128x1xf32>
    %broadcast_in_dim3A_4239 = vector.shape_cast %slice3A_4238 : vector<128x1xf32> to vector<128x1xf32>
    %broadcast_in_dim3A_4240 = vector.broadcast %broadcast_in_dim3A_4239 : vector<128x1xf32> to vector<128x128xf32>
    %sub3A_4241 = vector.broadcast %get3A_4 : vector<1x128xf32> to vector<128x128xf32>
    %sub3A_4242 = arith.subf %broadcast_in_dim3A_4240, %sub3A_4241 : vector<128x128xf32>
    %mul3A_4243 = arith.mulf %sub3A_4242, %sub3A_4242 : vector<128x128xf32>
    %mul3A_4244 = vector.broadcast %get3A_7 : vector<1x128xf32> to vector<128x128xf32>
    %mul3A_4245 = arith.mulf %mul3A_4243, %mul3A_4244 : vector<128x128xf32>
    %exp23A_4246 = math.exp2 %mul3A_4245 : vector<128x128xf32>
    %mul3A_4247 = vector.broadcast %get3A_10 : vector<1x128xf32> to vector<128x128xf32>
    %mul3A_4248 = arith.mulf %mul3A_4247, %exp23A_4246 : vector<128x128xf32>
    %swap3A_4249 = arith.constant 249 : index
    %swap3A_4250 = arith.constant 0 : index
    %swap3A_4251 = arith.constant 0 : index
    %swap3A_4252 = vector.load %arg3[%swap3A_4249, %swap3A_4250, %swap3A_4251] : memref<256x128x128xf32, #tpu.memory_space<vmem>>, vector<1x128x128xf32>
    %swap3A_4253 = vector.shape_cast %swap3A_4252 : vector<1x128x128xf32> to vector<128x128xf32>
    %swap3A_4254 = vector.shape_cast %mul3A_4248 : vector<128x128xf32> to vector<1x128x128xf32>
    tpu.vector_store %arg3[%swap3A_4249, %swap3A_4250, %swap3A_4251], %swap3A_4254 {strides = array<i32>} : memref<256x128x128xf32, #tpu.memory_space<vmem>>, vector<1x128x128xf32>,
    %slice3A_4255 = vector.extract_strided_slice %transpose3A {offsets = [0, 250], sizes = [128, 1], strides = [1, 1]} : vector<128x256xf32> to vector<128x1xf32>
    %broadcast_in_dim3A_4256 = vector.shape_cast %slice3A_4255 : vector<128x1xf32> to vector<128x1xf32>
    %broadcast_in_dim3A_4257 = vector.broadcast %broadcast_in_dim3A_4256 : vector<128x1xf32> to vector<128x128xf32>
    %sub3A_4258 = vector.broadcast %get3A_4 : vector<1x128xf32> to vector<128x128xf32>
    %sub3A_4259 = arith.subf %broadcast_in_dim3A_4257, %sub3A_4258 : vector<128x128xf32>
    %mul3A_4260 = arith.mulf %sub3A_4259, %sub3A_4259 : vector<128x128xf32>
    %mul3A_4261 = vector.broadcast %get3A_7 : vector<1x128xf32> to vector<128x128xf32>
    %mul3A_4262 = arith.mulf %mul3A_4260, %mul3A_4261 : vector<128x128xf32>
    %exp23A_4263 = math.exp2 %mul3A_4262 : vector<128x128xf32>
    %mul3A_4264 = vector.broadcast %get3A_10 : vector<1x128xf32> to vector<128x128xf32>
    %mul3A_4265 = arith.mulf %mul3A_4264, %exp23A_4263 : vector<128x128xf32>
    %swap3A_4266 = arith.constant 250 : index
    %swap3A_4267 = arith.constant 0 : index
    %swap3A_4268 = arith.constant 0 : index
    %swap3A_4269 = vector.load %arg3[%swap3A_4266, %swap3A_4267, %swap3A_4268] : memref<256x128x128xf32, #tpu.memory_space<vmem>>, vector<1x128x128xf32>
    %swap3A_4270 = vector.shape_cast %swap3A_4269 : vector<1x128x128xf32> to vector<128x128xf32>
    %swap3A_4271 = vector.shape_cast %mul3A_4265 : vector<128x128xf32> to vector<1x128x128xf32>
    tpu.vector_store %arg3[%swap3A_4266, %swap3A_4267, %swap3A_4268], %swap3A_4271 {strides = array<i32>} : memref<256x128x128xf32, #tpu.memory_space<vmem>>, vector<1x128x128xf32>,
    %slice3A_4272 = vector.extract_strided_slice %transpose3A {offsets = [0, 251], sizes = [128, 1], strides = [1, 1]} : vector<128x256xf32> to vector<128x1xf32>
    %broadcast_in_dim3A_4273 = vector.shape_cast %slice3A_4272 : vector<128x1xf32> to vector<128x1xf32>
    %broadcast_in_dim3A_4274 = vector.broadcast %broadcast_in_dim3A_4273 : vector<128x1xf32> to vector<128x128xf32>
    %sub3A_4275 = vector.broadcast %get3A_4 : vector<1x128xf32> to vector<128x128xf32>
    %sub3A_4276 = arith.subf %broadcast_in_dim3A_4274, %sub3A_4275 : vector<128x128xf32>
    %mul3A_4277 = arith.mulf %sub3A_4276, %sub3A_4276 : vector<128x128xf32>
    %mul3A_4278 = vector.broadcast %get3A_7 : vector<1x128xf32> to vector<128x128xf32>
    %mul3A_4279 = arith.mulf %mul3A_4277, %mul3A_4278 : vector<128x128xf32>
    %exp23A_4280 = math.exp2 %mul3A_4279 : vector<128x128xf32>
    %mul3A_4281 = vector.broadcast %get3A_10 : vector<1x128xf32> to vector<128x128xf32>
    %mul3A_4282 = arith.mulf %mul3A_4281, %exp23A_4280 : vector<128x128xf32>
    %swap3A_4283 = arith.constant 251 : index
    %swap3A_4284 = arith.constant 0 : index
    %swap3A_4285 = arith.constant 0 : index
    %swap3A_4286 = vector.load %arg3[%swap3A_4283, %swap3A_4284, %swap3A_4285] : memref<256x128x128xf32, #tpu.memory_space<vmem>>, vector<1x128x128xf32>
    %swap3A_4287 = vector.shape_cast %swap3A_4286 : vector<1x128x128xf32> to vector<128x128xf32>
    %swap3A_4288 = vector.shape_cast %mul3A_4282 : vector<128x128xf32> to vector<1x128x128xf32>
    tpu.vector_store %arg3[%swap3A_4283, %swap3A_4284, %swap3A_4285], %swap3A_4288 {strides = array<i32>} : memref<256x128x128xf32, #tpu.memory_space<vmem>>, vector<1x128x128xf32>,
    %slice3A_4289 = vector.extract_strided_slice %transpose3A {offsets = [0, 252], sizes = [128, 1], strides = [1, 1]} : vector<128x256xf32> to vector<128x1xf32>
    %broadcast_in_dim3A_4290 = vector.shape_cast %slice3A_4289 : vector<128x1xf32> to vector<128x1xf32>
    %broadcast_in_dim3A_4291 = vector.broadcast %broadcast_in_dim3A_4290 : vector<128x1xf32> to vector<128x128xf32>
    %sub3A_4292 = vector.broadcast %get3A_4 : vector<1x128xf32> to vector<128x128xf32>
    %sub3A_4293 = arith.subf %broadcast_in_dim3A_4291, %sub3A_4292 : vector<128x128xf32>
    %mul3A_4294 = arith.mulf %sub3A_4293, %sub3A_4293 : vector<128x128xf32>
    %mul3A_4295 = vector.broadcast %get3A_7 : vector<1x128xf32> to vector<128x128xf32>
    %mul3A_4296 = arith.mulf %mul3A_4294, %mul3A_4295 : vector<128x128xf32>
    %exp23A_4297 = math.exp2 %mul3A_4296 : vector<128x128xf32>
    %mul3A_4298 = vector.broadcast %get3A_10 : vector<1x128xf32> to vector<128x128xf32>
    %mul3A_4299 = arith.mulf %mul3A_4298, %exp23A_4297 : vector<128x128xf32>
    %swap3A_4300 = arith.constant 252 : index
    %swap3A_4301 = arith.constant 0 : index
    %swap3A_4302 = arith.constant 0 : index
    %swap3A_4303 = vector.load %arg3[%swap3A_4300, %swap3A_4301, %swap3A_4302] : memref<256x128x128xf32, #tpu.memory_space<vmem>>, vector<1x128x128xf32>
    %swap3A_4304 = vector.shape_cast %swap3A_4303 : vector<1x128x128xf32> to vector<128x128xf32>
    %swap3A_4305 = vector.shape_cast %mul3A_4299 : vector<128x128xf32> to vector<1x128x128xf32>
    tpu.vector_store %arg3[%swap3A_4300, %swap3A_4301, %swap3A_4302], %swap3A_4305 {strides = array<i32>} : memref<256x128x128xf32, #tpu.memory_space<vmem>>, vector<1x128x128xf32>,
    %slice3A_4306 = vector.extract_strided_slice %transpose3A {offsets = [0, 253], sizes = [128, 1], strides = [1, 1]} : vector<128x256xf32> to vector<128x1xf32>
    %broadcast_in_dim3A_4307 = vector.shape_cast %slice3A_4306 : vector<128x1xf32> to vector<128x1xf32>
    %broadcast_in_dim3A_4308 = vector.broadcast %broadcast_in_dim3A_4307 : vector<128x1xf32> to vector<128x128xf32>
    %sub3A_4309 = vector.broadcast %get3A_4 : vector<1x128xf32> to vector<128x128xf32>
    %sub3A_4310 = arith.subf %broadcast_in_dim3A_4308, %sub3A_4309 : vector<128x128xf32>
    %mul3A_4311 = arith.mulf %sub3A_4310, %sub3A_4310 : vector<128x128xf32>
    %mul3A_4312 = vector.broadcast %get3A_7 : vector<1x128xf32> to vector<128x128xf32>
    %mul3A_4313 = arith.mulf %mul3A_4311, %mul3A_4312 : vector<128x128xf32>
    %exp23A_4314 = math.exp2 %mul3A_4313 : vector<128x128xf32>
    %mul3A_4315 = vector.broadcast %get3A_10 : vector<1x128xf32> to vector<128x128xf32>
    %mul3A_4316 = arith.mulf %mul3A_4315, %exp23A_4314 : vector<128x128xf32>
    %swap3A_4317 = arith.constant 253 : index
    %swap3A_4318 = arith.constant 0 : index
    %swap3A_4319 = arith.constant 0 : index
    %swap3A_4320 = vector.load %arg3[%swap3A_4317, %swap3A_4318, %swap3A_4319] : memref<256x128x128xf32, #tpu.memory_space<vmem>>, vector<1x128x128xf32>
    %swap3A_4321 = vector.shape_cast %swap3A_4320 : vector<1x128x128xf32> to vector<128x128xf32>
    %swap3A_4322 = vector.shape_cast %mul3A_4316 : vector<128x128xf32> to vector<1x128x128xf32>
    tpu.vector_store %arg3[%swap3A_4317, %swap3A_4318, %swap3A_4319], %swap3A_4322 {strides = array<i32>} : memref<256x128x128xf32, #tpu.memory_space<vmem>>, vector<1x128x128xf32>,
    %slice3A_4323 = vector.extract_strided_slice %transpose3A {offsets = [0, 254], sizes = [128, 1], strides = [1, 1]} : vector<128x256xf32> to vector<128x1xf32>
    %broadcast_in_dim3A_4324 = vector.shape_cast %slice3A_4323 : vector<128x1xf32> to vector<128x1xf32>
    %broadcast_in_dim3A_4325 = vector.broadcast %broadcast_in_dim3A_4324 : vector<128x1xf32> to vector<128x128xf32>
    %sub3A_4326 = vector.broadcast %get3A_4 : vector<1x128xf32> to vector<128x128xf32>
    %sub3A_4327 = arith.subf %broadcast_in_dim3A_4325, %sub3A_4326 : vector<128x128xf32>
    %mul3A_4328 = arith.mulf %sub3A_4327, %sub3A_4327 : vector<128x128xf32>
    %mul3A_4329 = vector.broadcast %get3A_7 : vector<1x128xf32> to vector<128x128xf32>
    %mul3A_4330 = arith.mulf %mul3A_4328, %mul3A_4329 : vector<128x128xf32>
    %exp23A_4331 = math.exp2 %mul3A_4330 : vector<128x128xf32>
    %mul3A_4332 = vector.broadcast %get3A_10 : vector<1x128xf32> to vector<128x128xf32>
    %mul3A_4333 = arith.mulf %mul3A_4332, %exp23A_4331 : vector<128x128xf32>
    %swap3A_4334 = arith.constant 254 : index
    %swap3A_4335 = arith.constant 0 : index
    %swap3A_4336 = arith.constant 0 : index
    %swap3A_4337 = vector.load %arg3[%swap3A_4334, %swap3A_4335, %swap3A_4336] : memref<256x128x128xf32, #tpu.memory_space<vmem>>, vector<1x128x128xf32>
    %swap3A_4338 = vector.shape_cast %swap3A_4337 : vector<1x128x128xf32> to vector<128x128xf32>
    %swap3A_4339 = vector.shape_cast %mul3A_4333 : vector<128x128xf32> to vector<1x128x128xf32>
    tpu.vector_store %arg3[%swap3A_4334, %swap3A_4335, %swap3A_4336], %swap3A_4339 {strides = array<i32>} : memref<256x128x128xf32, #tpu.memory_space<vmem>>, vector<1x128x128xf32>,
    %slice3A_4340 = vector.extract_strided_slice %transpose3A {offsets = [0, 255], sizes = [128, 1], strides = [1, 1]} : vector<128x256xf32> to vector<128x1xf32>
    %broadcast_in_dim3A_4341 = vector.shape_cast %slice3A_4340 : vector<128x1xf32> to vector<128x1xf32>
    %broadcast_in_dim3A_4342 = vector.broadcast %broadcast_in_dim3A_4341 : vector<128x1xf32> to vector<128x128xf32>
    %sub3A_4343 = vector.broadcast %get3A_4 : vector<1x128xf32> to vector<128x128xf32>
    %sub3A_4344 = arith.subf %broadcast_in_dim3A_4342, %sub3A_4343 : vector<128x128xf32>
    %mul3A_4345 = arith.mulf %sub3A_4344, %sub3A_4344 : vector<128x128xf32>
    %mul3A_4346 = vector.broadcast %get3A_7 : vector<1x128xf32> to vector<128x128xf32>
    %mul3A_4347 = arith.mulf %mul3A_4345, %mul3A_4346 : vector<128x128xf32>
    %exp23A_4348 = math.exp2 %mul3A_4347 : vector<128x128xf32>
    %mul3A_4349 = vector.broadcast %get3A_10 : vector<1x128xf32> to vector<128x128xf32>
    %mul3A_4350 = arith.mulf %mul3A_4349, %exp23A_4348 : vector<128x128xf32>
    %swap3A_4351 = arith.constant 255 : index
    %swap3A_4352 = arith.constant 0 : index
    %swap3A_4353 = arith.constant 0 : index
    %swap3A_4354 = vector.load %arg3[%swap3A_4351, %swap3A_4352, %swap3A_4353] : memref<256x128x128xf32, #tpu.memory_space<vmem>>, vector<1x128x128xf32>
    %swap3A_4355 = vector.shape_cast %swap3A_4354 : vector<1x128x128xf32> to vector<128x128xf32>
    %swap3A_4356 = vector.shape_cast %mul3A_4350 : vector<128x128xf32> to vector<1x128x128xf32>
    tpu.vector_store %arg3[%swap3A_4351, %swap3A_4352, %swap3A_4353], %swap3A_4356 {strides = array<i32>} : memref<256x128x128xf32, #tpu.memory_space<vmem>>, vector<1x128x128xf32>,
    return
  }
  func.func @transform_0(%arg0: i32) -> (i32, i32) {
    %c0_i32 = arith.constant 0 : i32
    %c0_i32_0 = arith.constant 0 : i32
    return %arg0, %c0_i32 : i32, i32
  }
  func.func @transform_1(%arg0: i32) -> (i32, i32) {
    %c0_i32 = arith.constant 0 : i32
    %c0_i32_0 = arith.constant 0 : i32
    %c0_i32_1 = arith.constant 0 : i32
    return %c0_i32, %c0_i32_0 : i32, i32
  }
  func.func @transform_2(%arg0: i32) -> (i32, i32, i32) {
    %c0_i32 = arith.constant 0 : i32
    %c0_i32_0 = arith.constant 0 : i32
    %c0_i32_1 = arith.constant 0 : i32
    return %arg0, %c0_i32, %c0_i32_0 : i32, i32, i32
  }
}

</mosaic_0001>

<sc_bundles>
// kernel: kernel.4.cloned.1.call-start
scs
__scs_entry_jumppad:
0x0: {  	(pc) =	sbr.rel $0x88, $3  }
0x1: {  	(tag) =	ssettag $0x0;
	lr =	simm.s32 $0x1  }
0x2: {  	[smem:$0x3F9B] =	sst lr;
	_ =	strace $0xD0000000  }
0x3: {  	_ = 	snop  }
0x4: {  	_ = 	snop  }
0x5: {  	_ = 	snop  }
0x6: {  	_ = 	snop  }
0x7: {  	_ = 	snop  }
__scs_overlays_trampoline_lowered:
0x8: {  	[smem:$0x3FAA] =	sst s0  }
0x9: {  	[smem:$0x3FAB] =	sst s1  }
0xa: {  	[smem:$0x3FAC] =	sst s2  }
0xb: {  	[smem:$0x3FAD] =	sst s3  }
0xc: {  	[smem:$0x3FAE] =	sst s4  }
0xd: {  	[smem:$0x3FAF] =	sst s5  }
0xe: {  	[smem:$0x3FB0] =	sst s6  }
0xf: {  	[smem:$0x3FB1] =	sst s7  }
0x10: {  	[smem:$0x3FB2] =	sst s8  }
0x11: {  	[smem:$0x3FB3] =	sst s9;
	s0 =	simm.s32 @!p0 $0x0  }
0x12: {  	s1 =	sld [smem:$0x3F99];
	s0 =	simm.s32 @p0 $0x1  }
0x13: {  	[smem:$0x3FB4] =	sst s0;
	s0 =	simm.s32 @!p1 $0x0  }
0x14: {  	s2 =	sld [smem:$0x3F98];
	s0 =	simm.s32 @p1 $0x1  }
0x15: {  	[smem:$0x3FB5] =	sst s0;
	s0 =	simm.s32 @!p2 $0x0  }
0x16: {  	s3 =	sld [smem:$0x3FDB];
	s0 =	simm.s32 @p2 $0x1  }
0x17: {  	s4 =	simm.s32 $0x1BF5;
	[smem:$0x3FB7] =	sst s0  }
0x18: {  	s0 =	sld [smem:$0x3F9A];
	_ =	swait.ge [sflag:s4], $0x0  }
0x19: {  	s7 =	sld [smem:$0x3F9B]  }
0x1a: {  	s8 =	sadd.s32 $0xFFFFE003, lr  }
0x1b: {  	s9 =	sadd.s32 $0xFFFFFEF7, lr;
	s5 =	simm.s32 $0xFFFFFFFF;
	p2 =	slt.u32 s8, $0xFFFFF086  }
0x1c: {  	p1 =	slt.u32 s9, $0xF7A;
	s5 =	simm.s32 @!p2 $0x0  }
0x1d: {  	s5 =	simm.s32 @p1 $0x1;
	p0 =	seq.s32 s7, s2  }
0x1e: {  	s7 =	smul.u32 @!p0 $0xF7A, s2;
	p2 =	seq.s32 @!p0 s5, $0x0  }
0x1f: {  	s9 =	smul.u32 $0xF7A, s1;
	s8 =	simm.s32 @!p0 $0x1BF5;
	p2 =	por !p2, p0  }
0x20: {  	[sflag:s8] =	ssyncset.s32 @!p0 $0xFFFFF086;
	s6 =	sadd.s32 @!p0 s3, s7;
	s7 =	simm.s32 @!p0 $0x108  }
0x21: {  	s3 =	sadd.s32 s3, s9;
	s6 =	sadd.s32 @!p0 $0x88, s6;
	s7 =	simm.s32 @p2 $0x1082  }
0x22: {  	[simem:s7], [sflag:s8] =	dma.local @!p0 [hbm:s6], $0xF7A  }
0x23: {  	s9 =	sor.u32 $0xD0000000, s2;
	s6 =	simm.s32 $0x108;
	_ =	swait.ge @!p0 [sflag:s8], $0x0  }
0x24: {  	s3 =	sadd.s32 $0x88, s3;
	s6 =	simm.s32 @!p1 $0x1082;
	[sflag:s4] =	ssyncset.s32 $0xFFFFF086  }
0x25: {  	[simem:s6], [sflag:s4] =	dma.local [hbm:s3], $0xF7A  }
0x26: {  	[smem:$0x3F9B] =	sst s1;
	(tag) =	ssettag s2;
	_ =	strace s9  }
0x27: {  	s1 =	sld [smem:$0x3FAB]  }
0x28: {  	s2 =	sld [smem:$0x3FAC]  }
0x29: {  	s4 =	sld [smem:$0x3FAE]  }
0x2a: {  	p0 =	seq.s32 s5, $0x0;
	s5 =	sld [smem:$0x3FAF]  }
0x2b: {  	s6 =	sld [smem:$0x3FB0]  }
0x2c: {  	s7 =	sld [smem:$0x3FB1]  }
0x2d: {  	s3 =	simm.s32 $0x108;
	s8 =	sld [smem:$0x3FB2]  }
0x2e: {  	s3 =	simm.s32 @!p0 $0x1082;
	s9 =	sld [smem:$0x3FB3]  }
0x2f: {  	lr =	sadd.s32 s0, s3;
	s0 =	sld [smem:$0x3FAA]  }
0x30: {  	s3 =	sld [smem:$0x3FAD]  }
0x31: {  	[smem:$0x3FB6] =	sst s10  }
0x32: {  	s10 =	sld [smem:$0x3FB4];
	_ =	sdelay $0x3  }
0x33: {  	p0 =	seq.s32 s10, $0x1;
	s10 =	sld [smem:$0x3FB6];
	_ =	sdelay $0x3  }
0x34: {  	[smem:$0x3FB6] =	sst s10  }
0x35: {  	s10 =	sld [smem:$0x3FB5];
	_ =	sdelay $0x3  }
0x36: {  	p1 =	seq.s32 s10, $0x1;
	s10 =	sld [smem:$0x3FB6];
	_ =	sdelay $0x3  }
0x37: {  	[smem:$0x3FB6] =	sst s10  }
0x38: {  	s10 =	sld [smem:$0x3FB7]  }
0x39: {  	_ = 	snop;
	(pc) =	sbr.ind lr, $3  }
0x3a: {  	_ = 	snop  }
0x3b: {  	_ = 	snop  }
0x3c: {  	p2 =	seq.s32 s10, $0x1;
	s10 =	sld [smem:$0x3FB6]  }
0x3d: {  	_ =	shalt  }
0x3e: {  	_ =	shalt  }
0x3f: {  	_ =	shalt  }
0x40: {  	_ =	shalt  }
0x41: {  	_ =	shalt  }
0x42: {  	_ =	shalt  }
0x43: {  	_ =	shalt  }
0x44: {  	_ =	shalt  }
0x45: {  	_ =	shalt  }
0x46: {  	_ =	shalt  }
0x47: {  	_ =	shalt  }
0x48: {  	_ =	shalt  }
0x49: {  	_ =	shalt  }
0x4a: {  	_ =	shalt  }
0x4b: {  	_ =	shalt  }
0x4c: {  	_ =	shalt  }
0x4d: {  	_ =	shalt  }
0x4e: {  	_ =	shalt  }
0x4f: {  	_ =	shalt  }
0x50: {  	_ =	shalt  }
0x51: {  	_ =	shalt  }
0x52: {  	_ =	shalt  }
0x53: {  	_ =	shalt  }
0x54: {  	_ =	shalt  }
0x55: {  	_ =	shalt  }
0x56: {  	_ =	shalt  }
0x57: {  	_ =	shalt  }
0x58: {  	_ =	shalt  }
0x59: {  	_ =	shalt  }
0x5a: {  	_ =	shalt  }
0x5b: {  	_ =	shalt  }
0x5c: {  	_ =	shalt  }
0x5d: {  	_ =	shalt  }
0x5e: {  	_ =	shalt  }
0x5f: {  	_ =	shalt  }
0x60: {  	_ =	shalt  }
0x61: {  	_ =	shalt  }
0x62: {  	_ =	shalt  }
0x63: {  	_ =	shalt  }
0x64: {  	_ =	shalt  }
0x65: {  	_ =	shalt  }
0x66: {  	_ =	shalt  }
0x67: {  	_ =	shalt  }
0x68: {  	_ =	shalt  }
0x69: {  	_ =	shalt  }
0x6a: {  	_ =	shalt  }
0x6b: {  	_ =	shalt  }
0x6c: {  	_ =	shalt  }
0x6d: {  	_ =	shalt  }
0x6e: {  	_ =	shalt  }
0x6f: {  	_ =	shalt  }
0x70: {  	_ =	shalt  }
0x71: {  	_ =	shalt  }
0x72: {  	_ =	shalt  }
0x73: {  	_ =	shalt  }
0x74: {  	_ =	shalt  }
0x75: {  	_ =	shalt  }
0x76: {  	_ =	shalt  }
0x77: {  	_ =	shalt  }
0x78: {  	_ =	shalt  }
0x79: {  	_ =	shalt  }
0x7a: {  	_ =	shalt  }
0x7b: {  	_ =	shalt  }
0x7c: {  	_ =	shalt  }
0x7d: {  	_ =	shalt  }
0x7e: {  	_ =	shalt  }
0x7f: {  	_ =	shalt  }
0x80: {  	_ =	shalt  }
0x81: {  	_ =	shalt  }
0x82: {  	_ =	shalt  }
0x83: {  	_ =	shalt  }
0x84: {  	_ =	shalt  }
0x85: {  	_ =	shalt  }
0x86: {  	_ =	shalt  }
0x87: {  	_ =	shalt  }
.Lfunc_end0:
.L_simem_size_0:
called_computation_lowered:
.L_overlay_start_0:
0x88: {  	s2 =	sld [smem:$0x3FD9]  }
0x89: {  	s3 =	sld [smem:$0x3FFE];
	_ =	sdelay $0x1  }
0x8a: {  	s1 =	srdreg.scid  }
0x8b: {  	s0 =	sand.u32 $0x1, s1  }
0x8c: {  	s17 =	sshll.u32 s0, $0xA;
	s2 =	sadd.s32 s3, s2  }
0x8d: {  	s2 =	sadd.s32 s2, s17  }
0x8e: {  	[smem:$0x3FC2] =	sst s2  }
0x8f: {  	_ = 	snop  }
0x90: {  	s2 =	sld [smem:$0x3FC5]  }
0x91: {  	s18 =	sld [smem:$0x3FC4]  }
0x92: {  	s4 =	sld [smem:$0x3FD0];
	(tm) =	ssettm $0x1  }
0x93: {  	s5 =	sld [smem:$0x3FFB];
	_ =	sdelay $0x3  }
0x94: {  	_ =	strace s5  }
0x95: {  	s5 =	sld [smem:$0x3FFC];
	_ =	sdelay $0x3  }
0x96: {  	_ =	strace s5  }
0x97: {  	s5 =	sld [smem:$0x3FFD];
	_ =	sdelay $0x3  }
0x98: {  	_ =	strace s5  }
0x99: {  	_ =	strace $0x8FFFFFFF  }
0x9a: {  	s19 =	sld [smem:$0x3FDB];
	_ =	sdelay $0x1  }
0x9b: {  	s6 =	simm.s32 $_scs_section_size  }
0x9c: {  	s7 =	simm.s32 $_size__tile_overlayer_lowered;
	s8 =	simm.s32 $_tile_overlayer_lowered  }
0x9d: {  	s22 =	simm.s32 $0x1BFF;
	s21 =	sshll.u32 s8, $0x1;
	s5 =	sadd.s32 s6, s19  }
0x9e: {  	s9 =	simm.s32 $0x0;
	s20 =	sshll.u32 s7, $0x1;
	s7 =	sadd.s32 s21, s5  }
0x9f: {  	[timem:s9], [sflag:s22] =	dma.local [hbm:s7], s20  }
0xa0: {  	_ =	swait.ge [sflag:s22], s20  }
0xa1: {  	s6 =	ssub.s32 $0x0, s20;
	[sflag:s22] =	ssyncset.done $0x0  }
0xa2: {  	[sflag:s22] =	ssyncadd.s32 s6;
	_ =	sdelay $0x1  }
0xa3: {  	s23 =	simm.s32 $0x1B8B  }
0xa4: {  	_ =	swait.ge [sflag:s23], $0x1  }
0xa5: {  	[sflag:s23] =	ssyncset.done $0x0  }
0xa6: {  	s25 =	simm.s32 $0x1B8E;
	s24 =	sld [smem:$0x3FFE];
	[sflag:s23] =	ssyncadd.s32 $0xFFFFFFFF  }
0xa7: {  	s26 =	simm.s32 $execute0_lowered;
	[smem:$0x3FD2] =	sst s25  }
0xa8: {  	s7 =	sshll.u32 s26, $0x1;
	_ =	strace $0x80000046;
	[dreg:$0x1] =	wrdreg $0xFFFFFFFF  }
0xa9: {  	s28 =	simm.s32 $_size_execute0_lowered;
	s5 =	sadd.s32 s5, s7;
	[dreg:$0x0] =	wrdreg $0x0  }
0xaa: {  	s7 =	sshll.u32 s28, $0x1;
	[dreg:$0x2] =	wrdreg s5  }
0xab: {  	[dreg:$0x3] =	wrdreg s7  }
0xac: {  	[dreg:$0x4] =	wrdreg $0xC0  }
0xad: {  	_ =	task [dreg:s9], $0x5FFFF  }
0xae: {  	[dreg:$0x1] =	wrdreg $0xFFFFFFFF  }
0xaf: {  	[dreg:$0x0] =	wrdreg $0x60  }
0xb0: {  	[dreg:$0x2] =	wrdreg s4  }
0xb1: {  	[dreg:$0x3] =	wrdreg s24  }
0xb2: {  	[dreg:$0x4] =	wrdreg s2  }
0xb3: {  	[dreg:$0x5] =	wrdreg s18  }
0xb4: {  	[dreg:$0x6] =	wrdreg $0x9  }
0xb5: {  	_ =	task.clear_ibuf [dreg:s9], $0x7FFFF;
	_ =	strace $0x90000046  }
0xb6: {  	s29 =	simm.s32 $0x9;
	_ =	strace $0x80000048  }
0xb7: {  	_ =	swait.ge [sflag:s29], $0x1  }
0xb8: {  	[sflag:s29] =	ssyncadd.s32 $0xFFFFFFFF  }
0xb9: {  	_ =	strace $0x90000048  }
0xba: {  	_ =	sfence  }
0xbb: {  	s30 =	sld [smem:$0x0];
	_ =	sdelay $0x2  }
0xbc: {  	s31 =	sshll.u32 s1, $0xD;
	s1 =	sshrl.u32 s1, $0x2  }
0xbd: {  	s3 =	sand.u32 $0x4000, s31;
	s1 =	sadd.s32 s1, s30  }
0xbe: {  	s0 =	sor.u32 s3, s0;
	s1 =	sshll.u32 s1, $0x11  }
0xbf: {  	s0 =	sor.u32 s1, s0  }
0xc0: {  	s0 =	sadd.s32 $0x8F2B, s0  }
0xc1: {  	[sflag:s0] =	ssyncadd.remote.s32 $0x1  }
0xc2: {  	_ =	sfence.sel $0xFFFF  }
0xc3: {  	[dreg:$0x0] =	wrdreg $0xFFFFFFFF;
	(pc) =	sbr.abs _section_cstart, $3  }
0xc4: {  	[dreg:$0x1] =	wrdreg $0xFFFFFFFF  }
0xc5: {  	_ =	task.clear_ibuf [dreg:s9], $0x2FFFF;
	_ =	strace $0x9FFFFFFF  }
0xc6: {  	(tm) =	ssettm $0x7FFFFFFF  }
0xc7: {  	_ =	shalt  }
tec
execute0_lowered:
.L_overlay_start_1:
0x0: {  	(tag) =	ssettag $0x1  }
0x1: {  	s6 =	rddreg [dreg:$0x0]  }
0x2: {  	s5 =	rddreg [dreg:$0x1]  }
0x3: {  	s2 =	rddreg [dreg:$0x2];
	s0 =	srdreg.scid  }
0x4: {  	s3 =	rddreg [dreg:$0x3];
	s1 =	stileid.u32;
	s4 =	simm.s32 $0x0  }
0x5: {  	s11 =	simm.s32 $0xC400;
	s12 =	simm.s32 $0x4000;
	s13 =	simm.s32 $0x8000  }
0x6: {  	s14 =	simm.s32 $0x0;
	s7 =	sand.u32 $0x1, s0;
	s0 =	rddreg [dreg:$0x4]  }
0x7: {  	s8 =	sshll.u32 s1, $0xC;
	s9 =	sshll.u32 s7, $0xB;
	s7 =	ssub.s32 $0x2, s7  }
0x8: {  	[smem:$0x7FF] =	sst s4;
	s8 =	sor.u32 s9, s8;
	s31 =	sshrl.u32 s7, $0x1  }
0x9: {  	_ =	strace $0x80000047;
	s9 =	sadd.s32 s8, s5;
	s10 =	ssub.s32 s7, s31  }
0xa: {  	s6 =	sadd.s32 s6, s8;
	s5 =	sadd.s32 $0xE00, s9;
	s7 =	sadd.s32 $0x10E00, s9  }
0xb: {  	s8 =	smax.u32 s10, $0x1;
	s9 =	simm.s32 $0xC000;
	s10 =	simm.s32 $0x1  }
.LBB2_1:
0xc: {  	[tilespmem:s9], [sflag:$0x1] =	stream.linear.gather [hbm4b:s2+s4], $0x400, $0x38;
	[tilespmem:$0xC800] =	vst v63  }
0xd: {  	_ =	swait.ge [sflag:s10], $0x400  }
0xe: {  	[sflag:s10] =	ssyncset.done $0x0  }
0xf: {  	[sflag:s10] =	ssyncadd.s32 $0xFFFFFC00  }
0x10: {  	[tilespmem:s11], [sflag:$0x1] =	stream.linear.gather [hbm4b:s3+s4], $0x400, $0x38;
	[tilespmem:$0xC800] =	vst v63  }
0x11: {  	_ =	swait.ge [sflag:s10], $0x400  }
0x12: {  	[sflag:s10] =	ssyncset.done $0x0  }
0x13: {  	[sflag:s10] =	ssyncadd.s32 $0xFFFFFC00  }
0x14: {  	[tilespmem:s4], [sflag:$0x1] =	stream.linear.gather [hbm4b:s5+s4], $0x4000, $0x38;
	[tilespmem:$0xC800] =	vst v63  }
0x15: {  	_ =	swait.ge [sflag:s10], $0x4000  }
0x16: {  	[sflag:s10] =	ssyncset.done $0x0  }
0x17: {  	[sflag:s10] =	ssyncadd.s32 $0xFFFFC000  }
0x18: {  	[tilespmem:s12], [sflag:$0x1] =	stream.linear.gather [hbm4b:s6+s4], $0x4000, $0x38;
	[tilespmem:$0xC800] =	vst v63  }
0x19: {  	_ =	swait.ge [sflag:s10], $0x4000  }
0x1a: {  	[sflag:s10] =	ssyncset.done $0x0  }
0x1b: {  	s15 =	simm.s32 $0x0;
	[sflag:s10] =	ssyncadd.s32 $0xFFFFC000  }
0x1c: {  	v2 =	vld [tilespmem:s15+$0x0];
	_ =	sdelay $0x6  }
0x1d: {  	v1 =	vld [tilespmem:s15+$0x4000]  }
0x1e: {  	v0 =	vld.idx.msk [tilespmem:v2+s9+$0x0], $0xffff  }
0x1f: {  	s16 =	simm.s32 $0x10;
	s17 =	simm.s32 $0x80;
	v2 =	vld.idx.msk [tilespmem:v2+s11+$0x0], $0xffff  }
.LBB2_2:
0x20: {  	p0 =	sne.s32 s17, $0xFFC0;
	v3 =	vld [tilespmem:s16+$0x0];
	_ =	sdelay $0x2  }
0x21: {  	v0 =	vmul.f32 v1, v0;
	_ =	sdelay $0x1  }
0x22: {  	v0 =	vadd.f32 v0, v2  }
.Ltmp0:
0x23: {  	(pc) =	sbr.rel @p0 .LBB2_2-.Ltmp0, $4  }
0x24: {  	[tilespmem:s15+$0x8000] =	vst v0;
	s15 =	smov.u32 s16  }
0x25: {  	v0 =	vld.idx.msk [tilespmem:v3+s9+$0x0], $0xffff  }
0x26: {  	v1 =	vld [tilespmem:s15+$0x4000]  }
0x27: {  	s16 =	sshra.s32 s17, $0x2;
	s17 =	sadd.s32 $0x40, s17;
	v2 =	vld.idx.msk [tilespmem:v3+s11+$0x0], $0xffff  }
0x28: {  	v3 =	vld [tilespmem:s16+$0x0];
	_ =	sdelay $0x2  }
0x29: {  	v0 =	vmul.f32 v1, v0;
	_ =	sdelay $0x1  }
0x2a: {  	v0 =	vadd.f32 v0, v2;
	_ =	sdelay $0x1  }
0x2b: {  	[tilespmem:s15+$0x8000] =	vst v0  }
0x2c: {  	v0 =	vld.idx.msk [tilespmem:v3+s9+$0x0], $0xffff  }
0x2d: {  	v62 =	vld [tilespmem:s16+$0x4000];
	_ =	sdelay $0x1  }
0x2e: {  	v63 =	vld.idx.msk [tilespmem:v3+s11+$0x0], $0xffff;
	_ =	sdelay $0x2  }
0x2f: {  	v0 =	vmul.f32 v62, v0;
	_ =	sdelay $0x1  }
0x30: {  	s14 =	sadd.s32 $0x1, s14;
	v0 =	vadd.f32 v0, v63  }
0x31: {  	p0 =	sne.s32 s14, s8  }
.Ltmp1:
0x32: {  	[tilespmem:s16+$0x8000] =	vst v0;
	(pc) =	sbr.rel @p0 .LBB2_1-.Ltmp1, $4  }
0x33: {  	[hbm4b:s7+s4] =	stream.linear.scatter [tilespmem:s13], [sflag:$0x1], $0x4000, $0x38;
	[tilespmem:$0xC800] =	vst v63  }
0x34: {  	_ =	swait.ge [sflag:s10], $0x4000  }
0x35: {  	[sflag:s10] =	ssyncset.done $0x0  }
0x36: {  	[sflag:s10] =	ssyncadd.s32 $0xFFFFC000  }
0x37: {  	_ =	sfence.sel $0x180000  }
0x38: {  	[bflag:$0x0] =	sbarrier.arrive $0xFFFF  }
0x39: {  	p0 =	sne.s32 s1, $0x0;
	_ =	strace $0x90000047  }
0x3a: {  	s0 =	sadd.s32 @!p0 $0x100000, s0;
	[bflag:$0x2] =	sbarrier.arrive $0xFFFF  }
0x3b: {  	[sflag:s0] =	ssyncadd.tile.s32 @!p0 $0x1;
	_ =	shalt  }
.Lfunc_end2:
_tile_overlayer_lowered:
.L_overlay_start_2:
0x3c: {  	(tag) =	ssettag $0x2  }
0x3d: {  	s0 =	rddreg [dreg:$0x0];
	s2 =	stileid.u32  }
0x3e: {  	s1 =	rddreg [dreg:$0x1];
	p0 =	sne.s32 s2, $0x0  }
0x3f: {  	s3 =	rddreg [dreg:$0x2];
	[bflag:$0x3] =	sbarrier.arrive $0xFFFF;
	s2 =	simm.s32 @!p0 $0x1C01  }
0x40: {  	[timem:s3], [sflag:s2] =	dma.local @!p0 [hbm:s0], s1  }
0x41: {  	s0 =	simm.s32 @!p0 $0x1  }
0x42: {  	_ =	swait.ge @!p0 [sflag:s0], s1  }
0x43: {  	s1 =	ssub.s32 @!p0 $0x0, s1;
	[sflag:s0] =	ssyncset.done @!p0 $0x0  }
0x44: {  	[sflag:s0] =	ssyncadd.s32 @!p0 s1  }
0x45: {  	[bflag:$0x3] =	sbarrier.arrive $0xFFFF  }
0x46: {  	_ =	shalt  }

</sc_bundles>
